<compile_context>
chip_gen: v7x
topology: tpu7x:2x2x1
jax: 0.10.2.dev20260603
libtpu: 0.0.44.dev20260713+nightly
codegen_flags: <defaults>
</compile_context>

<pallas_src>
import functools

import jax
import jax.numpy as jnp
from jax import lax
from jax.experimental import pallas as pl
from jax.experimental.pallas import tpu as pltpu
from jax.experimental.pallas import tpu_sc as plsc

NC = 2
NS = 16
L = 16
NW = NC * NS

ROWS = 8192
COLS = 2048
ROWS_PER_W = ROWS // NW
CHUNK_ROWS = 8
N_CHUNKS = ROWS_PER_W // CHUNK_ROWS
BLOCK = 64
BLOCKS_PER_ROW = COLS // BLOCK


def _flush(cb):
    m = jnp.int32(0xFF)
    return (cb & m) + ((cb >> 8) & m) + ((cb >> 16) & m) + ((cb >> 24) & m)


def _body(in_h, out_h, m0_h, m1_h, s0_h, s1_h, c0_h, c1_h,
          in_v0, in_v1, out_v0, out_v1, m0_v0, m0_v1, m1_v0, m1_v1,
          s0_v, s1_v, c0_v, c1_v, sem0, sem1):
    wid = lax.axis_index("s") * NC + lax.axis_index("c")

    iota = lax.broadcasted_iota(jnp.int32, (L,), 0)
    cidx = [iota * 4 + p for p in range(4)]

    bufs = [
        (in_v0, out_v0, m0_v0, m1_v0, sem0),
        (in_v1, out_v1, m0_v1, m1_v1, sem1),
    ]

    ob = wid // NS
    lrow = (wid % NS) * ROWS_PER_W

    def _copies(c, buf):
        in_b, out_b, m0_b, m1_b, sem = buf
        row = pl.multiple_of(lrow + c * CHUNK_ROWS, CHUNK_ROWS)
        sl = pl.ds(row, CHUNK_ROWS)
        return [
            pltpu.make_async_copy(in_h.at[ob, sl, :], in_b, sem),
            pltpu.make_async_copy(out_h.at[ob, sl, :], out_b, sem),
            pltpu.make_async_copy(m0_h.at[ob, sl, :], m0_b, sem),
            pltpu.make_async_copy(m1_h.at[ob, sl, :], m1_b, sem),
        ]

    def _fire(c, buf):
        for cp in _copies(c, buf):
            cp.start()

    def _wait(c, buf):
        for cp in _copies(c, buf):
            cp.wait()

    _fire(0, bufs[0])
    _fire(1, bufs[1])

    def _chunk_compute(buf, carry):
        in_b, out_b, m0_b, m1_b, _ = buf

        def row_loop(r, acc):
            def blk(j, acc):
                s0, s1, cb0, cb1 = acc
                base = j * BLOCK
                mw0 = m0_b[r, pl.ds(j * (BLOCK // 4), L)]
                mw1 = m1_b[r, pl.ds(j * (BLOCK // 4), L)]
                cb0 = cb0 + mw0
                cb1 = cb1 + mw1
                inb = in_b.at[r, pl.ds(base, BLOCK)]
                outb = out_b.at[r, pl.ds(base, BLOCK)]
                for p in range(4):
                    a = plsc.load_gather(inb, [cidx[p]])
                    o = plsc.load_gather(outb, [cidx[p]])
                    d = jnp.abs(a - o)
                    bit = jnp.int32(1 << (8 * p))
                    s0 = s0 + jnp.where((mw0 & bit) == 0, d, 0.0)
                    s1 = s1 + jnp.where((mw1 & bit) == 0, d, 0.0)
                return s0, s1, cb0, cb1

            return lax.fori_loop(0, BLOCKS_PER_ROW, blk, acc)

        s0, s1, c0, c1 = carry
        zi = jnp.zeros((L,), jnp.int32)
        for half in range(2):
            acc = (s0, s1, zi, zi)
            for r in range(half * 4, half * 4 + 4):
                acc = row_loop(r, acc)
            s0, s1, cb0, cb1 = acc
            c0 = c0 + _flush(cb0)
            c1 = c1 + _flush(cb1)
        return s0, s1, c0, c1

    def step(i, carry):
        for b in range(2):
            c = 2 * i + b
            _wait(c, bufs[b])
            carry = _chunk_compute(bufs[b], carry)

            @pl.when(c + 2 < N_CHUNKS)
            def _():
                _fire(c + 2, bufs[b])
        return carry

    zf = jnp.zeros((L,), jnp.float32)
    zi = jnp.zeros((L,), jnp.int32)
    s0, s1, c0, c1 = lax.fori_loop(0, N_CHUNKS // 2, step, (zf, zf, zi, zi))

    s0_v[...] = s0
    s1_v[...] = s1
    c0_v[...] = c0
    c1_v[...] = c1
    pltpu.sync_copy(s0_v, s0_h.at[wid])
    pltpu.sync_copy(s1_v, s1_h.at[wid])
    pltpu.sync_copy(c0_v, c0_h.at[wid])
    pltpu.sync_copy(c1_v, c1_h.at[wid])


@functools.partial(
    pl.kernel,
    out_type=[
        jax.ShapeDtypeStruct((NW, L), jnp.float32),
        jax.ShapeDtypeStruct((NW, L), jnp.float32),
        jax.ShapeDtypeStruct((NW, L), jnp.int32),
        jax.ShapeDtypeStruct((NW, L), jnp.int32),
    ],
    mesh=plsc.VectorSubcoreMesh(
        core_axis_name="c", subcore_axis_name="s", num_cores=NC, num_subcores=NS
    ),
    compiler_params=pltpu.CompilerParams(
        needs_layout_passes=False, use_tc_tiling_on_sc=True
    ),
    scratch_types=[
        pltpu.VMEM((CHUNK_ROWS, COLS), jnp.float32),
        pltpu.VMEM((CHUNK_ROWS, COLS), jnp.float32),
        pltpu.VMEM((CHUNK_ROWS, COLS), jnp.float32),
        pltpu.VMEM((CHUNK_ROWS, COLS), jnp.float32),
        pltpu.VMEM((CHUNK_ROWS, COLS // 4), jnp.int32),
        pltpu.VMEM((CHUNK_ROWS, COLS // 4), jnp.int32),
        pltpu.VMEM((CHUNK_ROWS, COLS // 4), jnp.int32),
        pltpu.VMEM((CHUNK_ROWS, COLS // 4), jnp.int32),
        pltpu.VMEM((L,), jnp.float32),
        pltpu.VMEM((L,), jnp.float32),
        pltpu.VMEM((L,), jnp.int32),
        pltpu.VMEM((L,), jnp.int32),
        pltpu.SemaphoreType.DMA,
        pltpu.SemaphoreType.DMA,
    ],
)
def _mask_loss_sc(in_h, out_h, m0_h, m1_h, s0_h, s1_h, c0_h, c1_h, *rest):
    _body(in_h, out_h, m0_h, m1_h, s0_h, s1_h, c0_h, c1_h, *rest)


def kernel(input, output, mask0, mask1):
    n = input.size
    m0 = mask0.view(jnp.int32)
    m1 = mask1.view(jnp.int32)
    s0, s1, c0, c1 = _mask_loss_sc(input, output, m0, m1)
    nf = jnp.float32(n)
    cnt0 = nf - c0.sum().astype(jnp.float32)
    cnt1 = nf - c1.sum().astype(jnp.float32)
    return s0.sum() / cnt0 + s1.sum() / cnt1

# --- scband reference (transcript-rebuilt; emitter-appended) ---
"""Pipeline reference for scband-mask-loss-30365418783435 (READ-ONLY COPY).

The authoritative reference and input builder live on the scoring server;
editing this copy changes nothing except your own understanding.
"""

import jax, jax.numpy as jnp
import numpy as np


def setup_inputs(seed: int = 0) -> dict:
    key = jax.random.key(seed)
    k1, k2, k3, k4 = jax.random.split(key, 4)
    shape = (2, 4096, 2048)
    inp = jax.random.normal(k1, shape, dtype=jnp.float32)
    out = jax.random.normal(k2, shape, dtype=jnp.float32)
    mask0 = jax.random.randint(k3, shape, 0, 2).astype(jnp.bool_)
    mask1 = jax.random.randint(k4, shape, 0, 2).astype(jnp.bool_)
    return {"input": inp, "output": out, "mask0": mask0, "mask1": mask1}


def reference(input, output, mask0, mask1):
    # MaskLoss with loss_type='l1' (nn.L1Loss, reduction='mean'):
    # total_loss = sum_over_masks mean(|input[~mask] - output[~mask]|)
    # Boolean-select-then-mean is rewritten as a weighted sum divided by the
    # count of selected elements (identical math, jit-friendly static shapes).
    total_loss = jnp.float32(0.0)
    for mask in (mask0, mask1):
        w = (~mask).astype(input.dtype)
        cnt = w.sum()
        total_loss = total_loss + (jnp.abs(input - output) * w).sum() / cnt
    return total_loss

if __name__ == "__main__":
    import jax
    _d = setup_inputs()
    print(jax.jit(kernel)(*tuple(_d.values())))

</pallas_src>

<mosaic_0001>
#map = affine_map<(d0, d1) -> (0, 0, 0)>
#map1 = affine_map<(d0, d1) -> (0, 0)>
module attributes {stable_mosaic.version = 14 : i64} {
  func.func @_mask_loss_sc(%arg0: i32, %arg1: i32, %arg2: memref<2x4096x2048xf32, #tpu.memory_space<hbm>>, %arg3: memref<2x4096x2048xf32, #tpu.memory_space<hbm>>, %arg4: memref<2x4096x512xi32, #tpu.memory_space<hbm>>, %arg5: memref<2x4096x512xi32, #tpu.memory_space<hbm>>, %arg6: memref<32x16xf32, #tpu.memory_space<hbm>>, %arg7: memref<32x16xf32, #tpu.memory_space<hbm>>, %arg8: memref<32x16xi32, #tpu.memory_space<hbm>>, %arg9: memref<32x16xi32, #tpu.memory_space<hbm>>, %arg10: memref<8x2048xf32, #tpu.memory_space<vmem>>, %arg11: memref<8x2048xf32, #tpu.memory_space<vmem>>, %arg12: memref<8x2048xf32, #tpu.memory_space<vmem>>, %arg13: memref<8x2048xf32, #tpu.memory_space<vmem>>, %arg14: memref<8x512xi32, #tpu.memory_space<vmem>>, %arg15: memref<8x512xi32, #tpu.memory_space<vmem>>, %arg16: memref<8x512xi32, #tpu.memory_space<vmem>>, %arg17: memref<8x512xi32, #tpu.memory_space<vmem>>, %arg18: memref<16xf32, #tpu.memory_space<vmem>>, %arg19: memref<16xf32, #tpu.memory_space<vmem>>, %arg20: memref<16xi32, #tpu.memory_space<vmem>>, %arg21: memref<16xi32, #tpu.memory_space<vmem>>, %arg22: memref<!tpu.dma_semaphore, #tpu.memory_space<semaphore_mem>>, %arg23: memref<!tpu.dma_semaphore, #tpu.memory_space<semaphore_mem>>) attributes {dimension_semantics = [#tpu.dimension_semantics<core_parallel>, #tpu.dimension_semantics<subcore_parallel>], iteration_bounds = array<i64: 2, 16>, scalar_prefetch = 0 : i64, scratch_operands = 14 : i64, tpu.core_type = #tpu.core_type<sc_vector_subcore>, window_params = [{transform_indices = #map}, {transform_indices = #map}, {transform_indices = #map}, {transform_indices = #map}, {transform_indices = #map1}, {transform_indices = #map1}, {transform_indices = #map1}, {transform_indices = #map1}]} {
    %mul3A = arith.constant 2 : i32
    %mul3A_0 = arith.muli %arg1, %mul3A : i32
    %add3A = arith.addi %mul3A_0, %arg0 : i32
    %iota3A = tpu.iota {dimensions = array<i32: 0>} : vector<16xi32>
    %mul3A_1 = arith.constant 4 : i32
    %mul3A_2 = vector.broadcast %mul3A_1 : i32 to vector<16xi32>
    %mul3A_3 = arith.muli %iota3A, %mul3A_2 : vector<16xi32>
    %add3A_4 = arith.constant 0 : i32
    %add3A_5 = vector.broadcast %add3A_4 : i32 to vector<16xi32>
    %add3A_6 = arith.addi %mul3A_3, %add3A_5 : vector<16xi32>
    %mul3A_7 = arith.constant 4 : i32
    %mul3A_8 = vector.broadcast %mul3A_7 : i32 to vector<16xi32>
    %mul3A_9 = arith.muli %iota3A, %mul3A_8 : vector<16xi32>
    %add3A_10 = arith.constant 1 : i32
    %add3A_11 = vector.broadcast %add3A_10 : i32 to vector<16xi32>
    %add3A_12 = arith.addi %mul3A_9, %add3A_11 : vector<16xi32>
    %mul3A_13 = arith.constant 4 : i32
    %mul3A_14 = vector.broadcast %mul3A_13 : i32 to vector<16xi32>
    %mul3A_15 = arith.muli %iota3A, %mul3A_14 : vector<16xi32>
    %add3A_16 = arith.constant 2 : i32
    %add3A_17 = vector.broadcast %add3A_16 : i32 to vector<16xi32>
    %add3A_18 = arith.addi %mul3A_15, %add3A_17 : vector<16xi32>
    %mul3A_19 = arith.constant 4 : i32
    %mul3A_20 = vector.broadcast %mul3A_19 : i32 to vector<16xi32>
    %mul3A_21 = arith.muli %iota3A, %mul3A_20 : vector<16xi32>
    %add3A_22 = arith.constant 3 : i32
    %add3A_23 = vector.broadcast %add3A_22 : i32 to vector<16xi32>
    %add3A_24 = arith.addi %mul3A_21, %add3A_23 : vector<16xi32>
    %jit3A = arith.constant 16 : i32
    %div3A = arith.divsi %add3A, %jit3A : i32
    %sign3A = arith.constant 0 : i32
    %sign3A_25 = arith.cmpi sgt, %add3A, %sign3A : i32
    %sign3A_26 = arith.extui %sign3A_25 : i1 to i32
    %sign3A_27 = arith.constant 0 : i32
    %sign3A_28 = arith.cmpi slt, %add3A, %sign3A_27 : i32
    %sign3A_29 = arith.extui %sign3A_28 : i1 to i32
    %sign3A_30 = arith.subi %sign3A_26, %sign3A_29 : i32
    %sign3A_31 = arith.constant 0 : i32
    %sign3A_32 = arith.cmpi sgt, %jit3A, %sign3A_31 : i32
    %sign3A_33 = arith.extui %sign3A_32 : i1 to i32
    %sign3A_34 = arith.constant 0 : i32
    %sign3A_35 = arith.cmpi slt, %jit3A, %sign3A_34 : i32
    %sign3A_36 = arith.extui %sign3A_35 : i1 to i32
    %sign3A_37 = arith.subi %sign3A_33, %sign3A_36 : i32
    %ne3A = arith.cmpi ne, %sign3A_30, %sign3A_37 : i32
    %rem3A = arith.remsi %add3A, %jit3A : i32
    %ne3A_38 = arith.constant 0 : i32
    %ne3A_39 = arith.cmpi ne, %rem3A, %ne3A_38 : i32
    %and3A = arith.andi %ne3A, %ne3A_39 : i1
    %sub3A = arith.constant 1 : i32
    %sub3A_40 = arith.subi %div3A, %sub3A : i32
    %select_n3A = arith.select %and3A, %sub3A_40, %div3A : i32
    %jit3A_41 = arith.constant 16 : i32
    %eq3A = arith.constant 0 : i32
    %eq3A_42 = arith.cmpi eq, %jit3A_41, %eq3A : i32
    %jit3A_43 = arith.constant 1 : i32
    %select_n3A_44 = arith.select %eq3A_42, %jit3A_43, %jit3A_41 : i32
    %rem3A_45 = arith.remsi %add3A, %select_n3A_44 : i32
    %ne3A_46 = arith.constant 0 : i32
    %ne3A_47 = arith.cmpi ne, %rem3A_45, %ne3A_46 : i32
    %lt3A = arith.constant 0 : i32
    %lt3A_48 = arith.cmpi slt, %rem3A_45, %lt3A : i32
    %lt3A_49 = arith.constant 0 : i32
    %lt3A_50 = arith.cmpi slt, %select_n3A_44, %lt3A_49 : i32
    %ne3A_51 = arith.xori %lt3A_48, %lt3A_50 : i1
    %and3A_52 = arith.andi %ne3A_51, %ne3A_47 : i1
    %add3A_53 = arith.addi %rem3A_45, %select_n3A_44 : i32
    %select_n3A_54 = arith.select %and3A_52, %add3A_53, %rem3A_45 : i32
    %mul3A_55 = arith.constant 256 : i32
    %mul3A_56 = arith.muli %select_n3A_54, %mul3A_55 : i32
    %add3A_57 = arith.constant 0 : i32
    %add3A_58 = arith.addi %mul3A_56, %add3A_57 : i32
    %multiple_of3A = tpu.assume_multiple %add3A_58, 8 : i32
    %dma_start3A = arith.constant 0 : i32
    %dma_start3A_59 = tpu.memref_slice %arg2[%select_n3A, %multiple_of3A, %dma_start3A] : memref<2x4096x2048xf32, #tpu.memory_space<hbm>> -> memref<1x8x2048xf32, #tpu.memory_space<hbm>>
    %dma_start3A_60 = tpu.memref_squeeze %dma_start3A_59 : memref<1x8x2048xf32, #tpu.memory_space<hbm>> -> memref<8x2048xf32, #tpu.memory_space<hbm>>
    %dma_start3A_61 = arith.constant 0 : i32
    %dma_start3A_62 = tpu.memref_slice %arg2[%select_n3A, %multiple_of3A, %dma_start3A_61] : memref<2x4096x2048xf32, #tpu.memory_space<hbm>> -> memref<1x8x2048xf32, #tpu.memory_space<hbm>>
    %dma_start3A_63 = tpu.memref_squeeze %dma_start3A_62 : memref<1x8x2048xf32, #tpu.memory_space<hbm>> -> memref<8x2048xf32, #tpu.memory_space<hbm>>
    tpu.enqueue_dma source(%dma_start3A_63 : memref<8x2048xf32, #tpu.memory_space<hbm>>) target(%arg10 : memref<8x2048xf32, #tpu.memory_space<vmem>>) target_semaphore(%arg22 : memref<!tpu.dma_semaphore, #tpu.memory_space<semaphore_mem>>)
    %dma_start3A_64 = arith.constant 0 : i32
    %dma_start3A_65 = tpu.memref_slice %arg3[%select_n3A, %multiple_of3A, %dma_start3A_64] : memref<2x4096x2048xf32, #tpu.memory_space<hbm>> -> memref<1x8x2048xf32, #tpu.memory_space<hbm>>
    %dma_start3A_66 = tpu.memref_squeeze %dma_start3A_65 : memref<1x8x2048xf32, #tpu.memory_space<hbm>> -> memref<8x2048xf32, #tpu.memory_space<hbm>>
    %dma_start3A_67 = arith.constant 0 : i32
    %dma_start3A_68 = tpu.memref_slice %arg3[%select_n3A, %multiple_of3A, %dma_start3A_67] : memref<2x4096x2048xf32, #tpu.memory_space<hbm>> -> memref<1x8x2048xf32, #tpu.memory_space<hbm>>
    %dma_start3A_69 = tpu.memref_squeeze %dma_start3A_68 : memref<1x8x2048xf32, #tpu.memory_space<hbm>> -> memref<8x2048xf32, #tpu.memory_space<hbm>>
    tpu.enqueue_dma source(%dma_start3A_69 : memref<8x2048xf32, #tpu.memory_space<hbm>>) target(%arg12 : memref<8x2048xf32, #tpu.memory_space<vmem>>) target_semaphore(%arg22 : memref<!tpu.dma_semaphore, #tpu.memory_space<semaphore_mem>>)
    %dma_start3A_70 = arith.constant 0 : i32
    %dma_start3A_71 = tpu.memref_slice %arg4[%select_n3A, %multiple_of3A, %dma_start3A_70] : memref<2x4096x512xi32, #tpu.memory_space<hbm>> -> memref<1x8x512xi32, #tpu.memory_space<hbm>>
    %dma_start3A_72 = tpu.memref_squeeze %dma_start3A_71 : memref<1x8x512xi32, #tpu.memory_space<hbm>> -> memref<8x512xi32, #tpu.memory_space<hbm>>
    %dma_start3A_73 = arith.constant 0 : i32
    %dma_start3A_74 = tpu.memref_slice %arg4[%select_n3A, %multiple_of3A, %dma_start3A_73] : memref<2x4096x512xi32, #tpu.memory_space<hbm>> -> memref<1x8x512xi32, #tpu.memory_space<hbm>>
    %dma_start3A_75 = tpu.memref_squeeze %dma_start3A_74 : memref<1x8x512xi32, #tpu.memory_space<hbm>> -> memref<8x512xi32, #tpu.memory_space<hbm>>
    tpu.enqueue_dma source(%dma_start3A_75 : memref<8x512xi32, #tpu.memory_space<hbm>>) target(%arg14 : memref<8x512xi32, #tpu.memory_space<vmem>>) target_semaphore(%arg22 : memref<!tpu.dma_semaphore, #tpu.memory_space<semaphore_mem>>)
    %dma_start3A_76 = arith.constant 0 : i32
    %dma_start3A_77 = tpu.memref_slice %arg5[%select_n3A, %multiple_of3A, %dma_start3A_76] : memref<2x4096x512xi32, #tpu.memory_space<hbm>> -> memref<1x8x512xi32, #tpu.memory_space<hbm>>
    %dma_start3A_78 = tpu.memref_squeeze %dma_start3A_77 : memref<1x8x512xi32, #tpu.memory_space<hbm>> -> memref<8x512xi32, #tpu.memory_space<hbm>>
    %dma_start3A_79 = arith.constant 0 : i32
    %dma_start3A_80 = tpu.memref_slice %arg5[%select_n3A, %multiple_of3A, %dma_start3A_79] : memref<2x4096x512xi32, #tpu.memory_space<hbm>> -> memref<1x8x512xi32, #tpu.memory_space<hbm>>
    %dma_start3A_81 = tpu.memref_squeeze %dma_start3A_80 : memref<1x8x512xi32, #tpu.memory_space<hbm>> -> memref<8x512xi32, #tpu.memory_space<hbm>>
    tpu.enqueue_dma source(%dma_start3A_81 : memref<8x512xi32, #tpu.memory_space<hbm>>) target(%arg16 : memref<8x512xi32, #tpu.memory_space<vmem>>) target_semaphore(%arg22 : memref<!tpu.dma_semaphore, #tpu.memory_space<semaphore_mem>>)
    %add3A_82 = arith.constant 8 : i32
    %add3A_83 = arith.addi %mul3A_56, %add3A_82 : i32
    %multiple_of3A_84 = tpu.assume_multiple %add3A_83, 8 : i32
    %dma_start3A_85 = arith.constant 0 : i32
    %dma_start3A_86 = tpu.memref_slice %arg2[%select_n3A, %multiple_of3A_84, %dma_start3A_85] : memref<2x4096x2048xf32, #tpu.memory_space<hbm>> -> memref<1x8x2048xf32, #tpu.memory_space<hbm>>
    %dma_start3A_87 = tpu.memref_squeeze %dma_start3A_86 : memref<1x8x2048xf32, #tpu.memory_space<hbm>> -> memref<8x2048xf32, #tpu.memory_space<hbm>>
    %dma_start3A_88 = arith.constant 0 : i32
    %dma_start3A_89 = tpu.memref_slice %arg2[%select_n3A, %multiple_of3A_84, %dma_start3A_88] : memref<2x4096x2048xf32, #tpu.memory_space<hbm>> -> memref<1x8x2048xf32, #tpu.memory_space<hbm>>
    %dma_start3A_90 = tpu.memref_squeeze %dma_start3A_89 : memref<1x8x2048xf32, #tpu.memory_space<hbm>> -> memref<8x2048xf32, #tpu.memory_space<hbm>>
    tpu.enqueue_dma source(%dma_start3A_90 : memref<8x2048xf32, #tpu.memory_space<hbm>>) target(%arg11 : memref<8x2048xf32, #tpu.memory_space<vmem>>) target_semaphore(%arg23 : memref<!tpu.dma_semaphore, #tpu.memory_space<semaphore_mem>>)
    %dma_start3A_91 = arith.constant 0 : i32
    %dma_start3A_92 = tpu.memref_slice %arg3[%select_n3A, %multiple_of3A_84, %dma_start3A_91] : memref<2x4096x2048xf32, #tpu.memory_space<hbm>> -> memref<1x8x2048xf32, #tpu.memory_space<hbm>>
    %dma_start3A_93 = tpu.memref_squeeze %dma_start3A_92 : memref<1x8x2048xf32, #tpu.memory_space<hbm>> -> memref<8x2048xf32, #tpu.memory_space<hbm>>
    %dma_start3A_94 = arith.constant 0 : i32
    %dma_start3A_95 = tpu.memref_slice %arg3[%select_n3A, %multiple_of3A_84, %dma_start3A_94] : memref<2x4096x2048xf32, #tpu.memory_space<hbm>> -> memref<1x8x2048xf32, #tpu.memory_space<hbm>>
    %dma_start3A_96 = tpu.memref_squeeze %dma_start3A_95 : memref<1x8x2048xf32, #tpu.memory_space<hbm>> -> memref<8x2048xf32, #tpu.memory_space<hbm>>
    tpu.enqueue_dma source(%dma_start3A_96 : memref<8x2048xf32, #tpu.memory_space<hbm>>) target(%arg13 : memref<8x2048xf32, #tpu.memory_space<vmem>>) target_semaphore(%arg23 : memref<!tpu.dma_semaphore, #tpu.memory_space<semaphore_mem>>)
    %dma_start3A_97 = arith.constant 0 : i32
    %dma_start3A_98 = tpu.memref_slice %arg4[%select_n3A, %multiple_of3A_84, %dma_start3A_97] : memref<2x4096x512xi32, #tpu.memory_space<hbm>> -> memref<1x8x512xi32, #tpu.memory_space<hbm>>
    %dma_start3A_99 = tpu.memref_squeeze %dma_start3A_98 : memref<1x8x512xi32, #tpu.memory_space<hbm>> -> memref<8x512xi32, #tpu.memory_space<hbm>>
    %dma_start3A_100 = arith.constant 0 : i32
    %dma_start3A_101 = tpu.memref_slice %arg4[%select_n3A, %multiple_of3A_84, %dma_start3A_100] : memref<2x4096x512xi32, #tpu.memory_space<hbm>> -> memref<1x8x512xi32, #tpu.memory_space<hbm>>
    %dma_start3A_102 = tpu.memref_squeeze %dma_start3A_101 : memref<1x8x512xi32, #tpu.memory_space<hbm>> -> memref<8x512xi32, #tpu.memory_space<hbm>>
    tpu.enqueue_dma source(%dma_start3A_102 : memref<8x512xi32, #tpu.memory_space<hbm>>) target(%arg15 : memref<8x512xi32, #tpu.memory_space<vmem>>) target_semaphore(%arg23 : memref<!tpu.dma_semaphore, #tpu.memory_space<semaphore_mem>>)
    %dma_start3A_103 = arith.constant 0 : i32
    %dma_start3A_104 = tpu.memref_slice %arg5[%select_n3A, %multiple_of3A_84, %dma_start3A_103] : memref<2x4096x512xi32, #tpu.memory_space<hbm>> -> memref<1x8x512xi32, #tpu.memory_space<hbm>>
    %dma_start3A_105 = tpu.memref_squeeze %dma_start3A_104 : memref<1x8x512xi32, #tpu.memory_space<hbm>> -> memref<8x512xi32, #tpu.memory_space<hbm>>
    %dma_start3A_106 = arith.constant 0 : i32
    %dma_start3A_107 = tpu.memref_slice %arg5[%select_n3A, %multiple_of3A_84, %dma_start3A_106] : memref<2x4096x512xi32, #tpu.memory_space<hbm>> -> memref<1x8x512xi32, #tpu.memory_space<hbm>>
    %dma_start3A_108 = tpu.memref_squeeze %dma_start3A_107 : memref<1x8x512xi32, #tpu.memory_space<hbm>> -> memref<8x512xi32, #tpu.memory_space<hbm>>
    tpu.enqueue_dma source(%dma_start3A_108 : memref<8x512xi32, #tpu.memory_space<hbm>>) target(%arg17 : memref<8x512xi32, #tpu.memory_space<vmem>>) target_semaphore(%arg23 : memref<!tpu.dma_semaphore, #tpu.memory_space<semaphore_mem>>)
    %broadcast_in_dim3A = arith.constant 0.000000e+00 : f32
    %broadcast_in_dim3A_109 = vector.broadcast %broadcast_in_dim3A : f32 to vector<16xf32>
    %broadcast_in_dim3A_110 = arith.constant 0 : i32
    %broadcast_in_dim3A_111 = vector.broadcast %broadcast_in_dim3A_110 : i32 to vector<16xi32>
    %scan3A = arith.constant 0 : i32
    %scan3A_112 = arith.constant 16 : i32
    %scan3A_113 = arith.addi %scan3A, %scan3A_112 : i32
    %scan3A_114 = arith.constant 1 : i32
    %scan3A_115:4 = scf.for %scan3A_124 = %scan3A to %scan3A_113 step %scan3A_114 iter_args(%scan3A_125 = %broadcast_in_dim3A_109, %scan3A_126 = %broadcast_in_dim3A_109, %scan3A_127 = %broadcast_in_dim3A_111, %scan3A_128 = %broadcast_in_dim3A_111) -> (vector<16xf32>, vector<16xf32>, vector<16xi32>, vector<16xi32>)  : i32 {
      %mul3A_129 = arith.constant 2 : i32
      %mul3A_130 = arith.muli %mul3A_129, %scan3A_124 : i32
      %add3A_131 = arith.constant 0 : i32
      %add3A_132 = arith.addi %mul3A_130, %add3A_131 : i32
      %mul3A_133 = arith.constant 8 : i32
      %mul3A_134 = arith.muli %add3A_132, %mul3A_133 : i32
      %add3A_135 = arith.addi %mul3A_56, %mul3A_134 : i32
      %multiple_of3A_136 = tpu.assume_multiple %add3A_135, 8 : i32
      %dma_wait3A = arith.constant 0 : i32
      %dma_wait3A_137 = tpu.memref_slice %arg2[%select_n3A, %multiple_of3A_136, %dma_wait3A] : memref<2x4096x2048xf32, #tpu.memory_space<hbm>> -> memref<1x8x2048xf32, #tpu.memory_space<hbm>>
      %dma_wait3A_138 = tpu.memref_squeeze %dma_wait3A_137 : memref<1x8x2048xf32, #tpu.memory_space<hbm>> -> memref<8x2048xf32, #tpu.memory_space<hbm>>
      %dma_wait3A_139 = arith.constant 0 : i32
      %dma_wait3A_140 = tpu.memref_slice %arg2[%select_n3A, %multiple_of3A_136, %dma_wait3A_139] : memref<2x4096x2048xf32, #tpu.memory_space<hbm>> -> memref<1x8x2048xf32, #tpu.memory_space<hbm>>
      %dma_wait3A_141 = tpu.memref_squeeze %dma_wait3A_140 : memref<1x8x2048xf32, #tpu.memory_space<hbm>> -> memref<8x2048xf32, #tpu.memory_space<hbm>>
      tpu.wait_dma2 semaphore(%arg22 : memref<!tpu.dma_semaphore, #tpu.memory_space<semaphore_mem>>) src(%dma_wait3A_141 : memref<8x2048xf32, #tpu.memory_space<hbm>>) dst(%arg10 : memref<8x2048xf32, #tpu.memory_space<vmem>>)
      %dma_wait3A_142 = arith.constant 0 : i32
      %dma_wait3A_143 = tpu.memref_slice %arg3[%select_n3A, %multiple_of3A_136, %dma_wait3A_142] : memref<2x4096x2048xf32, #tpu.memory_space<hbm>> -> memref<1x8x2048xf32, #tpu.memory_space<hbm>>
      %dma_wait3A_144 = tpu.memref_squeeze %dma_wait3A_143 : memref<1x8x2048xf32, #tpu.memory_space<hbm>> -> memref<8x2048xf32, #tpu.memory_space<hbm>>
      %dma_wait3A_145 = arith.constant 0 : i32
      %dma_wait3A_146 = tpu.memref_slice %arg3[%select_n3A, %multiple_of3A_136, %dma_wait3A_145] : memref<2x4096x2048xf32, #tpu.memory_space<hbm>> -> memref<1x8x2048xf32, #tpu.memory_space<hbm>>
      %dma_wait3A_147 = tpu.memref_squeeze %dma_wait3A_146 : memref<1x8x2048xf32, #tpu.memory_space<hbm>> -> memref<8x2048xf32, #tpu.memory_space<hbm>>
      tpu.wait_dma2 semaphore(%arg22 : memref<!tpu.dma_semaphore, #tpu.memory_space<semaphore_mem>>) src(%dma_wait3A_147 : memref<8x2048xf32, #tpu.memory_space<hbm>>) dst(%arg12 : memref<8x2048xf32, #tpu.memory_space<vmem>>)
      %dma_wait3A_148 = arith.constant 0 : i32
      %dma_wait3A_149 = tpu.memref_slice %arg4[%select_n3A, %multiple_of3A_136, %dma_wait3A_148] : memref<2x4096x512xi32, #tpu.memory_space<hbm>> -> memref<1x8x512xi32, #tpu.memory_space<hbm>>
      %dma_wait3A_150 = tpu.memref_squeeze %dma_wait3A_149 : memref<1x8x512xi32, #tpu.memory_space<hbm>> -> memref<8x512xi32, #tpu.memory_space<hbm>>
      %dma_wait3A_151 = arith.constant 0 : i32
      %dma_wait3A_152 = tpu.memref_slice %arg4[%select_n3A, %multiple_of3A_136, %dma_wait3A_151] : memref<2x4096x512xi32, #tpu.memory_space<hbm>> -> memref<1x8x512xi32, #tpu.memory_space<hbm>>
      %dma_wait3A_153 = tpu.memref_squeeze %dma_wait3A_152 : memref<1x8x512xi32, #tpu.memory_space<hbm>> -> memref<8x512xi32, #tpu.memory_space<hbm>>
      tpu.wait_dma2 semaphore(%arg22 : memref<!tpu.dma_semaphore, #tpu.memory_space<semaphore_mem>>) src(%dma_wait3A_153 : memref<8x512xi32, #tpu.memory_space<hbm>>) dst(%arg14 : memref<8x512xi32, #tpu.memory_space<vmem>>)
      %dma_wait3A_154 = arith.constant 0 : i32
      %dma_wait3A_155 = tpu.memref_slice %arg5[%select_n3A, %multiple_of3A_136, %dma_wait3A_154] : memref<2x4096x512xi32, #tpu.memory_space<hbm>> -> memref<1x8x512xi32, #tpu.memory_space<hbm>>
      %dma_wait3A_156 = tpu.memref_squeeze %dma_wait3A_155 : memref<1x8x512xi32, #tpu.memory_space<hbm>> -> memref<8x512xi32, #tpu.memory_space<hbm>>
      %dma_wait3A_157 = arith.constant 0 : i32
      %dma_wait3A_158 = tpu.memref_slice %arg5[%select_n3A, %multiple_of3A_136, %dma_wait3A_157] : memref<2x4096x512xi32, #tpu.memory_space<hbm>> -> memref<1x8x512xi32, #tpu.memory_space<hbm>>
      %dma_wait3A_159 = tpu.memref_squeeze %dma_wait3A_158 : memref<1x8x512xi32, #tpu.memory_space<hbm>> -> memref<8x512xi32, #tpu.memory_space<hbm>>
      tpu.wait_dma2 semaphore(%arg22 : memref<!tpu.dma_semaphore, #tpu.memory_space<semaphore_mem>>) src(%dma_wait3A_159 : memref<8x512xi32, #tpu.memory_space<hbm>>) dst(%arg16 : memref<8x512xi32, #tpu.memory_space<vmem>>)
      %broadcast_in_dim3A_160 = arith.constant 0 : i32
      %broadcast_in_dim3A_161 = vector.broadcast %broadcast_in_dim3A_160 : i32 to vector<16xi32>
      %scan3A_162 = arith.constant 0 : i32
      %scan3A_163 = arith.constant 32 : i32
      %scan3A_164 = arith.addi %scan3A_162, %scan3A_163 : i32
      %scan3A_165 = arith.constant 1 : i32
      %scan3A_166:4 = scf.for %scan3A_503 = %scan3A_162 to %scan3A_164 step %scan3A_165 iter_args(%scan3A_504 = %scan3A_125, %scan3A_505 = %scan3A_126, %scan3A_506 = %broadcast_in_dim3A_161, %scan3A_507 = %broadcast_in_dim3A_161) -> (vector<16xf32>, vector<16xf32>, vector<16xi32>, vector<16xi32>)  : i32 {
        %mul3A_508 = arith.constant 64 : i32
        %mul3A_509 = arith.muli %scan3A_503, %mul3A_508 : i32
        %mul3A_510 = arith.constant 16 : i32
        %mul3A_511 = arith.muli %scan3A_503, %mul3A_510 : i32
        %get3A = arith.constant 0 : i32
        %get3A_512 = arith.index_cast %get3A : i32 to index
        %get3A_513 = arith.index_cast %mul3A_511 : i32 to index
        %get3A_514 = tpu.vector_load %arg14[%get3A_512, %get3A_513] {strides = array<i32>} : memref<8x512xi32, #tpu.memory_space<vmem>>, vector<16xi32>,
        %mul3A_515 = arith.constant 16 : i32
        %mul3A_516 = arith.muli %scan3A_503, %mul3A_515 : i32
        %get3A_517 = arith.constant 0 : i32
        %get3A_518 = arith.index_cast %get3A_517 : i32 to index
        %get3A_519 = arith.index_cast %mul3A_516 : i32 to index
        %get3A_520 = tpu.vector_load %arg16[%get3A_518, %get3A_519] {strides = array<i32>} : memref<8x512xi32, #tpu.memory_space<vmem>>, vector<16xi32>,
        %add3A_521 = arith.addi %scan3A_506, %get3A_514 : vector<16xi32>
        %add3A_522 = arith.addi %scan3A_507, %get3A_520 : vector<16xi32>
        %gather3A = arith.constant 0 : i32
        %gather3A_523 = tpu.memref_slice %arg10[%gather3A, %mul3A_509] : memref<8x2048xf32, #tpu.memory_space<vmem>> -> memref<1x64xf32, #tpu.memory_space<vmem>>
        %gather3A_524 = tpu.memref_squeeze %gather3A_523 : memref<1x64xf32, #tpu.memory_space<vmem>> -> memref<64xf32, #tpu.memory_space<vmem>>
        %gather3A_525 = tpu.vector_load_idx %gather3A_524[%add3A_6] : memref<64xf32, #tpu.memory_space<vmem>>[vector<16xi32>], vector<16xf32>,
        %gather3A_526 = arith.constant 0 : i32
        %gather3A_527 = tpu.memref_slice %arg12[%gather3A_526, %mul3A_509] : memref<8x2048xf32, #tpu.memory_space<vmem>> -> memref<1x64xf32, #tpu.memory_space<vmem>>
        %gather3A_528 = tpu.memref_squeeze %gather3A_527 : memref<1x64xf32, #tpu.memory_space<vmem>> -> memref<64xf32, #tpu.memory_space<vmem>>
        %gather3A_529 = tpu.vector_load_idx %gather3A_528[%add3A_6] : memref<64xf32, #tpu.memory_space<vmem>>[vector<16xi32>], vector<16xf32>,
        %sub3A_530 = arith.subf %gather3A_525, %gather3A_529 : vector<16xf32>
        %abs3A = math.absf %sub3A_530 : vector<16xf32>
        %and3A_531 = arith.constant 1 : i32
        %and3A_532 = vector.broadcast %and3A_531 : i32 to vector<16xi32>
        %and3A_533 = arith.andi %get3A_514, %and3A_532 : vector<16xi32>
        %eq3A_534 = arith.constant 0 : i32
        %eq3A_535 = vector.broadcast %eq3A_534 : i32 to vector<16xi32>
        %eq3A_536 = arith.cmpi eq, %and3A_533, %eq3A_535 : vector<16xi32>
        %jit3A_537 = arith.constant 0.000000e+00 : f32
        %broadcast_in_dim3A_538 = vector.broadcast %jit3A_537 : f32 to vector<16xf32>
        %select_n3A_539 = arith.select %eq3A_536, %abs3A, %broadcast_in_dim3A_538 : vector<16xi1>, vector<16xf32>
        %add3A_540 = arith.addf %scan3A_504, %select_n3A_539 : vector<16xf32>
        %and3A_541 = arith.constant 1 : i32
        %and3A_542 = vector.broadcast %and3A_541 : i32 to vector<16xi32>
        %and3A_543 = arith.andi %get3A_520, %and3A_542 : vector<16xi32>
        %eq3A_544 = arith.constant 0 : i32
        %eq3A_545 = vector.broadcast %eq3A_544 : i32 to vector<16xi32>
        %eq3A_546 = arith.cmpi eq, %and3A_543, %eq3A_545 : vector<16xi32>
        %jit3A_547 = arith.constant 0.000000e+00 : f32
        %broadcast_in_dim3A_548 = vector.broadcast %jit3A_547 : f32 to vector<16xf32>
        %select_n3A_549 = arith.select %eq3A_546, %abs3A, %broadcast_in_dim3A_548 : vector<16xi1>, vector<16xf32>
        %add3A_550 = arith.addf %scan3A_505, %select_n3A_549 : vector<16xf32>
        %gather3A_551 = arith.constant 0 : i32
        %gather3A_552 = tpu.memref_slice %arg10[%gather3A_551, %mul3A_509] : memref<8x2048xf32, #tpu.memory_space<vmem>> -> memref<1x64xf32, #tpu.memory_space<vmem>>
        %gather3A_553 = tpu.memref_squeeze %gather3A_552 : memref<1x64xf32, #tpu.memory_space<vmem>> -> memref<64xf32, #tpu.memory_space<vmem>>
        %gather3A_554 = tpu.vector_load_idx %gather3A_553[%add3A_12] : memref<64xf32, #tpu.memory_space<vmem>>[vector<16xi32>], vector<16xf32>,
        %gather3A_555 = arith.constant 0 : i32
        %gather3A_556 = tpu.memref_slice %arg12[%gather3A_555, %mul3A_509] : memref<8x2048xf32, #tpu.memory_space<vmem>> -> memref<1x64xf32, #tpu.memory_space<vmem>>
        %gather3A_557 = tpu.memref_squeeze %gather3A_556 : memref<1x64xf32, #tpu.memory_space<vmem>> -> memref<64xf32, #tpu.memory_space<vmem>>
        %gather3A_558 = tpu.vector_load_idx %gather3A_557[%add3A_12] : memref<64xf32, #tpu.memory_space<vmem>>[vector<16xi32>], vector<16xf32>,
        %sub3A_559 = arith.subf %gather3A_554, %gather3A_558 : vector<16xf32>
        %abs3A_560 = math.absf %sub3A_559 : vector<16xf32>
        %and3A_561 = arith.constant 256 : i32
        %and3A_562 = vector.broadcast %and3A_561 : i32 to vector<16xi32>
        %and3A_563 = arith.andi %get3A_514, %and3A_562 : vector<16xi32>
        %eq3A_564 = arith.constant 0 : i32
        %eq3A_565 = vector.broadcast %eq3A_564 : i32 to vector<16xi32>
        %eq3A_566 = arith.cmpi eq, %and3A_563, %eq3A_565 : vector<16xi32>
        %jit3A_567 = arith.constant 0.000000e+00 : f32
        %broadcast_in_dim3A_568 = vector.broadcast %jit3A_567 : f32 to vector<16xf32>
        %select_n3A_569 = arith.select %eq3A_566, %abs3A_560, %broadcast_in_dim3A_568 : vector<16xi1>, vector<16xf32>
        %add3A_570 = arith.addf %add3A_540, %select_n3A_569 : vector<16xf32>
        %and3A_571 = arith.constant 256 : i32
        %and3A_572 = vector.broadcast %and3A_571 : i32 to vector<16xi32>
        %and3A_573 = arith.andi %get3A_520, %and3A_572 : vector<16xi32>
        %eq3A_574 = arith.constant 0 : i32
        %eq3A_575 = vector.broadcast %eq3A_574 : i32 to vector<16xi32>
        %eq3A_576 = arith.cmpi eq, %and3A_573, %eq3A_575 : vector<16xi32>
        %jit3A_577 = arith.constant 0.000000e+00 : f32
        %broadcast_in_dim3A_578 = vector.broadcast %jit3A_577 : f32 to vector<16xf32>
        %select_n3A_579 = arith.select %eq3A_576, %abs3A_560, %broadcast_in_dim3A_578 : vector<16xi1>, vector<16xf32>
        %add3A_580 = arith.addf %add3A_550, %select_n3A_579 : vector<16xf32>
        %gather3A_581 = arith.constant 0 : i32
        %gather3A_582 = tpu.memref_slice %arg10[%gather3A_581, %mul3A_509] : memref<8x2048xf32, #tpu.memory_space<vmem>> -> memref<1x64xf32, #tpu.memory_space<vmem>>
        %gather3A_583 = tpu.memref_squeeze %gather3A_582 : memref<1x64xf32, #tpu.memory_space<vmem>> -> memref<64xf32, #tpu.memory_space<vmem>>
        %gather3A_584 = tpu.vector_load_idx %gather3A_583[%add3A_18] : memref<64xf32, #tpu.memory_space<vmem>>[vector<16xi32>], vector<16xf32>,
        %gather3A_585 = arith.constant 0 : i32
        %gather3A_586 = tpu.memref_slice %arg12[%gather3A_585, %mul3A_509] : memref<8x2048xf32, #tpu.memory_space<vmem>> -> memref<1x64xf32, #tpu.memory_space<vmem>>
        %gather3A_587 = tpu.memref_squeeze %gather3A_586 : memref<1x64xf32, #tpu.memory_space<vmem>> -> memref<64xf32, #tpu.memory_space<vmem>>
        %gather3A_588 = tpu.vector_load_idx %gather3A_587[%add3A_18] : memref<64xf32, #tpu.memory_space<vmem>>[vector<16xi32>], vector<16xf32>,
        %sub3A_589 = arith.subf %gather3A_584, %gather3A_588 : vector<16xf32>
        %abs3A_590 = math.absf %sub3A_589 : vector<16xf32>
        %and3A_591 = arith.constant 65536 : i32
        %and3A_592 = vector.broadcast %and3A_591 : i32 to vector<16xi32>
        %and3A_593 = arith.andi %get3A_514, %and3A_592 : vector<16xi32>
        %eq3A_594 = arith.constant 0 : i32
        %eq3A_595 = vector.broadcast %eq3A_594 : i32 to vector<16xi32>
        %eq3A_596 = arith.cmpi eq, %and3A_593, %eq3A_595 : vector<16xi32>
        %jit3A_597 = arith.constant 0.000000e+00 : f32
        %broadcast_in_dim3A_598 = vector.broadcast %jit3A_597 : f32 to vector<16xf32>
        %select_n3A_599 = arith.select %eq3A_596, %abs3A_590, %broadcast_in_dim3A_598 : vector<16xi1>, vector<16xf32>
        %add3A_600 = arith.addf %add3A_570, %select_n3A_599 : vector<16xf32>
        %and3A_601 = arith.constant 65536 : i32
        %and3A_602 = vector.broadcast %and3A_601 : i32 to vector<16xi32>
        %and3A_603 = arith.andi %get3A_520, %and3A_602 : vector<16xi32>
        %eq3A_604 = arith.constant 0 : i32
        %eq3A_605 = vector.broadcast %eq3A_604 : i32 to vector<16xi32>
        %eq3A_606 = arith.cmpi eq, %and3A_603, %eq3A_605 : vector<16xi32>
        %jit3A_607 = arith.constant 0.000000e+00 : f32
        %broadcast_in_dim3A_608 = vector.broadcast %jit3A_607 : f32 to vector<16xf32>
        %select_n3A_609 = arith.select %eq3A_606, %abs3A_590, %broadcast_in_dim3A_608 : vector<16xi1>, vector<16xf32>
        %add3A_610 = arith.addf %add3A_580, %select_n3A_609 : vector<16xf32>
        %gather3A_611 = arith.constant 0 : i32
        %gather3A_612 = tpu.memref_slice %arg10[%gather3A_611, %mul3A_509] : memref<8x2048xf32, #tpu.memory_space<vmem>> -> memref<1x64xf32, #tpu.memory_space<vmem>>
        %gather3A_613 = tpu.memref_squeeze %gather3A_612 : memref<1x64xf32, #tpu.memory_space<vmem>> -> memref<64xf32, #tpu.memory_space<vmem>>
        %gather3A_614 = tpu.vector_load_idx %gather3A_613[%add3A_24] : memref<64xf32, #tpu.memory_space<vmem>>[vector<16xi32>], vector<16xf32>,
        %gather3A_615 = arith.constant 0 : i32
        %gather3A_616 = tpu.memref_slice %arg12[%gather3A_615, %mul3A_509] : memref<8x2048xf32, #tpu.memory_space<vmem>> -> memref<1x64xf32, #tpu.memory_space<vmem>>
        %gather3A_617 = tpu.memref_squeeze %gather3A_616 : memref<1x64xf32, #tpu.memory_space<vmem>> -> memref<64xf32, #tpu.memory_space<vmem>>
        %gather3A_618 = tpu.vector_load_idx %gather3A_617[%add3A_24] : memref<64xf32, #tpu.memory_space<vmem>>[vector<16xi32>], vector<16xf32>,
        %sub3A_619 = arith.subf %gather3A_614, %gather3A_618 : vector<16xf32>
        %abs3A_620 = math.absf %sub3A_619 : vector<16xf32>
        %and3A_621 = arith.constant 16777216 : i32
        %and3A_622 = vector.broadcast %and3A_621 : i32 to vector<16xi32>
        %and3A_623 = arith.andi %get3A_514, %and3A_622 : vector<16xi32>
        %eq3A_624 = arith.constant 0 : i32
        %eq3A_625 = vector.broadcast %eq3A_624 : i32 to vector<16xi32>
        %eq3A_626 = arith.cmpi eq, %and3A_623, %eq3A_625 : vector<16xi32>
        %jit3A_627 = arith.constant 0.000000e+00 : f32
        %broadcast_in_dim3A_628 = vector.broadcast %jit3A_627 : f32 to vector<16xf32>
        %select_n3A_629 = arith.select %eq3A_626, %abs3A_620, %broadcast_in_dim3A_628 : vector<16xi1>, vector<16xf32>
        %add3A_630 = arith.addf %add3A_600, %select_n3A_629 : vector<16xf32>
        %and3A_631 = arith.constant 16777216 : i32
        %and3A_632 = vector.broadcast %and3A_631 : i32 to vector<16xi32>
        %and3A_633 = arith.andi %get3A_520, %and3A_632 : vector<16xi32>
        %eq3A_634 = arith.constant 0 : i32
        %eq3A_635 = vector.broadcast %eq3A_634 : i32 to vector<16xi32>
        %eq3A_636 = arith.cmpi eq, %and3A_633, %eq3A_635 : vector<16xi32>
        %jit3A_637 = arith.constant 0.000000e+00 : f32
        %broadcast_in_dim3A_638 = vector.broadcast %jit3A_637 : f32 to vector<16xf32>
        %select_n3A_639 = arith.select %eq3A_636, %abs3A_620, %broadcast_in_dim3A_638 : vector<16xi1>, vector<16xf32>
        %add3A_640 = arith.addf %add3A_610, %select_n3A_639 : vector<16xf32>
        scf.yield %add3A_630, %add3A_640, %add3A_521, %add3A_522 : vector<16xf32>, vector<16xf32>, vector<16xi32>, vector<16xi32>
      }
      %scan3A_167 = arith.constant 32 : i32
      %scan3A_168 = arith.constant 0 : i32
      %scan3A_169 = arith.constant 32 : i32
      %scan3A_170 = arith.addi %scan3A_168, %scan3A_169 : i32
      %scan3A_171 = arith.constant 1 : i32
      %scan3A_172:4 = scf.for %scan3A_503 = %scan3A_168 to %scan3A_170 step %scan3A_171 iter_args(%scan3A_504 = %scan3A_166#0, %scan3A_505 = %scan3A_166#1, %scan3A_506 = %scan3A_166#2, %scan3A_507 = %scan3A_166#3) -> (vector<16xf32>, vector<16xf32>, vector<16xi32>, vector<16xi32>)  : i32 {
        %mul3A_508 = arith.constant 64 : i32
        %mul3A_509 = arith.muli %scan3A_503, %mul3A_508 : i32
        %mul3A_510 = arith.constant 16 : i32
        %mul3A_511 = arith.muli %scan3A_503, %mul3A_510 : i32
        %get3A = arith.constant 1 : i32
        %get3A_512 = arith.index_cast %get3A : i32 to index
        %get3A_513 = arith.index_cast %mul3A_511 : i32 to index
        %get3A_514 = tpu.vector_load %arg14[%get3A_512, %get3A_513] {strides = array<i32>} : memref<8x512xi32, #tpu.memory_space<vmem>>, vector<16xi32>,
        %mul3A_515 = arith.constant 16 : i32
        %mul3A_516 = arith.muli %scan3A_503, %mul3A_515 : i32
        %get3A_517 = arith.constant 1 : i32
        %get3A_518 = arith.index_cast %get3A_517 : i32 to index
        %get3A_519 = arith.index_cast %mul3A_516 : i32 to index
        %get3A_520 = tpu.vector_load %arg16[%get3A_518, %get3A_519] {strides = array<i32>} : memref<8x512xi32, #tpu.memory_space<vmem>>, vector<16xi32>,
        %add3A_521 = arith.addi %scan3A_506, %get3A_514 : vector<16xi32>
        %add3A_522 = arith.addi %scan3A_507, %get3A_520 : vector<16xi32>
        %gather3A = arith.constant 1 : i32
        %gather3A_523 = tpu.memref_slice %arg10[%gather3A, %mul3A_509] : memref<8x2048xf32, #tpu.memory_space<vmem>> -> memref<1x64xf32, #tpu.memory_space<vmem>>
        %gather3A_524 = tpu.memref_squeeze %gather3A_523 : memref<1x64xf32, #tpu.memory_space<vmem>> -> memref<64xf32, #tpu.memory_space<vmem>>
        %gather3A_525 = tpu.vector_load_idx %gather3A_524[%add3A_6] : memref<64xf32, #tpu.memory_space<vmem>>[vector<16xi32>], vector<16xf32>,
        %gather3A_526 = arith.constant 1 : i32
        %gather3A_527 = tpu.memref_slice %arg12[%gather3A_526, %mul3A_509] : memref<8x2048xf32, #tpu.memory_space<vmem>> -> memref<1x64xf32, #tpu.memory_space<vmem>>
        %gather3A_528 = tpu.memref_squeeze %gather3A_527 : memref<1x64xf32, #tpu.memory_space<vmem>> -> memref<64xf32, #tpu.memory_space<vmem>>
        %gather3A_529 = tpu.vector_load_idx %gather3A_528[%add3A_6] : memref<64xf32, #tpu.memory_space<vmem>>[vector<16xi32>], vector<16xf32>,
        %sub3A_530 = arith.subf %gather3A_525, %gather3A_529 : vector<16xf32>
        %abs3A = math.absf %sub3A_530 : vector<16xf32>
        %and3A_531 = arith.constant 1 : i32
        %and3A_532 = vector.broadcast %and3A_531 : i32 to vector<16xi32>
        %and3A_533 = arith.andi %get3A_514, %and3A_532 : vector<16xi32>
        %eq3A_534 = arith.constant 0 : i32
        %eq3A_535 = vector.broadcast %eq3A_534 : i32 to vector<16xi32>
        %eq3A_536 = arith.cmpi eq, %and3A_533, %eq3A_535 : vector<16xi32>
        %jit3A_537 = arith.constant 0.000000e+00 : f32
        %broadcast_in_dim3A_538 = vector.broadcast %jit3A_537 : f32 to vector<16xf32>
        %select_n3A_539 = arith.select %eq3A_536, %abs3A, %broadcast_in_dim3A_538 : vector<16xi1>, vector<16xf32>
        %add3A_540 = arith.addf %scan3A_504, %select_n3A_539 : vector<16xf32>
        %and3A_541 = arith.constant 1 : i32
        %and3A_542 = vector.broadcast %and3A_541 : i32 to vector<16xi32>
        %and3A_543 = arith.andi %get3A_520, %and3A_542 : vector<16xi32>
        %eq3A_544 = arith.constant 0 : i32
        %eq3A_545 = vector.broadcast %eq3A_544 : i32 to vector<16xi32>
        %eq3A_546 = arith.cmpi eq, %and3A_543, %eq3A_545 : vector<16xi32>
        %jit3A_547 = arith.constant 0.000000e+00 : f32
        %broadcast_in_dim3A_548 = vector.broadcast %jit3A_547 : f32 to vector<16xf32>
        %select_n3A_549 = arith.select %eq3A_546, %abs3A, %broadcast_in_dim3A_548 : vector<16xi1>, vector<16xf32>
        %add3A_550 = arith.addf %scan3A_505, %select_n3A_549 : vector<16xf32>
        %gather3A_551 = arith.constant 1 : i32
        %gather3A_552 = tpu.memref_slice %arg10[%gather3A_551, %mul3A_509] : memref<8x2048xf32, #tpu.memory_space<vmem>> -> memref<1x64xf32, #tpu.memory_space<vmem>>
        %gather3A_553 = tpu.memref_squeeze %gather3A_552 : memref<1x64xf32, #tpu.memory_space<vmem>> -> memref<64xf32, #tpu.memory_space<vmem>>
        %gather3A_554 = tpu.vector_load_idx %gather3A_553[%add3A_12] : memref<64xf32, #tpu.memory_space<vmem>>[vector<16xi32>], vector<16xf32>,
        %gather3A_555 = arith.constant 1 : i32
        %gather3A_556 = tpu.memref_slice %arg12[%gather3A_555, %mul3A_509] : memref<8x2048xf32, #tpu.memory_space<vmem>> -> memref<1x64xf32, #tpu.memory_space<vmem>>
        %gather3A_557 = tpu.memref_squeeze %gather3A_556 : memref<1x64xf32, #tpu.memory_space<vmem>> -> memref<64xf32, #tpu.memory_space<vmem>>
        %gather3A_558 = tpu.vector_load_idx %gather3A_557[%add3A_12] : memref<64xf32, #tpu.memory_space<vmem>>[vector<16xi32>], vector<16xf32>,
        %sub3A_559 = arith.subf %gather3A_554, %gather3A_558 : vector<16xf32>
        %abs3A_560 = math.absf %sub3A_559 : vector<16xf32>
        %and3A_561 = arith.constant 256 : i32
        %and3A_562 = vector.broadcast %and3A_561 : i32 to vector<16xi32>
        %and3A_563 = arith.andi %get3A_514, %and3A_562 : vector<16xi32>
        %eq3A_564 = arith.constant 0 : i32
        %eq3A_565 = vector.broadcast %eq3A_564 : i32 to vector<16xi32>
        %eq3A_566 = arith.cmpi eq, %and3A_563, %eq3A_565 : vector<16xi32>
        %jit3A_567 = arith.constant 0.000000e+00 : f32
        %broadcast_in_dim3A_568 = vector.broadcast %jit3A_567 : f32 to vector<16xf32>
        %select_n3A_569 = arith.select %eq3A_566, %abs3A_560, %broadcast_in_dim3A_568 : vector<16xi1>, vector<16xf32>
        %add3A_570 = arith.addf %add3A_540, %select_n3A_569 : vector<16xf32>
        %and3A_571 = arith.constant 256 : i32
        %and3A_572 = vector.broadcast %and3A_571 : i32 to vector<16xi32>
        %and3A_573 = arith.andi %get3A_520, %and3A_572 : vector<16xi32>
        %eq3A_574 = arith.constant 0 : i32
        %eq3A_575 = vector.broadcast %eq3A_574 : i32 to vector<16xi32>
        %eq3A_576 = arith.cmpi eq, %and3A_573, %eq3A_575 : vector<16xi32>
        %jit3A_577 = arith.constant 0.000000e+00 : f32
        %broadcast_in_dim3A_578 = vector.broadcast %jit3A_577 : f32 to vector<16xf32>
        %select_n3A_579 = arith.select %eq3A_576, %abs3A_560, %broadcast_in_dim3A_578 : vector<16xi1>, vector<16xf32>
        %add3A_580 = arith.addf %add3A_550, %select_n3A_579 : vector<16xf32>
        %gather3A_581 = arith.constant 1 : i32
        %gather3A_582 = tpu.memref_slice %arg10[%gather3A_581, %mul3A_509] : memref<8x2048xf32, #tpu.memory_space<vmem>> -> memref<1x64xf32, #tpu.memory_space<vmem>>
        %gather3A_583 = tpu.memref_squeeze %gather3A_582 : memref<1x64xf32, #tpu.memory_space<vmem>> -> memref<64xf32, #tpu.memory_space<vmem>>
        %gather3A_584 = tpu.vector_load_idx %gather3A_583[%add3A_18] : memref<64xf32, #tpu.memory_space<vmem>>[vector<16xi32>], vector<16xf32>,
        %gather3A_585 = arith.constant 1 : i32
        %gather3A_586 = tpu.memref_slice %arg12[%gather3A_585, %mul3A_509] : memref<8x2048xf32, #tpu.memory_space<vmem>> -> memref<1x64xf32, #tpu.memory_space<vmem>>
        %gather3A_587 = tpu.memref_squeeze %gather3A_586 : memref<1x64xf32, #tpu.memory_space<vmem>> -> memref<64xf32, #tpu.memory_space<vmem>>
        %gather3A_588 = tpu.vector_load_idx %gather3A_587[%add3A_18] : memref<64xf32, #tpu.memory_space<vmem>>[vector<16xi32>], vector<16xf32>,
        %sub3A_589 = arith.subf %gather3A_584, %gather3A_588 : vector<16xf32>
        %abs3A_590 = math.absf %sub3A_589 : vector<16xf32>
        %and3A_591 = arith.constant 65536 : i32
        %and3A_592 = vector.broadcast %and3A_591 : i32 to vector<16xi32>
        %and3A_593 = arith.andi %get3A_514, %and3A_592 : vector<16xi32>
        %eq3A_594 = arith.constant 0 : i32
        %eq3A_595 = vector.broadcast %eq3A_594 : i32 to vector<16xi32>
        %eq3A_596 = arith.cmpi eq, %and3A_593, %eq3A_595 : vector<16xi32>
        %jit3A_597 = arith.constant 0.000000e+00 : f32
        %broadcast_in_dim3A_598 = vector.broadcast %jit3A_597 : f32 to vector<16xf32>
        %select_n3A_599 = arith.select %eq3A_596, %abs3A_590, %broadcast_in_dim3A_598 : vector<16xi1>, vector<16xf32>
        %add3A_600 = arith.addf %add3A_570, %select_n3A_599 : vector<16xf32>
        %and3A_601 = arith.constant 65536 : i32
        %and3A_602 = vector.broadcast %and3A_601 : i32 to vector<16xi32>
        %and3A_603 = arith.andi %get3A_520, %and3A_602 : vector<16xi32>
        %eq3A_604 = arith.constant 0 : i32
        %eq3A_605 = vector.broadcast %eq3A_604 : i32 to vector<16xi32>
        %eq3A_606 = arith.cmpi eq, %and3A_603, %eq3A_605 : vector<16xi32>
        %jit3A_607 = arith.constant 0.000000e+00 : f32
        %broadcast_in_dim3A_608 = vector.broadcast %jit3A_607 : f32 to vector<16xf32>
        %select_n3A_609 = arith.select %eq3A_606, %abs3A_590, %broadcast_in_dim3A_608 : vector<16xi1>, vector<16xf32>
        %add3A_610 = arith.addf %add3A_580, %select_n3A_609 : vector<16xf32>
        %gather3A_611 = arith.constant 1 : i32
        %gather3A_612 = tpu.memref_slice %arg10[%gather3A_611, %mul3A_509] : memref<8x2048xf32, #tpu.memory_space<vmem>> -> memref<1x64xf32, #tpu.memory_space<vmem>>
        %gather3A_613 = tpu.memref_squeeze %gather3A_612 : memref<1x64xf32, #tpu.memory_space<vmem>> -> memref<64xf32, #tpu.memory_space<vmem>>
        %gather3A_614 = tpu.vector_load_idx %gather3A_613[%add3A_24] : memref<64xf32, #tpu.memory_space<vmem>>[vector<16xi32>], vector<16xf32>,
        %gather3A_615 = arith.constant 1 : i32
        %gather3A_616 = tpu.memref_slice %arg12[%gather3A_615, %mul3A_509] : memref<8x2048xf32, #tpu.memory_space<vmem>> -> memref<1x64xf32, #tpu.memory_space<vmem>>
        %gather3A_617 = tpu.memref_squeeze %gather3A_616 : memref<1x64xf32, #tpu.memory_space<vmem>> -> memref<64xf32, #tpu.memory_space<vmem>>
        %gather3A_618 = tpu.vector_load_idx %gather3A_617[%add3A_24] : memref<64xf32, #tpu.memory_space<vmem>>[vector<16xi32>], vector<16xf32>,
        %sub3A_619 = arith.subf %gather3A_614, %gather3A_618 : vector<16xf32>
        %abs3A_620 = math.absf %sub3A_619 : vector<16xf32>
        %and3A_621 = arith.constant 16777216 : i32
        %and3A_622 = vector.broadcast %and3A_621 : i32 to vector<16xi32>
        %and3A_623 = arith.andi %get3A_514, %and3A_622 : vector<16xi32>
        %eq3A_624 = arith.constant 0 : i32
        %eq3A_625 = vector.broadcast %eq3A_624 : i32 to vector<16xi32>
        %eq3A_626 = arith.cmpi eq, %and3A_623, %eq3A_625 : vector<16xi32>
        %jit3A_627 = arith.constant 0.000000e+00 : f32
        %broadcast_in_dim3A_628 = vector.broadcast %jit3A_627 : f32 to vector<16xf32>
        %select_n3A_629 = arith.select %eq3A_626, %abs3A_620, %broadcast_in_dim3A_628 : vector<16xi1>, vector<16xf32>
        %add3A_630 = arith.addf %add3A_600, %select_n3A_629 : vector<16xf32>
        %and3A_631 = arith.constant 16777216 : i32
        %and3A_632 = vector.broadcast %and3A_631 : i32 to vector<16xi32>
        %and3A_633 = arith.andi %get3A_520, %and3A_632 : vector<16xi32>
        %eq3A_634 = arith.constant 0 : i32
        %eq3A_635 = vector.broadcast %eq3A_634 : i32 to vector<16xi32>
        %eq3A_636 = arith.cmpi eq, %and3A_633, %eq3A_635 : vector<16xi32>
        %jit3A_637 = arith.constant 0.000000e+00 : f32
        %broadcast_in_dim3A_638 = vector.broadcast %jit3A_637 : f32 to vector<16xf32>
        %select_n3A_639 = arith.select %eq3A_636, %abs3A_620, %broadcast_in_dim3A_638 : vector<16xi1>, vector<16xf32>
        %add3A_640 = arith.addf %add3A_610, %select_n3A_639 : vector<16xf32>
        scf.yield %add3A_630, %add3A_640, %add3A_521, %add3A_522 : vector<16xf32>, vector<16xf32>, vector<16xi32>, vector<16xi32>
      }
      %scan3A_173 = arith.constant 32 : i32
      %scan3A_174 = arith.constant 0 : i32
      %scan3A_175 = arith.constant 32 : i32
      %scan3A_176 = arith.addi %scan3A_174, %scan3A_175 : i32
      %scan3A_177 = arith.constant 1 : i32
      %scan3A_178:4 = scf.for %scan3A_503 = %scan3A_174 to %scan3A_176 step %scan3A_177 iter_args(%scan3A_504 = %scan3A_172#0, %scan3A_505 = %scan3A_172#1, %scan3A_506 = %scan3A_172#2, %scan3A_507 = %scan3A_172#3) -> (vector<16xf32>, vector<16xf32>, vector<16xi32>, vector<16xi32>)  : i32 {
        %mul3A_508 = arith.constant 64 : i32
        %mul3A_509 = arith.muli %scan3A_503, %mul3A_508 : i32
        %mul3A_510 = arith.constant 16 : i32
        %mul3A_511 = arith.muli %scan3A_503, %mul3A_510 : i32
        %get3A = arith.constant 2 : i32
        %get3A_512 = arith.index_cast %get3A : i32 to index
        %get3A_513 = arith.index_cast %mul3A_511 : i32 to index
        %get3A_514 = tpu.vector_load %arg14[%get3A_512, %get3A_513] {strides = array<i32>} : memref<8x512xi32, #tpu.memory_space<vmem>>, vector<16xi32>,
        %mul3A_515 = arith.constant 16 : i32
        %mul3A_516 = arith.muli %scan3A_503, %mul3A_515 : i32
        %get3A_517 = arith.constant 2 : i32
        %get3A_518 = arith.index_cast %get3A_517 : i32 to index
        %get3A_519 = arith.index_cast %mul3A_516 : i32 to index
        %get3A_520 = tpu.vector_load %arg16[%get3A_518, %get3A_519] {strides = array<i32>} : memref<8x512xi32, #tpu.memory_space<vmem>>, vector<16xi32>,
        %add3A_521 = arith.addi %scan3A_506, %get3A_514 : vector<16xi32>
        %add3A_522 = arith.addi %scan3A_507, %get3A_520 : vector<16xi32>
        %gather3A = arith.constant 2 : i32
        %gather3A_523 = tpu.memref_slice %arg10[%gather3A, %mul3A_509] : memref<8x2048xf32, #tpu.memory_space<vmem>> -> memref<1x64xf32, #tpu.memory_space<vmem>>
        %gather3A_524 = tpu.memref_squeeze %gather3A_523 : memref<1x64xf32, #tpu.memory_space<vmem>> -> memref<64xf32, #tpu.memory_space<vmem>>
        %gather3A_525 = tpu.vector_load_idx %gather3A_524[%add3A_6] : memref<64xf32, #tpu.memory_space<vmem>>[vector<16xi32>], vector<16xf32>,
        %gather3A_526 = arith.constant 2 : i32
        %gather3A_527 = tpu.memref_slice %arg12[%gather3A_526, %mul3A_509] : memref<8x2048xf32, #tpu.memory_space<vmem>> -> memref<1x64xf32, #tpu.memory_space<vmem>>
        %gather3A_528 = tpu.memref_squeeze %gather3A_527 : memref<1x64xf32, #tpu.memory_space<vmem>> -> memref<64xf32, #tpu.memory_space<vmem>>
        %gather3A_529 = tpu.vector_load_idx %gather3A_528[%add3A_6] : memref<64xf32, #tpu.memory_space<vmem>>[vector<16xi32>], vector<16xf32>,
        %sub3A_530 = arith.subf %gather3A_525, %gather3A_529 : vector<16xf32>
        %abs3A = math.absf %sub3A_530 : vector<16xf32>
        %and3A_531 = arith.constant 1 : i32
        %and3A_532 = vector.broadcast %and3A_531 : i32 to vector<16xi32>
        %and3A_533 = arith.andi %get3A_514, %and3A_532 : vector<16xi32>
        %eq3A_534 = arith.constant 0 : i32
        %eq3A_535 = vector.broadcast %eq3A_534 : i32 to vector<16xi32>
        %eq3A_536 = arith.cmpi eq, %and3A_533, %eq3A_535 : vector<16xi32>
        %jit3A_537 = arith.constant 0.000000e+00 : f32
        %broadcast_in_dim3A_538 = vector.broadcast %jit3A_537 : f32 to vector<16xf32>
        %select_n3A_539 = arith.select %eq3A_536, %abs3A, %broadcast_in_dim3A_538 : vector<16xi1>, vector<16xf32>
        %add3A_540 = arith.addf %scan3A_504, %select_n3A_539 : vector<16xf32>
        %and3A_541 = arith.constant 1 : i32
        %and3A_542 = vector.broadcast %and3A_541 : i32 to vector<16xi32>
        %and3A_543 = arith.andi %get3A_520, %and3A_542 : vector<16xi32>
        %eq3A_544 = arith.constant 0 : i32
        %eq3A_545 = vector.broadcast %eq3A_544 : i32 to vector<16xi32>
        %eq3A_546 = arith.cmpi eq, %and3A_543, %eq3A_545 : vector<16xi32>
        %jit3A_547 = arith.constant 0.000000e+00 : f32
        %broadcast_in_dim3A_548 = vector.broadcast %jit3A_547 : f32 to vector<16xf32>
        %select_n3A_549 = arith.select %eq3A_546, %abs3A, %broadcast_in_dim3A_548 : vector<16xi1>, vector<16xf32>
        %add3A_550 = arith.addf %scan3A_505, %select_n3A_549 : vector<16xf32>
        %gather3A_551 = arith.constant 2 : i32
        %gather3A_552 = tpu.memref_slice %arg10[%gather3A_551, %mul3A_509] : memref<8x2048xf32, #tpu.memory_space<vmem>> -> memref<1x64xf32, #tpu.memory_space<vmem>>
        %gather3A_553 = tpu.memref_squeeze %gather3A_552 : memref<1x64xf32, #tpu.memory_space<vmem>> -> memref<64xf32, #tpu.memory_space<vmem>>
        %gather3A_554 = tpu.vector_load_idx %gather3A_553[%add3A_12] : memref<64xf32, #tpu.memory_space<vmem>>[vector<16xi32>], vector<16xf32>,
        %gather3A_555 = arith.constant 2 : i32
        %gather3A_556 = tpu.memref_slice %arg12[%gather3A_555, %mul3A_509] : memref<8x2048xf32, #tpu.memory_space<vmem>> -> memref<1x64xf32, #tpu.memory_space<vmem>>
        %gather3A_557 = tpu.memref_squeeze %gather3A_556 : memref<1x64xf32, #tpu.memory_space<vmem>> -> memref<64xf32, #tpu.memory_space<vmem>>
        %gather3A_558 = tpu.vector_load_idx %gather3A_557[%add3A_12] : memref<64xf32, #tpu.memory_space<vmem>>[vector<16xi32>], vector<16xf32>,
        %sub3A_559 = arith.subf %gather3A_554, %gather3A_558 : vector<16xf32>
        %abs3A_560 = math.absf %sub3A_559 : vector<16xf32>
        %and3A_561 = arith.constant 256 : i32
        %and3A_562 = vector.broadcast %and3A_561 : i32 to vector<16xi32>
        %and3A_563 = arith.andi %get3A_514, %and3A_562 : vector<16xi32>
        %eq3A_564 = arith.constant 0 : i32
        %eq3A_565 = vector.broadcast %eq3A_564 : i32 to vector<16xi32>
        %eq3A_566 = arith.cmpi eq, %and3A_563, %eq3A_565 : vector<16xi32>
        %jit3A_567 = arith.constant 0.000000e+00 : f32
        %broadcast_in_dim3A_568 = vector.broadcast %jit3A_567 : f32 to vector<16xf32>
        %select_n3A_569 = arith.select %eq3A_566, %abs3A_560, %broadcast_in_dim3A_568 : vector<16xi1>, vector<16xf32>
        %add3A_570 = arith.addf %add3A_540, %select_n3A_569 : vector<16xf32>
        %and3A_571 = arith.constant 256 : i32
        %and3A_572 = vector.broadcast %and3A_571 : i32 to vector<16xi32>
        %and3A_573 = arith.andi %get3A_520, %and3A_572 : vector<16xi32>
        %eq3A_574 = arith.constant 0 : i32
        %eq3A_575 = vector.broadcast %eq3A_574 : i32 to vector<16xi32>
        %eq3A_576 = arith.cmpi eq, %and3A_573, %eq3A_575 : vector<16xi32>
        %jit3A_577 = arith.constant 0.000000e+00 : f32
        %broadcast_in_dim3A_578 = vector.broadcast %jit3A_577 : f32 to vector<16xf32>
        %select_n3A_579 = arith.select %eq3A_576, %abs3A_560, %broadcast_in_dim3A_578 : vector<16xi1>, vector<16xf32>
        %add3A_580 = arith.addf %add3A_550, %select_n3A_579 : vector<16xf32>
        %gather3A_581 = arith.constant 2 : i32
        %gather3A_582 = tpu.memref_slice %arg10[%gather3A_581, %mul3A_509] : memref<8x2048xf32, #tpu.memory_space<vmem>> -> memref<1x64xf32, #tpu.memory_space<vmem>>
        %gather3A_583 = tpu.memref_squeeze %gather3A_582 : memref<1x64xf32, #tpu.memory_space<vmem>> -> memref<64xf32, #tpu.memory_space<vmem>>
        %gather3A_584 = tpu.vector_load_idx %gather3A_583[%add3A_18] : memref<64xf32, #tpu.memory_space<vmem>>[vector<16xi32>], vector<16xf32>,
        %gather3A_585 = arith.constant 2 : i32
        %gather3A_586 = tpu.memref_slice %arg12[%gather3A_585, %mul3A_509] : memref<8x2048xf32, #tpu.memory_space<vmem>> -> memref<1x64xf32, #tpu.memory_space<vmem>>
        %gather3A_587 = tpu.memref_squeeze %gather3A_586 : memref<1x64xf32, #tpu.memory_space<vmem>> -> memref<64xf32, #tpu.memory_space<vmem>>
        %gather3A_588 = tpu.vector_load_idx %gather3A_587[%add3A_18] : memref<64xf32, #tpu.memory_space<vmem>>[vector<16xi32>], vector<16xf32>,
        %sub3A_589 = arith.subf %gather3A_584, %gather3A_588 : vector<16xf32>
        %abs3A_590 = math.absf %sub3A_589 : vector<16xf32>
        %and3A_591 = arith.constant 65536 : i32
        %and3A_592 = vector.broadcast %and3A_591 : i32 to vector<16xi32>
        %and3A_593 = arith.andi %get3A_514, %and3A_592 : vector<16xi32>
        %eq3A_594 = arith.constant 0 : i32
        %eq3A_595 = vector.broadcast %eq3A_594 : i32 to vector<16xi32>
        %eq3A_596 = arith.cmpi eq, %and3A_593, %eq3A_595 : vector<16xi32>
        %jit3A_597 = arith.constant 0.000000e+00 : f32
        %broadcast_in_dim3A_598 = vector.broadcast %jit3A_597 : f32 to vector<16xf32>
        %select_n3A_599 = arith.select %eq3A_596, %abs3A_590, %broadcast_in_dim3A_598 : vector<16xi1>, vector<16xf32>
        %add3A_600 = arith.addf %add3A_570, %select_n3A_599 : vector<16xf32>
        %and3A_601 = arith.constant 65536 : i32
        %and3A_602 = vector.broadcast %and3A_601 : i32 to vector<16xi32>
        %and3A_603 = arith.andi %get3A_520, %and3A_602 : vector<16xi32>
        %eq3A_604 = arith.constant 0 : i32
        %eq3A_605 = vector.broadcast %eq3A_604 : i32 to vector<16xi32>
        %eq3A_606 = arith.cmpi eq, %and3A_603, %eq3A_605 : vector<16xi32>
        %jit3A_607 = arith.constant 0.000000e+00 : f32
        %broadcast_in_dim3A_608 = vector.broadcast %jit3A_607 : f32 to vector<16xf32>
        %select_n3A_609 = arith.select %eq3A_606, %abs3A_590, %broadcast_in_dim3A_608 : vector<16xi1>, vector<16xf32>
        %add3A_610 = arith.addf %add3A_580, %select_n3A_609 : vector<16xf32>
        %gather3A_611 = arith.constant 2 : i32
        %gather3A_612 = tpu.memref_slice %arg10[%gather3A_611, %mul3A_509] : memref<8x2048xf32, #tpu.memory_space<vmem>> -> memref<1x64xf32, #tpu.memory_space<vmem>>
        %gather3A_613 = tpu.memref_squeeze %gather3A_612 : memref<1x64xf32, #tpu.memory_space<vmem>> -> memref<64xf32, #tpu.memory_space<vmem>>
        %gather3A_614 = tpu.vector_load_idx %gather3A_613[%add3A_24] : memref<64xf32, #tpu.memory_space<vmem>>[vector<16xi32>], vector<16xf32>,
        %gather3A_615 = arith.constant 2 : i32
        %gather3A_616 = tpu.memref_slice %arg12[%gather3A_615, %mul3A_509] : memref<8x2048xf32, #tpu.memory_space<vmem>> -> memref<1x64xf32, #tpu.memory_space<vmem>>
        %gather3A_617 = tpu.memref_squeeze %gather3A_616 : memref<1x64xf32, #tpu.memory_space<vmem>> -> memref<64xf32, #tpu.memory_space<vmem>>
        %gather3A_618 = tpu.vector_load_idx %gather3A_617[%add3A_24] : memref<64xf32, #tpu.memory_space<vmem>>[vector<16xi32>], vector<16xf32>,
        %sub3A_619 = arith.subf %gather3A_614, %gather3A_618 : vector<16xf32>
        %abs3A_620 = math.absf %sub3A_619 : vector<16xf32>
        %and3A_621 = arith.constant 16777216 : i32
        %and3A_622 = vector.broadcast %and3A_621 : i32 to vector<16xi32>
        %and3A_623 = arith.andi %get3A_514, %and3A_622 : vector<16xi32>
        %eq3A_624 = arith.constant 0 : i32
        %eq3A_625 = vector.broadcast %eq3A_624 : i32 to vector<16xi32>
        %eq3A_626 = arith.cmpi eq, %and3A_623, %eq3A_625 : vector<16xi32>
        %jit3A_627 = arith.constant 0.000000e+00 : f32
        %broadcast_in_dim3A_628 = vector.broadcast %jit3A_627 : f32 to vector<16xf32>
        %select_n3A_629 = arith.select %eq3A_626, %abs3A_620, %broadcast_in_dim3A_628 : vector<16xi1>, vector<16xf32>
        %add3A_630 = arith.addf %add3A_600, %select_n3A_629 : vector<16xf32>
        %and3A_631 = arith.constant 16777216 : i32
        %and3A_632 = vector.broadcast %and3A_631 : i32 to vector<16xi32>
        %and3A_633 = arith.andi %get3A_520, %and3A_632 : vector<16xi32>
        %eq3A_634 = arith.constant 0 : i32
        %eq3A_635 = vector.broadcast %eq3A_634 : i32 to vector<16xi32>
        %eq3A_636 = arith.cmpi eq, %and3A_633, %eq3A_635 : vector<16xi32>
        %jit3A_637 = arith.constant 0.000000e+00 : f32
        %broadcast_in_dim3A_638 = vector.broadcast %jit3A_637 : f32 to vector<16xf32>
        %select_n3A_639 = arith.select %eq3A_636, %abs3A_620, %broadcast_in_dim3A_638 : vector<16xi1>, vector<16xf32>
        %add3A_640 = arith.addf %add3A_610, %select_n3A_639 : vector<16xf32>
        scf.yield %add3A_630, %add3A_640, %add3A_521, %add3A_522 : vector<16xf32>, vector<16xf32>, vector<16xi32>, vector<16xi32>
      }
      %scan3A_179 = arith.constant 32 : i32
      %scan3A_180 = arith.constant 0 : i32
      %scan3A_181 = arith.constant 32 : i32
      %scan3A_182 = arith.addi %scan3A_180, %scan3A_181 : i32
      %scan3A_183 = arith.constant 1 : i32
      %scan3A_184:4 = scf.for %scan3A_503 = %scan3A_180 to %scan3A_182 step %scan3A_183 iter_args(%scan3A_504 = %scan3A_178#0, %scan3A_505 = %scan3A_178#1, %scan3A_506 = %scan3A_178#2, %scan3A_507 = %scan3A_178#3) -> (vector<16xf32>, vector<16xf32>, vector<16xi32>, vector<16xi32>)  : i32 {
        %mul3A_508 = arith.constant 64 : i32
        %mul3A_509 = arith.muli %scan3A_503, %mul3A_508 : i32
        %mul3A_510 = arith.constant 16 : i32
        %mul3A_511 = arith.muli %scan3A_503, %mul3A_510 : i32
        %get3A = arith.constant 3 : i32
        %get3A_512 = arith.index_cast %get3A : i32 to index
        %get3A_513 = arith.index_cast %mul3A_511 : i32 to index
        %get3A_514 = tpu.vector_load %arg14[%get3A_512, %get3A_513] {strides = array<i32>} : memref<8x512xi32, #tpu.memory_space<vmem>>, vector<16xi32>,
        %mul3A_515 = arith.constant 16 : i32
        %mul3A_516 = arith.muli %scan3A_503, %mul3A_515 : i32
        %get3A_517 = arith.constant 3 : i32
        %get3A_518 = arith.index_cast %get3A_517 : i32 to index
        %get3A_519 = arith.index_cast %mul3A_516 : i32 to index
        %get3A_520 = tpu.vector_load %arg16[%get3A_518, %get3A_519] {strides = array<i32>} : memref<8x512xi32, #tpu.memory_space<vmem>>, vector<16xi32>,
        %add3A_521 = arith.addi %scan3A_506, %get3A_514 : vector<16xi32>
        %add3A_522 = arith.addi %scan3A_507, %get3A_520 : vector<16xi32>
        %gather3A = arith.constant 3 : i32
        %gather3A_523 = tpu.memref_slice %arg10[%gather3A, %mul3A_509] : memref<8x2048xf32, #tpu.memory_space<vmem>> -> memref<1x64xf32, #tpu.memory_space<vmem>>
        %gather3A_524 = tpu.memref_squeeze %gather3A_523 : memref<1x64xf32, #tpu.memory_space<vmem>> -> memref<64xf32, #tpu.memory_space<vmem>>
        %gather3A_525 = tpu.vector_load_idx %gather3A_524[%add3A_6] : memref<64xf32, #tpu.memory_space<vmem>>[vector<16xi32>], vector<16xf32>,
        %gather3A_526 = arith.constant 3 : i32
        %gather3A_527 = tpu.memref_slice %arg12[%gather3A_526, %mul3A_509] : memref<8x2048xf32, #tpu.memory_space<vmem>> -> memref<1x64xf32, #tpu.memory_space<vmem>>
        %gather3A_528 = tpu.memref_squeeze %gather3A_527 : memref<1x64xf32, #tpu.memory_space<vmem>> -> memref<64xf32, #tpu.memory_space<vmem>>
        %gather3A_529 = tpu.vector_load_idx %gather3A_528[%add3A_6] : memref<64xf32, #tpu.memory_space<vmem>>[vector<16xi32>], vector<16xf32>,
        %sub3A_530 = arith.subf %gather3A_525, %gather3A_529 : vector<16xf32>
        %abs3A = math.absf %sub3A_530 : vector<16xf32>
        %and3A_531 = arith.constant 1 : i32
        %and3A_532 = vector.broadcast %and3A_531 : i32 to vector<16xi32>
        %and3A_533 = arith.andi %get3A_514, %and3A_532 : vector<16xi32>
        %eq3A_534 = arith.constant 0 : i32
        %eq3A_535 = vector.broadcast %eq3A_534 : i32 to vector<16xi32>
        %eq3A_536 = arith.cmpi eq, %and3A_533, %eq3A_535 : vector<16xi32>
        %jit3A_537 = arith.constant 0.000000e+00 : f32
        %broadcast_in_dim3A_538 = vector.broadcast %jit3A_537 : f32 to vector<16xf32>
        %select_n3A_539 = arith.select %eq3A_536, %abs3A, %broadcast_in_dim3A_538 : vector<16xi1>, vector<16xf32>
        %add3A_540 = arith.addf %scan3A_504, %select_n3A_539 : vector<16xf32>
        %and3A_541 = arith.constant 1 : i32
        %and3A_542 = vector.broadcast %and3A_541 : i32 to vector<16xi32>
        %and3A_543 = arith.andi %get3A_520, %and3A_542 : vector<16xi32>
        %eq3A_544 = arith.constant 0 : i32
        %eq3A_545 = vector.broadcast %eq3A_544 : i32 to vector<16xi32>
        %eq3A_546 = arith.cmpi eq, %and3A_543, %eq3A_545 : vector<16xi32>
        %jit3A_547 = arith.constant 0.000000e+00 : f32
        %broadcast_in_dim3A_548 = vector.broadcast %jit3A_547 : f32 to vector<16xf32>
        %select_n3A_549 = arith.select %eq3A_546, %abs3A, %broadcast_in_dim3A_548 : vector<16xi1>, vector<16xf32>
        %add3A_550 = arith.addf %scan3A_505, %select_n3A_549 : vector<16xf32>
        %gather3A_551 = arith.constant 3 : i32
        %gather3A_552 = tpu.memref_slice %arg10[%gather3A_551, %mul3A_509] : memref<8x2048xf32, #tpu.memory_space<vmem>> -> memref<1x64xf32, #tpu.memory_space<vmem>>
        %gather3A_553 = tpu.memref_squeeze %gather3A_552 : memref<1x64xf32, #tpu.memory_space<vmem>> -> memref<64xf32, #tpu.memory_space<vmem>>
        %gather3A_554 = tpu.vector_load_idx %gather3A_553[%add3A_12] : memref<64xf32, #tpu.memory_space<vmem>>[vector<16xi32>], vector<16xf32>,
        %gather3A_555 = arith.constant 3 : i32
        %gather3A_556 = tpu.memref_slice %arg12[%gather3A_555, %mul3A_509] : memref<8x2048xf32, #tpu.memory_space<vmem>> -> memref<1x64xf32, #tpu.memory_space<vmem>>
        %gather3A_557 = tpu.memref_squeeze %gather3A_556 : memref<1x64xf32, #tpu.memory_space<vmem>> -> memref<64xf32, #tpu.memory_space<vmem>>
        %gather3A_558 = tpu.vector_load_idx %gather3A_557[%add3A_12] : memref<64xf32, #tpu.memory_space<vmem>>[vector<16xi32>], vector<16xf32>,
        %sub3A_559 = arith.subf %gather3A_554, %gather3A_558 : vector<16xf32>
        %abs3A_560 = math.absf %sub3A_559 : vector<16xf32>
        %and3A_561 = arith.constant 256 : i32
        %and3A_562 = vector.broadcast %and3A_561 : i32 to vector<16xi32>
        %and3A_563 = arith.andi %get3A_514, %and3A_562 : vector<16xi32>
        %eq3A_564 = arith.constant 0 : i32
        %eq3A_565 = vector.broadcast %eq3A_564 : i32 to vector<16xi32>
        %eq3A_566 = arith.cmpi eq, %and3A_563, %eq3A_565 : vector<16xi32>
        %jit3A_567 = arith.constant 0.000000e+00 : f32
        %broadcast_in_dim3A_568 = vector.broadcast %jit3A_567 : f32 to vector<16xf32>
        %select_n3A_569 = arith.select %eq3A_566, %abs3A_560, %broadcast_in_dim3A_568 : vector<16xi1>, vector<16xf32>
        %add3A_570 = arith.addf %add3A_540, %select_n3A_569 : vector<16xf32>
        %and3A_571 = arith.constant 256 : i32
        %and3A_572 = vector.broadcast %and3A_571 : i32 to vector<16xi32>
        %and3A_573 = arith.andi %get3A_520, %and3A_572 : vector<16xi32>
        %eq3A_574 = arith.constant 0 : i32
        %eq3A_575 = vector.broadcast %eq3A_574 : i32 to vector<16xi32>
        %eq3A_576 = arith.cmpi eq, %and3A_573, %eq3A_575 : vector<16xi32>
        %jit3A_577 = arith.constant 0.000000e+00 : f32
        %broadcast_in_dim3A_578 = vector.broadcast %jit3A_577 : f32 to vector<16xf32>
        %select_n3A_579 = arith.select %eq3A_576, %abs3A_560, %broadcast_in_dim3A_578 : vector<16xi1>, vector<16xf32>
        %add3A_580 = arith.addf %add3A_550, %select_n3A_579 : vector<16xf32>
        %gather3A_581 = arith.constant 3 : i32
        %gather3A_582 = tpu.memref_slice %arg10[%gather3A_581, %mul3A_509] : memref<8x2048xf32, #tpu.memory_space<vmem>> -> memref<1x64xf32, #tpu.memory_space<vmem>>
        %gather3A_583 = tpu.memref_squeeze %gather3A_582 : memref<1x64xf32, #tpu.memory_space<vmem>> -> memref<64xf32, #tpu.memory_space<vmem>>
        %gather3A_584 = tpu.vector_load_idx %gather3A_583[%add3A_18] : memref<64xf32, #tpu.memory_space<vmem>>[vector<16xi32>], vector<16xf32>,
        %gather3A_585 = arith.constant 3 : i32
        %gather3A_586 = tpu.memref_slice %arg12[%gather3A_585, %mul3A_509] : memref<8x2048xf32, #tpu.memory_space<vmem>> -> memref<1x64xf32, #tpu.memory_space<vmem>>
        %gather3A_587 = tpu.memref_squeeze %gather3A_586 : memref<1x64xf32, #tpu.memory_space<vmem>> -> memref<64xf32, #tpu.memory_space<vmem>>
        %gather3A_588 = tpu.vector_load_idx %gather3A_587[%add3A_18] : memref<64xf32, #tpu.memory_space<vmem>>[vector<16xi32>], vector<16xf32>,
        %sub3A_589 = arith.subf %gather3A_584, %gather3A_588 : vector<16xf32>
        %abs3A_590 = math.absf %sub3A_589 : vector<16xf32>
        %and3A_591 = arith.constant 65536 : i32
        %and3A_592 = vector.broadcast %and3A_591 : i32 to vector<16xi32>
        %and3A_593 = arith.andi %get3A_514, %and3A_592 : vector<16xi32>
        %eq3A_594 = arith.constant 0 : i32
        %eq3A_595 = vector.broadcast %eq3A_594 : i32 to vector<16xi32>
        %eq3A_596 = arith.cmpi eq, %and3A_593, %eq3A_595 : vector<16xi32>
        %jit3A_597 = arith.constant 0.000000e+00 : f32
        %broadcast_in_dim3A_598 = vector.broadcast %jit3A_597 : f32 to vector<16xf32>
        %select_n3A_599 = arith.select %eq3A_596, %abs3A_590, %broadcast_in_dim3A_598 : vector<16xi1>, vector<16xf32>
        %add3A_600 = arith.addf %add3A_570, %select_n3A_599 : vector<16xf32>
        %and3A_601 = arith.constant 65536 : i32
        %and3A_602 = vector.broadcast %and3A_601 : i32 to vector<16xi32>
        %and3A_603 = arith.andi %get3A_520, %and3A_602 : vector<16xi32>
        %eq3A_604 = arith.constant 0 : i32
        %eq3A_605 = vector.broadcast %eq3A_604 : i32 to vector<16xi32>
        %eq3A_606 = arith.cmpi eq, %and3A_603, %eq3A_605 : vector<16xi32>
        %jit3A_607 = arith.constant 0.000000e+00 : f32
        %broadcast_in_dim3A_608 = vector.broadcast %jit3A_607 : f32 to vector<16xf32>
        %select_n3A_609 = arith.select %eq3A_606, %abs3A_590, %broadcast_in_dim3A_608 : vector<16xi1>, vector<16xf32>
        %add3A_610 = arith.addf %add3A_580, %select_n3A_609 : vector<16xf32>
        %gather3A_611 = arith.constant 3 : i32
        %gather3A_612 = tpu.memref_slice %arg10[%gather3A_611, %mul3A_509] : memref<8x2048xf32, #tpu.memory_space<vmem>> -> memref<1x64xf32, #tpu.memory_space<vmem>>
        %gather3A_613 = tpu.memref_squeeze %gather3A_612 : memref<1x64xf32, #tpu.memory_space<vmem>> -> memref<64xf32, #tpu.memory_space<vmem>>
        %gather3A_614 = tpu.vector_load_idx %gather3A_613[%add3A_24] : memref<64xf32, #tpu.memory_space<vmem>>[vector<16xi32>], vector<16xf32>,
        %gather3A_615 = arith.constant 3 : i32
        %gather3A_616 = tpu.memref_slice %arg12[%gather3A_615, %mul3A_509] : memref<8x2048xf32, #tpu.memory_space<vmem>> -> memref<1x64xf32, #tpu.memory_space<vmem>>
        %gather3A_617 = tpu.memref_squeeze %gather3A_616 : memref<1x64xf32, #tpu.memory_space<vmem>> -> memref<64xf32, #tpu.memory_space<vmem>>
        %gather3A_618 = tpu.vector_load_idx %gather3A_617[%add3A_24] : memref<64xf32, #tpu.memory_space<vmem>>[vector<16xi32>], vector<16xf32>,
        %sub3A_619 = arith.subf %gather3A_614, %gather3A_618 : vector<16xf32>
        %abs3A_620 = math.absf %sub3A_619 : vector<16xf32>
        %and3A_621 = arith.constant 16777216 : i32
        %and3A_622 = vector.broadcast %and3A_621 : i32 to vector<16xi32>
        %and3A_623 = arith.andi %get3A_514, %and3A_622 : vector<16xi32>
        %eq3A_624 = arith.constant 0 : i32
        %eq3A_625 = vector.broadcast %eq3A_624 : i32 to vector<16xi32>
        %eq3A_626 = arith.cmpi eq, %and3A_623, %eq3A_625 : vector<16xi32>
        %jit3A_627 = arith.constant 0.000000e+00 : f32
        %broadcast_in_dim3A_628 = vector.broadcast %jit3A_627 : f32 to vector<16xf32>
        %select_n3A_629 = arith.select %eq3A_626, %abs3A_620, %broadcast_in_dim3A_628 : vector<16xi1>, vector<16xf32>
        %add3A_630 = arith.addf %add3A_600, %select_n3A_629 : vector<16xf32>
        %and3A_631 = arith.constant 16777216 : i32
        %and3A_632 = vector.broadcast %and3A_631 : i32 to vector<16xi32>
        %and3A_633 = arith.andi %get3A_520, %and3A_632 : vector<16xi32>
        %eq3A_634 = arith.constant 0 : i32
        %eq3A_635 = vector.broadcast %eq3A_634 : i32 to vector<16xi32>
        %eq3A_636 = arith.cmpi eq, %and3A_633, %eq3A_635 : vector<16xi32>
        %jit3A_637 = arith.constant 0.000000e+00 : f32
        %broadcast_in_dim3A_638 = vector.broadcast %jit3A_637 : f32 to vector<16xf32>
        %select_n3A_639 = arith.select %eq3A_636, %abs3A_620, %broadcast_in_dim3A_638 : vector<16xi1>, vector<16xf32>
        %add3A_640 = arith.addf %add3A_610, %select_n3A_639 : vector<16xf32>
        scf.yield %add3A_630, %add3A_640, %add3A_521, %add3A_522 : vector<16xf32>, vector<16xf32>, vector<16xi32>, vector<16xi32>
      }
      %scan3A_185 = arith.constant 32 : i32
      %and3A_186 = arith.constant 255 : i32
      %and3A_187 = vector.broadcast %and3A_186 : i32 to vector<16xi32>
      %and3A_188 = arith.andi %scan3A_184#2, %and3A_187 : vector<16xi32>
      %shift_right_arithmetic3A = arith.constant 8 : i32
      %shift_right_arithmetic3A_189 = vector.broadcast %shift_right_arithmetic3A : i32 to vector<16xi32>
      %shift_right_arithmetic3A_190 = arith.shrsi %scan3A_184#2, %shift_right_arithmetic3A_189 : vector<16xi32>
      %and3A_191 = arith.constant 255 : i32
      %and3A_192 = vector.broadcast %and3A_191 : i32 to vector<16xi32>
      %and3A_193 = arith.andi %shift_right_arithmetic3A_190, %and3A_192 : vector<16xi32>
      %add3A_194 = arith.addi %and3A_188, %and3A_193 : vector<16xi32>
      %shift_right_arithmetic3A_195 = arith.constant 16 : i32
      %shift_right_arithmetic3A_196 = vector.broadcast %shift_right_arithmetic3A_195 : i32 to vector<16xi32>
      %shift_right_arithmetic3A_197 = arith.shrsi %scan3A_184#2, %shift_right_arithmetic3A_196 : vector<16xi32>
      %and3A_198 = arith.constant 255 : i32
      %and3A_199 = vector.broadcast %and3A_198 : i32 to vector<16xi32>
      %and3A_200 = arith.andi %shift_right_arithmetic3A_197, %and3A_199 : vector<16xi32>
      %add3A_201 = arith.addi %add3A_194, %and3A_200 : vector<16xi32>
      %shift_right_arithmetic3A_202 = arith.constant 24 : i32
      %shift_right_arithmetic3A_203 = vector.broadcast %shift_right_arithmetic3A_202 : i32 to vector<16xi32>
      %shift_right_arithmetic3A_204 = arith.shrsi %scan3A_184#2, %shift_right_arithmetic3A_203 : vector<16xi32>
      %and3A_205 = arith.constant 255 : i32
      %and3A_206 = vector.broadcast %and3A_205 : i32 to vector<16xi32>
      %and3A_207 = arith.andi %shift_right_arithmetic3A_204, %and3A_206 : vector<16xi32>
      %add3A_208 = arith.addi %add3A_201, %and3A_207 : vector<16xi32>
      %add3A_209 = arith.addi %scan3A_127, %add3A_208 : vector<16xi32>
      %and3A_210 = arith.constant 255 : i32
      %and3A_211 = vector.broadcast %and3A_210 : i32 to vector<16xi32>
      %and3A_212 = arith.andi %scan3A_184#3, %and3A_211 : vector<16xi32>
      %shift_right_arithmetic3A_213 = arith.constant 8 : i32
      %shift_right_arithmetic3A_214 = vector.broadcast %shift_right_arithmetic3A_213 : i32 to vector<16xi32>
      %shift_right_arithmetic3A_215 = arith.shrsi %scan3A_184#3, %shift_right_arithmetic3A_214 : vector<16xi32>
      %and3A_216 = arith.constant 255 : i32
      %and3A_217 = vector.broadcast %and3A_216 : i32 to vector<16xi32>
      %and3A_218 = arith.andi %shift_right_arithmetic3A_215, %and3A_217 : vector<16xi32>
      %add3A_219 = arith.addi %and3A_212, %and3A_218 : vector<16xi32>
      %shift_right_arithmetic3A_220 = arith.constant 16 : i32
      %shift_right_arithmetic3A_221 = vector.broadcast %shift_right_arithmetic3A_220 : i32 to vector<16xi32>
      %shift_right_arithmetic3A_222 = arith.shrsi %scan3A_184#3, %shift_right_arithmetic3A_221 : vector<16xi32>
      %and3A_223 = arith.constant 255 : i32
      %and3A_224 = vector.broadcast %and3A_223 : i32 to vector<16xi32>
      %and3A_225 = arith.andi %shift_right_arithmetic3A_222, %and3A_224 : vector<16xi32>
      %add3A_226 = arith.addi %add3A_219, %and3A_225 : vector<16xi32>
      %shift_right_arithmetic3A_227 = arith.constant 24 : i32
      %shift_right_arithmetic3A_228 = vector.broadcast %shift_right_arithmetic3A_227 : i32 to vector<16xi32>
      %shift_right_arithmetic3A_229 = arith.shrsi %scan3A_184#3, %shift_right_arithmetic3A_228 : vector<16xi32>
      %and3A_230 = arith.constant 255 : i32
      %and3A_231 = vector.broadcast %and3A_230 : i32 to vector<16xi32>
      %and3A_232 = arith.andi %shift_right_arithmetic3A_229, %and3A_231 : vector<16xi32>
      %add3A_233 = arith.addi %add3A_226, %and3A_232 : vector<16xi32>
      %add3A_234 = arith.addi %scan3A_128, %add3A_233 : vector<16xi32>
      %scan3A_235 = arith.constant 0 : i32
      %scan3A_236 = arith.constant 32 : i32
      %scan3A_237 = arith.addi %scan3A_235, %scan3A_236 : i32
      %scan3A_238 = arith.constant 1 : i32
      %scan3A_239:4 = scf.for %scan3A_503 = %scan3A_235 to %scan3A_237 step %scan3A_238 iter_args(%scan3A_504 = %scan3A_184#0, %scan3A_505 = %scan3A_184#1, %scan3A_506 = %broadcast_in_dim3A_161, %scan3A_507 = %broadcast_in_dim3A_161) -> (vector<16xf32>, vector<16xf32>, vector<16xi32>, vector<16xi32>)  : i32 {
        %mul3A_508 = arith.constant 64 : i32
        %mul3A_509 = arith.muli %scan3A_503, %mul3A_508 : i32
        %mul3A_510 = arith.constant 16 : i32
        %mul3A_511 = arith.muli %scan3A_503, %mul3A_510 : i32
        %get3A = arith.constant 4 : i32
        %get3A_512 = arith.index_cast %get3A : i32 to index
        %get3A_513 = arith.index_cast %mul3A_511 : i32 to index
        %get3A_514 = tpu.vector_load %arg14[%get3A_512, %get3A_513] {strides = array<i32>} : memref<8x512xi32, #tpu.memory_space<vmem>>, vector<16xi32>,
        %mul3A_515 = arith.constant 16 : i32
        %mul3A_516 = arith.muli %scan3A_503, %mul3A_515 : i32
        %get3A_517 = arith.constant 4 : i32
        %get3A_518 = arith.index_cast %get3A_517 : i32 to index
        %get3A_519 = arith.index_cast %mul3A_516 : i32 to index
        %get3A_520 = tpu.vector_load %arg16[%get3A_518, %get3A_519] {strides = array<i32>} : memref<8x512xi32, #tpu.memory_space<vmem>>, vector<16xi32>,
        %add3A_521 = arith.addi %scan3A_506, %get3A_514 : vector<16xi32>
        %add3A_522 = arith.addi %scan3A_507, %get3A_520 : vector<16xi32>
        %gather3A = arith.constant 4 : i32
        %gather3A_523 = tpu.memref_slice %arg10[%gather3A, %mul3A_509] : memref<8x2048xf32, #tpu.memory_space<vmem>> -> memref<1x64xf32, #tpu.memory_space<vmem>>
        %gather3A_524 = tpu.memref_squeeze %gather3A_523 : memref<1x64xf32, #tpu.memory_space<vmem>> -> memref<64xf32, #tpu.memory_space<vmem>>
        %gather3A_525 = tpu.vector_load_idx %gather3A_524[%add3A_6] : memref<64xf32, #tpu.memory_space<vmem>>[vector<16xi32>], vector<16xf32>,
        %gather3A_526 = arith.constant 4 : i32
        %gather3A_527 = tpu.memref_slice %arg12[%gather3A_526, %mul3A_509] : memref<8x2048xf32, #tpu.memory_space<vmem>> -> memref<1x64xf32, #tpu.memory_space<vmem>>
        %gather3A_528 = tpu.memref_squeeze %gather3A_527 : memref<1x64xf32, #tpu.memory_space<vmem>> -> memref<64xf32, #tpu.memory_space<vmem>>
        %gather3A_529 = tpu.vector_load_idx %gather3A_528[%add3A_6] : memref<64xf32, #tpu.memory_space<vmem>>[vector<16xi32>], vector<16xf32>,
        %sub3A_530 = arith.subf %gather3A_525, %gather3A_529 : vector<16xf32>
        %abs3A = math.absf %sub3A_530 : vector<16xf32>
        %and3A_531 = arith.constant 1 : i32
        %and3A_532 = vector.broadcast %and3A_531 : i32 to vector<16xi32>
        %and3A_533 = arith.andi %get3A_514, %and3A_532 : vector<16xi32>
        %eq3A_534 = arith.constant 0 : i32
        %eq3A_535 = vector.broadcast %eq3A_534 : i32 to vector<16xi32>
        %eq3A_536 = arith.cmpi eq, %and3A_533, %eq3A_535 : vector<16xi32>
        %jit3A_537 = arith.constant 0.000000e+00 : f32
        %broadcast_in_dim3A_538 = vector.broadcast %jit3A_537 : f32 to vector<16xf32>
        %select_n3A_539 = arith.select %eq3A_536, %abs3A, %broadcast_in_dim3A_538 : vector<16xi1>, vector<16xf32>
        %add3A_540 = arith.addf %scan3A_504, %select_n3A_539 : vector<16xf32>
        %and3A_541 = arith.constant 1 : i32
        %and3A_542 = vector.broadcast %and3A_541 : i32 to vector<16xi32>
        %and3A_543 = arith.andi %get3A_520, %and3A_542 : vector<16xi32>
        %eq3A_544 = arith.constant 0 : i32
        %eq3A_545 = vector.broadcast %eq3A_544 : i32 to vector<16xi32>
        %eq3A_546 = arith.cmpi eq, %and3A_543, %eq3A_545 : vector<16xi32>
        %jit3A_547 = arith.constant 0.000000e+00 : f32
        %broadcast_in_dim3A_548 = vector.broadcast %jit3A_547 : f32 to vector<16xf32>
        %select_n3A_549 = arith.select %eq3A_546, %abs3A, %broadcast_in_dim3A_548 : vector<16xi1>, vector<16xf32>
        %add3A_550 = arith.addf %scan3A_505, %select_n3A_549 : vector<16xf32>
        %gather3A_551 = arith.constant 4 : i32
        %gather3A_552 = tpu.memref_slice %arg10[%gather3A_551, %mul3A_509] : memref<8x2048xf32, #tpu.memory_space<vmem>> -> memref<1x64xf32, #tpu.memory_space<vmem>>
        %gather3A_553 = tpu.memref_squeeze %gather3A_552 : memref<1x64xf32, #tpu.memory_space<vmem>> -> memref<64xf32, #tpu.memory_space<vmem>>
        %gather3A_554 = tpu.vector_load_idx %gather3A_553[%add3A_12] : memref<64xf32, #tpu.memory_space<vmem>>[vector<16xi32>], vector<16xf32>,
        %gather3A_555 = arith.constant 4 : i32
        %gather3A_556 = tpu.memref_slice %arg12[%gather3A_555, %mul3A_509] : memref<8x2048xf32, #tpu.memory_space<vmem>> -> memref<1x64xf32, #tpu.memory_space<vmem>>
        %gather3A_557 = tpu.memref_squeeze %gather3A_556 : memref<1x64xf32, #tpu.memory_space<vmem>> -> memref<64xf32, #tpu.memory_space<vmem>>
        %gather3A_558 = tpu.vector_load_idx %gather3A_557[%add3A_12] : memref<64xf32, #tpu.memory_space<vmem>>[vector<16xi32>], vector<16xf32>,
        %sub3A_559 = arith.subf %gather3A_554, %gather3A_558 : vector<16xf32>
        %abs3A_560 = math.absf %sub3A_559 : vector<16xf32>
        %and3A_561 = arith.constant 256 : i32
        %and3A_562 = vector.broadcast %and3A_561 : i32 to vector<16xi32>
        %and3A_563 = arith.andi %get3A_514, %and3A_562 : vector<16xi32>
        %eq3A_564 = arith.constant 0 : i32
        %eq3A_565 = vector.broadcast %eq3A_564 : i32 to vector<16xi32>
        %eq3A_566 = arith.cmpi eq, %and3A_563, %eq3A_565 : vector<16xi32>
        %jit3A_567 = arith.constant 0.000000e+00 : f32
        %broadcast_in_dim3A_568 = vector.broadcast %jit3A_567 : f32 to vector<16xf32>
        %select_n3A_569 = arith.select %eq3A_566, %abs3A_560, %broadcast_in_dim3A_568 : vector<16xi1>, vector<16xf32>
        %add3A_570 = arith.addf %add3A_540, %select_n3A_569 : vector<16xf32>
        %and3A_571 = arith.constant 256 : i32
        %and3A_572 = vector.broadcast %and3A_571 : i32 to vector<16xi32>
        %and3A_573 = arith.andi %get3A_520, %and3A_572 : vector<16xi32>
        %eq3A_574 = arith.constant 0 : i32
        %eq3A_575 = vector.broadcast %eq3A_574 : i32 to vector<16xi32>
        %eq3A_576 = arith.cmpi eq, %and3A_573, %eq3A_575 : vector<16xi32>
        %jit3A_577 = arith.constant 0.000000e+00 : f32
        %broadcast_in_dim3A_578 = vector.broadcast %jit3A_577 : f32 to vector<16xf32>
        %select_n3A_579 = arith.select %eq3A_576, %abs3A_560, %broadcast_in_dim3A_578 : vector<16xi1>, vector<16xf32>
        %add3A_580 = arith.addf %add3A_550, %select_n3A_579 : vector<16xf32>
        %gather3A_581 = arith.constant 4 : i32
        %gather3A_582 = tpu.memref_slice %arg10[%gather3A_581, %mul3A_509] : memref<8x2048xf32, #tpu.memory_space<vmem>> -> memref<1x64xf32, #tpu.memory_space<vmem>>
        %gather3A_583 = tpu.memref_squeeze %gather3A_582 : memref<1x64xf32, #tpu.memory_space<vmem>> -> memref<64xf32, #tpu.memory_space<vmem>>
        %gather3A_584 = tpu.vector_load_idx %gather3A_583[%add3A_18] : memref<64xf32, #tpu.memory_space<vmem>>[vector<16xi32>], vector<16xf32>,
        %gather3A_585 = arith.constant 4 : i32
        %gather3A_586 = tpu.memref_slice %arg12[%gather3A_585, %mul3A_509] : memref<8x2048xf32, #tpu.memory_space<vmem>> -> memref<1x64xf32, #tpu.memory_space<vmem>>
        %gather3A_587 = tpu.memref_squeeze %gather3A_586 : memref<1x64xf32, #tpu.memory_space<vmem>> -> memref<64xf32, #tpu.memory_space<vmem>>
        %gather3A_588 = tpu.vector_load_idx %gather3A_587[%add3A_18] : memref<64xf32, #tpu.memory_space<vmem>>[vector<16xi32>], vector<16xf32>,
        %sub3A_589 = arith.subf %gather3A_584, %gather3A_588 : vector<16xf32>
        %abs3A_590 = math.absf %sub3A_589 : vector<16xf32>
        %and3A_591 = arith.constant 65536 : i32
        %and3A_592 = vector.broadcast %and3A_591 : i32 to vector<16xi32>
        %and3A_593 = arith.andi %get3A_514, %and3A_592 : vector<16xi32>
        %eq3A_594 = arith.constant 0 : i32
        %eq3A_595 = vector.broadcast %eq3A_594 : i32 to vector<16xi32>
        %eq3A_596 = arith.cmpi eq, %and3A_593, %eq3A_595 : vector<16xi32>
        %jit3A_597 = arith.constant 0.000000e+00 : f32
        %broadcast_in_dim3A_598 = vector.broadcast %jit3A_597 : f32 to vector<16xf32>
        %select_n3A_599 = arith.select %eq3A_596, %abs3A_590, %broadcast_in_dim3A_598 : vector<16xi1>, vector<16xf32>
        %add3A_600 = arith.addf %add3A_570, %select_n3A_599 : vector<16xf32>
        %and3A_601 = arith.constant 65536 : i32
        %and3A_602 = vector.broadcast %and3A_601 : i32 to vector<16xi32>
        %and3A_603 = arith.andi %get3A_520, %and3A_602 : vector<16xi32>
        %eq3A_604 = arith.constant 0 : i32
        %eq3A_605 = vector.broadcast %eq3A_604 : i32 to vector<16xi32>
        %eq3A_606 = arith.cmpi eq, %and3A_603, %eq3A_605 : vector<16xi32>
        %jit3A_607 = arith.constant 0.000000e+00 : f32
        %broadcast_in_dim3A_608 = vector.broadcast %jit3A_607 : f32 to vector<16xf32>
        %select_n3A_609 = arith.select %eq3A_606, %abs3A_590, %broadcast_in_dim3A_608 : vector<16xi1>, vector<16xf32>
        %add3A_610 = arith.addf %add3A_580, %select_n3A_609 : vector<16xf32>
        %gather3A_611 = arith.constant 4 : i32
        %gather3A_612 = tpu.memref_slice %arg10[%gather3A_611, %mul3A_509] : memref<8x2048xf32, #tpu.memory_space<vmem>> -> memref<1x64xf32, #tpu.memory_space<vmem>>
        %gather3A_613 = tpu.memref_squeeze %gather3A_612 : memref<1x64xf32, #tpu.memory_space<vmem>> -> memref<64xf32, #tpu.memory_space<vmem>>
        %gather3A_614 = tpu.vector_load_idx %gather3A_613[%add3A_24] : memref<64xf32, #tpu.memory_space<vmem>>[vector<16xi32>], vector<16xf32>,
        %gather3A_615 = arith.constant 4 : i32
        %gather3A_616 = tpu.memref_slice %arg12[%gather3A_615, %mul3A_509] : memref<8x2048xf32, #tpu.memory_space<vmem>> -> memref<1x64xf32, #tpu.memory_space<vmem>>
        %gather3A_617 = tpu.memref_squeeze %gather3A_616 : memref<1x64xf32, #tpu.memory_space<vmem>> -> memref<64xf32, #tpu.memory_space<vmem>>
        %gather3A_618 = tpu.vector_load_idx %gather3A_617[%add3A_24] : memref<64xf32, #tpu.memory_space<vmem>>[vector<16xi32>], vector<16xf32>,
        %sub3A_619 = arith.subf %gather3A_614, %gather3A_618 : vector<16xf32>
        %abs3A_620 = math.absf %sub3A_619 : vector<16xf32>
        %and3A_621 = arith.constant 16777216 : i32
        %and3A_622 = vector.broadcast %and3A_621 : i32 to vector<16xi32>
        %and3A_623 = arith.andi %get3A_514, %and3A_622 : vector<16xi32>
        %eq3A_624 = arith.constant 0 : i32
        %eq3A_625 = vector.broadcast %eq3A_624 : i32 to vector<16xi32>
        %eq3A_626 = arith.cmpi eq, %and3A_623, %eq3A_625 : vector<16xi32>
        %jit3A_627 = arith.constant 0.000000e+00 : f32
        %broadcast_in_dim3A_628 = vector.broadcast %jit3A_627 : f32 to vector<16xf32>
        %select_n3A_629 = arith.select %eq3A_626, %abs3A_620, %broadcast_in_dim3A_628 : vector<16xi1>, vector<16xf32>
        %add3A_630 = arith.addf %add3A_600, %select_n3A_629 : vector<16xf32>
        %and3A_631 = arith.constant 16777216 : i32
        %and3A_632 = vector.broadcast %and3A_631 : i32 to vector<16xi32>
        %and3A_633 = arith.andi %get3A_520, %and3A_632 : vector<16xi32>
        %eq3A_634 = arith.constant 0 : i32
        %eq3A_635 = vector.broadcast %eq3A_634 : i32 to vector<16xi32>
        %eq3A_636 = arith.cmpi eq, %and3A_633, %eq3A_635 : vector<16xi32>
        %jit3A_637 = arith.constant 0.000000e+00 : f32
        %broadcast_in_dim3A_638 = vector.broadcast %jit3A_637 : f32 to vector<16xf32>
        %select_n3A_639 = arith.select %eq3A_636, %abs3A_620, %broadcast_in_dim3A_638 : vector<16xi1>, vector<16xf32>
        %add3A_640 = arith.addf %add3A_610, %select_n3A_639 : vector<16xf32>
        scf.yield %add3A_630, %add3A_640, %add3A_521, %add3A_522 : vector<16xf32>, vector<16xf32>, vector<16xi32>, vector<16xi32>
      }
      %scan3A_240 = arith.constant 32 : i32
      %scan3A_241 = arith.constant 0 : i32
      %scan3A_242 = arith.constant 32 : i32
      %scan3A_243 = arith.addi %scan3A_241, %scan3A_242 : i32
      %scan3A_244 = arith.constant 1 : i32
      %scan3A_245:4 = scf.for %scan3A_503 = %scan3A_241 to %scan3A_243 step %scan3A_244 iter_args(%scan3A_504 = %scan3A_239#0, %scan3A_505 = %scan3A_239#1, %scan3A_506 = %scan3A_239#2, %scan3A_507 = %scan3A_239#3) -> (vector<16xf32>, vector<16xf32>, vector<16xi32>, vector<16xi32>)  : i32 {
        %mul3A_508 = arith.constant 64 : i32
        %mul3A_509 = arith.muli %scan3A_503, %mul3A_508 : i32
        %mul3A_510 = arith.constant 16 : i32
        %mul3A_511 = arith.muli %scan3A_503, %mul3A_510 : i32
        %get3A = arith.constant 5 : i32
        %get3A_512 = arith.index_cast %get3A : i32 to index
        %get3A_513 = arith.index_cast %mul3A_511 : i32 to index
        %get3A_514 = tpu.vector_load %arg14[%get3A_512, %get3A_513] {strides = array<i32>} : memref<8x512xi32, #tpu.memory_space<vmem>>, vector<16xi32>,
        %mul3A_515 = arith.constant 16 : i32
        %mul3A_516 = arith.muli %scan3A_503, %mul3A_515 : i32
        %get3A_517 = arith.constant 5 : i32
        %get3A_518 = arith.index_cast %get3A_517 : i32 to index
        %get3A_519 = arith.index_cast %mul3A_516 : i32 to index
        %get3A_520 = tpu.vector_load %arg16[%get3A_518, %get3A_519] {strides = array<i32>} : memref<8x512xi32, #tpu.memory_space<vmem>>, vector<16xi32>,
        %add3A_521 = arith.addi %scan3A_506, %get3A_514 : vector<16xi32>
        %add3A_522 = arith.addi %scan3A_507, %get3A_520 : vector<16xi32>
        %gather3A = arith.constant 5 : i32
        %gather3A_523 = tpu.memref_slice %arg10[%gather3A, %mul3A_509] : memref<8x2048xf32, #tpu.memory_space<vmem>> -> memref<1x64xf32, #tpu.memory_space<vmem>>
        %gather3A_524 = tpu.memref_squeeze %gather3A_523 : memref<1x64xf32, #tpu.memory_space<vmem>> -> memref<64xf32, #tpu.memory_space<vmem>>
        %gather3A_525 = tpu.vector_load_idx %gather3A_524[%add3A_6] : memref<64xf32, #tpu.memory_space<vmem>>[vector<16xi32>], vector<16xf32>,
        %gather3A_526 = arith.constant 5 : i32
        %gather3A_527 = tpu.memref_slice %arg12[%gather3A_526, %mul3A_509] : memref<8x2048xf32, #tpu.memory_space<vmem>> -> memref<1x64xf32, #tpu.memory_space<vmem>>
        %gather3A_528 = tpu.memref_squeeze %gather3A_527 : memref<1x64xf32, #tpu.memory_space<vmem>> -> memref<64xf32, #tpu.memory_space<vmem>>
        %gather3A_529 = tpu.vector_load_idx %gather3A_528[%add3A_6] : memref<64xf32, #tpu.memory_space<vmem>>[vector<16xi32>], vector<16xf32>,
        %sub3A_530 = arith.subf %gather3A_525, %gather3A_529 : vector<16xf32>
        %abs3A = math.absf %sub3A_530 : vector<16xf32>
        %and3A_531 = arith.constant 1 : i32
        %and3A_532 = vector.broadcast %and3A_531 : i32 to vector<16xi32>
        %and3A_533 = arith.andi %get3A_514, %and3A_532 : vector<16xi32>
        %eq3A_534 = arith.constant 0 : i32
        %eq3A_535 = vector.broadcast %eq3A_534 : i32 to vector<16xi32>
        %eq3A_536 = arith.cmpi eq, %and3A_533, %eq3A_535 : vector<16xi32>
        %jit3A_537 = arith.constant 0.000000e+00 : f32
        %broadcast_in_dim3A_538 = vector.broadcast %jit3A_537 : f32 to vector<16xf32>
        %select_n3A_539 = arith.select %eq3A_536, %abs3A, %broadcast_in_dim3A_538 : vector<16xi1>, vector<16xf32>
        %add3A_540 = arith.addf %scan3A_504, %select_n3A_539 : vector<16xf32>
        %and3A_541 = arith.constant 1 : i32
        %and3A_542 = vector.broadcast %and3A_541 : i32 to vector<16xi32>
        %and3A_543 = arith.andi %get3A_520, %and3A_542 : vector<16xi32>
        %eq3A_544 = arith.constant 0 : i32
        %eq3A_545 = vector.broadcast %eq3A_544 : i32 to vector<16xi32>
        %eq3A_546 = arith.cmpi eq, %and3A_543, %eq3A_545 : vector<16xi32>
        %jit3A_547 = arith.constant 0.000000e+00 : f32
        %broadcast_in_dim3A_548 = vector.broadcast %jit3A_547 : f32 to vector<16xf32>
        %select_n3A_549 = arith.select %eq3A_546, %abs3A, %broadcast_in_dim3A_548 : vector<16xi1>, vector<16xf32>
        %add3A_550 = arith.addf %scan3A_505, %select_n3A_549 : vector<16xf32>
        %gather3A_551 = arith.constant 5 : i32
        %gather3A_552 = tpu.memref_slice %arg10[%gather3A_551, %mul3A_509] : memref<8x2048xf32, #tpu.memory_space<vmem>> -> memref<1x64xf32, #tpu.memory_space<vmem>>
        %gather3A_553 = tpu.memref_squeeze %gather3A_552 : memref<1x64xf32, #tpu.memory_space<vmem>> -> memref<64xf32, #tpu.memory_space<vmem>>
        %gather3A_554 = tpu.vector_load_idx %gather3A_553[%add3A_12] : memref<64xf32, #tpu.memory_space<vmem>>[vector<16xi32>], vector<16xf32>,
        %gather3A_555 = arith.constant 5 : i32
        %gather3A_556 = tpu.memref_slice %arg12[%gather3A_555, %mul3A_509] : memref<8x2048xf32, #tpu.memory_space<vmem>> -> memref<1x64xf32, #tpu.memory_space<vmem>>
        %gather3A_557 = tpu.memref_squeeze %gather3A_556 : memref<1x64xf32, #tpu.memory_space<vmem>> -> memref<64xf32, #tpu.memory_space<vmem>>
        %gather3A_558 = tpu.vector_load_idx %gather3A_557[%add3A_12] : memref<64xf32, #tpu.memory_space<vmem>>[vector<16xi32>], vector<16xf32>,
        %sub3A_559 = arith.subf %gather3A_554, %gather3A_558 : vector<16xf32>
        %abs3A_560 = math.absf %sub3A_559 : vector<16xf32>
        %and3A_561 = arith.constant 256 : i32
        %and3A_562 = vector.broadcast %and3A_561 : i32 to vector<16xi32>
        %and3A_563 = arith.andi %get3A_514, %and3A_562 : vector<16xi32>
        %eq3A_564 = arith.constant 0 : i32
        %eq3A_565 = vector.broadcast %eq3A_564 : i32 to vector<16xi32>
        %eq3A_566 = arith.cmpi eq, %and3A_563, %eq3A_565 : vector<16xi32>
        %jit3A_567 = arith.constant 0.000000e+00 : f32
        %broadcast_in_dim3A_568 = vector.broadcast %jit3A_567 : f32 to vector<16xf32>
        %select_n3A_569 = arith.select %eq3A_566, %abs3A_560, %broadcast_in_dim3A_568 : vector<16xi1>, vector<16xf32>
        %add3A_570 = arith.addf %add3A_540, %select_n3A_569 : vector<16xf32>
        %and3A_571 = arith.constant 256 : i32
        %and3A_572 = vector.broadcast %and3A_571 : i32 to vector<16xi32>
        %and3A_573 = arith.andi %get3A_520, %and3A_572 : vector<16xi32>
        %eq3A_574 = arith.constant 0 : i32
        %eq3A_575 = vector.broadcast %eq3A_574 : i32 to vector<16xi32>
        %eq3A_576 = arith.cmpi eq, %and3A_573, %eq3A_575 : vector<16xi32>
        %jit3A_577 = arith.constant 0.000000e+00 : f32
        %broadcast_in_dim3A_578 = vector.broadcast %jit3A_577 : f32 to vector<16xf32>
        %select_n3A_579 = arith.select %eq3A_576, %abs3A_560, %broadcast_in_dim3A_578 : vector<16xi1>, vector<16xf32>
        %add3A_580 = arith.addf %add3A_550, %select_n3A_579 : vector<16xf32>
        %gather3A_581 = arith.constant 5 : i32
        %gather3A_582 = tpu.memref_slice %arg10[%gather3A_581, %mul3A_509] : memref<8x2048xf32, #tpu.memory_space<vmem>> -> memref<1x64xf32, #tpu.memory_space<vmem>>
        %gather3A_583 = tpu.memref_squeeze %gather3A_582 : memref<1x64xf32, #tpu.memory_space<vmem>> -> memref<64xf32, #tpu.memory_space<vmem>>
        %gather3A_584 = tpu.vector_load_idx %gather3A_583[%add3A_18] : memref<64xf32, #tpu.memory_space<vmem>>[vector<16xi32>], vector<16xf32>,
        %gather3A_585 = arith.constant 5 : i32
        %gather3A_586 = tpu.memref_slice %arg12[%gather3A_585, %mul3A_509] : memref<8x2048xf32, #tpu.memory_space<vmem>> -> memref<1x64xf32, #tpu.memory_space<vmem>>
        %gather3A_587 = tpu.memref_squeeze %gather3A_586 : memref<1x64xf32, #tpu.memory_space<vmem>> -> memref<64xf32, #tpu.memory_space<vmem>>
        %gather3A_588 = tpu.vector_load_idx %gather3A_587[%add3A_18] : memref<64xf32, #tpu.memory_space<vmem>>[vector<16xi32>], vector<16xf32>,
        %sub3A_589 = arith.subf %gather3A_584, %gather3A_588 : vector<16xf32>
        %abs3A_590 = math.absf %sub3A_589 : vector<16xf32>
        %and3A_591 = arith.constant 65536 : i32
        %and3A_592 = vector.broadcast %and3A_591 : i32 to vector<16xi32>
        %and3A_593 = arith.andi %get3A_514, %and3A_592 : vector<16xi32>
        %eq3A_594 = arith.constant 0 : i32
        %eq3A_595 = vector.broadcast %eq3A_594 : i32 to vector<16xi32>
        %eq3A_596 = arith.cmpi eq, %and3A_593, %eq3A_595 : vector<16xi32>
        %jit3A_597 = arith.constant 0.000000e+00 : f32
        %broadcast_in_dim3A_598 = vector.broadcast %jit3A_597 : f32 to vector<16xf32>
        %select_n3A_599 = arith.select %eq3A_596, %abs3A_590, %broadcast_in_dim3A_598 : vector<16xi1>, vector<16xf32>
        %add3A_600 = arith.addf %add3A_570, %select_n3A_599 : vector<16xf32>
        %and3A_601 = arith.constant 65536 : i32
        %and3A_602 = vector.broadcast %and3A_601 : i32 to vector<16xi32>
        %and3A_603 = arith.andi %get3A_520, %and3A_602 : vector<16xi32>
        %eq3A_604 = arith.constant 0 : i32
        %eq3A_605 = vector.broadcast %eq3A_604 : i32 to vector<16xi32>
        %eq3A_606 = arith.cmpi eq, %and3A_603, %eq3A_605 : vector<16xi32>
        %jit3A_607 = arith.constant 0.000000e+00 : f32
        %broadcast_in_dim3A_608 = vector.broadcast %jit3A_607 : f32 to vector<16xf32>
        %select_n3A_609 = arith.select %eq3A_606, %abs3A_590, %broadcast_in_dim3A_608 : vector<16xi1>, vector<16xf32>
        %add3A_610 = arith.addf %add3A_580, %select_n3A_609 : vector<16xf32>
        %gather3A_611 = arith.constant 5 : i32
        %gather3A_612 = tpu.memref_slice %arg10[%gather3A_611, %mul3A_509] : memref<8x2048xf32, #tpu.memory_space<vmem>> -> memref<1x64xf32, #tpu.memory_space<vmem>>
        %gather3A_613 = tpu.memref_squeeze %gather3A_612 : memref<1x64xf32, #tpu.memory_space<vmem>> -> memref<64xf32, #tpu.memory_space<vmem>>
        %gather3A_614 = tpu.vector_load_idx %gather3A_613[%add3A_24] : memref<64xf32, #tpu.memory_space<vmem>>[vector<16xi32>], vector<16xf32>,
        %gather3A_615 = arith.constant 5 : i32
        %gather3A_616 = tpu.memref_slice %arg12[%gather3A_615, %mul3A_509] : memref<8x2048xf32, #tpu.memory_space<vmem>> -> memref<1x64xf32, #tpu.memory_space<vmem>>
        %gather3A_617 = tpu.memref_squeeze %gather3A_616 : memref<1x64xf32, #tpu.memory_space<vmem>> -> memref<64xf32, #tpu.memory_space<vmem>>
        %gather3A_618 = tpu.vector_load_idx %gather3A_617[%add3A_24] : memref<64xf32, #tpu.memory_space<vmem>>[vector<16xi32>], vector<16xf32>,
        %sub3A_619 = arith.subf %gather3A_614, %gather3A_618 : vector<16xf32>
        %abs3A_620 = math.absf %sub3A_619 : vector<16xf32>
        %and3A_621 = arith.constant 16777216 : i32
        %and3A_622 = vector.broadcast %and3A_621 : i32 to vector<16xi32>
        %and3A_623 = arith.andi %get3A_514, %and3A_622 : vector<16xi32>
        %eq3A_624 = arith.constant 0 : i32
        %eq3A_625 = vector.broadcast %eq3A_624 : i32 to vector<16xi32>
        %eq3A_626 = arith.cmpi eq, %and3A_623, %eq3A_625 : vector<16xi32>
        %jit3A_627 = arith.constant 0.000000e+00 : f32
        %broadcast_in_dim3A_628 = vector.broadcast %jit3A_627 : f32 to vector<16xf32>
        %select_n3A_629 = arith.select %eq3A_626, %abs3A_620, %broadcast_in_dim3A_628 : vector<16xi1>, vector<16xf32>
        %add3A_630 = arith.addf %add3A_600, %select_n3A_629 : vector<16xf32>
        %and3A_631 = arith.constant 16777216 : i32
        %and3A_632 = vector.broadcast %and3A_631 : i32 to vector<16xi32>
        %and3A_633 = arith.andi %get3A_520, %and3A_632 : vector<16xi32>
        %eq3A_634 = arith.constant 0 : i32
        %eq3A_635 = vector.broadcast %eq3A_634 : i32 to vector<16xi32>
        %eq3A_636 = arith.cmpi eq, %and3A_633, %eq3A_635 : vector<16xi32>
        %jit3A_637 = arith.constant 0.000000e+00 : f32
        %broadcast_in_dim3A_638 = vector.broadcast %jit3A_637 : f32 to vector<16xf32>
        %select_n3A_639 = arith.select %eq3A_636, %abs3A_620, %broadcast_in_dim3A_638 : vector<16xi1>, vector<16xf32>
        %add3A_640 = arith.addf %add3A_610, %select_n3A_639 : vector<16xf32>
        scf.yield %add3A_630, %add3A_640, %add3A_521, %add3A_522 : vector<16xf32>, vector<16xf32>, vector<16xi32>, vector<16xi32>
      }
      %scan3A_246 = arith.constant 32 : i32
      %scan3A_247 = arith.constant 0 : i32
      %scan3A_248 = arith.constant 32 : i32
      %scan3A_249 = arith.addi %scan3A_247, %scan3A_248 : i32
      %scan3A_250 = arith.constant 1 : i32
      %scan3A_251:4 = scf.for %scan3A_503 = %scan3A_247 to %scan3A_249 step %scan3A_250 iter_args(%scan3A_504 = %scan3A_245#0, %scan3A_505 = %scan3A_245#1, %scan3A_506 = %scan3A_245#2, %scan3A_507 = %scan3A_245#3) -> (vector<16xf32>, vector<16xf32>, vector<16xi32>, vector<16xi32>)  : i32 {
        %mul3A_508 = arith.constant 64 : i32
        %mul3A_509 = arith.muli %scan3A_503, %mul3A_508 : i32
        %mul3A_510 = arith.constant 16 : i32
        %mul3A_511 = arith.muli %scan3A_503, %mul3A_510 : i32
        %get3A = arith.constant 6 : i32
        %get3A_512 = arith.index_cast %get3A : i32 to index
        %get3A_513 = arith.index_cast %mul3A_511 : i32 to index
        %get3A_514 = tpu.vector_load %arg14[%get3A_512, %get3A_513] {strides = array<i32>} : memref<8x512xi32, #tpu.memory_space<vmem>>, vector<16xi32>,
        %mul3A_515 = arith.constant 16 : i32
        %mul3A_516 = arith.muli %scan3A_503, %mul3A_515 : i32
        %get3A_517 = arith.constant 6 : i32
        %get3A_518 = arith.index_cast %get3A_517 : i32 to index
        %get3A_519 = arith.index_cast %mul3A_516 : i32 to index
        %get3A_520 = tpu.vector_load %arg16[%get3A_518, %get3A_519] {strides = array<i32>} : memref<8x512xi32, #tpu.memory_space<vmem>>, vector<16xi32>,
        %add3A_521 = arith.addi %scan3A_506, %get3A_514 : vector<16xi32>
        %add3A_522 = arith.addi %scan3A_507, %get3A_520 : vector<16xi32>
        %gather3A = arith.constant 6 : i32
        %gather3A_523 = tpu.memref_slice %arg10[%gather3A, %mul3A_509] : memref<8x2048xf32, #tpu.memory_space<vmem>> -> memref<1x64xf32, #tpu.memory_space<vmem>>
        %gather3A_524 = tpu.memref_squeeze %gather3A_523 : memref<1x64xf32, #tpu.memory_space<vmem>> -> memref<64xf32, #tpu.memory_space<vmem>>
        %gather3A_525 = tpu.vector_load_idx %gather3A_524[%add3A_6] : memref<64xf32, #tpu.memory_space<vmem>>[vector<16xi32>], vector<16xf32>,
        %gather3A_526 = arith.constant 6 : i32
        %gather3A_527 = tpu.memref_slice %arg12[%gather3A_526, %mul3A_509] : memref<8x2048xf32, #tpu.memory_space<vmem>> -> memref<1x64xf32, #tpu.memory_space<vmem>>
        %gather3A_528 = tpu.memref_squeeze %gather3A_527 : memref<1x64xf32, #tpu.memory_space<vmem>> -> memref<64xf32, #tpu.memory_space<vmem>>
        %gather3A_529 = tpu.vector_load_idx %gather3A_528[%add3A_6] : memref<64xf32, #tpu.memory_space<vmem>>[vector<16xi32>], vector<16xf32>,
        %sub3A_530 = arith.subf %gather3A_525, %gather3A_529 : vector<16xf32>
        %abs3A = math.absf %sub3A_530 : vector<16xf32>
        %and3A_531 = arith.constant 1 : i32
        %and3A_532 = vector.broadcast %and3A_531 : i32 to vector<16xi32>
        %and3A_533 = arith.andi %get3A_514, %and3A_532 : vector<16xi32>
        %eq3A_534 = arith.constant 0 : i32
        %eq3A_535 = vector.broadcast %eq3A_534 : i32 to vector<16xi32>
        %eq3A_536 = arith.cmpi eq, %and3A_533, %eq3A_535 : vector<16xi32>
        %jit3A_537 = arith.constant 0.000000e+00 : f32
        %broadcast_in_dim3A_538 = vector.broadcast %jit3A_537 : f32 to vector<16xf32>
        %select_n3A_539 = arith.select %eq3A_536, %abs3A, %broadcast_in_dim3A_538 : vector<16xi1>, vector<16xf32>
        %add3A_540 = arith.addf %scan3A_504, %select_n3A_539 : vector<16xf32>
        %and3A_541 = arith.constant 1 : i32
        %and3A_542 = vector.broadcast %and3A_541 : i32 to vector<16xi32>
        %and3A_543 = arith.andi %get3A_520, %and3A_542 : vector<16xi32>
        %eq3A_544 = arith.constant 0 : i32
        %eq3A_545 = vector.broadcast %eq3A_544 : i32 to vector<16xi32>
        %eq3A_546 = arith.cmpi eq, %and3A_543, %eq3A_545 : vector<16xi32>
        %jit3A_547 = arith.constant 0.000000e+00 : f32
        %broadcast_in_dim3A_548 = vector.broadcast %jit3A_547 : f32 to vector<16xf32>
        %select_n3A_549 = arith.select %eq3A_546, %abs3A, %broadcast_in_dim3A_548 : vector<16xi1>, vector<16xf32>
        %add3A_550 = arith.addf %scan3A_505, %select_n3A_549 : vector<16xf32>
        %gather3A_551 = arith.constant 6 : i32
        %gather3A_552 = tpu.memref_slice %arg10[%gather3A_551, %mul3A_509] : memref<8x2048xf32, #tpu.memory_space<vmem>> -> memref<1x64xf32, #tpu.memory_space<vmem>>
        %gather3A_553 = tpu.memref_squeeze %gather3A_552 : memref<1x64xf32, #tpu.memory_space<vmem>> -> memref<64xf32, #tpu.memory_space<vmem>>
        %gather3A_554 = tpu.vector_load_idx %gather3A_553[%add3A_12] : memref<64xf32, #tpu.memory_space<vmem>>[vector<16xi32>], vector<16xf32>,
        %gather3A_555 = arith.constant 6 : i32
        %gather3A_556 = tpu.memref_slice %arg12[%gather3A_555, %mul3A_509] : memref<8x2048xf32, #tpu.memory_space<vmem>> -> memref<1x64xf32, #tpu.memory_space<vmem>>
        %gather3A_557 = tpu.memref_squeeze %gather3A_556 : memref<1x64xf32, #tpu.memory_space<vmem>> -> memref<64xf32, #tpu.memory_space<vmem>>
        %gather3A_558 = tpu.vector_load_idx %gather3A_557[%add3A_12] : memref<64xf32, #tpu.memory_space<vmem>>[vector<16xi32>], vector<16xf32>,
        %sub3A_559 = arith.subf %gather3A_554, %gather3A_558 : vector<16xf32>
        %abs3A_560 = math.absf %sub3A_559 : vector<16xf32>
        %and3A_561 = arith.constant 256 : i32
        %and3A_562 = vector.broadcast %and3A_561 : i32 to vector<16xi32>
        %and3A_563 = arith.andi %get3A_514, %and3A_562 : vector<16xi32>
        %eq3A_564 = arith.constant 0 : i32
        %eq3A_565 = vector.broadcast %eq3A_564 : i32 to vector<16xi32>
        %eq3A_566 = arith.cmpi eq, %and3A_563, %eq3A_565 : vector<16xi32>
        %jit3A_567 = arith.constant 0.000000e+00 : f32
        %broadcast_in_dim3A_568 = vector.broadcast %jit3A_567 : f32 to vector<16xf32>
        %select_n3A_569 = arith.select %eq3A_566, %abs3A_560, %broadcast_in_dim3A_568 : vector<16xi1>, vector<16xf32>
        %add3A_570 = arith.addf %add3A_540, %select_n3A_569 : vector<16xf32>
        %and3A_571 = arith.constant 256 : i32
        %and3A_572 = vector.broadcast %and3A_571 : i32 to vector<16xi32>
        %and3A_573 = arith.andi %get3A_520, %and3A_572 : vector<16xi32>
        %eq3A_574 = arith.constant 0 : i32
        %eq3A_575 = vector.broadcast %eq3A_574 : i32 to vector<16xi32>
        %eq3A_576 = arith.cmpi eq, %and3A_573, %eq3A_575 : vector<16xi32>
        %jit3A_577 = arith.constant 0.000000e+00 : f32
        %broadcast_in_dim3A_578 = vector.broadcast %jit3A_577 : f32 to vector<16xf32>
        %select_n3A_579 = arith.select %eq3A_576, %abs3A_560, %broadcast_in_dim3A_578 : vector<16xi1>, vector<16xf32>
        %add3A_580 = arith.addf %add3A_550, %select_n3A_579 : vector<16xf32>
        %gather3A_581 = arith.constant 6 : i32
        %gather3A_582 = tpu.memref_slice %arg10[%gather3A_581, %mul3A_509] : memref<8x2048xf32, #tpu.memory_space<vmem>> -> memref<1x64xf32, #tpu.memory_space<vmem>>
        %gather3A_583 = tpu.memref_squeeze %gather3A_582 : memref<1x64xf32, #tpu.memory_space<vmem>> -> memref<64xf32, #tpu.memory_space<vmem>>
        %gather3A_584 = tpu.vector_load_idx %gather3A_583[%add3A_18] : memref<64xf32, #tpu.memory_space<vmem>>[vector<16xi32>], vector<16xf32>,
        %gather3A_585 = arith.constant 6 : i32
        %gather3A_586 = tpu.memref_slice %arg12[%gather3A_585, %mul3A_509] : memref<8x2048xf32, #tpu.memory_space<vmem>> -> memref<1x64xf32, #tpu.memory_space<vmem>>
        %gather3A_587 = tpu.memref_squeeze %gather3A_586 : memref<1x64xf32, #tpu.memory_space<vmem>> -> memref<64xf32, #tpu.memory_space<vmem>>
        %gather3A_588 = tpu.vector_load_idx %gather3A_587[%add3A_18] : memref<64xf32, #tpu.memory_space<vmem>>[vector<16xi32>], vector<16xf32>,
        %sub3A_589 = arith.subf %gather3A_584, %gather3A_588 : vector<16xf32>
        %abs3A_590 = math.absf %sub3A_589 : vector<16xf32>
        %and3A_591 = arith.constant 65536 : i32
        %and3A_592 = vector.broadcast %and3A_591 : i32 to vector<16xi32>
        %and3A_593 = arith.andi %get3A_514, %and3A_592 : vector<16xi32>
        %eq3A_594 = arith.constant 0 : i32
        %eq3A_595 = vector.broadcast %eq3A_594 : i32 to vector<16xi32>
        %eq3A_596 = arith.cmpi eq, %and3A_593, %eq3A_595 : vector<16xi32>
        %jit3A_597 = arith.constant 0.000000e+00 : f32
        %broadcast_in_dim3A_598 = vector.broadcast %jit3A_597 : f32 to vector<16xf32>
        %select_n3A_599 = arith.select %eq3A_596, %abs3A_590, %broadcast_in_dim3A_598 : vector<16xi1>, vector<16xf32>
        %add3A_600 = arith.addf %add3A_570, %select_n3A_599 : vector<16xf32>
        %and3A_601 = arith.constant 65536 : i32
        %and3A_602 = vector.broadcast %and3A_601 : i32 to vector<16xi32>
        %and3A_603 = arith.andi %get3A_520, %and3A_602 : vector<16xi32>
        %eq3A_604 = arith.constant 0 : i32
        %eq3A_605 = vector.broadcast %eq3A_604 : i32 to vector<16xi32>
        %eq3A_606 = arith.cmpi eq, %and3A_603, %eq3A_605 : vector<16xi32>
        %jit3A_607 = arith.constant 0.000000e+00 : f32
        %broadcast_in_dim3A_608 = vector.broadcast %jit3A_607 : f32 to vector<16xf32>
        %select_n3A_609 = arith.select %eq3A_606, %abs3A_590, %broadcast_in_dim3A_608 : vector<16xi1>, vector<16xf32>
        %add3A_610 = arith.addf %add3A_580, %select_n3A_609 : vector<16xf32>
        %gather3A_611 = arith.constant 6 : i32
        %gather3A_612 = tpu.memref_slice %arg10[%gather3A_611, %mul3A_509] : memref<8x2048xf32, #tpu.memory_space<vmem>> -> memref<1x64xf32, #tpu.memory_space<vmem>>
        %gather3A_613 = tpu.memref_squeeze %gather3A_612 : memref<1x64xf32, #tpu.memory_space<vmem>> -> memref<64xf32, #tpu.memory_space<vmem>>
        %gather3A_614 = tpu.vector_load_idx %gather3A_613[%add3A_24] : memref<64xf32, #tpu.memory_space<vmem>>[vector<16xi32>], vector<16xf32>,
        %gather3A_615 = arith.constant 6 : i32
        %gather3A_616 = tpu.memref_slice %arg12[%gather3A_615, %mul3A_509] : memref<8x2048xf32, #tpu.memory_space<vmem>> -> memref<1x64xf32, #tpu.memory_space<vmem>>
        %gather3A_617 = tpu.memref_squeeze %gather3A_616 : memref<1x64xf32, #tpu.memory_space<vmem>> -> memref<64xf32, #tpu.memory_space<vmem>>
        %gather3A_618 = tpu.vector_load_idx %gather3A_617[%add3A_24] : memref<64xf32, #tpu.memory_space<vmem>>[vector<16xi32>], vector<16xf32>,
        %sub3A_619 = arith.subf %gather3A_614, %gather3A_618 : vector<16xf32>
        %abs3A_620 = math.absf %sub3A_619 : vector<16xf32>
        %and3A_621 = arith.constant 16777216 : i32
        %and3A_622 = vector.broadcast %and3A_621 : i32 to vector<16xi32>
        %and3A_623 = arith.andi %get3A_514, %and3A_622 : vector<16xi32>
        %eq3A_624 = arith.constant 0 : i32
        %eq3A_625 = vector.broadcast %eq3A_624 : i32 to vector<16xi32>
        %eq3A_626 = arith.cmpi eq, %and3A_623, %eq3A_625 : vector<16xi32>
        %jit3A_627 = arith.constant 0.000000e+00 : f32
        %broadcast_in_dim3A_628 = vector.broadcast %jit3A_627 : f32 to vector<16xf32>
        %select_n3A_629 = arith.select %eq3A_626, %abs3A_620, %broadcast_in_dim3A_628 : vector<16xi1>, vector<16xf32>
        %add3A_630 = arith.addf %add3A_600, %select_n3A_629 : vector<16xf32>
        %and3A_631 = arith.constant 16777216 : i32
        %and3A_632 = vector.broadcast %and3A_631 : i32 to vector<16xi32>
        %and3A_633 = arith.andi %get3A_520, %and3A_632 : vector<16xi32>
        %eq3A_634 = arith.constant 0 : i32
        %eq3A_635 = vector.broadcast %eq3A_634 : i32 to vector<16xi32>
        %eq3A_636 = arith.cmpi eq, %and3A_633, %eq3A_635 : vector<16xi32>
        %jit3A_637 = arith.constant 0.000000e+00 : f32
        %broadcast_in_dim3A_638 = vector.broadcast %jit3A_637 : f32 to vector<16xf32>
        %select_n3A_639 = arith.select %eq3A_636, %abs3A_620, %broadcast_in_dim3A_638 : vector<16xi1>, vector<16xf32>
        %add3A_640 = arith.addf %add3A_610, %select_n3A_639 : vector<16xf32>
        scf.yield %add3A_630, %add3A_640, %add3A_521, %add3A_522 : vector<16xf32>, vector<16xf32>, vector<16xi32>, vector<16xi32>
      }
      %scan3A_252 = arith.constant 32 : i32
      %scan3A_253 = arith.constant 0 : i32
      %scan3A_254 = arith.constant 32 : i32
      %scan3A_255 = arith.addi %scan3A_253, %scan3A_254 : i32
      %scan3A_256 = arith.constant 1 : i32
      %scan3A_257:4 = scf.for %scan3A_503 = %scan3A_253 to %scan3A_255 step %scan3A_256 iter_args(%scan3A_504 = %scan3A_251#0, %scan3A_505 = %scan3A_251#1, %scan3A_506 = %scan3A_251#2, %scan3A_507 = %scan3A_251#3) -> (vector<16xf32>, vector<16xf32>, vector<16xi32>, vector<16xi32>)  : i32 {
        %mul3A_508 = arith.constant 64 : i32
        %mul3A_509 = arith.muli %scan3A_503, %mul3A_508 : i32
        %mul3A_510 = arith.constant 16 : i32
        %mul3A_511 = arith.muli %scan3A_503, %mul3A_510 : i32
        %get3A = arith.constant 7 : i32
        %get3A_512 = arith.index_cast %get3A : i32 to index
        %get3A_513 = arith.index_cast %mul3A_511 : i32 to index
        %get3A_514 = tpu.vector_load %arg14[%get3A_512, %get3A_513] {strides = array<i32>} : memref<8x512xi32, #tpu.memory_space<vmem>>, vector<16xi32>,
        %mul3A_515 = arith.constant 16 : i32
        %mul3A_516 = arith.muli %scan3A_503, %mul3A_515 : i32
        %get3A_517 = arith.constant 7 : i32
        %get3A_518 = arith.index_cast %get3A_517 : i32 to index
        %get3A_519 = arith.index_cast %mul3A_516 : i32 to index
        %get3A_520 = tpu.vector_load %arg16[%get3A_518, %get3A_519] {strides = array<i32>} : memref<8x512xi32, #tpu.memory_space<vmem>>, vector<16xi32>,
        %add3A_521 = arith.addi %scan3A_506, %get3A_514 : vector<16xi32>
        %add3A_522 = arith.addi %scan3A_507, %get3A_520 : vector<16xi32>
        %gather3A = arith.constant 7 : i32
        %gather3A_523 = tpu.memref_slice %arg10[%gather3A, %mul3A_509] : memref<8x2048xf32, #tpu.memory_space<vmem>> -> memref<1x64xf32, #tpu.memory_space<vmem>>
        %gather3A_524 = tpu.memref_squeeze %gather3A_523 : memref<1x64xf32, #tpu.memory_space<vmem>> -> memref<64xf32, #tpu.memory_space<vmem>>
        %gather3A_525 = tpu.vector_load_idx %gather3A_524[%add3A_6] : memref<64xf32, #tpu.memory_space<vmem>>[vector<16xi32>], vector<16xf32>,
        %gather3A_526 = arith.constant 7 : i32
        %gather3A_527 = tpu.memref_slice %arg12[%gather3A_526, %mul3A_509] : memref<8x2048xf32, #tpu.memory_space<vmem>> -> memref<1x64xf32, #tpu.memory_space<vmem>>
        %gather3A_528 = tpu.memref_squeeze %gather3A_527 : memref<1x64xf32, #tpu.memory_space<vmem>> -> memref<64xf32, #tpu.memory_space<vmem>>
        %gather3A_529 = tpu.vector_load_idx %gather3A_528[%add3A_6] : memref<64xf32, #tpu.memory_space<vmem>>[vector<16xi32>], vector<16xf32>,
        %sub3A_530 = arith.subf %gather3A_525, %gather3A_529 : vector<16xf32>
        %abs3A = math.absf %sub3A_530 : vector<16xf32>
        %and3A_531 = arith.constant 1 : i32
        %and3A_532 = vector.broadcast %and3A_531 : i32 to vector<16xi32>
        %and3A_533 = arith.andi %get3A_514, %and3A_532 : vector<16xi32>
        %eq3A_534 = arith.constant 0 : i32
        %eq3A_535 = vector.broadcast %eq3A_534 : i32 to vector<16xi32>
        %eq3A_536 = arith.cmpi eq, %and3A_533, %eq3A_535 : vector<16xi32>
        %jit3A_537 = arith.constant 0.000000e+00 : f32
        %broadcast_in_dim3A_538 = vector.broadcast %jit3A_537 : f32 to vector<16xf32>
        %select_n3A_539 = arith.select %eq3A_536, %abs3A, %broadcast_in_dim3A_538 : vector<16xi1>, vector<16xf32>
        %add3A_540 = arith.addf %scan3A_504, %select_n3A_539 : vector<16xf32>
        %and3A_541 = arith.constant 1 : i32
        %and3A_542 = vector.broadcast %and3A_541 : i32 to vector<16xi32>
        %and3A_543 = arith.andi %get3A_520, %and3A_542 : vector<16xi32>
        %eq3A_544 = arith.constant 0 : i32
        %eq3A_545 = vector.broadcast %eq3A_544 : i32 to vector<16xi32>
        %eq3A_546 = arith.cmpi eq, %and3A_543, %eq3A_545 : vector<16xi32>
        %jit3A_547 = arith.constant 0.000000e+00 : f32
        %broadcast_in_dim3A_548 = vector.broadcast %jit3A_547 : f32 to vector<16xf32>
        %select_n3A_549 = arith.select %eq3A_546, %abs3A, %broadcast_in_dim3A_548 : vector<16xi1>, vector<16xf32>
        %add3A_550 = arith.addf %scan3A_505, %select_n3A_549 : vector<16xf32>
        %gather3A_551 = arith.constant 7 : i32
        %gather3A_552 = tpu.memref_slice %arg10[%gather3A_551, %mul3A_509] : memref<8x2048xf32, #tpu.memory_space<vmem>> -> memref<1x64xf32, #tpu.memory_space<vmem>>
        %gather3A_553 = tpu.memref_squeeze %gather3A_552 : memref<1x64xf32, #tpu.memory_space<vmem>> -> memref<64xf32, #tpu.memory_space<vmem>>
        %gather3A_554 = tpu.vector_load_idx %gather3A_553[%add3A_12] : memref<64xf32, #tpu.memory_space<vmem>>[vector<16xi32>], vector<16xf32>,
        %gather3A_555 = arith.constant 7 : i32
        %gather3A_556 = tpu.memref_slice %arg12[%gather3A_555, %mul3A_509] : memref<8x2048xf32, #tpu.memory_space<vmem>> -> memref<1x64xf32, #tpu.memory_space<vmem>>
        %gather3A_557 = tpu.memref_squeeze %gather3A_556 : memref<1x64xf32, #tpu.memory_space<vmem>> -> memref<64xf32, #tpu.memory_space<vmem>>
        %gather3A_558 = tpu.vector_load_idx %gather3A_557[%add3A_12] : memref<64xf32, #tpu.memory_space<vmem>>[vector<16xi32>], vector<16xf32>,
        %sub3A_559 = arith.subf %gather3A_554, %gather3A_558 : vector<16xf32>
        %abs3A_560 = math.absf %sub3A_559 : vector<16xf32>
        %and3A_561 = arith.constant 256 : i32
        %and3A_562 = vector.broadcast %and3A_561 : i32 to vector<16xi32>
        %and3A_563 = arith.andi %get3A_514, %and3A_562 : vector<16xi32>
        %eq3A_564 = arith.constant 0 : i32
        %eq3A_565 = vector.broadcast %eq3A_564 : i32 to vector<16xi32>
        %eq3A_566 = arith.cmpi eq, %and3A_563, %eq3A_565 : vector<16xi32>
        %jit3A_567 = arith.constant 0.000000e+00 : f32
        %broadcast_in_dim3A_568 = vector.broadcast %jit3A_567 : f32 to vector<16xf32>
        %select_n3A_569 = arith.select %eq3A_566, %abs3A_560, %broadcast_in_dim3A_568 : vector<16xi1>, vector<16xf32>
        %add3A_570 = arith.addf %add3A_540, %select_n3A_569 : vector<16xf32>
        %and3A_571 = arith.constant 256 : i32
        %and3A_572 = vector.broadcast %and3A_571 : i32 to vector<16xi32>
        %and3A_573 = arith.andi %get3A_520, %and3A_572 : vector<16xi32>
        %eq3A_574 = arith.constant 0 : i32
        %eq3A_575 = vector.broadcast %eq3A_574 : i32 to vector<16xi32>
        %eq3A_576 = arith.cmpi eq, %and3A_573, %eq3A_575 : vector<16xi32>
        %jit3A_577 = arith.constant 0.000000e+00 : f32
        %broadcast_in_dim3A_578 = vector.broadcast %jit3A_577 : f32 to vector<16xf32>
        %select_n3A_579 = arith.select %eq3A_576, %abs3A_560, %broadcast_in_dim3A_578 : vector<16xi1>, vector<16xf32>
        %add3A_580 = arith.addf %add3A_550, %select_n3A_579 : vector<16xf32>
        %gather3A_581 = arith.constant 7 : i32
        %gather3A_582 = tpu.memref_slice %arg10[%gather3A_581, %mul3A_509] : memref<8x2048xf32, #tpu.memory_space<vmem>> -> memref<1x64xf32, #tpu.memory_space<vmem>>
        %gather3A_583 = tpu.memref_squeeze %gather3A_582 : memref<1x64xf32, #tpu.memory_space<vmem>> -> memref<64xf32, #tpu.memory_space<vmem>>
        %gather3A_584 = tpu.vector_load_idx %gather3A_583[%add3A_18] : memref<64xf32, #tpu.memory_space<vmem>>[vector<16xi32>], vector<16xf32>,
        %gather3A_585 = arith.constant 7 : i32
        %gather3A_586 = tpu.memref_slice %arg12[%gather3A_585, %mul3A_509] : memref<8x2048xf32, #tpu.memory_space<vmem>> -> memref<1x64xf32, #tpu.memory_space<vmem>>
        %gather3A_587 = tpu.memref_squeeze %gather3A_586 : memref<1x64xf32, #tpu.memory_space<vmem>> -> memref<64xf32, #tpu.memory_space<vmem>>
        %gather3A_588 = tpu.vector_load_idx %gather3A_587[%add3A_18] : memref<64xf32, #tpu.memory_space<vmem>>[vector<16xi32>], vector<16xf32>,
        %sub3A_589 = arith.subf %gather3A_584, %gather3A_588 : vector<16xf32>
        %abs3A_590 = math.absf %sub3A_589 : vector<16xf32>
        %and3A_591 = arith.constant 65536 : i32
        %and3A_592 = vector.broadcast %and3A_591 : i32 to vector<16xi32>
        %and3A_593 = arith.andi %get3A_514, %and3A_592 : vector<16xi32>
        %eq3A_594 = arith.constant 0 : i32
        %eq3A_595 = vector.broadcast %eq3A_594 : i32 to vector<16xi32>
        %eq3A_596 = arith.cmpi eq, %and3A_593, %eq3A_595 : vector<16xi32>
        %jit3A_597 = arith.constant 0.000000e+00 : f32
        %broadcast_in_dim3A_598 = vector.broadcast %jit3A_597 : f32 to vector<16xf32>
        %select_n3A_599 = arith.select %eq3A_596, %abs3A_590, %broadcast_in_dim3A_598 : vector<16xi1>, vector<16xf32>
        %add3A_600 = arith.addf %add3A_570, %select_n3A_599 : vector<16xf32>
        %and3A_601 = arith.constant 65536 : i32
        %and3A_602 = vector.broadcast %and3A_601 : i32 to vector<16xi32>
        %and3A_603 = arith.andi %get3A_520, %and3A_602 : vector<16xi32>
        %eq3A_604 = arith.constant 0 : i32
        %eq3A_605 = vector.broadcast %eq3A_604 : i32 to vector<16xi32>
        %eq3A_606 = arith.cmpi eq, %and3A_603, %eq3A_605 : vector<16xi32>
        %jit3A_607 = arith.constant 0.000000e+00 : f32
        %broadcast_in_dim3A_608 = vector.broadcast %jit3A_607 : f32 to vector<16xf32>
        %select_n3A_609 = arith.select %eq3A_606, %abs3A_590, %broadcast_in_dim3A_608 : vector<16xi1>, vector<16xf32>
        %add3A_610 = arith.addf %add3A_580, %select_n3A_609 : vector<16xf32>
        %gather3A_611 = arith.constant 7 : i32
        %gather3A_612 = tpu.memref_slice %arg10[%gather3A_611, %mul3A_509] : memref<8x2048xf32, #tpu.memory_space<vmem>> -> memref<1x64xf32, #tpu.memory_space<vmem>>
        %gather3A_613 = tpu.memref_squeeze %gather3A_612 : memref<1x64xf32, #tpu.memory_space<vmem>> -> memref<64xf32, #tpu.memory_space<vmem>>
        %gather3A_614 = tpu.vector_load_idx %gather3A_613[%add3A_24] : memref<64xf32, #tpu.memory_space<vmem>>[vector<16xi32>], vector<16xf32>,
        %gather3A_615 = arith.constant 7 : i32
        %gather3A_616 = tpu.memref_slice %arg12[%gather3A_615, %mul3A_509] : memref<8x2048xf32, #tpu.memory_space<vmem>> -> memref<1x64xf32, #tpu.memory_space<vmem>>
        %gather3A_617 = tpu.memref_squeeze %gather3A_616 : memref<1x64xf32, #tpu.memory_space<vmem>> -> memref<64xf32, #tpu.memory_space<vmem>>
        %gather3A_618 = tpu.vector_load_idx %gather3A_617[%add3A_24] : memref<64xf32, #tpu.memory_space<vmem>>[vector<16xi32>], vector<16xf32>,
        %sub3A_619 = arith.subf %gather3A_614, %gather3A_618 : vector<16xf32>
        %abs3A_620 = math.absf %sub3A_619 : vector<16xf32>
        %and3A_621 = arith.constant 16777216 : i32
        %and3A_622 = vector.broadcast %and3A_621 : i32 to vector<16xi32>
        %and3A_623 = arith.andi %get3A_514, %and3A_622 : vector<16xi32>
        %eq3A_624 = arith.constant 0 : i32
        %eq3A_625 = vector.broadcast %eq3A_624 : i32 to vector<16xi32>
        %eq3A_626 = arith.cmpi eq, %and3A_623, %eq3A_625 : vector<16xi32>
        %jit3A_627 = arith.constant 0.000000e+00 : f32
        %broadcast_in_dim3A_628 = vector.broadcast %jit3A_627 : f32 to vector<16xf32>
        %select_n3A_629 = arith.select %eq3A_626, %abs3A_620, %broadcast_in_dim3A_628 : vector<16xi1>, vector<16xf32>
        %add3A_630 = arith.addf %add3A_600, %select_n3A_629 : vector<16xf32>
        %and3A_631 = arith.constant 16777216 : i32
        %and3A_632 = vector.broadcast %and3A_631 : i32 to vector<16xi32>
        %and3A_633 = arith.andi %get3A_520, %and3A_632 : vector<16xi32>
        %eq3A_634 = arith.constant 0 : i32
        %eq3A_635 = vector.broadcast %eq3A_634 : i32 to vector<16xi32>
        %eq3A_636 = arith.cmpi eq, %and3A_633, %eq3A_635 : vector<16xi32>
        %jit3A_637 = arith.constant 0.000000e+00 : f32
        %broadcast_in_dim3A_638 = vector.broadcast %jit3A_637 : f32 to vector<16xf32>
        %select_n3A_639 = arith.select %eq3A_636, %abs3A_620, %broadcast_in_dim3A_638 : vector<16xi1>, vector<16xf32>
        %add3A_640 = arith.addf %add3A_610, %select_n3A_639 : vector<16xf32>
        scf.yield %add3A_630, %add3A_640, %add3A_521, %add3A_522 : vector<16xf32>, vector<16xf32>, vector<16xi32>, vector<16xi32>
      }
      %scan3A_258 = arith.constant 32 : i32
      %and3A_259 = arith.constant 255 : i32
      %and3A_260 = vector.broadcast %and3A_259 : i32 to vector<16xi32>
      %and3A_261 = arith.andi %scan3A_257#2, %and3A_260 : vector<16xi32>
      %shift_right_arithmetic3A_262 = arith.constant 8 : i32
      %shift_right_arithmetic3A_263 = vector.broadcast %shift_right_arithmetic3A_262 : i32 to vector<16xi32>
      %shift_right_arithmetic3A_264 = arith.shrsi %scan3A_257#2, %shift_right_arithmetic3A_263 : vector<16xi32>
      %and3A_265 = arith.constant 255 : i32
      %and3A_266 = vector.broadcast %and3A_265 : i32 to vector<16xi32>
      %and3A_267 = arith.andi %shift_right_arithmetic3A_264, %and3A_266 : vector<16xi32>
      %add3A_268 = arith.addi %and3A_261, %and3A_267 : vector<16xi32>
      %shift_right_arithmetic3A_269 = arith.constant 16 : i32
      %shift_right_arithmetic3A_270 = vector.broadcast %shift_right_arithmetic3A_269 : i32 to vector<16xi32>
      %shift_right_arithmetic3A_271 = arith.shrsi %scan3A_257#2, %shift_right_arithmetic3A_270 : vector<16xi32>
      %and3A_272 = arith.constant 255 : i32
      %and3A_273 = vector.broadcast %and3A_272 : i32 to vector<16xi32>
      %and3A_274 = arith.andi %shift_right_arithmetic3A_271, %and3A_273 : vector<16xi32>
      %add3A_275 = arith.addi %add3A_268, %and3A_274 : vector<16xi32>
      %shift_right_arithmetic3A_276 = arith.constant 24 : i32
      %shift_right_arithmetic3A_277 = vector.broadcast %shift_right_arithmetic3A_276 : i32 to vector<16xi32>
      %shift_right_arithmetic3A_278 = arith.shrsi %scan3A_257#2, %shift_right_arithmetic3A_277 : vector<16xi32>
      %and3A_279 = arith.constant 255 : i32
      %and3A_280 = vector.broadcast %and3A_279 : i32 to vector<16xi32>
      %and3A_281 = arith.andi %shift_right_arithmetic3A_278, %and3A_280 : vector<16xi32>
      %add3A_282 = arith.addi %add3A_275, %and3A_281 : vector<16xi32>
      %add3A_283 = arith.addi %add3A_209, %add3A_282 : vector<16xi32>
      %and3A_284 = arith.constant 255 : i32
      %and3A_285 = vector.broadcast %and3A_284 : i32 to vector<16xi32>
      %and3A_286 = arith.andi %scan3A_257#3, %and3A_285 : vector<16xi32>
      %shift_right_arithmetic3A_287 = arith.constant 8 : i32
      %shift_right_arithmetic3A_288 = vector.broadcast %shift_right_arithmetic3A_287 : i32 to vector<16xi32>
      %shift_right_arithmetic3A_289 = arith.shrsi %scan3A_257#3, %shift_right_arithmetic3A_288 : vector<16xi32>
      %and3A_290 = arith.constant 255 : i32
      %and3A_291 = vector.broadcast %and3A_290 : i32 to vector<16xi32>
      %and3A_292 = arith.andi %shift_right_arithmetic3A_289, %and3A_291 : vector<16xi32>
      %add3A_293 = arith.addi %and3A_286, %and3A_292 : vector<16xi32>
      %shift_right_arithmetic3A_294 = arith.constant 16 : i32
      %shift_right_arithmetic3A_295 = vector.broadcast %shift_right_arithmetic3A_294 : i32 to vector<16xi32>
      %shift_right_arithmetic3A_296 = arith.shrsi %scan3A_257#3, %shift_right_arithmetic3A_295 : vector<16xi32>
      %and3A_297 = arith.constant 255 : i32
      %and3A_298 = vector.broadcast %and3A_297 : i32 to vector<16xi32>
      %and3A_299 = arith.andi %shift_right_arithmetic3A_296, %and3A_298 : vector<16xi32>
      %add3A_300 = arith.addi %add3A_293, %and3A_299 : vector<16xi32>
      %shift_right_arithmetic3A_301 = arith.constant 24 : i32
      %shift_right_arithmetic3A_302 = vector.broadcast %shift_right_arithmetic3A_301 : i32 to vector<16xi32>
      %shift_right_arithmetic3A_303 = arith.shrsi %scan3A_257#3, %shift_right_arithmetic3A_302 : vector<16xi32>
      %and3A_304 = arith.constant 255 : i32
      %and3A_305 = vector.broadcast %and3A_304 : i32 to vector<16xi32>
      %and3A_306 = arith.andi %shift_right_arithmetic3A_303, %and3A_305 : vector<16xi32>
      %add3A_307 = arith.addi %add3A_300, %and3A_306 : vector<16xi32>
      %add3A_308 = arith.addi %add3A_234, %add3A_307 : vector<16xi32>
      %add3A_309 = arith.constant 2 : i32
      %add3A_310 = arith.addi %add3A_132, %add3A_309 : i32
      %lt3A_311 = arith.constant 32 : i32
      %lt3A_312 = arith.cmpi slt, %add3A_310, %lt3A_311 : i32
      %convert_element_type3A = arith.extui %lt3A_312 : i1 to i32
      %cond3A = arith.constant 0 : i32
      %cond3A_313 = arith.cmpi ne, %convert_element_type3A, %cond3A : i32
      scf.if %cond3A_313 {
        %add3A_503 = arith.constant 2 : i32
        %add3A_504 = arith.addi %add3A_132, %add3A_503 : i32
        %mul3A_505 = arith.constant 8 : i32
        %mul3A_506 = arith.muli %add3A_504, %mul3A_505 : i32
        %add3A_507 = arith.addi %mul3A_56, %mul3A_506 : i32
        %multiple_of3A_508 = tpu.assume_multiple %add3A_507, 8 : i32
        %dma_start3A_509 = arith.constant 0 : i32
        %dma_start3A_510 = tpu.memref_slice %arg2[%select_n3A, %multiple_of3A_508, %dma_start3A_509] : memref<2x4096x2048xf32, #tpu.memory_space<hbm>> -> memref<1x8x2048xf32, #tpu.memory_space<hbm>>
        %dma_start3A_511 = tpu.memref_squeeze %dma_start3A_510 : memref<1x8x2048xf32, #tpu.memory_space<hbm>> -> memref<8x2048xf32, #tpu.memory_space<hbm>>
        %dma_start3A_512 = arith.constant 0 : i32
        %dma_start3A_513 = tpu.memref_slice %arg2[%select_n3A, %multiple_of3A_508, %dma_start3A_512] : memref<2x4096x2048xf32, #tpu.memory_space<hbm>> -> memref<1x8x2048xf32, #tpu.memory_space<hbm>>
        %dma_start3A_514 = tpu.memref_squeeze %dma_start3A_513 : memref<1x8x2048xf32, #tpu.memory_space<hbm>> -> memref<8x2048xf32, #tpu.memory_space<hbm>>
        tpu.enqueue_dma source(%dma_start3A_514 : memref<8x2048xf32, #tpu.memory_space<hbm>>) target(%arg10 : memref<8x2048xf32, #tpu.memory_space<vmem>>) target_semaphore(%arg22 : memref<!tpu.dma_semaphore, #tpu.memory_space<semaphore_mem>>)
        %dma_start3A_515 = arith.constant 0 : i32
        %dma_start3A_516 = tpu.memref_slice %arg3[%select_n3A, %multiple_of3A_508, %dma_start3A_515] : memref<2x4096x2048xf32, #tpu.memory_space<hbm>> -> memref<1x8x2048xf32, #tpu.memory_space<hbm>>
        %dma_start3A_517 = tpu.memref_squeeze %dma_start3A_516 : memref<1x8x2048xf32, #tpu.memory_space<hbm>> -> memref<8x2048xf32, #tpu.memory_space<hbm>>
        %dma_start3A_518 = arith.constant 0 : i32
        %dma_start3A_519 = tpu.memref_slice %arg3[%select_n3A, %multiple_of3A_508, %dma_start3A_518] : memref<2x4096x2048xf32, #tpu.memory_space<hbm>> -> memref<1x8x2048xf32, #tpu.memory_space<hbm>>
        %dma_start3A_520 = tpu.memref_squeeze %dma_start3A_519 : memref<1x8x2048xf32, #tpu.memory_space<hbm>> -> memref<8x2048xf32, #tpu.memory_space<hbm>>
        tpu.enqueue_dma source(%dma_start3A_520 : memref<8x2048xf32, #tpu.memory_space<hbm>>) target(%arg12 : memref<8x2048xf32, #tpu.memory_space<vmem>>) target_semaphore(%arg22 : memref<!tpu.dma_semaphore, #tpu.memory_space<semaphore_mem>>)
        %dma_start3A_521 = arith.constant 0 : i32
        %dma_start3A_522 = tpu.memref_slice %arg4[%select_n3A, %multiple_of3A_508, %dma_start3A_521] : memref<2x4096x512xi32, #tpu.memory_space<hbm>> -> memref<1x8x512xi32, #tpu.memory_space<hbm>>
        %dma_start3A_523 = tpu.memref_squeeze %dma_start3A_522 : memref<1x8x512xi32, #tpu.memory_space<hbm>> -> memref<8x512xi32, #tpu.memory_space<hbm>>
        %dma_start3A_524 = arith.constant 0 : i32
        %dma_start3A_525 = tpu.memref_slice %arg4[%select_n3A, %multiple_of3A_508, %dma_start3A_524] : memref<2x4096x512xi32, #tpu.memory_space<hbm>> -> memref<1x8x512xi32, #tpu.memory_space<hbm>>
        %dma_start3A_526 = tpu.memref_squeeze %dma_start3A_525 : memref<1x8x512xi32, #tpu.memory_space<hbm>> -> memref<8x512xi32, #tpu.memory_space<hbm>>
        tpu.enqueue_dma source(%dma_start3A_526 : memref<8x512xi32, #tpu.memory_space<hbm>>) target(%arg14 : memref<8x512xi32, #tpu.memory_space<vmem>>) target_semaphore(%arg22 : memref<!tpu.dma_semaphore, #tpu.memory_space<semaphore_mem>>)
        %dma_start3A_527 = arith.constant 0 : i32
        %dma_start3A_528 = tpu.memref_slice %arg5[%select_n3A, %multiple_of3A_508, %dma_start3A_527] : memref<2x4096x512xi32, #tpu.memory_space<hbm>> -> memref<1x8x512xi32, #tpu.memory_space<hbm>>
        %dma_start3A_529 = tpu.memref_squeeze %dma_start3A_528 : memref<1x8x512xi32, #tpu.memory_space<hbm>> -> memref<8x512xi32, #tpu.memory_space<hbm>>
        %dma_start3A_530 = arith.constant 0 : i32
        %dma_start3A_531 = tpu.memref_slice %arg5[%select_n3A, %multiple_of3A_508, %dma_start3A_530] : memref<2x4096x512xi32, #tpu.memory_space<hbm>> -> memref<1x8x512xi32, #tpu.memory_space<hbm>>
        %dma_start3A_532 = tpu.memref_squeeze %dma_start3A_531 : memref<1x8x512xi32, #tpu.memory_space<hbm>> -> memref<8x512xi32, #tpu.memory_space<hbm>>
        tpu.enqueue_dma source(%dma_start3A_532 : memref<8x512xi32, #tpu.memory_space<hbm>>) target(%arg16 : memref<8x512xi32, #tpu.memory_space<vmem>>) target_semaphore(%arg22 : memref<!tpu.dma_semaphore, #tpu.memory_space<semaphore_mem>>)
      } else {
      }
      %mul3A_314 = arith.constant 2 : i32
      %mul3A_315 = arith.muli %mul3A_314, %scan3A_124 : i32
      %add3A_316 = arith.constant 1 : i32
      %add3A_317 = arith.addi %mul3A_315, %add3A_316 : i32
      %mul3A_318 = arith.constant 8 : i32
      %mul3A_319 = arith.muli %add3A_317, %mul3A_318 : i32
      %add3A_320 = arith.addi %mul3A_56, %mul3A_319 : i32
      %multiple_of3A_321 = tpu.assume_multiple %add3A_320, 8 : i32
      %dma_wait3A_322 = arith.constant 0 : i32
      %dma_wait3A_323 = tpu.memref_slice %arg2[%select_n3A, %multiple_of3A_321, %dma_wait3A_322] : memref<2x4096x2048xf32, #tpu.memory_space<hbm>> -> memref<1x8x2048xf32, #tpu.memory_space<hbm>>
      %dma_wait3A_324 = tpu.memref_squeeze %dma_wait3A_323 : memref<1x8x2048xf32, #tpu.memory_space<hbm>> -> memref<8x2048xf32, #tpu.memory_space<hbm>>
      %dma_wait3A_325 = arith.constant 0 : i32
      %dma_wait3A_326 = tpu.memref_slice %arg2[%select_n3A, %multiple_of3A_321, %dma_wait3A_325] : memref<2x4096x2048xf32, #tpu.memory_space<hbm>> -> memref<1x8x2048xf32, #tpu.memory_space<hbm>>
      %dma_wait3A_327 = tpu.memref_squeeze %dma_wait3A_326 : memref<1x8x2048xf32, #tpu.memory_space<hbm>> -> memref<8x2048xf32, #tpu.memory_space<hbm>>
      tpu.wait_dma2 semaphore(%arg23 : memref<!tpu.dma_semaphore, #tpu.memory_space<semaphore_mem>>) src(%dma_wait3A_327 : memref<8x2048xf32, #tpu.memory_space<hbm>>) dst(%arg11 : memref<8x2048xf32, #tpu.memory_space<vmem>>)
      %dma_wait3A_328 = arith.constant 0 : i32
      %dma_wait3A_329 = tpu.memref_slice %arg3[%select_n3A, %multiple_of3A_321, %dma_wait3A_328] : memref<2x4096x2048xf32, #tpu.memory_space<hbm>> -> memref<1x8x2048xf32, #tpu.memory_space<hbm>>
      %dma_wait3A_330 = tpu.memref_squeeze %dma_wait3A_329 : memref<1x8x2048xf32, #tpu.memory_space<hbm>> -> memref<8x2048xf32, #tpu.memory_space<hbm>>
      %dma_wait3A_331 = arith.constant 0 : i32
      %dma_wait3A_332 = tpu.memref_slice %arg3[%select_n3A, %multiple_of3A_321, %dma_wait3A_331] : memref<2x4096x2048xf32, #tpu.memory_space<hbm>> -> memref<1x8x2048xf32, #tpu.memory_space<hbm>>
      %dma_wait3A_333 = tpu.memref_squeeze %dma_wait3A_332 : memref<1x8x2048xf32, #tpu.memory_space<hbm>> -> memref<8x2048xf32, #tpu.memory_space<hbm>>
      tpu.wait_dma2 semaphore(%arg23 : memref<!tpu.dma_semaphore, #tpu.memory_space<semaphore_mem>>) src(%dma_wait3A_333 : memref<8x2048xf32, #tpu.memory_space<hbm>>) dst(%arg13 : memref<8x2048xf32, #tpu.memory_space<vmem>>)
      %dma_wait3A_334 = arith.constant 0 : i32
      %dma_wait3A_335 = tpu.memref_slice %arg4[%select_n3A, %multiple_of3A_321, %dma_wait3A_334] : memref<2x4096x512xi32, #tpu.memory_space<hbm>> -> memref<1x8x512xi32, #tpu.memory_space<hbm>>
      %dma_wait3A_336 = tpu.memref_squeeze %dma_wait3A_335 : memref<1x8x512xi32, #tpu.memory_space<hbm>> -> memref<8x512xi32, #tpu.memory_space<hbm>>
      %dma_wait3A_337 = arith.constant 0 : i32
      %dma_wait3A_338 = tpu.memref_slice %arg4[%select_n3A, %multiple_of3A_321, %dma_wait3A_337] : memref<2x4096x512xi32, #tpu.memory_space<hbm>> -> memref<1x8x512xi32, #tpu.memory_space<hbm>>
      %dma_wait3A_339 = tpu.memref_squeeze %dma_wait3A_338 : memref<1x8x512xi32, #tpu.memory_space<hbm>> -> memref<8x512xi32, #tpu.memory_space<hbm>>
      tpu.wait_dma2 semaphore(%arg23 : memref<!tpu.dma_semaphore, #tpu.memory_space<semaphore_mem>>) src(%dma_wait3A_339 : memref<8x512xi32, #tpu.memory_space<hbm>>) dst(%arg15 : memref<8x512xi32, #tpu.memory_space<vmem>>)
      %dma_wait3A_340 = arith.constant 0 : i32
      %dma_wait3A_341 = tpu.memref_slice %arg5[%select_n3A, %multiple_of3A_321, %dma_wait3A_340] : memref<2x4096x512xi32, #tpu.memory_space<hbm>> -> memref<1x8x512xi32, #tpu.memory_space<hbm>>
      %dma_wait3A_342 = tpu.memref_squeeze %dma_wait3A_341 : memref<1x8x512xi32, #tpu.memory_space<hbm>> -> memref<8x512xi32, #tpu.memory_space<hbm>>
      %dma_wait3A_343 = arith.constant 0 : i32
      %dma_wait3A_344 = tpu.memref_slice %arg5[%select_n3A, %multiple_of3A_321, %dma_wait3A_343] : memref<2x4096x512xi32, #tpu.memory_space<hbm>> -> memref<1x8x512xi32, #tpu.memory_space<hbm>>
      %dma_wait3A_345 = tpu.memref_squeeze %dma_wait3A_344 : memref<1x8x512xi32, #tpu.memory_space<hbm>> -> memref<8x512xi32, #tpu.memory_space<hbm>>
      tpu.wait_dma2 semaphore(%arg23 : memref<!tpu.dma_semaphore, #tpu.memory_space<semaphore_mem>>) src(%dma_wait3A_345 : memref<8x512xi32, #tpu.memory_space<hbm>>) dst(%arg17 : memref<8x512xi32, #tpu.memory_space<vmem>>)
      %broadcast_in_dim3A_346 = arith.constant 0 : i32
      %broadcast_in_dim3A_347 = vector.broadcast %broadcast_in_dim3A_346 : i32 to vector<16xi32>
      %scan3A_348 = arith.constant 0 : i32
      %scan3A_349 = arith.constant 32 : i32
      %scan3A_350 = arith.addi %scan3A_348, %scan3A_349 : i32
      %scan3A_351 = arith.constant 1 : i32
      %scan3A_352:4 = scf.for %scan3A_503 = %scan3A_348 to %scan3A_350 step %scan3A_351 iter_args(%scan3A_504 = %scan3A_257#0, %scan3A_505 = %scan3A_257#1, %scan3A_506 = %broadcast_in_dim3A_347, %scan3A_507 = %broadcast_in_dim3A_347) -> (vector<16xf32>, vector<16xf32>, vector<16xi32>, vector<16xi32>)  : i32 {
        %mul3A_508 = arith.constant 64 : i32
        %mul3A_509 = arith.muli %scan3A_503, %mul3A_508 : i32
        %mul3A_510 = arith.constant 16 : i32
        %mul3A_511 = arith.muli %scan3A_503, %mul3A_510 : i32
        %get3A = arith.constant 0 : i32
        %get3A_512 = arith.index_cast %get3A : i32 to index
        %get3A_513 = arith.index_cast %mul3A_511 : i32 to index
        %get3A_514 = tpu.vector_load %arg15[%get3A_512, %get3A_513] {strides = array<i32>} : memref<8x512xi32, #tpu.memory_space<vmem>>, vector<16xi32>,
        %mul3A_515 = arith.constant 16 : i32
        %mul3A_516 = arith.muli %scan3A_503, %mul3A_515 : i32
        %get3A_517 = arith.constant 0 : i32
        %get3A_518 = arith.index_cast %get3A_517 : i32 to index
        %get3A_519 = arith.index_cast %mul3A_516 : i32 to index
        %get3A_520 = tpu.vector_load %arg17[%get3A_518, %get3A_519] {strides = array<i32>} : memref<8x512xi32, #tpu.memory_space<vmem>>, vector<16xi32>,
        %add3A_521 = arith.addi %scan3A_506, %get3A_514 : vector<16xi32>
        %add3A_522 = arith.addi %scan3A_507, %get3A_520 : vector<16xi32>
        %gather3A = arith.constant 0 : i32
        %gather3A_523 = tpu.memref_slice %arg11[%gather3A, %mul3A_509] : memref<8x2048xf32, #tpu.memory_space<vmem>> -> memref<1x64xf32, #tpu.memory_space<vmem>>
        %gather3A_524 = tpu.memref_squeeze %gather3A_523 : memref<1x64xf32, #tpu.memory_space<vmem>> -> memref<64xf32, #tpu.memory_space<vmem>>
        %gather3A_525 = tpu.vector_load_idx %gather3A_524[%add3A_6] : memref<64xf32, #tpu.memory_space<vmem>>[vector<16xi32>], vector<16xf32>,
        %gather3A_526 = arith.constant 0 : i32
        %gather3A_527 = tpu.memref_slice %arg13[%gather3A_526, %mul3A_509] : memref<8x2048xf32, #tpu.memory_space<vmem>> -> memref<1x64xf32, #tpu.memory_space<vmem>>
        %gather3A_528 = tpu.memref_squeeze %gather3A_527 : memref<1x64xf32, #tpu.memory_space<vmem>> -> memref<64xf32, #tpu.memory_space<vmem>>
        %gather3A_529 = tpu.vector_load_idx %gather3A_528[%add3A_6] : memref<64xf32, #tpu.memory_space<vmem>>[vector<16xi32>], vector<16xf32>,
        %sub3A_530 = arith.subf %gather3A_525, %gather3A_529 : vector<16xf32>
        %abs3A = math.absf %sub3A_530 : vector<16xf32>
        %and3A_531 = arith.constant 1 : i32
        %and3A_532 = vector.broadcast %and3A_531 : i32 to vector<16xi32>
        %and3A_533 = arith.andi %get3A_514, %and3A_532 : vector<16xi32>
        %eq3A_534 = arith.constant 0 : i32
        %eq3A_535 = vector.broadcast %eq3A_534 : i32 to vector<16xi32>
        %eq3A_536 = arith.cmpi eq, %and3A_533, %eq3A_535 : vector<16xi32>
        %jit3A_537 = arith.constant 0.000000e+00 : f32
        %broadcast_in_dim3A_538 = vector.broadcast %jit3A_537 : f32 to vector<16xf32>
        %select_n3A_539 = arith.select %eq3A_536, %abs3A, %broadcast_in_dim3A_538 : vector<16xi1>, vector<16xf32>
        %add3A_540 = arith.addf %scan3A_504, %select_n3A_539 : vector<16xf32>
        %and3A_541 = arith.constant 1 : i32
        %and3A_542 = vector.broadcast %and3A_541 : i32 to vector<16xi32>
        %and3A_543 = arith.andi %get3A_520, %and3A_542 : vector<16xi32>
        %eq3A_544 = arith.constant 0 : i32
        %eq3A_545 = vector.broadcast %eq3A_544 : i32 to vector<16xi32>
        %eq3A_546 = arith.cmpi eq, %and3A_543, %eq3A_545 : vector<16xi32>
        %jit3A_547 = arith.constant 0.000000e+00 : f32
        %broadcast_in_dim3A_548 = vector.broadcast %jit3A_547 : f32 to vector<16xf32>
        %select_n3A_549 = arith.select %eq3A_546, %abs3A, %broadcast_in_dim3A_548 : vector<16xi1>, vector<16xf32>
        %add3A_550 = arith.addf %scan3A_505, %select_n3A_549 : vector<16xf32>
        %gather3A_551 = arith.constant 0 : i32
        %gather3A_552 = tpu.memref_slice %arg11[%gather3A_551, %mul3A_509] : memref<8x2048xf32, #tpu.memory_space<vmem>> -> memref<1x64xf32, #tpu.memory_space<vmem>>
        %gather3A_553 = tpu.memref_squeeze %gather3A_552 : memref<1x64xf32, #tpu.memory_space<vmem>> -> memref<64xf32, #tpu.memory_space<vmem>>
        %gather3A_554 = tpu.vector_load_idx %gather3A_553[%add3A_12] : memref<64xf32, #tpu.memory_space<vmem>>[vector<16xi32>], vector<16xf32>,
        %gather3A_555 = arith.constant 0 : i32
        %gather3A_556 = tpu.memref_slice %arg13[%gather3A_555, %mul3A_509] : memref<8x2048xf32, #tpu.memory_space<vmem>> -> memref<1x64xf32, #tpu.memory_space<vmem>>
        %gather3A_557 = tpu.memref_squeeze %gather3A_556 : memref<1x64xf32, #tpu.memory_space<vmem>> -> memref<64xf32, #tpu.memory_space<vmem>>
        %gather3A_558 = tpu.vector_load_idx %gather3A_557[%add3A_12] : memref<64xf32, #tpu.memory_space<vmem>>[vector<16xi32>], vector<16xf32>,
        %sub3A_559 = arith.subf %gather3A_554, %gather3A_558 : vector<16xf32>
        %abs3A_560 = math.absf %sub3A_559 : vector<16xf32>
        %and3A_561 = arith.constant 256 : i32
        %and3A_562 = vector.broadcast %and3A_561 : i32 to vector<16xi32>
        %and3A_563 = arith.andi %get3A_514, %and3A_562 : vector<16xi32>
        %eq3A_564 = arith.constant 0 : i32
        %eq3A_565 = vector.broadcast %eq3A_564 : i32 to vector<16xi32>
        %eq3A_566 = arith.cmpi eq, %and3A_563, %eq3A_565 : vector<16xi32>
        %jit3A_567 = arith.constant 0.000000e+00 : f32
        %broadcast_in_dim3A_568 = vector.broadcast %jit3A_567 : f32 to vector<16xf32>
        %select_n3A_569 = arith.select %eq3A_566, %abs3A_560, %broadcast_in_dim3A_568 : vector<16xi1>, vector<16xf32>
        %add3A_570 = arith.addf %add3A_540, %select_n3A_569 : vector<16xf32>
        %and3A_571 = arith.constant 256 : i32
        %and3A_572 = vector.broadcast %and3A_571 : i32 to vector<16xi32>
        %and3A_573 = arith.andi %get3A_520, %and3A_572 : vector<16xi32>
        %eq3A_574 = arith.constant 0 : i32
        %eq3A_575 = vector.broadcast %eq3A_574 : i32 to vector<16xi32>
        %eq3A_576 = arith.cmpi eq, %and3A_573, %eq3A_575 : vector<16xi32>
        %jit3A_577 = arith.constant 0.000000e+00 : f32
        %broadcast_in_dim3A_578 = vector.broadcast %jit3A_577 : f32 to vector<16xf32>
        %select_n3A_579 = arith.select %eq3A_576, %abs3A_560, %broadcast_in_dim3A_578 : vector<16xi1>, vector<16xf32>
        %add3A_580 = arith.addf %add3A_550, %select_n3A_579 : vector<16xf32>
        %gather3A_581 = arith.constant 0 : i32
        %gather3A_582 = tpu.memref_slice %arg11[%gather3A_581, %mul3A_509] : memref<8x2048xf32, #tpu.memory_space<vmem>> -> memref<1x64xf32, #tpu.memory_space<vmem>>
        %gather3A_583 = tpu.memref_squeeze %gather3A_582 : memref<1x64xf32, #tpu.memory_space<vmem>> -> memref<64xf32, #tpu.memory_space<vmem>>
        %gather3A_584 = tpu.vector_load_idx %gather3A_583[%add3A_18] : memref<64xf32, #tpu.memory_space<vmem>>[vector<16xi32>], vector<16xf32>,
        %gather3A_585 = arith.constant 0 : i32
        %gather3A_586 = tpu.memref_slice %arg13[%gather3A_585, %mul3A_509] : memref<8x2048xf32, #tpu.memory_space<vmem>> -> memref<1x64xf32, #tpu.memory_space<vmem>>
        %gather3A_587 = tpu.memref_squeeze %gather3A_586 : memref<1x64xf32, #tpu.memory_space<vmem>> -> memref<64xf32, #tpu.memory_space<vmem>>
        %gather3A_588 = tpu.vector_load_idx %gather3A_587[%add3A_18] : memref<64xf32, #tpu.memory_space<vmem>>[vector<16xi32>], vector<16xf32>,
        %sub3A_589 = arith.subf %gather3A_584, %gather3A_588 : vector<16xf32>
        %abs3A_590 = math.absf %sub3A_589 : vector<16xf32>
        %and3A_591 = arith.constant 65536 : i32
        %and3A_592 = vector.broadcast %and3A_591 : i32 to vector<16xi32>
        %and3A_593 = arith.andi %get3A_514, %and3A_592 : vector<16xi32>
        %eq3A_594 = arith.constant 0 : i32
        %eq3A_595 = vector.broadcast %eq3A_594 : i32 to vector<16xi32>
        %eq3A_596 = arith.cmpi eq, %and3A_593, %eq3A_595 : vector<16xi32>
        %jit3A_597 = arith.constant 0.000000e+00 : f32
        %broadcast_in_dim3A_598 = vector.broadcast %jit3A_597 : f32 to vector<16xf32>
        %select_n3A_599 = arith.select %eq3A_596, %abs3A_590, %broadcast_in_dim3A_598 : vector<16xi1>, vector<16xf32>
        %add3A_600 = arith.addf %add3A_570, %select_n3A_599 : vector<16xf32>
        %and3A_601 = arith.constant 65536 : i32
        %and3A_602 = vector.broadcast %and3A_601 : i32 to vector<16xi32>
        %and3A_603 = arith.andi %get3A_520, %and3A_602 : vector<16xi32>
        %eq3A_604 = arith.constant 0 : i32
        %eq3A_605 = vector.broadcast %eq3A_604 : i32 to vector<16xi32>
        %eq3A_606 = arith.cmpi eq, %and3A_603, %eq3A_605 : vector<16xi32>
        %jit3A_607 = arith.constant 0.000000e+00 : f32
        %broadcast_in_dim3A_608 = vector.broadcast %jit3A_607 : f32 to vector<16xf32>
        %select_n3A_609 = arith.select %eq3A_606, %abs3A_590, %broadcast_in_dim3A_608 : vector<16xi1>, vector<16xf32>
        %add3A_610 = arith.addf %add3A_580, %select_n3A_609 : vector<16xf32>
        %gather3A_611 = arith.constant 0 : i32
        %gather3A_612 = tpu.memref_slice %arg11[%gather3A_611, %mul3A_509] : memref<8x2048xf32, #tpu.memory_space<vmem>> -> memref<1x64xf32, #tpu.memory_space<vmem>>
        %gather3A_613 = tpu.memref_squeeze %gather3A_612 : memref<1x64xf32, #tpu.memory_space<vmem>> -> memref<64xf32, #tpu.memory_space<vmem>>
        %gather3A_614 = tpu.vector_load_idx %gather3A_613[%add3A_24] : memref<64xf32, #tpu.memory_space<vmem>>[vector<16xi32>], vector<16xf32>,
        %gather3A_615 = arith.constant 0 : i32
        %gather3A_616 = tpu.memref_slice %arg13[%gather3A_615, %mul3A_509] : memref<8x2048xf32, #tpu.memory_space<vmem>> -> memref<1x64xf32, #tpu.memory_space<vmem>>
        %gather3A_617 = tpu.memref_squeeze %gather3A_616 : memref<1x64xf32, #tpu.memory_space<vmem>> -> memref<64xf32, #tpu.memory_space<vmem>>
        %gather3A_618 = tpu.vector_load_idx %gather3A_617[%add3A_24] : memref<64xf32, #tpu.memory_space<vmem>>[vector<16xi32>], vector<16xf32>,
        %sub3A_619 = arith.subf %gather3A_614, %gather3A_618 : vector<16xf32>
        %abs3A_620 = math.absf %sub3A_619 : vector<16xf32>
        %and3A_621 = arith.constant 16777216 : i32
        %and3A_622 = vector.broadcast %and3A_621 : i32 to vector<16xi32>
        %and3A_623 = arith.andi %get3A_514, %and3A_622 : vector<16xi32>
        %eq3A_624 = arith.constant 0 : i32
        %eq3A_625 = vector.broadcast %eq3A_624 : i32 to vector<16xi32>
        %eq3A_626 = arith.cmpi eq, %and3A_623, %eq3A_625 : vector<16xi32>
        %jit3A_627 = arith.constant 0.000000e+00 : f32
        %broadcast_in_dim3A_628 = vector.broadcast %jit3A_627 : f32 to vector<16xf32>
        %select_n3A_629 = arith.select %eq3A_626, %abs3A_620, %broadcast_in_dim3A_628 : vector<16xi1>, vector<16xf32>
        %add3A_630 = arith.addf %add3A_600, %select_n3A_629 : vector<16xf32>
        %and3A_631 = arith.constant 16777216 : i32
        %and3A_632 = vector.broadcast %and3A_631 : i32 to vector<16xi32>
        %and3A_633 = arith.andi %get3A_520, %and3A_632 : vector<16xi32>
        %eq3A_634 = arith.constant 0 : i32
        %eq3A_635 = vector.broadcast %eq3A_634 : i32 to vector<16xi32>
        %eq3A_636 = arith.cmpi eq, %and3A_633, %eq3A_635 : vector<16xi32>
        %jit3A_637 = arith.constant 0.000000e+00 : f32
        %broadcast_in_dim3A_638 = vector.broadcast %jit3A_637 : f32 to vector<16xf32>
        %select_n3A_639 = arith.select %eq3A_636, %abs3A_620, %broadcast_in_dim3A_638 : vector<16xi1>, vector<16xf32>
        %add3A_640 = arith.addf %add3A_610, %select_n3A_639 : vector<16xf32>
        scf.yield %add3A_630, %add3A_640, %add3A_521, %add3A_522 : vector<16xf32>, vector<16xf32>, vector<16xi32>, vector<16xi32>
      }
      %scan3A_353 = arith.constant 32 : i32
      %scan3A_354 = arith.constant 0 : i32
      %scan3A_355 = arith.constant 32 : i32
      %scan3A_356 = arith.addi %scan3A_354, %scan3A_355 : i32
      %scan3A_357 = arith.constant 1 : i32
      %scan3A_358:4 = scf.for %scan3A_503 = %scan3A_354 to %scan3A_356 step %scan3A_357 iter_args(%scan3A_504 = %scan3A_352#0, %scan3A_505 = %scan3A_352#1, %scan3A_506 = %scan3A_352#2, %scan3A_507 = %scan3A_352#3) -> (vector<16xf32>, vector<16xf32>, vector<16xi32>, vector<16xi32>)  : i32 {
        %mul3A_508 = arith.constant 64 : i32
        %mul3A_509 = arith.muli %scan3A_503, %mul3A_508 : i32
        %mul3A_510 = arith.constant 16 : i32
        %mul3A_511 = arith.muli %scan3A_503, %mul3A_510 : i32
        %get3A = arith.constant 1 : i32
        %get3A_512 = arith.index_cast %get3A : i32 to index
        %get3A_513 = arith.index_cast %mul3A_511 : i32 to index
        %get3A_514 = tpu.vector_load %arg15[%get3A_512, %get3A_513] {strides = array<i32>} : memref<8x512xi32, #tpu.memory_space<vmem>>, vector<16xi32>,
        %mul3A_515 = arith.constant 16 : i32
        %mul3A_516 = arith.muli %scan3A_503, %mul3A_515 : i32
        %get3A_517 = arith.constant 1 : i32
        %get3A_518 = arith.index_cast %get3A_517 : i32 to index
        %get3A_519 = arith.index_cast %mul3A_516 : i32 to index
        %get3A_520 = tpu.vector_load %arg17[%get3A_518, %get3A_519] {strides = array<i32>} : memref<8x512xi32, #tpu.memory_space<vmem>>, vector<16xi32>,
        %add3A_521 = arith.addi %scan3A_506, %get3A_514 : vector<16xi32>
        %add3A_522 = arith.addi %scan3A_507, %get3A_520 : vector<16xi32>
        %gather3A = arith.constant 1 : i32
        %gather3A_523 = tpu.memref_slice %arg11[%gather3A, %mul3A_509] : memref<8x2048xf32, #tpu.memory_space<vmem>> -> memref<1x64xf32, #tpu.memory_space<vmem>>
        %gather3A_524 = tpu.memref_squeeze %gather3A_523 : memref<1x64xf32, #tpu.memory_space<vmem>> -> memref<64xf32, #tpu.memory_space<vmem>>
        %gather3A_525 = tpu.vector_load_idx %gather3A_524[%add3A_6] : memref<64xf32, #tpu.memory_space<vmem>>[vector<16xi32>], vector<16xf32>,
        %gather3A_526 = arith.constant 1 : i32
        %gather3A_527 = tpu.memref_slice %arg13[%gather3A_526, %mul3A_509] : memref<8x2048xf32, #tpu.memory_space<vmem>> -> memref<1x64xf32, #tpu.memory_space<vmem>>
        %gather3A_528 = tpu.memref_squeeze %gather3A_527 : memref<1x64xf32, #tpu.memory_space<vmem>> -> memref<64xf32, #tpu.memory_space<vmem>>
        %gather3A_529 = tpu.vector_load_idx %gather3A_528[%add3A_6] : memref<64xf32, #tpu.memory_space<vmem>>[vector<16xi32>], vector<16xf32>,
        %sub3A_530 = arith.subf %gather3A_525, %gather3A_529 : vector<16xf32>
        %abs3A = math.absf %sub3A_530 : vector<16xf32>
        %and3A_531 = arith.constant 1 : i32
        %and3A_532 = vector.broadcast %and3A_531 : i32 to vector<16xi32>
        %and3A_533 = arith.andi %get3A_514, %and3A_532 : vector<16xi32>
        %eq3A_534 = arith.constant 0 : i32
        %eq3A_535 = vector.broadcast %eq3A_534 : i32 to vector<16xi32>
        %eq3A_536 = arith.cmpi eq, %and3A_533, %eq3A_535 : vector<16xi32>
        %jit3A_537 = arith.constant 0.000000e+00 : f32
        %broadcast_in_dim3A_538 = vector.broadcast %jit3A_537 : f32 to vector<16xf32>
        %select_n3A_539 = arith.select %eq3A_536, %abs3A, %broadcast_in_dim3A_538 : vector<16xi1>, vector<16xf32>
        %add3A_540 = arith.addf %scan3A_504, %select_n3A_539 : vector<16xf32>
        %and3A_541 = arith.constant 1 : i32
        %and3A_542 = vector.broadcast %and3A_541 : i32 to vector<16xi32>
        %and3A_543 = arith.andi %get3A_520, %and3A_542 : vector<16xi32>
        %eq3A_544 = arith.constant 0 : i32
        %eq3A_545 = vector.broadcast %eq3A_544 : i32 to vector<16xi32>
        %eq3A_546 = arith.cmpi eq, %and3A_543, %eq3A_545 : vector<16xi32>
        %jit3A_547 = arith.constant 0.000000e+00 : f32
        %broadcast_in_dim3A_548 = vector.broadcast %jit3A_547 : f32 to vector<16xf32>
        %select_n3A_549 = arith.select %eq3A_546, %abs3A, %broadcast_in_dim3A_548 : vector<16xi1>, vector<16xf32>
        %add3A_550 = arith.addf %scan3A_505, %select_n3A_549 : vector<16xf32>
        %gather3A_551 = arith.constant 1 : i32
        %gather3A_552 = tpu.memref_slice %arg11[%gather3A_551, %mul3A_509] : memref<8x2048xf32, #tpu.memory_space<vmem>> -> memref<1x64xf32, #tpu.memory_space<vmem>>
        %gather3A_553 = tpu.memref_squeeze %gather3A_552 : memref<1x64xf32, #tpu.memory_space<vmem>> -> memref<64xf32, #tpu.memory_space<vmem>>
        %gather3A_554 = tpu.vector_load_idx %gather3A_553[%add3A_12] : memref<64xf32, #tpu.memory_space<vmem>>[vector<16xi32>], vector<16xf32>,
        %gather3A_555 = arith.constant 1 : i32
        %gather3A_556 = tpu.memref_slice %arg13[%gather3A_555, %mul3A_509] : memref<8x2048xf32, #tpu.memory_space<vmem>> -> memref<1x64xf32, #tpu.memory_space<vmem>>
        %gather3A_557 = tpu.memref_squeeze %gather3A_556 : memref<1x64xf32, #tpu.memory_space<vmem>> -> memref<64xf32, #tpu.memory_space<vmem>>
        %gather3A_558 = tpu.vector_load_idx %gather3A_557[%add3A_12] : memref<64xf32, #tpu.memory_space<vmem>>[vector<16xi32>], vector<16xf32>,
        %sub3A_559 = arith.subf %gather3A_554, %gather3A_558 : vector<16xf32>
        %abs3A_560 = math.absf %sub3A_559 : vector<16xf32>
        %and3A_561 = arith.constant 256 : i32
        %and3A_562 = vector.broadcast %and3A_561 : i32 to vector<16xi32>
        %and3A_563 = arith.andi %get3A_514, %and3A_562 : vector<16xi32>
        %eq3A_564 = arith.constant 0 : i32
        %eq3A_565 = vector.broadcast %eq3A_564 : i32 to vector<16xi32>
        %eq3A_566 = arith.cmpi eq, %and3A_563, %eq3A_565 : vector<16xi32>
        %jit3A_567 = arith.constant 0.000000e+00 : f32
        %broadcast_in_dim3A_568 = vector.broadcast %jit3A_567 : f32 to vector<16xf32>
        %select_n3A_569 = arith.select %eq3A_566, %abs3A_560, %broadcast_in_dim3A_568 : vector<16xi1>, vector<16xf32>
        %add3A_570 = arith.addf %add3A_540, %select_n3A_569 : vector<16xf32>
        %and3A_571 = arith.constant 256 : i32
        %and3A_572 = vector.broadcast %and3A_571 : i32 to vector<16xi32>
        %and3A_573 = arith.andi %get3A_520, %and3A_572 : vector<16xi32>
        %eq3A_574 = arith.constant 0 : i32
        %eq3A_575 = vector.broadcast %eq3A_574 : i32 to vector<16xi32>
        %eq3A_576 = arith.cmpi eq, %and3A_573, %eq3A_575 : vector<16xi32>
        %jit3A_577 = arith.constant 0.000000e+00 : f32
        %broadcast_in_dim3A_578 = vector.broadcast %jit3A_577 : f32 to vector<16xf32>
        %select_n3A_579 = arith.select %eq3A_576, %abs3A_560, %broadcast_in_dim3A_578 : vector<16xi1>, vector<16xf32>
        %add3A_580 = arith.addf %add3A_550, %select_n3A_579 : vector<16xf32>
        %gather3A_581 = arith.constant 1 : i32
        %gather3A_582 = tpu.memref_slice %arg11[%gather3A_581, %mul3A_509] : memref<8x2048xf32, #tpu.memory_space<vmem>> -> memref<1x64xf32, #tpu.memory_space<vmem>>
        %gather3A_583 = tpu.memref_squeeze %gather3A_582 : memref<1x64xf32, #tpu.memory_space<vmem>> -> memref<64xf32, #tpu.memory_space<vmem>>
        %gather3A_584 = tpu.vector_load_idx %gather3A_583[%add3A_18] : memref<64xf32, #tpu.memory_space<vmem>>[vector<16xi32>], vector<16xf32>,
        %gather3A_585 = arith.constant 1 : i32
        %gather3A_586 = tpu.memref_slice %arg13[%gather3A_585, %mul3A_509] : memref<8x2048xf32, #tpu.memory_space<vmem>> -> memref<1x64xf32, #tpu.memory_space<vmem>>
        %gather3A_587 = tpu.memref_squeeze %gather3A_586 : memref<1x64xf32, #tpu.memory_space<vmem>> -> memref<64xf32, #tpu.memory_space<vmem>>
        %gather3A_588 = tpu.vector_load_idx %gather3A_587[%add3A_18] : memref<64xf32, #tpu.memory_space<vmem>>[vector<16xi32>], vector<16xf32>,
        %sub3A_589 = arith.subf %gather3A_584, %gather3A_588 : vector<16xf32>
        %abs3A_590 = math.absf %sub3A_589 : vector<16xf32>
        %and3A_591 = arith.constant 65536 : i32
        %and3A_592 = vector.broadcast %and3A_591 : i32 to vector<16xi32>
        %and3A_593 = arith.andi %get3A_514, %and3A_592 : vector<16xi32>
        %eq3A_594 = arith.constant 0 : i32
        %eq3A_595 = vector.broadcast %eq3A_594 : i32 to vector<16xi32>
        %eq3A_596 = arith.cmpi eq, %and3A_593, %eq3A_595 : vector<16xi32>
        %jit3A_597 = arith.constant 0.000000e+00 : f32
        %broadcast_in_dim3A_598 = vector.broadcast %jit3A_597 : f32 to vector<16xf32>
        %select_n3A_599 = arith.select %eq3A_596, %abs3A_590, %broadcast_in_dim3A_598 : vector<16xi1>, vector<16xf32>
        %add3A_600 = arith.addf %add3A_570, %select_n3A_599 : vector<16xf32>
        %and3A_601 = arith.constant 65536 : i32
        %and3A_602 = vector.broadcast %and3A_601 : i32 to vector<16xi32>
        %and3A_603 = arith.andi %get3A_520, %and3A_602 : vector<16xi32>
        %eq3A_604 = arith.constant 0 : i32
        %eq3A_605 = vector.broadcast %eq3A_604 : i32 to vector<16xi32>
        %eq3A_606 = arith.cmpi eq, %and3A_603, %eq3A_605 : vector<16xi32>
        %jit3A_607 = arith.constant 0.000000e+00 : f32
        %broadcast_in_dim3A_608 = vector.broadcast %jit3A_607 : f32 to vector<16xf32>
        %select_n3A_609 = arith.select %eq3A_606, %abs3A_590, %broadcast_in_dim3A_608 : vector<16xi1>, vector<16xf32>
        %add3A_610 = arith.addf %add3A_580, %select_n3A_609 : vector<16xf32>
        %gather3A_611 = arith.constant 1 : i32
        %gather3A_612 = tpu.memref_slice %arg11[%gather3A_611, %mul3A_509] : memref<8x2048xf32, #tpu.memory_space<vmem>> -> memref<1x64xf32, #tpu.memory_space<vmem>>
        %gather3A_613 = tpu.memref_squeeze %gather3A_612 : memref<1x64xf32, #tpu.memory_space<vmem>> -> memref<64xf32, #tpu.memory_space<vmem>>
        %gather3A_614 = tpu.vector_load_idx %gather3A_613[%add3A_24] : memref<64xf32, #tpu.memory_space<vmem>>[vector<16xi32>], vector<16xf32>,
        %gather3A_615 = arith.constant 1 : i32
        %gather3A_616 = tpu.memref_slice %arg13[%gather3A_615, %mul3A_509] : memref<8x2048xf32, #tpu.memory_space<vmem>> -> memref<1x64xf32, #tpu.memory_space<vmem>>
        %gather3A_617 = tpu.memref_squeeze %gather3A_616 : memref<1x64xf32, #tpu.memory_space<vmem>> -> memref<64xf32, #tpu.memory_space<vmem>>
        %gather3A_618 = tpu.vector_load_idx %gather3A_617[%add3A_24] : memref<64xf32, #tpu.memory_space<vmem>>[vector<16xi32>], vector<16xf32>,
        %sub3A_619 = arith.subf %gather3A_614, %gather3A_618 : vector<16xf32>
        %abs3A_620 = math.absf %sub3A_619 : vector<16xf32>
        %and3A_621 = arith.constant 16777216 : i32
        %and3A_622 = vector.broadcast %and3A_621 : i32 to vector<16xi32>
        %and3A_623 = arith.andi %get3A_514, %and3A_622 : vector<16xi32>
        %eq3A_624 = arith.constant 0 : i32
        %eq3A_625 = vector.broadcast %eq3A_624 : i32 to vector<16xi32>
        %eq3A_626 = arith.cmpi eq, %and3A_623, %eq3A_625 : vector<16xi32>
        %jit3A_627 = arith.constant 0.000000e+00 : f32
        %broadcast_in_dim3A_628 = vector.broadcast %jit3A_627 : f32 to vector<16xf32>
        %select_n3A_629 = arith.select %eq3A_626, %abs3A_620, %broadcast_in_dim3A_628 : vector<16xi1>, vector<16xf32>
        %add3A_630 = arith.addf %add3A_600, %select_n3A_629 : vector<16xf32>
        %and3A_631 = arith.constant 16777216 : i32
        %and3A_632 = vector.broadcast %and3A_631 : i32 to vector<16xi32>
        %and3A_633 = arith.andi %get3A_520, %and3A_632 : vector<16xi32>
        %eq3A_634 = arith.constant 0 : i32
        %eq3A_635 = vector.broadcast %eq3A_634 : i32 to vector<16xi32>
        %eq3A_636 = arith.cmpi eq, %and3A_633, %eq3A_635 : vector<16xi32>
        %jit3A_637 = arith.constant 0.000000e+00 : f32
        %broadcast_in_dim3A_638 = vector.broadcast %jit3A_637 : f32 to vector<16xf32>
        %select_n3A_639 = arith.select %eq3A_636, %abs3A_620, %broadcast_in_dim3A_638 : vector<16xi1>, vector<16xf32>
        %add3A_640 = arith.addf %add3A_610, %select_n3A_639 : vector<16xf32>
        scf.yield %add3A_630, %add3A_640, %add3A_521, %add3A_522 : vector<16xf32>, vector<16xf32>, vector<16xi32>, vector<16xi32>
      }
      %scan3A_359 = arith.constant 32 : i32
      %scan3A_360 = arith.constant 0 : i32
      %scan3A_361 = arith.constant 32 : i32
      %scan3A_362 = arith.addi %scan3A_360, %scan3A_361 : i32
      %scan3A_363 = arith.constant 1 : i32
      %scan3A_364:4 = scf.for %scan3A_503 = %scan3A_360 to %scan3A_362 step %scan3A_363 iter_args(%scan3A_504 = %scan3A_358#0, %scan3A_505 = %scan3A_358#1, %scan3A_506 = %scan3A_358#2, %scan3A_507 = %scan3A_358#3) -> (vector<16xf32>, vector<16xf32>, vector<16xi32>, vector<16xi32>)  : i32 {
        %mul3A_508 = arith.constant 64 : i32
        %mul3A_509 = arith.muli %scan3A_503, %mul3A_508 : i32
        %mul3A_510 = arith.constant 16 : i32
        %mul3A_511 = arith.muli %scan3A_503, %mul3A_510 : i32
        %get3A = arith.constant 2 : i32
        %get3A_512 = arith.index_cast %get3A : i32 to index
        %get3A_513 = arith.index_cast %mul3A_511 : i32 to index
        %get3A_514 = tpu.vector_load %arg15[%get3A_512, %get3A_513] {strides = array<i32>} : memref<8x512xi32, #tpu.memory_space<vmem>>, vector<16xi32>,
        %mul3A_515 = arith.constant 16 : i32
        %mul3A_516 = arith.muli %scan3A_503, %mul3A_515 : i32
        %get3A_517 = arith.constant 2 : i32
        %get3A_518 = arith.index_cast %get3A_517 : i32 to index
        %get3A_519 = arith.index_cast %mul3A_516 : i32 to index
        %get3A_520 = tpu.vector_load %arg17[%get3A_518, %get3A_519] {strides = array<i32>} : memref<8x512xi32, #tpu.memory_space<vmem>>, vector<16xi32>,
        %add3A_521 = arith.addi %scan3A_506, %get3A_514 : vector<16xi32>
        %add3A_522 = arith.addi %scan3A_507, %get3A_520 : vector<16xi32>
        %gather3A = arith.constant 2 : i32
        %gather3A_523 = tpu.memref_slice %arg11[%gather3A, %mul3A_509] : memref<8x2048xf32, #tpu.memory_space<vmem>> -> memref<1x64xf32, #tpu.memory_space<vmem>>
        %gather3A_524 = tpu.memref_squeeze %gather3A_523 : memref<1x64xf32, #tpu.memory_space<vmem>> -> memref<64xf32, #tpu.memory_space<vmem>>
        %gather3A_525 = tpu.vector_load_idx %gather3A_524[%add3A_6] : memref<64xf32, #tpu.memory_space<vmem>>[vector<16xi32>], vector<16xf32>,
        %gather3A_526 = arith.constant 2 : i32
        %gather3A_527 = tpu.memref_slice %arg13[%gather3A_526, %mul3A_509] : memref<8x2048xf32, #tpu.memory_space<vmem>> -> memref<1x64xf32, #tpu.memory_space<vmem>>
        %gather3A_528 = tpu.memref_squeeze %gather3A_527 : memref<1x64xf32, #tpu.memory_space<vmem>> -> memref<64xf32, #tpu.memory_space<vmem>>
        %gather3A_529 = tpu.vector_load_idx %gather3A_528[%add3A_6] : memref<64xf32, #tpu.memory_space<vmem>>[vector<16xi32>], vector<16xf32>,
        %sub3A_530 = arith.subf %gather3A_525, %gather3A_529 : vector<16xf32>
        %abs3A = math.absf %sub3A_530 : vector<16xf32>
        %and3A_531 = arith.constant 1 : i32
        %and3A_532 = vector.broadcast %and3A_531 : i32 to vector<16xi32>
        %and3A_533 = arith.andi %get3A_514, %and3A_532 : vector<16xi32>
        %eq3A_534 = arith.constant 0 : i32
        %eq3A_535 = vector.broadcast %eq3A_534 : i32 to vector<16xi32>
        %eq3A_536 = arith.cmpi eq, %and3A_533, %eq3A_535 : vector<16xi32>
        %jit3A_537 = arith.constant 0.000000e+00 : f32
        %broadcast_in_dim3A_538 = vector.broadcast %jit3A_537 : f32 to vector<16xf32>
        %select_n3A_539 = arith.select %eq3A_536, %abs3A, %broadcast_in_dim3A_538 : vector<16xi1>, vector<16xf32>
        %add3A_540 = arith.addf %scan3A_504, %select_n3A_539 : vector<16xf32>
        %and3A_541 = arith.constant 1 : i32
        %and3A_542 = vector.broadcast %and3A_541 : i32 to vector<16xi32>
        %and3A_543 = arith.andi %get3A_520, %and3A_542 : vector<16xi32>
        %eq3A_544 = arith.constant 0 : i32
        %eq3A_545 = vector.broadcast %eq3A_544 : i32 to vector<16xi32>
        %eq3A_546 = arith.cmpi eq, %and3A_543, %eq3A_545 : vector<16xi32>
        %jit3A_547 = arith.constant 0.000000e+00 : f32
        %broadcast_in_dim3A_548 = vector.broadcast %jit3A_547 : f32 to vector<16xf32>
        %select_n3A_549 = arith.select %eq3A_546, %abs3A, %broadcast_in_dim3A_548 : vector<16xi1>, vector<16xf32>
        %add3A_550 = arith.addf %scan3A_505, %select_n3A_549 : vector<16xf32>
        %gather3A_551 = arith.constant 2 : i32
        %gather3A_552 = tpu.memref_slice %arg11[%gather3A_551, %mul3A_509] : memref<8x2048xf32, #tpu.memory_space<vmem>> -> memref<1x64xf32, #tpu.memory_space<vmem>>
        %gather3A_553 = tpu.memref_squeeze %gather3A_552 : memref<1x64xf32, #tpu.memory_space<vmem>> -> memref<64xf32, #tpu.memory_space<vmem>>
        %gather3A_554 = tpu.vector_load_idx %gather3A_553[%add3A_12] : memref<64xf32, #tpu.memory_space<vmem>>[vector<16xi32>], vector<16xf32>,
        %gather3A_555 = arith.constant 2 : i32
        %gather3A_556 = tpu.memref_slice %arg13[%gather3A_555, %mul3A_509] : memref<8x2048xf32, #tpu.memory_space<vmem>> -> memref<1x64xf32, #tpu.memory_space<vmem>>
        %gather3A_557 = tpu.memref_squeeze %gather3A_556 : memref<1x64xf32, #tpu.memory_space<vmem>> -> memref<64xf32, #tpu.memory_space<vmem>>
        %gather3A_558 = tpu.vector_load_idx %gather3A_557[%add3A_12] : memref<64xf32, #tpu.memory_space<vmem>>[vector<16xi32>], vector<16xf32>,
        %sub3A_559 = arith.subf %gather3A_554, %gather3A_558 : vector<16xf32>
        %abs3A_560 = math.absf %sub3A_559 : vector<16xf32>
        %and3A_561 = arith.constant 256 : i32
        %and3A_562 = vector.broadcast %and3A_561 : i32 to vector<16xi32>
        %and3A_563 = arith.andi %get3A_514, %and3A_562 : vector<16xi32>
        %eq3A_564 = arith.constant 0 : i32
        %eq3A_565 = vector.broadcast %eq3A_564 : i32 to vector<16xi32>
        %eq3A_566 = arith.cmpi eq, %and3A_563, %eq3A_565 : vector<16xi32>
        %jit3A_567 = arith.constant 0.000000e+00 : f32
        %broadcast_in_dim3A_568 = vector.broadcast %jit3A_567 : f32 to vector<16xf32>
        %select_n3A_569 = arith.select %eq3A_566, %abs3A_560, %broadcast_in_dim3A_568 : vector<16xi1>, vector<16xf32>
        %add3A_570 = arith.addf %add3A_540, %select_n3A_569 : vector<16xf32>
        %and3A_571 = arith.constant 256 : i32
        %and3A_572 = vector.broadcast %and3A_571 : i32 to vector<16xi32>
        %and3A_573 = arith.andi %get3A_520, %and3A_572 : vector<16xi32>
        %eq3A_574 = arith.constant 0 : i32
        %eq3A_575 = vector.broadcast %eq3A_574 : i32 to vector<16xi32>
        %eq3A_576 = arith.cmpi eq, %and3A_573, %eq3A_575 : vector<16xi32>
        %jit3A_577 = arith.constant 0.000000e+00 : f32
        %broadcast_in_dim3A_578 = vector.broadcast %jit3A_577 : f32 to vector<16xf32>
        %select_n3A_579 = arith.select %eq3A_576, %abs3A_560, %broadcast_in_dim3A_578 : vector<16xi1>, vector<16xf32>
        %add3A_580 = arith.addf %add3A_550, %select_n3A_579 : vector<16xf32>
        %gather3A_581 = arith.constant 2 : i32
        %gather3A_582 = tpu.memref_slice %arg11[%gather3A_581, %mul3A_509] : memref<8x2048xf32, #tpu.memory_space<vmem>> -> memref<1x64xf32, #tpu.memory_space<vmem>>
        %gather3A_583 = tpu.memref_squeeze %gather3A_582 : memref<1x64xf32, #tpu.memory_space<vmem>> -> memref<64xf32, #tpu.memory_space<vmem>>
        %gather3A_584 = tpu.vector_load_idx %gather3A_583[%add3A_18] : memref<64xf32, #tpu.memory_space<vmem>>[vector<16xi32>], vector<16xf32>,
        %gather3A_585 = arith.constant 2 : i32
        %gather3A_586 = tpu.memref_slice %arg13[%gather3A_585, %mul3A_509] : memref<8x2048xf32, #tpu.memory_space<vmem>> -> memref<1x64xf32, #tpu.memory_space<vmem>>
        %gather3A_587 = tpu.memref_squeeze %gather3A_586 : memref<1x64xf32, #tpu.memory_space<vmem>> -> memref<64xf32, #tpu.memory_space<vmem>>
        %gather3A_588 = tpu.vector_load_idx %gather3A_587[%add3A_18] : memref<64xf32, #tpu.memory_space<vmem>>[vector<16xi32>], vector<16xf32>,
        %sub3A_589 = arith.subf %gather3A_584, %gather3A_588 : vector<16xf32>
        %abs3A_590 = math.absf %sub3A_589 : vector<16xf32>
        %and3A_591 = arith.constant 65536 : i32
        %and3A_592 = vector.broadcast %and3A_591 : i32 to vector<16xi32>
        %and3A_593 = arith.andi %get3A_514, %and3A_592 : vector<16xi32>
        %eq3A_594 = arith.constant 0 : i32
        %eq3A_595 = vector.broadcast %eq3A_594 : i32 to vector<16xi32>
        %eq3A_596 = arith.cmpi eq, %and3A_593, %eq3A_595 : vector<16xi32>
        %jit3A_597 = arith.constant 0.000000e+00 : f32
        %broadcast_in_dim3A_598 = vector.broadcast %jit3A_597 : f32 to vector<16xf32>
        %select_n3A_599 = arith.select %eq3A_596, %abs3A_590, %broadcast_in_dim3A_598 : vector<16xi1>, vector<16xf32>
        %add3A_600 = arith.addf %add3A_570, %select_n3A_599 : vector<16xf32>
        %and3A_601 = arith.constant 65536 : i32
        %and3A_602 = vector.broadcast %and3A_601 : i32 to vector<16xi32>
        %and3A_603 = arith.andi %get3A_520, %and3A_602 : vector<16xi32>
        %eq3A_604 = arith.constant 0 : i32
        %eq3A_605 = vector.broadcast %eq3A_604 : i32 to vector<16xi32>
        %eq3A_606 = arith.cmpi eq, %and3A_603, %eq3A_605 : vector<16xi32>
        %jit3A_607 = arith.constant 0.000000e+00 : f32
        %broadcast_in_dim3A_608 = vector.broadcast %jit3A_607 : f32 to vector<16xf32>
        %select_n3A_609 = arith.select %eq3A_606, %abs3A_590, %broadcast_in_dim3A_608 : vector<16xi1>, vector<16xf32>
        %add3A_610 = arith.addf %add3A_580, %select_n3A_609 : vector<16xf32>
        %gather3A_611 = arith.constant 2 : i32
        %gather3A_612 = tpu.memref_slice %arg11[%gather3A_611, %mul3A_509] : memref<8x2048xf32, #tpu.memory_space<vmem>> -> memref<1x64xf32, #tpu.memory_space<vmem>>
        %gather3A_613 = tpu.memref_squeeze %gather3A_612 : memref<1x64xf32, #tpu.memory_space<vmem>> -> memref<64xf32, #tpu.memory_space<vmem>>
        %gather3A_614 = tpu.vector_load_idx %gather3A_613[%add3A_24] : memref<64xf32, #tpu.memory_space<vmem>>[vector<16xi32>], vector<16xf32>,
        %gather3A_615 = arith.constant 2 : i32
        %gather3A_616 = tpu.memref_slice %arg13[%gather3A_615, %mul3A_509] : memref<8x2048xf32, #tpu.memory_space<vmem>> -> memref<1x64xf32, #tpu.memory_space<vmem>>
        %gather3A_617 = tpu.memref_squeeze %gather3A_616 : memref<1x64xf32, #tpu.memory_space<vmem>> -> memref<64xf32, #tpu.memory_space<vmem>>
        %gather3A_618 = tpu.vector_load_idx %gather3A_617[%add3A_24] : memref<64xf32, #tpu.memory_space<vmem>>[vector<16xi32>], vector<16xf32>,
        %sub3A_619 = arith.subf %gather3A_614, %gather3A_618 : vector<16xf32>
        %abs3A_620 = math.absf %sub3A_619 : vector<16xf32>
        %and3A_621 = arith.constant 16777216 : i32
        %and3A_622 = vector.broadcast %and3A_621 : i32 to vector<16xi32>
        %and3A_623 = arith.andi %get3A_514, %and3A_622 : vector<16xi32>
        %eq3A_624 = arith.constant 0 : i32
        %eq3A_625 = vector.broadcast %eq3A_624 : i32 to vector<16xi32>
        %eq3A_626 = arith.cmpi eq, %and3A_623, %eq3A_625 : vector<16xi32>
        %jit3A_627 = arith.constant 0.000000e+00 : f32
        %broadcast_in_dim3A_628 = vector.broadcast %jit3A_627 : f32 to vector<16xf32>
        %select_n3A_629 = arith.select %eq3A_626, %abs3A_620, %broadcast_in_dim3A_628 : vector<16xi1>, vector<16xf32>
        %add3A_630 = arith.addf %add3A_600, %select_n3A_629 : vector<16xf32>
        %and3A_631 = arith.constant 16777216 : i32
        %and3A_632 = vector.broadcast %and3A_631 : i32 to vector<16xi32>
        %and3A_633 = arith.andi %get3A_520, %and3A_632 : vector<16xi32>
        %eq3A_634 = arith.constant 0 : i32
        %eq3A_635 = vector.broadcast %eq3A_634 : i32 to vector<16xi32>
        %eq3A_636 = arith.cmpi eq, %and3A_633, %eq3A_635 : vector<16xi32>
        %jit3A_637 = arith.constant 0.000000e+00 : f32
        %broadcast_in_dim3A_638 = vector.broadcast %jit3A_637 : f32 to vector<16xf32>
        %select_n3A_639 = arith.select %eq3A_636, %abs3A_620, %broadcast_in_dim3A_638 : vector<16xi1>, vector<16xf32>
        %add3A_640 = arith.addf %add3A_610, %select_n3A_639 : vector<16xf32>
        scf.yield %add3A_630, %add3A_640, %add3A_521, %add3A_522 : vector<16xf32>, vector<16xf32>, vector<16xi32>, vector<16xi32>
      }
      %scan3A_365 = arith.constant 32 : i32
      %scan3A_366 = arith.constant 0 : i32
      %scan3A_367 = arith.constant 32 : i32
      %scan3A_368 = arith.addi %scan3A_366, %scan3A_367 : i32
      %scan3A_369 = arith.constant 1 : i32
      %scan3A_370:4 = scf.for %scan3A_503 = %scan3A_366 to %scan3A_368 step %scan3A_369 iter_args(%scan3A_504 = %scan3A_364#0, %scan3A_505 = %scan3A_364#1, %scan3A_506 = %scan3A_364#2, %scan3A_507 = %scan3A_364#3) -> (vector<16xf32>, vector<16xf32>, vector<16xi32>, vector<16xi32>)  : i32 {
        %mul3A_508 = arith.constant 64 : i32
        %mul3A_509 = arith.muli %scan3A_503, %mul3A_508 : i32
        %mul3A_510 = arith.constant 16 : i32
        %mul3A_511 = arith.muli %scan3A_503, %mul3A_510 : i32
        %get3A = arith.constant 3 : i32
        %get3A_512 = arith.index_cast %get3A : i32 to index
        %get3A_513 = arith.index_cast %mul3A_511 : i32 to index
        %get3A_514 = tpu.vector_load %arg15[%get3A_512, %get3A_513] {strides = array<i32>} : memref<8x512xi32, #tpu.memory_space<vmem>>, vector<16xi32>,
        %mul3A_515 = arith.constant 16 : i32
        %mul3A_516 = arith.muli %scan3A_503, %mul3A_515 : i32
        %get3A_517 = arith.constant 3 : i32
        %get3A_518 = arith.index_cast %get3A_517 : i32 to index
        %get3A_519 = arith.index_cast %mul3A_516 : i32 to index
        %get3A_520 = tpu.vector_load %arg17[%get3A_518, %get3A_519] {strides = array<i32>} : memref<8x512xi32, #tpu.memory_space<vmem>>, vector<16xi32>,
        %add3A_521 = arith.addi %scan3A_506, %get3A_514 : vector<16xi32>
        %add3A_522 = arith.addi %scan3A_507, %get3A_520 : vector<16xi32>
        %gather3A = arith.constant 3 : i32
        %gather3A_523 = tpu.memref_slice %arg11[%gather3A, %mul3A_509] : memref<8x2048xf32, #tpu.memory_space<vmem>> -> memref<1x64xf32, #tpu.memory_space<vmem>>
        %gather3A_524 = tpu.memref_squeeze %gather3A_523 : memref<1x64xf32, #tpu.memory_space<vmem>> -> memref<64xf32, #tpu.memory_space<vmem>>
        %gather3A_525 = tpu.vector_load_idx %gather3A_524[%add3A_6] : memref<64xf32, #tpu.memory_space<vmem>>[vector<16xi32>], vector<16xf32>,
        %gather3A_526 = arith.constant 3 : i32
        %gather3A_527 = tpu.memref_slice %arg13[%gather3A_526, %mul3A_509] : memref<8x2048xf32, #tpu.memory_space<vmem>> -> memref<1x64xf32, #tpu.memory_space<vmem>>
        %gather3A_528 = tpu.memref_squeeze %gather3A_527 : memref<1x64xf32, #tpu.memory_space<vmem>> -> memref<64xf32, #tpu.memory_space<vmem>>
        %gather3A_529 = tpu.vector_load_idx %gather3A_528[%add3A_6] : memref<64xf32, #tpu.memory_space<vmem>>[vector<16xi32>], vector<16xf32>,
        %sub3A_530 = arith.subf %gather3A_525, %gather3A_529 : vector<16xf32>
        %abs3A = math.absf %sub3A_530 : vector<16xf32>
        %and3A_531 = arith.constant 1 : i32
        %and3A_532 = vector.broadcast %and3A_531 : i32 to vector<16xi32>
        %and3A_533 = arith.andi %get3A_514, %and3A_532 : vector<16xi32>
        %eq3A_534 = arith.constant 0 : i32
        %eq3A_535 = vector.broadcast %eq3A_534 : i32 to vector<16xi32>
        %eq3A_536 = arith.cmpi eq, %and3A_533, %eq3A_535 : vector<16xi32>
        %jit3A_537 = arith.constant 0.000000e+00 : f32
        %broadcast_in_dim3A_538 = vector.broadcast %jit3A_537 : f32 to vector<16xf32>
        %select_n3A_539 = arith.select %eq3A_536, %abs3A, %broadcast_in_dim3A_538 : vector<16xi1>, vector<16xf32>
        %add3A_540 = arith.addf %scan3A_504, %select_n3A_539 : vector<16xf32>
        %and3A_541 = arith.constant 1 : i32
        %and3A_542 = vector.broadcast %and3A_541 : i32 to vector<16xi32>
        %and3A_543 = arith.andi %get3A_520, %and3A_542 : vector<16xi32>
        %eq3A_544 = arith.constant 0 : i32
        %eq3A_545 = vector.broadcast %eq3A_544 : i32 to vector<16xi32>
        %eq3A_546 = arith.cmpi eq, %and3A_543, %eq3A_545 : vector<16xi32>
        %jit3A_547 = arith.constant 0.000000e+00 : f32
        %broadcast_in_dim3A_548 = vector.broadcast %jit3A_547 : f32 to vector<16xf32>
        %select_n3A_549 = arith.select %eq3A_546, %abs3A, %broadcast_in_dim3A_548 : vector<16xi1>, vector<16xf32>
        %add3A_550 = arith.addf %scan3A_505, %select_n3A_549 : vector<16xf32>
        %gather3A_551 = arith.constant 3 : i32
        %gather3A_552 = tpu.memref_slice %arg11[%gather3A_551, %mul3A_509] : memref<8x2048xf32, #tpu.memory_space<vmem>> -> memref<1x64xf32, #tpu.memory_space<vmem>>
        %gather3A_553 = tpu.memref_squeeze %gather3A_552 : memref<1x64xf32, #tpu.memory_space<vmem>> -> memref<64xf32, #tpu.memory_space<vmem>>
        %gather3A_554 = tpu.vector_load_idx %gather3A_553[%add3A_12] : memref<64xf32, #tpu.memory_space<vmem>>[vector<16xi32>], vector<16xf32>,
        %gather3A_555 = arith.constant 3 : i32
        %gather3A_556 = tpu.memref_slice %arg13[%gather3A_555, %mul3A_509] : memref<8x2048xf32, #tpu.memory_space<vmem>> -> memref<1x64xf32, #tpu.memory_space<vmem>>
        %gather3A_557 = tpu.memref_squeeze %gather3A_556 : memref<1x64xf32, #tpu.memory_space<vmem>> -> memref<64xf32, #tpu.memory_space<vmem>>
        %gather3A_558 = tpu.vector_load_idx %gather3A_557[%add3A_12] : memref<64xf32, #tpu.memory_space<vmem>>[vector<16xi32>], vector<16xf32>,
        %sub3A_559 = arith.subf %gather3A_554, %gather3A_558 : vector<16xf32>
        %abs3A_560 = math.absf %sub3A_559 : vector<16xf32>
        %and3A_561 = arith.constant 256 : i32
        %and3A_562 = vector.broadcast %and3A_561 : i32 to vector<16xi32>
        %and3A_563 = arith.andi %get3A_514, %and3A_562 : vector<16xi32>
        %eq3A_564 = arith.constant 0 : i32
        %eq3A_565 = vector.broadcast %eq3A_564 : i32 to vector<16xi32>
        %eq3A_566 = arith.cmpi eq, %and3A_563, %eq3A_565 : vector<16xi32>
        %jit3A_567 = arith.constant 0.000000e+00 : f32
        %broadcast_in_dim3A_568 = vector.broadcast %jit3A_567 : f32 to vector<16xf32>
        %select_n3A_569 = arith.select %eq3A_566, %abs3A_560, %broadcast_in_dim3A_568 : vector<16xi1>, vector<16xf32>
        %add3A_570 = arith.addf %add3A_540, %select_n3A_569 : vector<16xf32>
        %and3A_571 = arith.constant 256 : i32
        %and3A_572 = vector.broadcast %and3A_571 : i32 to vector<16xi32>
        %and3A_573 = arith.andi %get3A_520, %and3A_572 : vector<16xi32>
        %eq3A_574 = arith.constant 0 : i32
        %eq3A_575 = vector.broadcast %eq3A_574 : i32 to vector<16xi32>
        %eq3A_576 = arith.cmpi eq, %and3A_573, %eq3A_575 : vector<16xi32>
        %jit3A_577 = arith.constant 0.000000e+00 : f32
        %broadcast_in_dim3A_578 = vector.broadcast %jit3A_577 : f32 to vector<16xf32>
        %select_n3A_579 = arith.select %eq3A_576, %abs3A_560, %broadcast_in_dim3A_578 : vector<16xi1>, vector<16xf32>
        %add3A_580 = arith.addf %add3A_550, %select_n3A_579 : vector<16xf32>
        %gather3A_581 = arith.constant 3 : i32
        %gather3A_582 = tpu.memref_slice %arg11[%gather3A_581, %mul3A_509] : memref<8x2048xf32, #tpu.memory_space<vmem>> -> memref<1x64xf32, #tpu.memory_space<vmem>>
        %gather3A_583 = tpu.memref_squeeze %gather3A_582 : memref<1x64xf32, #tpu.memory_space<vmem>> -> memref<64xf32, #tpu.memory_space<vmem>>
        %gather3A_584 = tpu.vector_load_idx %gather3A_583[%add3A_18] : memref<64xf32, #tpu.memory_space<vmem>>[vector<16xi32>], vector<16xf32>,
        %gather3A_585 = arith.constant 3 : i32
        %gather3A_586 = tpu.memref_slice %arg13[%gather3A_585, %mul3A_509] : memref<8x2048xf32, #tpu.memory_space<vmem>> -> memref<1x64xf32, #tpu.memory_space<vmem>>
        %gather3A_587 = tpu.memref_squeeze %gather3A_586 : memref<1x64xf32, #tpu.memory_space<vmem>> -> memref<64xf32, #tpu.memory_space<vmem>>
        %gather3A_588 = tpu.vector_load_idx %gather3A_587[%add3A_18] : memref<64xf32, #tpu.memory_space<vmem>>[vector<16xi32>], vector<16xf32>,
        %sub3A_589 = arith.subf %gather3A_584, %gather3A_588 : vector<16xf32>
        %abs3A_590 = math.absf %sub3A_589 : vector<16xf32>
        %and3A_591 = arith.constant 65536 : i32
        %and3A_592 = vector.broadcast %and3A_591 : i32 to vector<16xi32>
        %and3A_593 = arith.andi %get3A_514, %and3A_592 : vector<16xi32>
        %eq3A_594 = arith.constant 0 : i32
        %eq3A_595 = vector.broadcast %eq3A_594 : i32 to vector<16xi32>
        %eq3A_596 = arith.cmpi eq, %and3A_593, %eq3A_595 : vector<16xi32>
        %jit3A_597 = arith.constant 0.000000e+00 : f32
        %broadcast_in_dim3A_598 = vector.broadcast %jit3A_597 : f32 to vector<16xf32>
        %select_n3A_599 = arith.select %eq3A_596, %abs3A_590, %broadcast_in_dim3A_598 : vector<16xi1>, vector<16xf32>
        %add3A_600 = arith.addf %add3A_570, %select_n3A_599 : vector<16xf32>
        %and3A_601 = arith.constant 65536 : i32
        %and3A_602 = vector.broadcast %and3A_601 : i32 to vector<16xi32>
        %and3A_603 = arith.andi %get3A_520, %and3A_602 : vector<16xi32>
        %eq3A_604 = arith.constant 0 : i32
        %eq3A_605 = vector.broadcast %eq3A_604 : i32 to vector<16xi32>
        %eq3A_606 = arith.cmpi eq, %and3A_603, %eq3A_605 : vector<16xi32>
        %jit3A_607 = arith.constant 0.000000e+00 : f32
        %broadcast_in_dim3A_608 = vector.broadcast %jit3A_607 : f32 to vector<16xf32>
        %select_n3A_609 = arith.select %eq3A_606, %abs3A_590, %broadcast_in_dim3A_608 : vector<16xi1>, vector<16xf32>
        %add3A_610 = arith.addf %add3A_580, %select_n3A_609 : vector<16xf32>
        %gather3A_611 = arith.constant 3 : i32
        %gather3A_612 = tpu.memref_slice %arg11[%gather3A_611, %mul3A_509] : memref<8x2048xf32, #tpu.memory_space<vmem>> -> memref<1x64xf32, #tpu.memory_space<vmem>>
        %gather3A_613 = tpu.memref_squeeze %gather3A_612 : memref<1x64xf32, #tpu.memory_space<vmem>> -> memref<64xf32, #tpu.memory_space<vmem>>
        %gather3A_614 = tpu.vector_load_idx %gather3A_613[%add3A_24] : memref<64xf32, #tpu.memory_space<vmem>>[vector<16xi32>], vector<16xf32>,
        %gather3A_615 = arith.constant 3 : i32
        %gather3A_616 = tpu.memref_slice %arg13[%gather3A_615, %mul3A_509] : memref<8x2048xf32, #tpu.memory_space<vmem>> -> memref<1x64xf32, #tpu.memory_space<vmem>>
        %gather3A_617 = tpu.memref_squeeze %gather3A_616 : memref<1x64xf32, #tpu.memory_space<vmem>> -> memref<64xf32, #tpu.memory_space<vmem>>
        %gather3A_618 = tpu.vector_load_idx %gather3A_617[%add3A_24] : memref<64xf32, #tpu.memory_space<vmem>>[vector<16xi32>], vector<16xf32>,
        %sub3A_619 = arith.subf %gather3A_614, %gather3A_618 : vector<16xf32>
        %abs3A_620 = math.absf %sub3A_619 : vector<16xf32>
        %and3A_621 = arith.constant 16777216 : i32
        %and3A_622 = vector.broadcast %and3A_621 : i32 to vector<16xi32>
        %and3A_623 = arith.andi %get3A_514, %and3A_622 : vector<16xi32>
        %eq3A_624 = arith.constant 0 : i32
        %eq3A_625 = vector.broadcast %eq3A_624 : i32 to vector<16xi32>
        %eq3A_626 = arith.cmpi eq, %and3A_623, %eq3A_625 : vector<16xi32>
        %jit3A_627 = arith.constant 0.000000e+00 : f32
        %broadcast_in_dim3A_628 = vector.broadcast %jit3A_627 : f32 to vector<16xf32>
        %select_n3A_629 = arith.select %eq3A_626, %abs3A_620, %broadcast_in_dim3A_628 : vector<16xi1>, vector<16xf32>
        %add3A_630 = arith.addf %add3A_600, %select_n3A_629 : vector<16xf32>
        %and3A_631 = arith.constant 16777216 : i32
        %and3A_632 = vector.broadcast %and3A_631 : i32 to vector<16xi32>
        %and3A_633 = arith.andi %get3A_520, %and3A_632 : vector<16xi32>
        %eq3A_634 = arith.constant 0 : i32
        %eq3A_635 = vector.broadcast %eq3A_634 : i32 to vector<16xi32>
        %eq3A_636 = arith.cmpi eq, %and3A_633, %eq3A_635 : vector<16xi32>
        %jit3A_637 = arith.constant 0.000000e+00 : f32
        %broadcast_in_dim3A_638 = vector.broadcast %jit3A_637 : f32 to vector<16xf32>
        %select_n3A_639 = arith.select %eq3A_636, %abs3A_620, %broadcast_in_dim3A_638 : vector<16xi1>, vector<16xf32>
        %add3A_640 = arith.addf %add3A_610, %select_n3A_639 : vector<16xf32>
        scf.yield %add3A_630, %add3A_640, %add3A_521, %add3A_522 : vector<16xf32>, vector<16xf32>, vector<16xi32>, vector<16xi32>
      }
      %scan3A_371 = arith.constant 32 : i32
      %and3A_372 = arith.constant 255 : i32
      %and3A_373 = vector.broadcast %and3A_372 : i32 to vector<16xi32>
      %and3A_374 = arith.andi %scan3A_370#2, %and3A_373 : vector<16xi32>
      %shift_right_arithmetic3A_375 = arith.constant 8 : i32
      %shift_right_arithmetic3A_376 = vector.broadcast %shift_right_arithmetic3A_375 : i32 to vector<16xi32>
      %shift_right_arithmetic3A_377 = arith.shrsi %scan3A_370#2, %shift_right_arithmetic3A_376 : vector<16xi32>
      %and3A_378 = arith.constant 255 : i32
      %and3A_379 = vector.broadcast %and3A_378 : i32 to vector<16xi32>
      %and3A_380 = arith.andi %shift_right_arithmetic3A_377, %and3A_379 : vector<16xi32>
      %add3A_381 = arith.addi %and3A_374, %and3A_380 : vector<16xi32>
      %shift_right_arithmetic3A_382 = arith.constant 16 : i32
      %shift_right_arithmetic3A_383 = vector.broadcast %shift_right_arithmetic3A_382 : i32 to vector<16xi32>
      %shift_right_arithmetic3A_384 = arith.shrsi %scan3A_370#2, %shift_right_arithmetic3A_383 : vector<16xi32>
      %and3A_385 = arith.constant 255 : i32
      %and3A_386 = vector.broadcast %and3A_385 : i32 to vector<16xi32>
      %and3A_387 = arith.andi %shift_right_arithmetic3A_384, %and3A_386 : vector<16xi32>
      %add3A_388 = arith.addi %add3A_381, %and3A_387 : vector<16xi32>
      %shift_right_arithmetic3A_389 = arith.constant 24 : i32
      %shift_right_arithmetic3A_390 = vector.broadcast %shift_right_arithmetic3A_389 : i32 to vector<16xi32>
      %shift_right_arithmetic3A_391 = arith.shrsi %scan3A_370#2, %shift_right_arithmetic3A_390 : vector<16xi32>
      %and3A_392 = arith.constant 255 : i32
      %and3A_393 = vector.broadcast %and3A_392 : i32 to vector<16xi32>
      %and3A_394 = arith.andi %shift_right_arithmetic3A_391, %and3A_393 : vector<16xi32>
      %add3A_395 = arith.addi %add3A_388, %and3A_394 : vector<16xi32>
      %add3A_396 = arith.addi %add3A_283, %add3A_395 : vector<16xi32>
      %and3A_397 = arith.constant 255 : i32
      %and3A_398 = vector.broadcast %and3A_397 : i32 to vector<16xi32>
      %and3A_399 = arith.andi %scan3A_370#3, %and3A_398 : vector<16xi32>
      %shift_right_arithmetic3A_400 = arith.constant 8 : i32
      %shift_right_arithmetic3A_401 = vector.broadcast %shift_right_arithmetic3A_400 : i32 to vector<16xi32>
      %shift_right_arithmetic3A_402 = arith.shrsi %scan3A_370#3, %shift_right_arithmetic3A_401 : vector<16xi32>
      %and3A_403 = arith.constant 255 : i32
      %and3A_404 = vector.broadcast %and3A_403 : i32 to vector<16xi32>
      %and3A_405 = arith.andi %shift_right_arithmetic3A_402, %and3A_404 : vector<16xi32>
      %add3A_406 = arith.addi %and3A_399, %and3A_405 : vector<16xi32>
      %shift_right_arithmetic3A_407 = arith.constant 16 : i32
      %shift_right_arithmetic3A_408 = vector.broadcast %shift_right_arithmetic3A_407 : i32 to vector<16xi32>
      %shift_right_arithmetic3A_409 = arith.shrsi %scan3A_370#3, %shift_right_arithmetic3A_408 : vector<16xi32>
      %and3A_410 = arith.constant 255 : i32
      %and3A_411 = vector.broadcast %and3A_410 : i32 to vector<16xi32>
      %and3A_412 = arith.andi %shift_right_arithmetic3A_409, %and3A_411 : vector<16xi32>
      %add3A_413 = arith.addi %add3A_406, %and3A_412 : vector<16xi32>
      %shift_right_arithmetic3A_414 = arith.constant 24 : i32
      %shift_right_arithmetic3A_415 = vector.broadcast %shift_right_arithmetic3A_414 : i32 to vector<16xi32>
      %shift_right_arithmetic3A_416 = arith.shrsi %scan3A_370#3, %shift_right_arithmetic3A_415 : vector<16xi32>
      %and3A_417 = arith.constant 255 : i32
      %and3A_418 = vector.broadcast %and3A_417 : i32 to vector<16xi32>
      %and3A_419 = arith.andi %shift_right_arithmetic3A_416, %and3A_418 : vector<16xi32>
      %add3A_420 = arith.addi %add3A_413, %and3A_419 : vector<16xi32>
      %add3A_421 = arith.addi %add3A_308, %add3A_420 : vector<16xi32>
      %scan3A_422 = arith.constant 0 : i32
      %scan3A_423 = arith.constant 32 : i32
      %scan3A_424 = arith.addi %scan3A_422, %scan3A_423 : i32
      %scan3A_425 = arith.constant 1 : i32
      %scan3A_426:4 = scf.for %scan3A_503 = %scan3A_422 to %scan3A_424 step %scan3A_425 iter_args(%scan3A_504 = %scan3A_370#0, %scan3A_505 = %scan3A_370#1, %scan3A_506 = %broadcast_in_dim3A_347, %scan3A_507 = %broadcast_in_dim3A_347) -> (vector<16xf32>, vector<16xf32>, vector<16xi32>, vector<16xi32>)  : i32 {
        %mul3A_508 = arith.constant 64 : i32
        %mul3A_509 = arith.muli %scan3A_503, %mul3A_508 : i32
        %mul3A_510 = arith.constant 16 : i32
        %mul3A_511 = arith.muli %scan3A_503, %mul3A_510 : i32
        %get3A = arith.constant 4 : i32
        %get3A_512 = arith.index_cast %get3A : i32 to index
        %get3A_513 = arith.index_cast %mul3A_511 : i32 to index
        %get3A_514 = tpu.vector_load %arg15[%get3A_512, %get3A_513] {strides = array<i32>} : memref<8x512xi32, #tpu.memory_space<vmem>>, vector<16xi32>,
        %mul3A_515 = arith.constant 16 : i32
        %mul3A_516 = arith.muli %scan3A_503, %mul3A_515 : i32
        %get3A_517 = arith.constant 4 : i32
        %get3A_518 = arith.index_cast %get3A_517 : i32 to index
        %get3A_519 = arith.index_cast %mul3A_516 : i32 to index
        %get3A_520 = tpu.vector_load %arg17[%get3A_518, %get3A_519] {strides = array<i32>} : memref<8x512xi32, #tpu.memory_space<vmem>>, vector<16xi32>,
        %add3A_521 = arith.addi %scan3A_506, %get3A_514 : vector<16xi32>
        %add3A_522 = arith.addi %scan3A_507, %get3A_520 : vector<16xi32>
        %gather3A = arith.constant 4 : i32
        %gather3A_523 = tpu.memref_slice %arg11[%gather3A, %mul3A_509] : memref<8x2048xf32, #tpu.memory_space<vmem>> -> memref<1x64xf32, #tpu.memory_space<vmem>>
        %gather3A_524 = tpu.memref_squeeze %gather3A_523 : memref<1x64xf32, #tpu.memory_space<vmem>> -> memref<64xf32, #tpu.memory_space<vmem>>
        %gather3A_525 = tpu.vector_load_idx %gather3A_524[%add3A_6] : memref<64xf32, #tpu.memory_space<vmem>>[vector<16xi32>], vector<16xf32>,
        %gather3A_526 = arith.constant 4 : i32
        %gather3A_527 = tpu.memref_slice %arg13[%gather3A_526, %mul3A_509] : memref<8x2048xf32, #tpu.memory_space<vmem>> -> memref<1x64xf32, #tpu.memory_space<vmem>>
        %gather3A_528 = tpu.memref_squeeze %gather3A_527 : memref<1x64xf32, #tpu.memory_space<vmem>> -> memref<64xf32, #tpu.memory_space<vmem>>
        %gather3A_529 = tpu.vector_load_idx %gather3A_528[%add3A_6] : memref<64xf32, #tpu.memory_space<vmem>>[vector<16xi32>], vector<16xf32>,
        %sub3A_530 = arith.subf %gather3A_525, %gather3A_529 : vector<16xf32>
        %abs3A = math.absf %sub3A_530 : vector<16xf32>
        %and3A_531 = arith.constant 1 : i32
        %and3A_532 = vector.broadcast %and3A_531 : i32 to vector<16xi32>
        %and3A_533 = arith.andi %get3A_514, %and3A_532 : vector<16xi32>
        %eq3A_534 = arith.constant 0 : i32
        %eq3A_535 = vector.broadcast %eq3A_534 : i32 to vector<16xi32>
        %eq3A_536 = arith.cmpi eq, %and3A_533, %eq3A_535 : vector<16xi32>
        %jit3A_537 = arith.constant 0.000000e+00 : f32
        %broadcast_in_dim3A_538 = vector.broadcast %jit3A_537 : f32 to vector<16xf32>
        %select_n3A_539 = arith.select %eq3A_536, %abs3A, %broadcast_in_dim3A_538 : vector<16xi1>, vector<16xf32>
        %add3A_540 = arith.addf %scan3A_504, %select_n3A_539 : vector<16xf32>
        %and3A_541 = arith.constant 1 : i32
        %and3A_542 = vector.broadcast %and3A_541 : i32 to vector<16xi32>
        %and3A_543 = arith.andi %get3A_520, %and3A_542 : vector<16xi32>
        %eq3A_544 = arith.constant 0 : i32
        %eq3A_545 = vector.broadcast %eq3A_544 : i32 to vector<16xi32>
        %eq3A_546 = arith.cmpi eq, %and3A_543, %eq3A_545 : vector<16xi32>
        %jit3A_547 = arith.constant 0.000000e+00 : f32
        %broadcast_in_dim3A_548 = vector.broadcast %jit3A_547 : f32 to vector<16xf32>
        %select_n3A_549 = arith.select %eq3A_546, %abs3A, %broadcast_in_dim3A_548 : vector<16xi1>, vector<16xf32>
        %add3A_550 = arith.addf %scan3A_505, %select_n3A_549 : vector<16xf32>
        %gather3A_551 = arith.constant 4 : i32
        %gather3A_552 = tpu.memref_slice %arg11[%gather3A_551, %mul3A_509] : memref<8x2048xf32, #tpu.memory_space<vmem>> -> memref<1x64xf32, #tpu.memory_space<vmem>>
        %gather3A_553 = tpu.memref_squeeze %gather3A_552 : memref<1x64xf32, #tpu.memory_space<vmem>> -> memref<64xf32, #tpu.memory_space<vmem>>
        %gather3A_554 = tpu.vector_load_idx %gather3A_553[%add3A_12] : memref<64xf32, #tpu.memory_space<vmem>>[vector<16xi32>], vector<16xf32>,
        %gather3A_555 = arith.constant 4 : i32
        %gather3A_556 = tpu.memref_slice %arg13[%gather3A_555, %mul3A_509] : memref<8x2048xf32, #tpu.memory_space<vmem>> -> memref<1x64xf32, #tpu.memory_space<vmem>>
        %gather3A_557 = tpu.memref_squeeze %gather3A_556 : memref<1x64xf32, #tpu.memory_space<vmem>> -> memref<64xf32, #tpu.memory_space<vmem>>
        %gather3A_558 = tpu.vector_load_idx %gather3A_557[%add3A_12] : memref<64xf32, #tpu.memory_space<vmem>>[vector<16xi32>], vector<16xf32>,
        %sub3A_559 = arith.subf %gather3A_554, %gather3A_558 : vector<16xf32>
        %abs3A_560 = math.absf %sub3A_559 : vector<16xf32>
        %and3A_561 = arith.constant 256 : i32
        %and3A_562 = vector.broadcast %and3A_561 : i32 to vector<16xi32>
        %and3A_563 = arith.andi %get3A_514, %and3A_562 : vector<16xi32>
        %eq3A_564 = arith.constant 0 : i32
        %eq3A_565 = vector.broadcast %eq3A_564 : i32 to vector<16xi32>
        %eq3A_566 = arith.cmpi eq, %and3A_563, %eq3A_565 : vector<16xi32>
        %jit3A_567 = arith.constant 0.000000e+00 : f32
        %broadcast_in_dim3A_568 = vector.broadcast %jit3A_567 : f32 to vector<16xf32>
        %select_n3A_569 = arith.select %eq3A_566, %abs3A_560, %broadcast_in_dim3A_568 : vector<16xi1>, vector<16xf32>
        %add3A_570 = arith.addf %add3A_540, %select_n3A_569 : vector<16xf32>
        %and3A_571 = arith.constant 256 : i32
        %and3A_572 = vector.broadcast %and3A_571 : i32 to vector<16xi32>
        %and3A_573 = arith.andi %get3A_520, %and3A_572 : vector<16xi32>
        %eq3A_574 = arith.constant 0 : i32
        %eq3A_575 = vector.broadcast %eq3A_574 : i32 to vector<16xi32>
        %eq3A_576 = arith.cmpi eq, %and3A_573, %eq3A_575 : vector<16xi32>
        %jit3A_577 = arith.constant 0.000000e+00 : f32
        %broadcast_in_dim3A_578 = vector.broadcast %jit3A_577 : f32 to vector<16xf32>
        %select_n3A_579 = arith.select %eq3A_576, %abs3A_560, %broadcast_in_dim3A_578 : vector<16xi1>, vector<16xf32>
        %add3A_580 = arith.addf %add3A_550, %select_n3A_579 : vector<16xf32>
        %gather3A_581 = arith.constant 4 : i32
        %gather3A_582 = tpu.memref_slice %arg11[%gather3A_581, %mul3A_509] : memref<8x2048xf32, #tpu.memory_space<vmem>> -> memref<1x64xf32, #tpu.memory_space<vmem>>
        %gather3A_583 = tpu.memref_squeeze %gather3A_582 : memref<1x64xf32, #tpu.memory_space<vmem>> -> memref<64xf32, #tpu.memory_space<vmem>>
        %gather3A_584 = tpu.vector_load_idx %gather3A_583[%add3A_18] : memref<64xf32, #tpu.memory_space<vmem>>[vector<16xi32>], vector<16xf32>,
        %gather3A_585 = arith.constant 4 : i32
        %gather3A_586 = tpu.memref_slice %arg13[%gather3A_585, %mul3A_509] : memref<8x2048xf32, #tpu.memory_space<vmem>> -> memref<1x64xf32, #tpu.memory_space<vmem>>
        %gather3A_587 = tpu.memref_squeeze %gather3A_586 : memref<1x64xf32, #tpu.memory_space<vmem>> -> memref<64xf32, #tpu.memory_space<vmem>>
        %gather3A_588 = tpu.vector_load_idx %gather3A_587[%add3A_18] : memref<64xf32, #tpu.memory_space<vmem>>[vector<16xi32>], vector<16xf32>,
        %sub3A_589 = arith.subf %gather3A_584, %gather3A_588 : vector<16xf32>
        %abs3A_590 = math.absf %sub3A_589 : vector<16xf32>
        %and3A_591 = arith.constant 65536 : i32
        %and3A_592 = vector.broadcast %and3A_591 : i32 to vector<16xi32>
        %and3A_593 = arith.andi %get3A_514, %and3A_592 : vector<16xi32>
        %eq3A_594 = arith.constant 0 : i32
        %eq3A_595 = vector.broadcast %eq3A_594 : i32 to vector<16xi32>
        %eq3A_596 = arith.cmpi eq, %and3A_593, %eq3A_595 : vector<16xi32>
        %jit3A_597 = arith.constant 0.000000e+00 : f32
        %broadcast_in_dim3A_598 = vector.broadcast %jit3A_597 : f32 to vector<16xf32>
        %select_n3A_599 = arith.select %eq3A_596, %abs3A_590, %broadcast_in_dim3A_598 : vector<16xi1>, vector<16xf32>
        %add3A_600 = arith.addf %add3A_570, %select_n3A_599 : vector<16xf32>
        %and3A_601 = arith.constant 65536 : i32
        %and3A_602 = vector.broadcast %and3A_601 : i32 to vector<16xi32>
        %and3A_603 = arith.andi %get3A_520, %and3A_602 : vector<16xi32>
        %eq3A_604 = arith.constant 0 : i32
        %eq3A_605 = vector.broadcast %eq3A_604 : i32 to vector<16xi32>
        %eq3A_606 = arith.cmpi eq, %and3A_603, %eq3A_605 : vector<16xi32>
        %jit3A_607 = arith.constant 0.000000e+00 : f32
        %broadcast_in_dim3A_608 = vector.broadcast %jit3A_607 : f32 to vector<16xf32>
        %select_n3A_609 = arith.select %eq3A_606, %abs3A_590, %broadcast_in_dim3A_608 : vector<16xi1>, vector<16xf32>
        %add3A_610 = arith.addf %add3A_580, %select_n3A_609 : vector<16xf32>
        %gather3A_611 = arith.constant 4 : i32
        %gather3A_612 = tpu.memref_slice %arg11[%gather3A_611, %mul3A_509] : memref<8x2048xf32, #tpu.memory_space<vmem>> -> memref<1x64xf32, #tpu.memory_space<vmem>>
        %gather3A_613 = tpu.memref_squeeze %gather3A_612 : memref<1x64xf32, #tpu.memory_space<vmem>> -> memref<64xf32, #tpu.memory_space<vmem>>
        %gather3A_614 = tpu.vector_load_idx %gather3A_613[%add3A_24] : memref<64xf32, #tpu.memory_space<vmem>>[vector<16xi32>], vector<16xf32>,
        %gather3A_615 = arith.constant 4 : i32
        %gather3A_616 = tpu.memref_slice %arg13[%gather3A_615, %mul3A_509] : memref<8x2048xf32, #tpu.memory_space<vmem>> -> memref<1x64xf32, #tpu.memory_space<vmem>>
        %gather3A_617 = tpu.memref_squeeze %gather3A_616 : memref<1x64xf32, #tpu.memory_space<vmem>> -> memref<64xf32, #tpu.memory_space<vmem>>
        %gather3A_618 = tpu.vector_load_idx %gather3A_617[%add3A_24] : memref<64xf32, #tpu.memory_space<vmem>>[vector<16xi32>], vector<16xf32>,
        %sub3A_619 = arith.subf %gather3A_614, %gather3A_618 : vector<16xf32>
        %abs3A_620 = math.absf %sub3A_619 : vector<16xf32>
        %and3A_621 = arith.constant 16777216 : i32
        %and3A_622 = vector.broadcast %and3A_621 : i32 to vector<16xi32>
        %and3A_623 = arith.andi %get3A_514, %and3A_622 : vector<16xi32>
        %eq3A_624 = arith.constant 0 : i32
        %eq3A_625 = vector.broadcast %eq3A_624 : i32 to vector<16xi32>
        %eq3A_626 = arith.cmpi eq, %and3A_623, %eq3A_625 : vector<16xi32>
        %jit3A_627 = arith.constant 0.000000e+00 : f32
        %broadcast_in_dim3A_628 = vector.broadcast %jit3A_627 : f32 to vector<16xf32>
        %select_n3A_629 = arith.select %eq3A_626, %abs3A_620, %broadcast_in_dim3A_628 : vector<16xi1>, vector<16xf32>
        %add3A_630 = arith.addf %add3A_600, %select_n3A_629 : vector<16xf32>
        %and3A_631 = arith.constant 16777216 : i32
        %and3A_632 = vector.broadcast %and3A_631 : i32 to vector<16xi32>
        %and3A_633 = arith.andi %get3A_520, %and3A_632 : vector<16xi32>
        %eq3A_634 = arith.constant 0 : i32
        %eq3A_635 = vector.broadcast %eq3A_634 : i32 to vector<16xi32>
        %eq3A_636 = arith.cmpi eq, %and3A_633, %eq3A_635 : vector<16xi32>
        %jit3A_637 = arith.constant 0.000000e+00 : f32
        %broadcast_in_dim3A_638 = vector.broadcast %jit3A_637 : f32 to vector<16xf32>
        %select_n3A_639 = arith.select %eq3A_636, %abs3A_620, %broadcast_in_dim3A_638 : vector<16xi1>, vector<16xf32>
        %add3A_640 = arith.addf %add3A_610, %select_n3A_639 : vector<16xf32>
        scf.yield %add3A_630, %add3A_640, %add3A_521, %add3A_522 : vector<16xf32>, vector<16xf32>, vector<16xi32>, vector<16xi32>
      }
      %scan3A_427 = arith.constant 32 : i32
      %scan3A_428 = arith.constant 0 : i32
      %scan3A_429 = arith.constant 32 : i32
      %scan3A_430 = arith.addi %scan3A_428, %scan3A_429 : i32
      %scan3A_431 = arith.constant 1 : i32
      %scan3A_432:4 = scf.for %scan3A_503 = %scan3A_428 to %scan3A_430 step %scan3A_431 iter_args(%scan3A_504 = %scan3A_426#0, %scan3A_505 = %scan3A_426#1, %scan3A_506 = %scan3A_426#2, %scan3A_507 = %scan3A_426#3) -> (vector<16xf32>, vector<16xf32>, vector<16xi32>, vector<16xi32>)  : i32 {
        %mul3A_508 = arith.constant 64 : i32
        %mul3A_509 = arith.muli %scan3A_503, %mul3A_508 : i32
        %mul3A_510 = arith.constant 16 : i32
        %mul3A_511 = arith.muli %scan3A_503, %mul3A_510 : i32
        %get3A = arith.constant 5 : i32
        %get3A_512 = arith.index_cast %get3A : i32 to index
        %get3A_513 = arith.index_cast %mul3A_511 : i32 to index
        %get3A_514 = tpu.vector_load %arg15[%get3A_512, %get3A_513] {strides = array<i32>} : memref<8x512xi32, #tpu.memory_space<vmem>>, vector<16xi32>,
        %mul3A_515 = arith.constant 16 : i32
        %mul3A_516 = arith.muli %scan3A_503, %mul3A_515 : i32
        %get3A_517 = arith.constant 5 : i32
        %get3A_518 = arith.index_cast %get3A_517 : i32 to index
        %get3A_519 = arith.index_cast %mul3A_516 : i32 to index
        %get3A_520 = tpu.vector_load %arg17[%get3A_518, %get3A_519] {strides = array<i32>} : memref<8x512xi32, #tpu.memory_space<vmem>>, vector<16xi32>,
        %add3A_521 = arith.addi %scan3A_506, %get3A_514 : vector<16xi32>
        %add3A_522 = arith.addi %scan3A_507, %get3A_520 : vector<16xi32>
        %gather3A = arith.constant 5 : i32
        %gather3A_523 = tpu.memref_slice %arg11[%gather3A, %mul3A_509] : memref<8x2048xf32, #tpu.memory_space<vmem>> -> memref<1x64xf32, #tpu.memory_space<vmem>>
        %gather3A_524 = tpu.memref_squeeze %gather3A_523 : memref<1x64xf32, #tpu.memory_space<vmem>> -> memref<64xf32, #tpu.memory_space<vmem>>
        %gather3A_525 = tpu.vector_load_idx %gather3A_524[%add3A_6] : memref<64xf32, #tpu.memory_space<vmem>>[vector<16xi32>], vector<16xf32>,
        %gather3A_526 = arith.constant 5 : i32
        %gather3A_527 = tpu.memref_slice %arg13[%gather3A_526, %mul3A_509] : memref<8x2048xf32, #tpu.memory_space<vmem>> -> memref<1x64xf32, #tpu.memory_space<vmem>>
        %gather3A_528 = tpu.memref_squeeze %gather3A_527 : memref<1x64xf32, #tpu.memory_space<vmem>> -> memref<64xf32, #tpu.memory_space<vmem>>
        %gather3A_529 = tpu.vector_load_idx %gather3A_528[%add3A_6] : memref<64xf32, #tpu.memory_space<vmem>>[vector<16xi32>], vector<16xf32>,
        %sub3A_530 = arith.subf %gather3A_525, %gather3A_529 : vector<16xf32>
        %abs3A = math.absf %sub3A_530 : vector<16xf32>
        %and3A_531 = arith.constant 1 : i32
        %and3A_532 = vector.broadcast %and3A_531 : i32 to vector<16xi32>
        %and3A_533 = arith.andi %get3A_514, %and3A_532 : vector<16xi32>
        %eq3A_534 = arith.constant 0 : i32
        %eq3A_535 = vector.broadcast %eq3A_534 : i32 to vector<16xi32>
        %eq3A_536 = arith.cmpi eq, %and3A_533, %eq3A_535 : vector<16xi32>
        %jit3A_537 = arith.constant 0.000000e+00 : f32
        %broadcast_in_dim3A_538 = vector.broadcast %jit3A_537 : f32 to vector<16xf32>
        %select_n3A_539 = arith.select %eq3A_536, %abs3A, %broadcast_in_dim3A_538 : vector<16xi1>, vector<16xf32>
        %add3A_540 = arith.addf %scan3A_504, %select_n3A_539 : vector<16xf32>
        %and3A_541 = arith.constant 1 : i32
        %and3A_542 = vector.broadcast %and3A_541 : i32 to vector<16xi32>
        %and3A_543 = arith.andi %get3A_520, %and3A_542 : vector<16xi32>
        %eq3A_544 = arith.constant 0 : i32
        %eq3A_545 = vector.broadcast %eq3A_544 : i32 to vector<16xi32>
        %eq3A_546 = arith.cmpi eq, %and3A_543, %eq3A_545 : vector<16xi32>
        %jit3A_547 = arith.constant 0.000000e+00 : f32
        %broadcast_in_dim3A_548 = vector.broadcast %jit3A_547 : f32 to vector<16xf32>
        %select_n3A_549 = arith.select %eq3A_546, %abs3A, %broadcast_in_dim3A_548 : vector<16xi1>, vector<16xf32>
        %add3A_550 = arith.addf %scan3A_505, %select_n3A_549 : vector<16xf32>
        %gather3A_551 = arith.constant 5 : i32
        %gather3A_552 = tpu.memref_slice %arg11[%gather3A_551, %mul3A_509] : memref<8x2048xf32, #tpu.memory_space<vmem>> -> memref<1x64xf32, #tpu.memory_space<vmem>>
        %gather3A_553 = tpu.memref_squeeze %gather3A_552 : memref<1x64xf32, #tpu.memory_space<vmem>> -> memref<64xf32, #tpu.memory_space<vmem>>
        %gather3A_554 = tpu.vector_load_idx %gather3A_553[%add3A_12] : memref<64xf32, #tpu.memory_space<vmem>>[vector<16xi32>], vector<16xf32>,
        %gather3A_555 = arith.constant 5 : i32
        %gather3A_556 = tpu.memref_slice %arg13[%gather3A_555, %mul3A_509] : memref<8x2048xf32, #tpu.memory_space<vmem>> -> memref<1x64xf32, #tpu.memory_space<vmem>>
        %gather3A_557 = tpu.memref_squeeze %gather3A_556 : memref<1x64xf32, #tpu.memory_space<vmem>> -> memref<64xf32, #tpu.memory_space<vmem>>
        %gather3A_558 = tpu.vector_load_idx %gather3A_557[%add3A_12] : memref<64xf32, #tpu.memory_space<vmem>>[vector<16xi32>], vector<16xf32>,
        %sub3A_559 = arith.subf %gather3A_554, %gather3A_558 : vector<16xf32>
        %abs3A_560 = math.absf %sub3A_559 : vector<16xf32>
        %and3A_561 = arith.constant 256 : i32
        %and3A_562 = vector.broadcast %and3A_561 : i32 to vector<16xi32>
        %and3A_563 = arith.andi %get3A_514, %and3A_562 : vector<16xi32>
        %eq3A_564 = arith.constant 0 : i32
        %eq3A_565 = vector.broadcast %eq3A_564 : i32 to vector<16xi32>
        %eq3A_566 = arith.cmpi eq, %and3A_563, %eq3A_565 : vector<16xi32>
        %jit3A_567 = arith.constant 0.000000e+00 : f32
        %broadcast_in_dim3A_568 = vector.broadcast %jit3A_567 : f32 to vector<16xf32>
        %select_n3A_569 = arith.select %eq3A_566, %abs3A_560, %broadcast_in_dim3A_568 : vector<16xi1>, vector<16xf32>
        %add3A_570 = arith.addf %add3A_540, %select_n3A_569 : vector<16xf32>
        %and3A_571 = arith.constant 256 : i32
        %and3A_572 = vector.broadcast %and3A_571 : i32 to vector<16xi32>
        %and3A_573 = arith.andi %get3A_520, %and3A_572 : vector<16xi32>
        %eq3A_574 = arith.constant 0 : i32
        %eq3A_575 = vector.broadcast %eq3A_574 : i32 to vector<16xi32>
        %eq3A_576 = arith.cmpi eq, %and3A_573, %eq3A_575 : vector<16xi32>
        %jit3A_577 = arith.constant 0.000000e+00 : f32
        %broadcast_in_dim3A_578 = vector.broadcast %jit3A_577 : f32 to vector<16xf32>
        %select_n3A_579 = arith.select %eq3A_576, %abs3A_560, %broadcast_in_dim3A_578 : vector<16xi1>, vector<16xf32>
        %add3A_580 = arith.addf %add3A_550, %select_n3A_579 : vector<16xf32>
        %gather3A_581 = arith.constant 5 : i32
        %gather3A_582 = tpu.memref_slice %arg11[%gather3A_581, %mul3A_509] : memref<8x2048xf32, #tpu.memory_space<vmem>> -> memref<1x64xf32, #tpu.memory_space<vmem>>
        %gather3A_583 = tpu.memref_squeeze %gather3A_582 : memref<1x64xf32, #tpu.memory_space<vmem>> -> memref<64xf32, #tpu.memory_space<vmem>>
        %gather3A_584 = tpu.vector_load_idx %gather3A_583[%add3A_18] : memref<64xf32, #tpu.memory_space<vmem>>[vector<16xi32>], vector<16xf32>,
        %gather3A_585 = arith.constant 5 : i32
        %gather3A_586 = tpu.memref_slice %arg13[%gather3A_585, %mul3A_509] : memref<8x2048xf32, #tpu.memory_space<vmem>> -> memref<1x64xf32, #tpu.memory_space<vmem>>
        %gather3A_587 = tpu.memref_squeeze %gather3A_586 : memref<1x64xf32, #tpu.memory_space<vmem>> -> memref<64xf32, #tpu.memory_space<vmem>>
        %gather3A_588 = tpu.vector_load_idx %gather3A_587[%add3A_18] : memref<64xf32, #tpu.memory_space<vmem>>[vector<16xi32>], vector<16xf32>,
        %sub3A_589 = arith.subf %gather3A_584, %gather3A_588 : vector<16xf32>
        %abs3A_590 = math.absf %sub3A_589 : vector<16xf32>
        %and3A_591 = arith.constant 65536 : i32
        %and3A_592 = vector.broadcast %and3A_591 : i32 to vector<16xi32>
        %and3A_593 = arith.andi %get3A_514, %and3A_592 : vector<16xi32>
        %eq3A_594 = arith.constant 0 : i32
        %eq3A_595 = vector.broadcast %eq3A_594 : i32 to vector<16xi32>
        %eq3A_596 = arith.cmpi eq, %and3A_593, %eq3A_595 : vector<16xi32>
        %jit3A_597 = arith.constant 0.000000e+00 : f32
        %broadcast_in_dim3A_598 = vector.broadcast %jit3A_597 : f32 to vector<16xf32>
        %select_n3A_599 = arith.select %eq3A_596, %abs3A_590, %broadcast_in_dim3A_598 : vector<16xi1>, vector<16xf32>
        %add3A_600 = arith.addf %add3A_570, %select_n3A_599 : vector<16xf32>
        %and3A_601 = arith.constant 65536 : i32
        %and3A_602 = vector.broadcast %and3A_601 : i32 to vector<16xi32>
        %and3A_603 = arith.andi %get3A_520, %and3A_602 : vector<16xi32>
        %eq3A_604 = arith.constant 0 : i32
        %eq3A_605 = vector.broadcast %eq3A_604 : i32 to vector<16xi32>
        %eq3A_606 = arith.cmpi eq, %and3A_603, %eq3A_605 : vector<16xi32>
        %jit3A_607 = arith.constant 0.000000e+00 : f32
        %broadcast_in_dim3A_608 = vector.broadcast %jit3A_607 : f32 to vector<16xf32>
        %select_n3A_609 = arith.select %eq3A_606, %abs3A_590, %broadcast_in_dim3A_608 : vector<16xi1>, vector<16xf32>
        %add3A_610 = arith.addf %add3A_580, %select_n3A_609 : vector<16xf32>
        %gather3A_611 = arith.constant 5 : i32
        %gather3A_612 = tpu.memref_slice %arg11[%gather3A_611, %mul3A_509] : memref<8x2048xf32, #tpu.memory_space<vmem>> -> memref<1x64xf32, #tpu.memory_space<vmem>>
        %gather3A_613 = tpu.memref_squeeze %gather3A_612 : memref<1x64xf32, #tpu.memory_space<vmem>> -> memref<64xf32, #tpu.memory_space<vmem>>
        %gather3A_614 = tpu.vector_load_idx %gather3A_613[%add3A_24] : memref<64xf32, #tpu.memory_space<vmem>>[vector<16xi32>], vector<16xf32>,
        %gather3A_615 = arith.constant 5 : i32
        %gather3A_616 = tpu.memref_slice %arg13[%gather3A_615, %mul3A_509] : memref<8x2048xf32, #tpu.memory_space<vmem>> -> memref<1x64xf32, #tpu.memory_space<vmem>>
        %gather3A_617 = tpu.memref_squeeze %gather3A_616 : memref<1x64xf32, #tpu.memory_space<vmem>> -> memref<64xf32, #tpu.memory_space<vmem>>
        %gather3A_618 = tpu.vector_load_idx %gather3A_617[%add3A_24] : memref<64xf32, #tpu.memory_space<vmem>>[vector<16xi32>], vector<16xf32>,
        %sub3A_619 = arith.subf %gather3A_614, %gather3A_618 : vector<16xf32>
        %abs3A_620 = math.absf %sub3A_619 : vector<16xf32>
        %and3A_621 = arith.constant 16777216 : i32
        %and3A_622 = vector.broadcast %and3A_621 : i32 to vector<16xi32>
        %and3A_623 = arith.andi %get3A_514, %and3A_622 : vector<16xi32>
        %eq3A_624 = arith.constant 0 : i32
        %eq3A_625 = vector.broadcast %eq3A_624 : i32 to vector<16xi32>
        %eq3A_626 = arith.cmpi eq, %and3A_623, %eq3A_625 : vector<16xi32>
        %jit3A_627 = arith.constant 0.000000e+00 : f32
        %broadcast_in_dim3A_628 = vector.broadcast %jit3A_627 : f32 to vector<16xf32>
        %select_n3A_629 = arith.select %eq3A_626, %abs3A_620, %broadcast_in_dim3A_628 : vector<16xi1>, vector<16xf32>
        %add3A_630 = arith.addf %add3A_600, %select_n3A_629 : vector<16xf32>
        %and3A_631 = arith.constant 16777216 : i32
        %and3A_632 = vector.broadcast %and3A_631 : i32 to vector<16xi32>
        %and3A_633 = arith.andi %get3A_520, %and3A_632 : vector<16xi32>
        %eq3A_634 = arith.constant 0 : i32
        %eq3A_635 = vector.broadcast %eq3A_634 : i32 to vector<16xi32>
        %eq3A_636 = arith.cmpi eq, %and3A_633, %eq3A_635 : vector<16xi32>
        %jit3A_637 = arith.constant 0.000000e+00 : f32
        %broadcast_in_dim3A_638 = vector.broadcast %jit3A_637 : f32 to vector<16xf32>
        %select_n3A_639 = arith.select %eq3A_636, %abs3A_620, %broadcast_in_dim3A_638 : vector<16xi1>, vector<16xf32>
        %add3A_640 = arith.addf %add3A_610, %select_n3A_639 : vector<16xf32>
        scf.yield %add3A_630, %add3A_640, %add3A_521, %add3A_522 : vector<16xf32>, vector<16xf32>, vector<16xi32>, vector<16xi32>
      }
      %scan3A_433 = arith.constant 32 : i32
      %scan3A_434 = arith.constant 0 : i32
      %scan3A_435 = arith.constant 32 : i32
      %scan3A_436 = arith.addi %scan3A_434, %scan3A_435 : i32
      %scan3A_437 = arith.constant 1 : i32
      %scan3A_438:4 = scf.for %scan3A_503 = %scan3A_434 to %scan3A_436 step %scan3A_437 iter_args(%scan3A_504 = %scan3A_432#0, %scan3A_505 = %scan3A_432#1, %scan3A_506 = %scan3A_432#2, %scan3A_507 = %scan3A_432#3) -> (vector<16xf32>, vector<16xf32>, vector<16xi32>, vector<16xi32>)  : i32 {
        %mul3A_508 = arith.constant 64 : i32
        %mul3A_509 = arith.muli %scan3A_503, %mul3A_508 : i32
        %mul3A_510 = arith.constant 16 : i32
        %mul3A_511 = arith.muli %scan3A_503, %mul3A_510 : i32
        %get3A = arith.constant 6 : i32
        %get3A_512 = arith.index_cast %get3A : i32 to index
        %get3A_513 = arith.index_cast %mul3A_511 : i32 to index
        %get3A_514 = tpu.vector_load %arg15[%get3A_512, %get3A_513] {strides = array<i32>} : memref<8x512xi32, #tpu.memory_space<vmem>>, vector<16xi32>,
        %mul3A_515 = arith.constant 16 : i32
        %mul3A_516 = arith.muli %scan3A_503, %mul3A_515 : i32
        %get3A_517 = arith.constant 6 : i32
        %get3A_518 = arith.index_cast %get3A_517 : i32 to index
        %get3A_519 = arith.index_cast %mul3A_516 : i32 to index
        %get3A_520 = tpu.vector_load %arg17[%get3A_518, %get3A_519] {strides = array<i32>} : memref<8x512xi32, #tpu.memory_space<vmem>>, vector<16xi32>,
        %add3A_521 = arith.addi %scan3A_506, %get3A_514 : vector<16xi32>
        %add3A_522 = arith.addi %scan3A_507, %get3A_520 : vector<16xi32>
        %gather3A = arith.constant 6 : i32
        %gather3A_523 = tpu.memref_slice %arg11[%gather3A, %mul3A_509] : memref<8x2048xf32, #tpu.memory_space<vmem>> -> memref<1x64xf32, #tpu.memory_space<vmem>>
        %gather3A_524 = tpu.memref_squeeze %gather3A_523 : memref<1x64xf32, #tpu.memory_space<vmem>> -> memref<64xf32, #tpu.memory_space<vmem>>
        %gather3A_525 = tpu.vector_load_idx %gather3A_524[%add3A_6] : memref<64xf32, #tpu.memory_space<vmem>>[vector<16xi32>], vector<16xf32>,
        %gather3A_526 = arith.constant 6 : i32
        %gather3A_527 = tpu.memref_slice %arg13[%gather3A_526, %mul3A_509] : memref<8x2048xf32, #tpu.memory_space<vmem>> -> memref<1x64xf32, #tpu.memory_space<vmem>>
        %gather3A_528 = tpu.memref_squeeze %gather3A_527 : memref<1x64xf32, #tpu.memory_space<vmem>> -> memref<64xf32, #tpu.memory_space<vmem>>
        %gather3A_529 = tpu.vector_load_idx %gather3A_528[%add3A_6] : memref<64xf32, #tpu.memory_space<vmem>>[vector<16xi32>], vector<16xf32>,
        %sub3A_530 = arith.subf %gather3A_525, %gather3A_529 : vector<16xf32>
        %abs3A = math.absf %sub3A_530 : vector<16xf32>
        %and3A_531 = arith.constant 1 : i32
        %and3A_532 = vector.broadcast %and3A_531 : i32 to vector<16xi32>
        %and3A_533 = arith.andi %get3A_514, %and3A_532 : vector<16xi32>
        %eq3A_534 = arith.constant 0 : i32
        %eq3A_535 = vector.broadcast %eq3A_534 : i32 to vector<16xi32>
        %eq3A_536 = arith.cmpi eq, %and3A_533, %eq3A_535 : vector<16xi32>
        %jit3A_537 = arith.constant 0.000000e+00 : f32
        %broadcast_in_dim3A_538 = vector.broadcast %jit3A_537 : f32 to vector<16xf32>
        %select_n3A_539 = arith.select %eq3A_536, %abs3A, %broadcast_in_dim3A_538 : vector<16xi1>, vector<16xf32>
        %add3A_540 = arith.addf %scan3A_504, %select_n3A_539 : vector<16xf32>
        %and3A_541 = arith.constant 1 : i32
        %and3A_542 = vector.broadcast %and3A_541 : i32 to vector<16xi32>
        %and3A_543 = arith.andi %get3A_520, %and3A_542 : vector<16xi32>
        %eq3A_544 = arith.constant 0 : i32
        %eq3A_545 = vector.broadcast %eq3A_544 : i32 to vector<16xi32>
        %eq3A_546 = arith.cmpi eq, %and3A_543, %eq3A_545 : vector<16xi32>
        %jit3A_547 = arith.constant 0.000000e+00 : f32
        %broadcast_in_dim3A_548 = vector.broadcast %jit3A_547 : f32 to vector<16xf32>
        %select_n3A_549 = arith.select %eq3A_546, %abs3A, %broadcast_in_dim3A_548 : vector<16xi1>, vector<16xf32>
        %add3A_550 = arith.addf %scan3A_505, %select_n3A_549 : vector<16xf32>
        %gather3A_551 = arith.constant 6 : i32
        %gather3A_552 = tpu.memref_slice %arg11[%gather3A_551, %mul3A_509] : memref<8x2048xf32, #tpu.memory_space<vmem>> -> memref<1x64xf32, #tpu.memory_space<vmem>>
        %gather3A_553 = tpu.memref_squeeze %gather3A_552 : memref<1x64xf32, #tpu.memory_space<vmem>> -> memref<64xf32, #tpu.memory_space<vmem>>
        %gather3A_554 = tpu.vector_load_idx %gather3A_553[%add3A_12] : memref<64xf32, #tpu.memory_space<vmem>>[vector<16xi32>], vector<16xf32>,
        %gather3A_555 = arith.constant 6 : i32
        %gather3A_556 = tpu.memref_slice %arg13[%gather3A_555, %mul3A_509] : memref<8x2048xf32, #tpu.memory_space<vmem>> -> memref<1x64xf32, #tpu.memory_space<vmem>>
        %gather3A_557 = tpu.memref_squeeze %gather3A_556 : memref<1x64xf32, #tpu.memory_space<vmem>> -> memref<64xf32, #tpu.memory_space<vmem>>
        %gather3A_558 = tpu.vector_load_idx %gather3A_557[%add3A_12] : memref<64xf32, #tpu.memory_space<vmem>>[vector<16xi32>], vector<16xf32>,
        %sub3A_559 = arith.subf %gather3A_554, %gather3A_558 : vector<16xf32>
        %abs3A_560 = math.absf %sub3A_559 : vector<16xf32>
        %and3A_561 = arith.constant 256 : i32
        %and3A_562 = vector.broadcast %and3A_561 : i32 to vector<16xi32>
        %and3A_563 = arith.andi %get3A_514, %and3A_562 : vector<16xi32>
        %eq3A_564 = arith.constant 0 : i32
        %eq3A_565 = vector.broadcast %eq3A_564 : i32 to vector<16xi32>
        %eq3A_566 = arith.cmpi eq, %and3A_563, %eq3A_565 : vector<16xi32>
        %jit3A_567 = arith.constant 0.000000e+00 : f32
        %broadcast_in_dim3A_568 = vector.broadcast %jit3A_567 : f32 to vector<16xf32>
        %select_n3A_569 = arith.select %eq3A_566, %abs3A_560, %broadcast_in_dim3A_568 : vector<16xi1>, vector<16xf32>
        %add3A_570 = arith.addf %add3A_540, %select_n3A_569 : vector<16xf32>
        %and3A_571 = arith.constant 256 : i32
        %and3A_572 = vector.broadcast %and3A_571 : i32 to vector<16xi32>
        %and3A_573 = arith.andi %get3A_520, %and3A_572 : vector<16xi32>
        %eq3A_574 = arith.constant 0 : i32
        %eq3A_575 = vector.broadcast %eq3A_574 : i32 to vector<16xi32>
        %eq3A_576 = arith.cmpi eq, %and3A_573, %eq3A_575 : vector<16xi32>
        %jit3A_577 = arith.constant 0.000000e+00 : f32
        %broadcast_in_dim3A_578 = vector.broadcast %jit3A_577 : f32 to vector<16xf32>
        %select_n3A_579 = arith.select %eq3A_576, %abs3A_560, %broadcast_in_dim3A_578 : vector<16xi1>, vector<16xf32>
        %add3A_580 = arith.addf %add3A_550, %select_n3A_579 : vector<16xf32>
        %gather3A_581 = arith.constant 6 : i32
        %gather3A_582 = tpu.memref_slice %arg11[%gather3A_581, %mul3A_509] : memref<8x2048xf32, #tpu.memory_space<vmem>> -> memref<1x64xf32, #tpu.memory_space<vmem>>
        %gather3A_583 = tpu.memref_squeeze %gather3A_582 : memref<1x64xf32, #tpu.memory_space<vmem>> -> memref<64xf32, #tpu.memory_space<vmem>>
        %gather3A_584 = tpu.vector_load_idx %gather3A_583[%add3A_18] : memref<64xf32, #tpu.memory_space<vmem>>[vector<16xi32>], vector<16xf32>,
        %gather3A_585 = arith.constant 6 : i32
        %gather3A_586 = tpu.memref_slice %arg13[%gather3A_585, %mul3A_509] : memref<8x2048xf32, #tpu.memory_space<vmem>> -> memref<1x64xf32, #tpu.memory_space<vmem>>
        %gather3A_587 = tpu.memref_squeeze %gather3A_586 : memref<1x64xf32, #tpu.memory_space<vmem>> -> memref<64xf32, #tpu.memory_space<vmem>>
        %gather3A_588 = tpu.vector_load_idx %gather3A_587[%add3A_18] : memref<64xf32, #tpu.memory_space<vmem>>[vector<16xi32>], vector<16xf32>,
        %sub3A_589 = arith.subf %gather3A_584, %gather3A_588 : vector<16xf32>
        %abs3A_590 = math.absf %sub3A_589 : vector<16xf32>
        %and3A_591 = arith.constant 65536 : i32
        %and3A_592 = vector.broadcast %and3A_591 : i32 to vector<16xi32>
        %and3A_593 = arith.andi %get3A_514, %and3A_592 : vector<16xi32>
        %eq3A_594 = arith.constant 0 : i32
        %eq3A_595 = vector.broadcast %eq3A_594 : i32 to vector<16xi32>
        %eq3A_596 = arith.cmpi eq, %and3A_593, %eq3A_595 : vector<16xi32>
        %jit3A_597 = arith.constant 0.000000e+00 : f32
        %broadcast_in_dim3A_598 = vector.broadcast %jit3A_597 : f32 to vector<16xf32>
        %select_n3A_599 = arith.select %eq3A_596, %abs3A_590, %broadcast_in_dim3A_598 : vector<16xi1>, vector<16xf32>
        %add3A_600 = arith.addf %add3A_570, %select_n3A_599 : vector<16xf32>
        %and3A_601 = arith.constant 65536 : i32
        %and3A_602 = vector.broadcast %and3A_601 : i32 to vector<16xi32>
        %and3A_603 = arith.andi %get3A_520, %and3A_602 : vector<16xi32>
        %eq3A_604 = arith.constant 0 : i32
        %eq3A_605 = vector.broadcast %eq3A_604 : i32 to vector<16xi32>
        %eq3A_606 = arith.cmpi eq, %and3A_603, %eq3A_605 : vector<16xi32>
        %jit3A_607 = arith.constant 0.000000e+00 : f32
        %broadcast_in_dim3A_608 = vector.broadcast %jit3A_607 : f32 to vector<16xf32>
        %select_n3A_609 = arith.select %eq3A_606, %abs3A_590, %broadcast_in_dim3A_608 : vector<16xi1>, vector<16xf32>
        %add3A_610 = arith.addf %add3A_580, %select_n3A_609 : vector<16xf32>
        %gather3A_611 = arith.constant 6 : i32
        %gather3A_612 = tpu.memref_slice %arg11[%gather3A_611, %mul3A_509] : memref<8x2048xf32, #tpu.memory_space<vmem>> -> memref<1x64xf32, #tpu.memory_space<vmem>>
        %gather3A_613 = tpu.memref_squeeze %gather3A_612 : memref<1x64xf32, #tpu.memory_space<vmem>> -> memref<64xf32, #tpu.memory_space<vmem>>
        %gather3A_614 = tpu.vector_load_idx %gather3A_613[%add3A_24] : memref<64xf32, #tpu.memory_space<vmem>>[vector<16xi32>], vector<16xf32>,
        %gather3A_615 = arith.constant 6 : i32
        %gather3A_616 = tpu.memref_slice %arg13[%gather3A_615, %mul3A_509] : memref<8x2048xf32, #tpu.memory_space<vmem>> -> memref<1x64xf32, #tpu.memory_space<vmem>>
        %gather3A_617 = tpu.memref_squeeze %gather3A_616 : memref<1x64xf32, #tpu.memory_space<vmem>> -> memref<64xf32, #tpu.memory_space<vmem>>
        %gather3A_618 = tpu.vector_load_idx %gather3A_617[%add3A_24] : memref<64xf32, #tpu.memory_space<vmem>>[vector<16xi32>], vector<16xf32>,
        %sub3A_619 = arith.subf %gather3A_614, %gather3A_618 : vector<16xf32>
        %abs3A_620 = math.absf %sub3A_619 : vector<16xf32>
        %and3A_621 = arith.constant 16777216 : i32
        %and3A_622 = vector.broadcast %and3A_621 : i32 to vector<16xi32>
        %and3A_623 = arith.andi %get3A_514, %and3A_622 : vector<16xi32>
        %eq3A_624 = arith.constant 0 : i32
        %eq3A_625 = vector.broadcast %eq3A_624 : i32 to vector<16xi32>
        %eq3A_626 = arith.cmpi eq, %and3A_623, %eq3A_625 : vector<16xi32>
        %jit3A_627 = arith.constant 0.000000e+00 : f32
        %broadcast_in_dim3A_628 = vector.broadcast %jit3A_627 : f32 to vector<16xf32>
        %select_n3A_629 = arith.select %eq3A_626, %abs3A_620, %broadcast_in_dim3A_628 : vector<16xi1>, vector<16xf32>
        %add3A_630 = arith.addf %add3A_600, %select_n3A_629 : vector<16xf32>
        %and3A_631 = arith.constant 16777216 : i32
        %and3A_632 = vector.broadcast %and3A_631 : i32 to vector<16xi32>
        %and3A_633 = arith.andi %get3A_520, %and3A_632 : vector<16xi32>
        %eq3A_634 = arith.constant 0 : i32
        %eq3A_635 = vector.broadcast %eq3A_634 : i32 to vector<16xi32>
        %eq3A_636 = arith.cmpi eq, %and3A_633, %eq3A_635 : vector<16xi32>
        %jit3A_637 = arith.constant 0.000000e+00 : f32
        %broadcast_in_dim3A_638 = vector.broadcast %jit3A_637 : f32 to vector<16xf32>
        %select_n3A_639 = arith.select %eq3A_636, %abs3A_620, %broadcast_in_dim3A_638 : vector<16xi1>, vector<16xf32>
        %add3A_640 = arith.addf %add3A_610, %select_n3A_639 : vector<16xf32>
        scf.yield %add3A_630, %add3A_640, %add3A_521, %add3A_522 : vector<16xf32>, vector<16xf32>, vector<16xi32>, vector<16xi32>
      }
      %scan3A_439 = arith.constant 32 : i32
      %scan3A_440 = arith.constant 0 : i32
      %scan3A_441 = arith.constant 32 : i32
      %scan3A_442 = arith.addi %scan3A_440, %scan3A_441 : i32
      %scan3A_443 = arith.constant 1 : i32
      %scan3A_444:4 = scf.for %scan3A_503 = %scan3A_440 to %scan3A_442 step %scan3A_443 iter_args(%scan3A_504 = %scan3A_438#0, %scan3A_505 = %scan3A_438#1, %scan3A_506 = %scan3A_438#2, %scan3A_507 = %scan3A_438#3) -> (vector<16xf32>, vector<16xf32>, vector<16xi32>, vector<16xi32>)  : i32 {
        %mul3A_508 = arith.constant 64 : i32
        %mul3A_509 = arith.muli %scan3A_503, %mul3A_508 : i32
        %mul3A_510 = arith.constant 16 : i32
        %mul3A_511 = arith.muli %scan3A_503, %mul3A_510 : i32
        %get3A = arith.constant 7 : i32
        %get3A_512 = arith.index_cast %get3A : i32 to index
        %get3A_513 = arith.index_cast %mul3A_511 : i32 to index
        %get3A_514 = tpu.vector_load %arg15[%get3A_512, %get3A_513] {strides = array<i32>} : memref<8x512xi32, #tpu.memory_space<vmem>>, vector<16xi32>,
        %mul3A_515 = arith.constant 16 : i32
        %mul3A_516 = arith.muli %scan3A_503, %mul3A_515 : i32
        %get3A_517 = arith.constant 7 : i32
        %get3A_518 = arith.index_cast %get3A_517 : i32 to index
        %get3A_519 = arith.index_cast %mul3A_516 : i32 to index
        %get3A_520 = tpu.vector_load %arg17[%get3A_518, %get3A_519] {strides = array<i32>} : memref<8x512xi32, #tpu.memory_space<vmem>>, vector<16xi32>,
        %add3A_521 = arith.addi %scan3A_506, %get3A_514 : vector<16xi32>
        %add3A_522 = arith.addi %scan3A_507, %get3A_520 : vector<16xi32>
        %gather3A = arith.constant 7 : i32
        %gather3A_523 = tpu.memref_slice %arg11[%gather3A, %mul3A_509] : memref<8x2048xf32, #tpu.memory_space<vmem>> -> memref<1x64xf32, #tpu.memory_space<vmem>>
        %gather3A_524 = tpu.memref_squeeze %gather3A_523 : memref<1x64xf32, #tpu.memory_space<vmem>> -> memref<64xf32, #tpu.memory_space<vmem>>
        %gather3A_525 = tpu.vector_load_idx %gather3A_524[%add3A_6] : memref<64xf32, #tpu.memory_space<vmem>>[vector<16xi32>], vector<16xf32>,
        %gather3A_526 = arith.constant 7 : i32
        %gather3A_527 = tpu.memref_slice %arg13[%gather3A_526, %mul3A_509] : memref<8x2048xf32, #tpu.memory_space<vmem>> -> memref<1x64xf32, #tpu.memory_space<vmem>>
        %gather3A_528 = tpu.memref_squeeze %gather3A_527 : memref<1x64xf32, #tpu.memory_space<vmem>> -> memref<64xf32, #tpu.memory_space<vmem>>
        %gather3A_529 = tpu.vector_load_idx %gather3A_528[%add3A_6] : memref<64xf32, #tpu.memory_space<vmem>>[vector<16xi32>], vector<16xf32>,
        %sub3A_530 = arith.subf %gather3A_525, %gather3A_529 : vector<16xf32>
        %abs3A = math.absf %sub3A_530 : vector<16xf32>
        %and3A_531 = arith.constant 1 : i32
        %and3A_532 = vector.broadcast %and3A_531 : i32 to vector<16xi32>
        %and3A_533 = arith.andi %get3A_514, %and3A_532 : vector<16xi32>
        %eq3A_534 = arith.constant 0 : i32
        %eq3A_535 = vector.broadcast %eq3A_534 : i32 to vector<16xi32>
        %eq3A_536 = arith.cmpi eq, %and3A_533, %eq3A_535 : vector<16xi32>
        %jit3A_537 = arith.constant 0.000000e+00 : f32
        %broadcast_in_dim3A_538 = vector.broadcast %jit3A_537 : f32 to vector<16xf32>
        %select_n3A_539 = arith.select %eq3A_536, %abs3A, %broadcast_in_dim3A_538 : vector<16xi1>, vector<16xf32>
        %add3A_540 = arith.addf %scan3A_504, %select_n3A_539 : vector<16xf32>
        %and3A_541 = arith.constant 1 : i32
        %and3A_542 = vector.broadcast %and3A_541 : i32 to vector<16xi32>
        %and3A_543 = arith.andi %get3A_520, %and3A_542 : vector<16xi32>
        %eq3A_544 = arith.constant 0 : i32
        %eq3A_545 = vector.broadcast %eq3A_544 : i32 to vector<16xi32>
        %eq3A_546 = arith.cmpi eq, %and3A_543, %eq3A_545 : vector<16xi32>
        %jit3A_547 = arith.constant 0.000000e+00 : f32
        %broadcast_in_dim3A_548 = vector.broadcast %jit3A_547 : f32 to vector<16xf32>
        %select_n3A_549 = arith.select %eq3A_546, %abs3A, %broadcast_in_dim3A_548 : vector<16xi1>, vector<16xf32>
        %add3A_550 = arith.addf %scan3A_505, %select_n3A_549 : vector<16xf32>
        %gather3A_551 = arith.constant 7 : i32
        %gather3A_552 = tpu.memref_slice %arg11[%gather3A_551, %mul3A_509] : memref<8x2048xf32, #tpu.memory_space<vmem>> -> memref<1x64xf32, #tpu.memory_space<vmem>>
        %gather3A_553 = tpu.memref_squeeze %gather3A_552 : memref<1x64xf32, #tpu.memory_space<vmem>> -> memref<64xf32, #tpu.memory_space<vmem>>
        %gather3A_554 = tpu.vector_load_idx %gather3A_553[%add3A_12] : memref<64xf32, #tpu.memory_space<vmem>>[vector<16xi32>], vector<16xf32>,
        %gather3A_555 = arith.constant 7 : i32
        %gather3A_556 = tpu.memref_slice %arg13[%gather3A_555, %mul3A_509] : memref<8x2048xf32, #tpu.memory_space<vmem>> -> memref<1x64xf32, #tpu.memory_space<vmem>>
        %gather3A_557 = tpu.memref_squeeze %gather3A_556 : memref<1x64xf32, #tpu.memory_space<vmem>> -> memref<64xf32, #tpu.memory_space<vmem>>
        %gather3A_558 = tpu.vector_load_idx %gather3A_557[%add3A_12] : memref<64xf32, #tpu.memory_space<vmem>>[vector<16xi32>], vector<16xf32>,
        %sub3A_559 = arith.subf %gather3A_554, %gather3A_558 : vector<16xf32>
        %abs3A_560 = math.absf %sub3A_559 : vector<16xf32>
        %and3A_561 = arith.constant 256 : i32
        %and3A_562 = vector.broadcast %and3A_561 : i32 to vector<16xi32>
        %and3A_563 = arith.andi %get3A_514, %and3A_562 : vector<16xi32>
        %eq3A_564 = arith.constant 0 : i32
        %eq3A_565 = vector.broadcast %eq3A_564 : i32 to vector<16xi32>
        %eq3A_566 = arith.cmpi eq, %and3A_563, %eq3A_565 : vector<16xi32>
        %jit3A_567 = arith.constant 0.000000e+00 : f32
        %broadcast_in_dim3A_568 = vector.broadcast %jit3A_567 : f32 to vector<16xf32>
        %select_n3A_569 = arith.select %eq3A_566, %abs3A_560, %broadcast_in_dim3A_568 : vector<16xi1>, vector<16xf32>
        %add3A_570 = arith.addf %add3A_540, %select_n3A_569 : vector<16xf32>
        %and3A_571 = arith.constant 256 : i32
        %and3A_572 = vector.broadcast %and3A_571 : i32 to vector<16xi32>
        %and3A_573 = arith.andi %get3A_520, %and3A_572 : vector<16xi32>
        %eq3A_574 = arith.constant 0 : i32
        %eq3A_575 = vector.broadcast %eq3A_574 : i32 to vector<16xi32>
        %eq3A_576 = arith.cmpi eq, %and3A_573, %eq3A_575 : vector<16xi32>
        %jit3A_577 = arith.constant 0.000000e+00 : f32
        %broadcast_in_dim3A_578 = vector.broadcast %jit3A_577 : f32 to vector<16xf32>
        %select_n3A_579 = arith.select %eq3A_576, %abs3A_560, %broadcast_in_dim3A_578 : vector<16xi1>, vector<16xf32>
        %add3A_580 = arith.addf %add3A_550, %select_n3A_579 : vector<16xf32>
        %gather3A_581 = arith.constant 7 : i32
        %gather3A_582 = tpu.memref_slice %arg11[%gather3A_581, %mul3A_509] : memref<8x2048xf32, #tpu.memory_space<vmem>> -> memref<1x64xf32, #tpu.memory_space<vmem>>
        %gather3A_583 = tpu.memref_squeeze %gather3A_582 : memref<1x64xf32, #tpu.memory_space<vmem>> -> memref<64xf32, #tpu.memory_space<vmem>>
        %gather3A_584 = tpu.vector_load_idx %gather3A_583[%add3A_18] : memref<64xf32, #tpu.memory_space<vmem>>[vector<16xi32>], vector<16xf32>,
        %gather3A_585 = arith.constant 7 : i32
        %gather3A_586 = tpu.memref_slice %arg13[%gather3A_585, %mul3A_509] : memref<8x2048xf32, #tpu.memory_space<vmem>> -> memref<1x64xf32, #tpu.memory_space<vmem>>
        %gather3A_587 = tpu.memref_squeeze %gather3A_586 : memref<1x64xf32, #tpu.memory_space<vmem>> -> memref<64xf32, #tpu.memory_space<vmem>>
        %gather3A_588 = tpu.vector_load_idx %gather3A_587[%add3A_18] : memref<64xf32, #tpu.memory_space<vmem>>[vector<16xi32>], vector<16xf32>,
        %sub3A_589 = arith.subf %gather3A_584, %gather3A_588 : vector<16xf32>
        %abs3A_590 = math.absf %sub3A_589 : vector<16xf32>
        %and3A_591 = arith.constant 65536 : i32
        %and3A_592 = vector.broadcast %and3A_591 : i32 to vector<16xi32>
        %and3A_593 = arith.andi %get3A_514, %and3A_592 : vector<16xi32>
        %eq3A_594 = arith.constant 0 : i32
        %eq3A_595 = vector.broadcast %eq3A_594 : i32 to vector<16xi32>
        %eq3A_596 = arith.cmpi eq, %and3A_593, %eq3A_595 : vector<16xi32>
        %jit3A_597 = arith.constant 0.000000e+00 : f32
        %broadcast_in_dim3A_598 = vector.broadcast %jit3A_597 : f32 to vector<16xf32>
        %select_n3A_599 = arith.select %eq3A_596, %abs3A_590, %broadcast_in_dim3A_598 : vector<16xi1>, vector<16xf32>
        %add3A_600 = arith.addf %add3A_570, %select_n3A_599 : vector<16xf32>
        %and3A_601 = arith.constant 65536 : i32
        %and3A_602 = vector.broadcast %and3A_601 : i32 to vector<16xi32>
        %and3A_603 = arith.andi %get3A_520, %and3A_602 : vector<16xi32>
        %eq3A_604 = arith.constant 0 : i32
        %eq3A_605 = vector.broadcast %eq3A_604 : i32 to vector<16xi32>
        %eq3A_606 = arith.cmpi eq, %and3A_603, %eq3A_605 : vector<16xi32>
        %jit3A_607 = arith.constant 0.000000e+00 : f32
        %broadcast_in_dim3A_608 = vector.broadcast %jit3A_607 : f32 to vector<16xf32>
        %select_n3A_609 = arith.select %eq3A_606, %abs3A_590, %broadcast_in_dim3A_608 : vector<16xi1>, vector<16xf32>
        %add3A_610 = arith.addf %add3A_580, %select_n3A_609 : vector<16xf32>
        %gather3A_611 = arith.constant 7 : i32
        %gather3A_612 = tpu.memref_slice %arg11[%gather3A_611, %mul3A_509] : memref<8x2048xf32, #tpu.memory_space<vmem>> -> memref<1x64xf32, #tpu.memory_space<vmem>>
        %gather3A_613 = tpu.memref_squeeze %gather3A_612 : memref<1x64xf32, #tpu.memory_space<vmem>> -> memref<64xf32, #tpu.memory_space<vmem>>
        %gather3A_614 = tpu.vector_load_idx %gather3A_613[%add3A_24] : memref<64xf32, #tpu.memory_space<vmem>>[vector<16xi32>], vector<16xf32>,
        %gather3A_615 = arith.constant 7 : i32
        %gather3A_616 = tpu.memref_slice %arg13[%gather3A_615, %mul3A_509] : memref<8x2048xf32, #tpu.memory_space<vmem>> -> memref<1x64xf32, #tpu.memory_space<vmem>>
        %gather3A_617 = tpu.memref_squeeze %gather3A_616 : memref<1x64xf32, #tpu.memory_space<vmem>> -> memref<64xf32, #tpu.memory_space<vmem>>
        %gather3A_618 = tpu.vector_load_idx %gather3A_617[%add3A_24] : memref<64xf32, #tpu.memory_space<vmem>>[vector<16xi32>], vector<16xf32>,
        %sub3A_619 = arith.subf %gather3A_614, %gather3A_618 : vector<16xf32>
        %abs3A_620 = math.absf %sub3A_619 : vector<16xf32>
        %and3A_621 = arith.constant 16777216 : i32
        %and3A_622 = vector.broadcast %and3A_621 : i32 to vector<16xi32>
        %and3A_623 = arith.andi %get3A_514, %and3A_622 : vector<16xi32>
        %eq3A_624 = arith.constant 0 : i32
        %eq3A_625 = vector.broadcast %eq3A_624 : i32 to vector<16xi32>
        %eq3A_626 = arith.cmpi eq, %and3A_623, %eq3A_625 : vector<16xi32>
        %jit3A_627 = arith.constant 0.000000e+00 : f32
        %broadcast_in_dim3A_628 = vector.broadcast %jit3A_627 : f32 to vector<16xf32>
        %select_n3A_629 = arith.select %eq3A_626, %abs3A_620, %broadcast_in_dim3A_628 : vector<16xi1>, vector<16xf32>
        %add3A_630 = arith.addf %add3A_600, %select_n3A_629 : vector<16xf32>
        %and3A_631 = arith.constant 16777216 : i32
        %and3A_632 = vector.broadcast %and3A_631 : i32 to vector<16xi32>
        %and3A_633 = arith.andi %get3A_520, %and3A_632 : vector<16xi32>
        %eq3A_634 = arith.constant 0 : i32
        %eq3A_635 = vector.broadcast %eq3A_634 : i32 to vector<16xi32>
        %eq3A_636 = arith.cmpi eq, %and3A_633, %eq3A_635 : vector<16xi32>
        %jit3A_637 = arith.constant 0.000000e+00 : f32
        %broadcast_in_dim3A_638 = vector.broadcast %jit3A_637 : f32 to vector<16xf32>
        %select_n3A_639 = arith.select %eq3A_636, %abs3A_620, %broadcast_in_dim3A_638 : vector<16xi1>, vector<16xf32>
        %add3A_640 = arith.addf %add3A_610, %select_n3A_639 : vector<16xf32>
        scf.yield %add3A_630, %add3A_640, %add3A_521, %add3A_522 : vector<16xf32>, vector<16xf32>, vector<16xi32>, vector<16xi32>
      }
      %scan3A_445 = arith.constant 32 : i32
      %and3A_446 = arith.constant 255 : i32
      %and3A_447 = vector.broadcast %and3A_446 : i32 to vector<16xi32>
      %and3A_448 = arith.andi %scan3A_444#2, %and3A_447 : vector<16xi32>
      %shift_right_arithmetic3A_449 = arith.constant 8 : i32
      %shift_right_arithmetic3A_450 = vector.broadcast %shift_right_arithmetic3A_449 : i32 to vector<16xi32>
      %shift_right_arithmetic3A_451 = arith.shrsi %scan3A_444#2, %shift_right_arithmetic3A_450 : vector<16xi32>
      %and3A_452 = arith.constant 255 : i32
      %and3A_453 = vector.broadcast %and3A_452 : i32 to vector<16xi32>
      %and3A_454 = arith.andi %shift_right_arithmetic3A_451, %and3A_453 : vector<16xi32>
      %add3A_455 = arith.addi %and3A_448, %and3A_454 : vector<16xi32>
      %shift_right_arithmetic3A_456 = arith.constant 16 : i32
      %shift_right_arithmetic3A_457 = vector.broadcast %shift_right_arithmetic3A_456 : i32 to vector<16xi32>
      %shift_right_arithmetic3A_458 = arith.shrsi %scan3A_444#2, %shift_right_arithmetic3A_457 : vector<16xi32>
      %and3A_459 = arith.constant 255 : i32
      %and3A_460 = vector.broadcast %and3A_459 : i32 to vector<16xi32>
      %and3A_461 = arith.andi %shift_right_arithmetic3A_458, %and3A_460 : vector<16xi32>
      %add3A_462 = arith.addi %add3A_455, %and3A_461 : vector<16xi32>
      %shift_right_arithmetic3A_463 = arith.constant 24 : i32
      %shift_right_arithmetic3A_464 = vector.broadcast %shift_right_arithmetic3A_463 : i32 to vector<16xi32>
      %shift_right_arithmetic3A_465 = arith.shrsi %scan3A_444#2, %shift_right_arithmetic3A_464 : vector<16xi32>
      %and3A_466 = arith.constant 255 : i32
      %and3A_467 = vector.broadcast %and3A_466 : i32 to vector<16xi32>
      %and3A_468 = arith.andi %shift_right_arithmetic3A_465, %and3A_467 : vector<16xi32>
      %add3A_469 = arith.addi %add3A_462, %and3A_468 : vector<16xi32>
      %add3A_470 = arith.addi %add3A_396, %add3A_469 : vector<16xi32>
      %and3A_471 = arith.constant 255 : i32
      %and3A_472 = vector.broadcast %and3A_471 : i32 to vector<16xi32>
      %and3A_473 = arith.andi %scan3A_444#3, %and3A_472 : vector<16xi32>
      %shift_right_arithmetic3A_474 = arith.constant 8 : i32
      %shift_right_arithmetic3A_475 = vector.broadcast %shift_right_arithmetic3A_474 : i32 to vector<16xi32>
      %shift_right_arithmetic3A_476 = arith.shrsi %scan3A_444#3, %shift_right_arithmetic3A_475 : vector<16xi32>
      %and3A_477 = arith.constant 255 : i32
      %and3A_478 = vector.broadcast %and3A_477 : i32 to vector<16xi32>
      %and3A_479 = arith.andi %shift_right_arithmetic3A_476, %and3A_478 : vector<16xi32>
      %add3A_480 = arith.addi %and3A_473, %and3A_479 : vector<16xi32>
      %shift_right_arithmetic3A_481 = arith.constant 16 : i32
      %shift_right_arithmetic3A_482 = vector.broadcast %shift_right_arithmetic3A_481 : i32 to vector<16xi32>
      %shift_right_arithmetic3A_483 = arith.shrsi %scan3A_444#3, %shift_right_arithmetic3A_482 : vector<16xi32>
      %and3A_484 = arith.constant 255 : i32
      %and3A_485 = vector.broadcast %and3A_484 : i32 to vector<16xi32>
      %and3A_486 = arith.andi %shift_right_arithmetic3A_483, %and3A_485 : vector<16xi32>
      %add3A_487 = arith.addi %add3A_480, %and3A_486 : vector<16xi32>
      %shift_right_arithmetic3A_488 = arith.constant 24 : i32
      %shift_right_arithmetic3A_489 = vector.broadcast %shift_right_arithmetic3A_488 : i32 to vector<16xi32>
      %shift_right_arithmetic3A_490 = arith.shrsi %scan3A_444#3, %shift_right_arithmetic3A_489 : vector<16xi32>
      %and3A_491 = arith.constant 255 : i32
      %and3A_492 = vector.broadcast %and3A_491 : i32 to vector<16xi32>
      %and3A_493 = arith.andi %shift_right_arithmetic3A_490, %and3A_492 : vector<16xi32>
      %add3A_494 = arith.addi %add3A_487, %and3A_493 : vector<16xi32>
      %add3A_495 = arith.addi %add3A_421, %add3A_494 : vector<16xi32>
      %add3A_496 = arith.constant 2 : i32
      %add3A_497 = arith.addi %add3A_317, %add3A_496 : i32
      %lt3A_498 = arith.constant 32 : i32
      %lt3A_499 = arith.cmpi slt, %add3A_497, %lt3A_498 : i32
      %convert_element_type3A_500 = arith.extui %lt3A_499 : i1 to i32
      %cond3A_501 = arith.constant 0 : i32
      %cond3A_502 = arith.cmpi ne, %convert_element_type3A_500, %cond3A_501 : i32
      scf.if %cond3A_502 {
        %add3A_503 = arith.constant 2 : i32
        %add3A_504 = arith.addi %add3A_317, %add3A_503 : i32
        %mul3A_505 = arith.constant 8 : i32
        %mul3A_506 = arith.muli %add3A_504, %mul3A_505 : i32
        %add3A_507 = arith.addi %mul3A_56, %mul3A_506 : i32
        %multiple_of3A_508 = tpu.assume_multiple %add3A_507, 8 : i32
        %dma_start3A_509 = arith.constant 0 : i32
        %dma_start3A_510 = tpu.memref_slice %arg2[%select_n3A, %multiple_of3A_508, %dma_start3A_509] : memref<2x4096x2048xf32, #tpu.memory_space<hbm>> -> memref<1x8x2048xf32, #tpu.memory_space<hbm>>
        %dma_start3A_511 = tpu.memref_squeeze %dma_start3A_510 : memref<1x8x2048xf32, #tpu.memory_space<hbm>> -> memref<8x2048xf32, #tpu.memory_space<hbm>>
        %dma_start3A_512 = arith.constant 0 : i32
        %dma_start3A_513 = tpu.memref_slice %arg2[%select_n3A, %multiple_of3A_508, %dma_start3A_512] : memref<2x4096x2048xf32, #tpu.memory_space<hbm>> -> memref<1x8x2048xf32, #tpu.memory_space<hbm>>
        %dma_start3A_514 = tpu.memref_squeeze %dma_start3A_513 : memref<1x8x2048xf32, #tpu.memory_space<hbm>> -> memref<8x2048xf32, #tpu.memory_space<hbm>>
        tpu.enqueue_dma source(%dma_start3A_514 : memref<8x2048xf32, #tpu.memory_space<hbm>>) target(%arg11 : memref<8x2048xf32, #tpu.memory_space<vmem>>) target_semaphore(%arg23 : memref<!tpu.dma_semaphore, #tpu.memory_space<semaphore_mem>>)
        %dma_start3A_515 = arith.constant 0 : i32
        %dma_start3A_516 = tpu.memref_slice %arg3[%select_n3A, %multiple_of3A_508, %dma_start3A_515] : memref<2x4096x2048xf32, #tpu.memory_space<hbm>> -> memref<1x8x2048xf32, #tpu.memory_space<hbm>>
        %dma_start3A_517 = tpu.memref_squeeze %dma_start3A_516 : memref<1x8x2048xf32, #tpu.memory_space<hbm>> -> memref<8x2048xf32, #tpu.memory_space<hbm>>
        %dma_start3A_518 = arith.constant 0 : i32
        %dma_start3A_519 = tpu.memref_slice %arg3[%select_n3A, %multiple_of3A_508, %dma_start3A_518] : memref<2x4096x2048xf32, #tpu.memory_space<hbm>> -> memref<1x8x2048xf32, #tpu.memory_space<hbm>>
        %dma_start3A_520 = tpu.memref_squeeze %dma_start3A_519 : memref<1x8x2048xf32, #tpu.memory_space<hbm>> -> memref<8x2048xf32, #tpu.memory_space<hbm>>
        tpu.enqueue_dma source(%dma_start3A_520 : memref<8x2048xf32, #tpu.memory_space<hbm>>) target(%arg13 : memref<8x2048xf32, #tpu.memory_space<vmem>>) target_semaphore(%arg23 : memref<!tpu.dma_semaphore, #tpu.memory_space<semaphore_mem>>)
        %dma_start3A_521 = arith.constant 0 : i32
        %dma_start3A_522 = tpu.memref_slice %arg4[%select_n3A, %multiple_of3A_508, %dma_start3A_521] : memref<2x4096x512xi32, #tpu.memory_space<hbm>> -> memref<1x8x512xi32, #tpu.memory_space<hbm>>
        %dma_start3A_523 = tpu.memref_squeeze %dma_start3A_522 : memref<1x8x512xi32, #tpu.memory_space<hbm>> -> memref<8x512xi32, #tpu.memory_space<hbm>>
        %dma_start3A_524 = arith.constant 0 : i32
        %dma_start3A_525 = tpu.memref_slice %arg4[%select_n3A, %multiple_of3A_508, %dma_start3A_524] : memref<2x4096x512xi32, #tpu.memory_space<hbm>> -> memref<1x8x512xi32, #tpu.memory_space<hbm>>
        %dma_start3A_526 = tpu.memref_squeeze %dma_start3A_525 : memref<1x8x512xi32, #tpu.memory_space<hbm>> -> memref<8x512xi32, #tpu.memory_space<hbm>>
        tpu.enqueue_dma source(%dma_start3A_526 : memref<8x512xi32, #tpu.memory_space<hbm>>) target(%arg15 : memref<8x512xi32, #tpu.memory_space<vmem>>) target_semaphore(%arg23 : memref<!tpu.dma_semaphore, #tpu.memory_space<semaphore_mem>>)
        %dma_start3A_527 = arith.constant 0 : i32
        %dma_start3A_528 = tpu.memref_slice %arg5[%select_n3A, %multiple_of3A_508, %dma_start3A_527] : memref<2x4096x512xi32, #tpu.memory_space<hbm>> -> memref<1x8x512xi32, #tpu.memory_space<hbm>>
        %dma_start3A_529 = tpu.memref_squeeze %dma_start3A_528 : memref<1x8x512xi32, #tpu.memory_space<hbm>> -> memref<8x512xi32, #tpu.memory_space<hbm>>
        %dma_start3A_530 = arith.constant 0 : i32
        %dma_start3A_531 = tpu.memref_slice %arg5[%select_n3A, %multiple_of3A_508, %dma_start3A_530] : memref<2x4096x512xi32, #tpu.memory_space<hbm>> -> memref<1x8x512xi32, #tpu.memory_space<hbm>>
        %dma_start3A_532 = tpu.memref_squeeze %dma_start3A_531 : memref<1x8x512xi32, #tpu.memory_space<hbm>> -> memref<8x512xi32, #tpu.memory_space<hbm>>
        tpu.enqueue_dma source(%dma_start3A_532 : memref<8x512xi32, #tpu.memory_space<hbm>>) target(%arg17 : memref<8x512xi32, #tpu.memory_space<vmem>>) target_semaphore(%arg23 : memref<!tpu.dma_semaphore, #tpu.memory_space<semaphore_mem>>)
      } else {
      }
      scf.yield %scan3A_444#0, %scan3A_444#1, %add3A_470, %add3A_495 : vector<16xf32>, vector<16xf32>, vector<16xi32>, vector<16xi32>
    }
    %scan3A_116 = arith.constant 16 : i32
    %swap3A = arith.constant 0 : index
    %swap3A_117 = tpu.vector_load %arg18[%swap3A] {strides = array<i32>} : memref<16xf32, #tpu.memory_space<vmem>>, vector<16xf32>,
    tpu.vector_store %arg18[%swap3A], %scan3A_115#0 {strides = array<i32>} : memref<16xf32, #tpu.memory_space<vmem>>, vector<16xf32>,
    %swap3A_118 = arith.constant 0 : index
    %swap3A_119 = tpu.vector_load %arg19[%swap3A_118] {strides = array<i32>} : memref<16xf32, #tpu.memory_space<vmem>>, vector<16xf32>,
    tpu.vector_store %arg19[%swap3A_118], %scan3A_115#1 {strides = array<i32>} : memref<16xf32, #tpu.memory_space<vmem>>, vector<16xf32>,
    %swap3A_120 = arith.constant 0 : index
    %swap3A_121 = tpu.vector_load %arg20[%swap3A_120] {strides = array<i32>} : memref<16xi32, #tpu.memory_space<vmem>>, vector<16xi32>,
    tpu.vector_store %arg20[%swap3A_120], %scan3A_115#2 {strides = array<i32>} : memref<16xi32, #tpu.memory_space<vmem>>, vector<16xi32>,
    %swap3A_122 = arith.constant 0 : index
    %swap3A_123 = tpu.vector_load %arg21[%swap3A_122] {strides = array<i32>} : memref<16xi32, #tpu.memory_space<vmem>>, vector<16xi32>,
    tpu.vector_store %arg21[%swap3A_122], %scan3A_115#3 {strides = array<i32>} : memref<16xi32, #tpu.memory_space<vmem>>, vector<16xi32>,
    "tpu.region"() ({
      %run_scoped3A = tpu.sem_alloc : memref<!tpu.dma_semaphore, #tpu.memory_space<semaphore_mem>>
      %dma_start3A_124 = arith.constant 0 : i32
      %dma_start3A_125 = tpu.memref_slice %arg6[%add3A, %dma_start3A_124] : memref<32x16xf32, #tpu.memory_space<hbm>> -> memref<1x16xf32, #tpu.memory_space<hbm>>
      %dma_start3A_126 = tpu.memref_squeeze %dma_start3A_125 : memref<1x16xf32, #tpu.memory_space<hbm>> -> memref<16xf32, #tpu.memory_space<hbm>>
      %dma_start3A_127 = arith.constant 0 : i32
      %dma_start3A_128 = tpu.memref_slice %arg6[%add3A, %dma_start3A_127] : memref<32x16xf32, #tpu.memory_space<hbm>> -> memref<1x16xf32, #tpu.memory_space<hbm>>
      %dma_start3A_129 = tpu.memref_squeeze %dma_start3A_128 : memref<1x16xf32, #tpu.memory_space<hbm>> -> memref<16xf32, #tpu.memory_space<hbm>>
      tpu.enqueue_dma source(%arg18 : memref<16xf32, #tpu.memory_space<vmem>>) target(%dma_start3A_129 : memref<16xf32, #tpu.memory_space<hbm>>) target_semaphore(%run_scoped3A : memref<!tpu.dma_semaphore, #tpu.memory_space<semaphore_mem>>)
      %dma_wait3A = arith.constant 0 : i32
      %dma_wait3A_130 = tpu.memref_slice %arg6[%add3A, %dma_wait3A] : memref<32x16xf32, #tpu.memory_space<hbm>> -> memref<1x16xf32, #tpu.memory_space<hbm>>
      %dma_wait3A_131 = tpu.memref_squeeze %dma_wait3A_130 : memref<1x16xf32, #tpu.memory_space<hbm>> -> memref<16xf32, #tpu.memory_space<hbm>>
      %dma_wait3A_132 = arith.constant 0 : i32
      %dma_wait3A_133 = tpu.memref_slice %arg6[%add3A, %dma_wait3A_132] : memref<32x16xf32, #tpu.memory_space<hbm>> -> memref<1x16xf32, #tpu.memory_space<hbm>>
      %dma_wait3A_134 = tpu.memref_squeeze %dma_wait3A_133 : memref<1x16xf32, #tpu.memory_space<hbm>> -> memref<16xf32, #tpu.memory_space<hbm>>
      tpu.wait_dma2 semaphore(%run_scoped3A : memref<!tpu.dma_semaphore, #tpu.memory_space<semaphore_mem>>) src(%arg18 : memref<16xf32, #tpu.memory_space<vmem>>) dst(%dma_wait3A_134 : memref<16xf32, #tpu.memory_space<hbm>>)
      tpu.yield
    }) : () -> ()
    "tpu.region"() ({
      %run_scoped3A = tpu.sem_alloc : memref<!tpu.dma_semaphore, #tpu.memory_space<semaphore_mem>>
      %dma_start3A_124 = arith.constant 0 : i32
      %dma_start3A_125 = tpu.memref_slice %arg7[%add3A, %dma_start3A_124] : memref<32x16xf32, #tpu.memory_space<hbm>> -> memref<1x16xf32, #tpu.memory_space<hbm>>
      %dma_start3A_126 = tpu.memref_squeeze %dma_start3A_125 : memref<1x16xf32, #tpu.memory_space<hbm>> -> memref<16xf32, #tpu.memory_space<hbm>>
      %dma_start3A_127 = arith.constant 0 : i32
      %dma_start3A_128 = tpu.memref_slice %arg7[%add3A, %dma_start3A_127] : memref<32x16xf32, #tpu.memory_space<hbm>> -> memref<1x16xf32, #tpu.memory_space<hbm>>
      %dma_start3A_129 = tpu.memref_squeeze %dma_start3A_128 : memref<1x16xf32, #tpu.memory_space<hbm>> -> memref<16xf32, #tpu.memory_space<hbm>>
      tpu.enqueue_dma source(%arg19 : memref<16xf32, #tpu.memory_space<vmem>>) target(%dma_start3A_129 : memref<16xf32, #tpu.memory_space<hbm>>) target_semaphore(%run_scoped3A : memref<!tpu.dma_semaphore, #tpu.memory_space<semaphore_mem>>)
      %dma_wait3A = arith.constant 0 : i32
      %dma_wait3A_130 = tpu.memref_slice %arg7[%add3A, %dma_wait3A] : memref<32x16xf32, #tpu.memory_space<hbm>> -> memref<1x16xf32, #tpu.memory_space<hbm>>
      %dma_wait3A_131 = tpu.memref_squeeze %dma_wait3A_130 : memref<1x16xf32, #tpu.memory_space<hbm>> -> memref<16xf32, #tpu.memory_space<hbm>>
      %dma_wait3A_132 = arith.constant 0 : i32
      %dma_wait3A_133 = tpu.memref_slice %arg7[%add3A, %dma_wait3A_132] : memref<32x16xf32, #tpu.memory_space<hbm>> -> memref<1x16xf32, #tpu.memory_space<hbm>>
      %dma_wait3A_134 = tpu.memref_squeeze %dma_wait3A_133 : memref<1x16xf32, #tpu.memory_space<hbm>> -> memref<16xf32, #tpu.memory_space<hbm>>
      tpu.wait_dma2 semaphore(%run_scoped3A : memref<!tpu.dma_semaphore, #tpu.memory_space<semaphore_mem>>) src(%arg19 : memref<16xf32, #tpu.memory_space<vmem>>) dst(%dma_wait3A_134 : memref<16xf32, #tpu.memory_space<hbm>>)
      tpu.yield
    }) : () -> ()
    "tpu.region"() ({
      %run_scoped3A = tpu.sem_alloc : memref<!tpu.dma_semaphore, #tpu.memory_space<semaphore_mem>>
      %dma_start3A_124 = arith.constant 0 : i32
      %dma_start3A_125 = tpu.memref_slice %arg8[%add3A, %dma_start3A_124] : memref<32x16xi32, #tpu.memory_space<hbm>> -> memref<1x16xi32, #tpu.memory_space<hbm>>
      %dma_start3A_126 = tpu.memref_squeeze %dma_start3A_125 : memref<1x16xi32, #tpu.memory_space<hbm>> -> memref<16xi32, #tpu.memory_space<hbm>>
      %dma_start3A_127 = arith.constant 0 : i32
      %dma_start3A_128 = tpu.memref_slice %arg8[%add3A, %dma_start3A_127] : memref<32x16xi32, #tpu.memory_space<hbm>> -> memref<1x16xi32, #tpu.memory_space<hbm>>
      %dma_start3A_129 = tpu.memref_squeeze %dma_start3A_128 : memref<1x16xi32, #tpu.memory_space<hbm>> -> memref<16xi32, #tpu.memory_space<hbm>>
      tpu.enqueue_dma source(%arg20 : memref<16xi32, #tpu.memory_space<vmem>>) target(%dma_start3A_129 : memref<16xi32, #tpu.memory_space<hbm>>) target_semaphore(%run_scoped3A : memref<!tpu.dma_semaphore, #tpu.memory_space<semaphore_mem>>)
      %dma_wait3A = arith.constant 0 : i32
      %dma_wait3A_130 = tpu.memref_slice %arg8[%add3A, %dma_wait3A] : memref<32x16xi32, #tpu.memory_space<hbm>> -> memref<1x16xi32, #tpu.memory_space<hbm>>
      %dma_wait3A_131 = tpu.memref_squeeze %dma_wait3A_130 : memref<1x16xi32, #tpu.memory_space<hbm>> -> memref<16xi32, #tpu.memory_space<hbm>>
      %dma_wait3A_132 = arith.constant 0 : i32
      %dma_wait3A_133 = tpu.memref_slice %arg8[%add3A, %dma_wait3A_132] : memref<32x16xi32, #tpu.memory_space<hbm>> -> memref<1x16xi32, #tpu.memory_space<hbm>>
      %dma_wait3A_134 = tpu.memref_squeeze %dma_wait3A_133 : memref<1x16xi32, #tpu.memory_space<hbm>> -> memref<16xi32, #tpu.memory_space<hbm>>
      tpu.wait_dma2 semaphore(%run_scoped3A : memref<!tpu.dma_semaphore, #tpu.memory_space<semaphore_mem>>) src(%arg20 : memref<16xi32, #tpu.memory_space<vmem>>) dst(%dma_wait3A_134 : memref<16xi32, #tpu.memory_space<hbm>>)
      tpu.yield
    }) : () -> ()
    "tpu.region"() ({
      %run_scoped3A = tpu.sem_alloc : memref<!tpu.dma_semaphore, #tpu.memory_space<semaphore_mem>>
      %dma_start3A_124 = arith.constant 0 : i32
      %dma_start3A_125 = tpu.memref_slice %arg9[%add3A, %dma_start3A_124] : memref<32x16xi32, #tpu.memory_space<hbm>> -> memref<1x16xi32, #tpu.memory_space<hbm>>
      %dma_start3A_126 = tpu.memref_squeeze %dma_start3A_125 : memref<1x16xi32, #tpu.memory_space<hbm>> -> memref<16xi32, #tpu.memory_space<hbm>>
      %dma_start3A_127 = arith.constant 0 : i32
      %dma_start3A_128 = tpu.memref_slice %arg9[%add3A, %dma_start3A_127] : memref<32x16xi32, #tpu.memory_space<hbm>> -> memref<1x16xi32, #tpu.memory_space<hbm>>
      %dma_start3A_129 = tpu.memref_squeeze %dma_start3A_128 : memref<1x16xi32, #tpu.memory_space<hbm>> -> memref<16xi32, #tpu.memory_space<hbm>>
      tpu.enqueue_dma source(%arg21 : memref<16xi32, #tpu.memory_space<vmem>>) target(%dma_start3A_129 : memref<16xi32, #tpu.memory_space<hbm>>) target_semaphore(%run_scoped3A : memref<!tpu.dma_semaphore, #tpu.memory_space<semaphore_mem>>)
      %dma_wait3A = arith.constant 0 : i32
      %dma_wait3A_130 = tpu.memref_slice %arg9[%add3A, %dma_wait3A] : memref<32x16xi32, #tpu.memory_space<hbm>> -> memref<1x16xi32, #tpu.memory_space<hbm>>
      %dma_wait3A_131 = tpu.memref_squeeze %dma_wait3A_130 : memref<1x16xi32, #tpu.memory_space<hbm>> -> memref<16xi32, #tpu.memory_space<hbm>>
      %dma_wait3A_132 = arith.constant 0 : i32
      %dma_wait3A_133 = tpu.memref_slice %arg9[%add3A, %dma_wait3A_132] : memref<32x16xi32, #tpu.memory_space<hbm>> -> memref<1x16xi32, #tpu.memory_space<hbm>>
      %dma_wait3A_134 = tpu.memref_squeeze %dma_wait3A_133 : memref<1x16xi32, #tpu.memory_space<hbm>> -> memref<16xi32, #tpu.memory_space<hbm>>
      tpu.wait_dma2 semaphore(%run_scoped3A : memref<!tpu.dma_semaphore, #tpu.memory_space<semaphore_mem>>) src(%arg21 : memref<16xi32, #tpu.memory_space<vmem>>) dst(%dma_wait3A_134 : memref<16xi32, #tpu.memory_space<hbm>>)
      tpu.yield
    }) : () -> ()
    return
  }
}

</mosaic_0001>

<sc_bundles>
// kernel: kernel.3.cloned.1.call-start
scs
__scs_entry_jumppad:
0x0: {  	(pc) =	sbr.rel $0x88, $3  }
0x1: {  	(tag) =	ssettag $0x0;
	lr =	simm.s32 $0x1  }
0x2: {  	[smem:$0x3F9D] =	sst lr;
	_ =	strace $0xD0000000  }
0x3: {  	_ = 	snop  }
0x4: {  	_ = 	snop  }
0x5: {  	_ = 	snop  }
0x6: {  	_ = 	snop  }
0x7: {  	_ = 	snop  }
__scs_overlays_trampoline_lowered:
0x8: {  	[smem:$0x3FAC] =	sst s0  }
0x9: {  	[smem:$0x3FAD] =	sst s1  }
0xa: {  	[smem:$0x3FAE] =	sst s2  }
0xb: {  	[smem:$0x3FAF] =	sst s3  }
0xc: {  	[smem:$0x3FB0] =	sst s4  }
0xd: {  	[smem:$0x3FB1] =	sst s5  }
0xe: {  	[smem:$0x3FB2] =	sst s6  }
0xf: {  	[smem:$0x3FB3] =	sst s7  }
0x10: {  	[smem:$0x3FB4] =	sst s8  }
0x11: {  	[smem:$0x3FB5] =	sst s9;
	s0 =	simm.s32 @!p0 $0x0  }
0x12: {  	s1 =	sld [smem:$0x3F9B];
	s0 =	simm.s32 @p0 $0x1  }
0x13: {  	[smem:$0x3FB6] =	sst s0;
	s0 =	simm.s32 @!p1 $0x0  }
0x14: {  	s2 =	sld [smem:$0x3F9A];
	s0 =	simm.s32 @p1 $0x1  }
0x15: {  	[smem:$0x3FB7] =	sst s0;
	s0 =	simm.s32 @!p2 $0x0  }
0x16: {  	s3 =	sld [smem:$0x3FDB];
	s0 =	simm.s32 @p2 $0x1  }
0x17: {  	s4 =	simm.s32 $0x1BF5;
	[smem:$0x3FB9] =	sst s0  }
0x18: {  	s0 =	sld [smem:$0x3F9C];
	_ =	swait.ge [sflag:s4], $0x0  }
0x19: {  	s7 =	sld [smem:$0x3F9D]  }
0x1a: {  	s8 =	sadd.s32 $0xFFFFE003, lr  }
0x1b: {  	s9 =	sadd.s32 $0xFFFFFEF7, lr;
	s5 =	simm.s32 $0xFFFFFFFF;
	p2 =	slt.u32 s8, $0xFFFFF086  }
0x1c: {  	p1 =	slt.u32 s9, $0xF7A;
	s5 =	simm.s32 @!p2 $0x0  }
0x1d: {  	s5 =	simm.s32 @p1 $0x1;
	p0 =	seq.s32 s7, s2  }
0x1e: {  	s7 =	smul.u32 @!p0 $0xF7A, s2;
	p2 =	seq.s32 @!p0 s5, $0x0  }
0x1f: {  	s9 =	smul.u32 $0xF7A, s1;
	s8 =	simm.s32 @!p0 $0x1BF5;
	p2 =	por !p2, p0  }
0x20: {  	[sflag:s8] =	ssyncset.s32 @!p0 $0xFFFFF086;
	s6 =	sadd.s32 @!p0 s3, s7;
	s7 =	simm.s32 @!p0 $0x108  }
0x21: {  	s3 =	sadd.s32 s3, s9;
	s6 =	sadd.s32 @!p0 $0x88, s6;
	s7 =	simm.s32 @p2 $0x1082  }
0x22: {  	[simem:s7], [sflag:s8] =	dma.local @!p0 [hbm:s6], $0xF7A  }
0x23: {  	s9 =	sor.u32 $0xD0000000, s2;
	s6 =	simm.s32 $0x108;
	_ =	swait.ge @!p0 [sflag:s8], $0x0  }
0x24: {  	s3 =	sadd.s32 $0x88, s3;
	s6 =	simm.s32 @!p1 $0x1082;
	[sflag:s4] =	ssyncset.s32 $0xFFFFF086  }
0x25: {  	[simem:s6], [sflag:s4] =	dma.local [hbm:s3], $0xF7A  }
0x26: {  	[smem:$0x3F9D] =	sst s1;
	(tag) =	ssettag s2;
	_ =	strace s9  }
0x27: {  	s1 =	sld [smem:$0x3FAD]  }
0x28: {  	s2 =	sld [smem:$0x3FAE]  }
0x29: {  	s4 =	sld [smem:$0x3FB0]  }
0x2a: {  	p0 =	seq.s32 s5, $0x0;
	s5 =	sld [smem:$0x3FB1]  }
0x2b: {  	s6 =	sld [smem:$0x3FB2]  }
0x2c: {  	s7 =	sld [smem:$0x3FB3]  }
0x2d: {  	s3 =	simm.s32 $0x108;
	s8 =	sld [smem:$0x3FB4]  }
0x2e: {  	s3 =	simm.s32 @!p0 $0x1082;
	s9 =	sld [smem:$0x3FB5]  }
0x2f: {  	lr =	sadd.s32 s0, s3;
	s0 =	sld [smem:$0x3FAC]  }
0x30: {  	s3 =	sld [smem:$0x3FAF]  }
0x31: {  	[smem:$0x3FB8] =	sst s10  }
0x32: {  	s10 =	sld [smem:$0x3FB6];
	_ =	sdelay $0x3  }
0x33: {  	p0 =	seq.s32 s10, $0x1;
	s10 =	sld [smem:$0x3FB8];
	_ =	sdelay $0x3  }
0x34: {  	[smem:$0x3FB8] =	sst s10  }
0x35: {  	s10 =	sld [smem:$0x3FB7];
	_ =	sdelay $0x3  }
0x36: {  	p1 =	seq.s32 s10, $0x1;
	s10 =	sld [smem:$0x3FB8];
	_ =	sdelay $0x3  }
0x37: {  	[smem:$0x3FB8] =	sst s10  }
0x38: {  	s10 =	sld [smem:$0x3FB9]  }
0x39: {  	_ = 	snop;
	(pc) =	sbr.ind lr, $3  }
0x3a: {  	_ = 	snop  }
0x3b: {  	_ = 	snop  }
0x3c: {  	p2 =	seq.s32 s10, $0x1;
	s10 =	sld [smem:$0x3FB8]  }
0x3d: {  	_ =	shalt  }
0x3e: {  	_ =	shalt  }
0x3f: {  	_ =	shalt  }
0x40: {  	_ =	shalt  }
0x41: {  	_ =	shalt  }
0x42: {  	_ =	shalt  }
0x43: {  	_ =	shalt  }
0x44: {  	_ =	shalt  }
0x45: {  	_ =	shalt  }
0x46: {  	_ =	shalt  }
0x47: {  	_ =	shalt  }
0x48: {  	_ =	shalt  }
0x49: {  	_ =	shalt  }
0x4a: {  	_ =	shalt  }
0x4b: {  	_ =	shalt  }
0x4c: {  	_ =	shalt  }
0x4d: {  	_ =	shalt  }
0x4e: {  	_ =	shalt  }
0x4f: {  	_ =	shalt  }
0x50: {  	_ =	shalt  }
0x51: {  	_ =	shalt  }
0x52: {  	_ =	shalt  }
0x53: {  	_ =	shalt  }
0x54: {  	_ =	shalt  }
0x55: {  	_ =	shalt  }
0x56: {  	_ =	shalt  }
0x57: {  	_ =	shalt  }
0x58: {  	_ =	shalt  }
0x59: {  	_ =	shalt  }
0x5a: {  	_ =	shalt  }
0x5b: {  	_ =	shalt  }
0x5c: {  	_ =	shalt  }
0x5d: {  	_ =	shalt  }
0x5e: {  	_ =	shalt  }
0x5f: {  	_ =	shalt  }
0x60: {  	_ =	shalt  }
0x61: {  	_ =	shalt  }
0x62: {  	_ =	shalt  }
0x63: {  	_ =	shalt  }
0x64: {  	_ =	shalt  }
0x65: {  	_ =	shalt  }
0x66: {  	_ =	shalt  }
0x67: {  	_ =	shalt  }
0x68: {  	_ =	shalt  }
0x69: {  	_ =	shalt  }
0x6a: {  	_ =	shalt  }
0x6b: {  	_ =	shalt  }
0x6c: {  	_ =	shalt  }
0x6d: {  	_ =	shalt  }
0x6e: {  	_ =	shalt  }
0x6f: {  	_ =	shalt  }
0x70: {  	_ =	shalt  }
0x71: {  	_ =	shalt  }
0x72: {  	_ =	shalt  }
0x73: {  	_ =	shalt  }
0x74: {  	_ =	shalt  }
0x75: {  	_ =	shalt  }
0x76: {  	_ =	shalt  }
0x77: {  	_ =	shalt  }
0x78: {  	_ =	shalt  }
0x79: {  	_ =	shalt  }
0x7a: {  	_ =	shalt  }
0x7b: {  	_ =	shalt  }
0x7c: {  	_ =	shalt  }
0x7d: {  	_ =	shalt  }
0x7e: {  	_ =	shalt  }
0x7f: {  	_ =	shalt  }
0x80: {  	_ =	shalt  }
0x81: {  	_ =	shalt  }
0x82: {  	_ =	shalt  }
0x83: {  	_ =	shalt  }
0x84: {  	_ =	shalt  }
0x85: {  	_ =	shalt  }
0x86: {  	_ =	shalt  }
0x87: {  	_ =	shalt  }
.Lfunc_end0:
.L_simem_size_0:
called_computation.2_lowered:
.L_overlay_start_0:
0x88: {  	s2 =	sld [smem:$0x3FD9]  }
0x89: {  	s3 =	sld [smem:$0x3FFE];
	_ =	sdelay $0x1  }
0x8a: {  	s1 =	srdreg.scid  }
0x8b: {  	s0 =	sand.u32 $0x1, s1  }
0x8c: {  	s17 =	sshll.u32 s0, $0xA;
	s2 =	sadd.s32 s3, s2  }
0x8d: {  	s2 =	sadd.s32 s2, s17  }
0x8e: {  	[smem:$0x3FC4] =	sst s2  }
0x8f: {  	_ = 	snop  }
0x90: {  	s2 =	sld [smem:$0x3FC9]  }
0x91: {  	s18 =	sld [smem:$0x3FC8];
	(tm) =	ssettm $0x1  }
0x92: {  	s4 =	sld [smem:$0x3FFB];
	_ =	sdelay $0x3  }
0x93: {  	_ =	strace s4  }
0x94: {  	s4 =	sld [smem:$0x3FFC];
	_ =	sdelay $0x3  }
0x95: {  	_ =	strace s4  }
0x96: {  	s4 =	sld [smem:$0x3FFD];
	_ =	sdelay $0x3  }
0x97: {  	_ =	strace s4  }
0x98: {  	_ =	strace $0x8FFFFFFF  }
0x99: {  	s19 =	sld [smem:$0x3FDB];
	_ =	sdelay $0x1  }
0x9a: {  	s5 =	simm.s32 $_scs_section_size  }
0x9b: {  	s6 =	simm.s32 $_size__tile_overlayer_lowered;
	s7 =	simm.s32 $_tile_overlayer_lowered  }
0x9c: {  	s22 =	simm.s32 $0x1BFF;
	s21 =	sshll.u32 s7, $0x1;
	s4 =	sadd.s32 s5, s19  }
0x9d: {  	s8 =	simm.s32 $0x0;
	s20 =	sshll.u32 s6, $0x1;
	s6 =	sadd.s32 s21, s4  }
0x9e: {  	[timem:s8], [sflag:s22] =	dma.local [hbm:s6], s20  }
0x9f: {  	_ =	swait.ge [sflag:s22], s20  }
0xa0: {  	s5 =	ssub.s32 $0x0, s20;
	[sflag:s22] =	ssyncset.done $0x0  }
0xa1: {  	[sflag:s22] =	ssyncadd.s32 s5;
	_ =	sdelay $0x1  }
0xa2: {  	s23 =	simm.s32 $0x1B8B  }
0xa3: {  	_ =	swait.ge [sflag:s23], $0x1  }
0xa4: {  	[sflag:s23] =	ssyncset.done $0x0  }
0xa5: {  	s25 =	simm.s32 $0x1B8E;
	s24 =	sld [smem:$0x3FFE];
	[sflag:s23] =	ssyncadd.s32 $0xFFFFFFFF  }
0xa6: {  	s26 =	simm.s32 $execute0_lowered;
	[smem:$0x3FD2] =	sst s25  }
0xa7: {  	s6 =	sshll.u32 s26, $0x1;
	_ =	strace $0x8000004C;
	[dreg:$0x1] =	wrdreg $0xFFFFFFFF  }
0xa8: {  	s28 =	simm.s32 $_size_execute0_lowered;
	s4 =	sadd.s32 s4, s6;
	[dreg:$0x0] =	wrdreg $0x0  }
0xa9: {  	s6 =	sshll.u32 s28, $0x1;
	[dreg:$0x2] =	wrdreg s4  }
0xaa: {  	[dreg:$0x3] =	wrdreg s6  }
0xab: {  	[dreg:$0x4] =	wrdreg $0xC0  }
0xac: {  	_ =	task [dreg:s8], $0x5FFFF  }
0xad: {  	[dreg:$0x1] =	wrdreg $0xFFFFFFFF  }
0xae: {  	[dreg:$0x0] =	wrdreg $0x60  }
0xaf: {  	[dreg:$0x2] =	wrdreg s2  }
0xb0: {  	[dreg:$0x3] =	wrdreg s18  }
0xb1: {  	[dreg:$0x4] =	wrdreg s24  }
0xb2: {  	[dreg:$0x5] =	wrdreg $0x9  }
0xb3: {  	_ =	task.clear_ibuf [dreg:s8], $0x6FFFF;
	_ =	strace $0x9000004C  }
0xb4: {  	s29 =	simm.s32 $0x9;
	_ =	strace $0x8000004E  }
0xb5: {  	_ =	swait.ge [sflag:s29], $0x1  }
0xb6: {  	[sflag:s29] =	ssyncadd.s32 $0xFFFFFFFF  }
0xb7: {  	_ =	strace $0x9000004E  }
0xb8: {  	_ =	sfence  }
0xb9: {  	s30 =	sld [smem:$0x0];
	_ =	sdelay $0x2  }
0xba: {  	s31 =	sshll.u32 s1, $0xD;
	s1 =	sshrl.u32 s1, $0x2  }
0xbb: {  	s3 =	sand.u32 $0x4000, s31;
	s1 =	sadd.s32 s1, s30  }
0xbc: {  	s0 =	sor.u32 s3, s0;
	s1 =	sshll.u32 s1, $0x11  }
0xbd: {  	s0 =	sor.u32 s1, s0  }
0xbe: {  	s0 =	sadd.s32 $0x8F2B, s0  }
0xbf: {  	[sflag:s0] =	ssyncadd.remote.s32 $0x1  }
0xc0: {  	_ =	sfence.sel $0xFFFF  }
0xc1: {  	[dreg:$0x0] =	wrdreg $0xFFFFFFFF;
	(pc) =	sbr.abs _section_cstart, $3  }
0xc2: {  	[dreg:$0x1] =	wrdreg $0xFFFFFFFF  }
0xc3: {  	_ =	task.clear_ibuf [dreg:s8], $0x2FFFF;
	_ =	strace $0x9FFFFFFF  }
0xc4: {  	(tm) =	ssettm $0x7FFFFFFF  }
0xc5: {  	_ =	shalt  }
tec
execute0_lowered:
.L_overlay_start_1:
0x0: {  	(tag) =	ssettag $0x1  }
0x1: {  	s1 =	rddreg [dreg:$0x0]  }
0x2: {  	s2 =	rddreg [dreg:$0x1]  }
0x3: {  	s0 =	rddreg [dreg:$0x2]  }
0x4: {  	s4 =	simm.s32 $0x0;
	s3 =	srdreg.scid;
	s6 =	stileid.u32  }
0x5: {  	s28 =	simm.s32 $0x4000;
	s29 =	simm.s32 $0xC000;
	s30 =	simm.s32 $0x11000  }
0x6: {  	s31 =	simm.s32 $0x13000;
	[smem:$0x7FF] =	sst s4;
	s3 =	sand.u32 $0x1, s3  }
0x7: {  	s5 =	sshll.u32 s6, $0x1;
	s8 =	sshrl.u32 s6, $0x3;
	s7 =	sadd.s32 $0x100000, s0  }
0x8: {  	_ =	strace $0x8000004D;
	s9 =	sor.u32 s3, s5;
	s5 =	sadd.s32 $0x80000, s0  }
0x9: {  	s3 =	ssub.s32 $0x2, s3;
	s6 =	sshll.u32 s8, $0x17;
	s8 =	sshll.u32 s8, $0x15  }
0xa: {  	s10 =	sand.u32 $0xF, s9;
	s12 =	sshrl.u32 s3, $0x1;
	s9 =	sshll.u32 s9, $0x4  }
0xb: {  	s11 =	sshll.u32 s10, $0x13;
	s3 =	ssub.s32 s3, s12;
	s17 =	sshll.u32 s10, $0x5  }
0xc: {  	s10 =	sshll.u32 s10, $0x11;
	s0 =	sadd.s32 s0, s9;
	s11 =	sor.u32 s6, s11  }
0xd: {  	s13 =	sor.u32 $0x1, s17;
	s10 =	sor.u32 s8, s10;
	s18 =	sor.u32 $0x2, s17  }
0xe: {  	s9 =	sadd.s32 $0x600, s0;
	s25 =	sadd.s32 $0x400, s0;
	[dreg:$0xc] =	wrdreg s0  }
0xf: {  	s0 =	sadd.s32 $0x200, s0;
	s26 =	smax.u32 s3, $0x1;
	[dreg:$0xd] =	wrdreg s9  }
0x10: {  	s3 =	simm.s32 $0x2;
	s11 =	sshrl.u32 s11, $0x3;
	[dreg:$0xe] =	wrdreg s25  }
0x11: {  	s19 =	sshll.u32 s13, $0xE;
	s10 =	sshrl.u32 s10, $0x3;
	[dreg:$0xf] =	wrdreg s0  }
0x12: {  	s13 =	sshll.u32 s13, $0xC;
	[dreg:$0x10] =	wrdreg s26;
	s14 =	sadd.s32 s1, s11  }
0x13: {  	v0 =	vlaneseq.u32;
	s11 =	sadd.s32 s2, s11;
	s20 =	sor.u32 s6, s19;
	[dreg:$0x4] =	wrdreg s14  }
0x14: {  	v0 =	vmul.u32 $0x4, v0;
	s21 =	sadd.s32 s5, s10;
	s10 =	sadd.s32 s7, s10;
	[dreg:$0x5] =	wrdreg s11  }
0x15: {  	s23 =	sor.u32 s8, s13;
	[dreg:$0x6] =	wrdreg s21;
	s11 =	sshrl.u32 s20, $0x3  }
.Ltmp0:
0x16: {  	v2 =	vor.u32 $0x2, v0;
	[dreg:$0x7] =	wrdreg s10;
	s22 =	sadd.s32 s1, s11;
	(pc) =	sbr.rel .LBB2_1-.Ltmp0, $4  }
0x17: {  	s10 =	sshrl.u32 s23, $0x3;
	s11 =	sadd.s32 s2, s11;
	[dreg:$0x8] =	wrdreg s22  }
0x18: {  	s0 =	simm.s32 $0x1;
	s24 =	sadd.s32 s5, s10;
	[dreg:$0x9] =	wrdreg s11  }
0x19: {  	v1 =	vor.u32 $0x1, v0;
	s25 =	simm.s32 $0x3;
	s10 =	sadd.s32 s7, s10;
	[dreg:$0xa] =	wrdreg s24  }
0x1a: {  	v4 =	vimm.s32 $0x0;
	v3 =	vor.u32 $0x3, v0;
	s19 =	sor.u32 $0x3, s17;
	[dreg:$0xb] =	wrdreg s10;
	s24 =	simm.s32 $0x0  }
.LBB2_36:
0x1b: {  	[tilespmem:$0x14000] =	vst v25  }
0x1c: {  	[tilespmem:$0x14080] =	vst v11  }
0x1d: {  	[tilespmem:$0x14100] =	vst v6  }
0x1e: {  	[tilespmem:$0x14180] =	vst v5;
	s9 =	rddreg [dreg:$0xd];
	s10 =	simm.s32 $0x14000  }
0x1f: {  	[hbm4b:s9+s4] =	stream.linear.scatter [tilespmem:s10], [sflag:$0x3], $0x80, $0x38;
	[tilespmem:$0x14200] =	vst v63  }
0x20: {  	_ =	swait.ge [sflag:s25], $0x80  }
0x21: {  	[sflag:s25] =	ssyncset.done $0x0  }
0x22: {  	s17 =	simm.s32 $0x14080;
	s16 =	rddreg [dreg:$0xe];
	[sflag:s25] =	ssyncadd.s32 $0xFFFFFF80  }
0x23: {  	[hbm4b:s16+s4] =	stream.linear.scatter [tilespmem:s17], [sflag:$0x3], $0x80, $0x38;
	[tilespmem:$0x14200] =	vst v63  }
0x24: {  	_ =	swait.ge [sflag:s25], $0x80  }
0x25: {  	[sflag:s25] =	ssyncset.done $0x0  }
0x26: {  	s21 =	simm.s32 $0x14100;
	s20 =	rddreg [dreg:$0xf];
	[sflag:s25] =	ssyncadd.s32 $0xFFFFFF80  }
0x27: {  	[hbm4b:s20+s4] =	stream.linear.scatter [tilespmem:s21], [sflag:$0x3], $0x80, $0x38;
	[tilespmem:$0x14200] =	vst v63  }
0x28: {  	_ =	swait.ge [sflag:s25], $0x80  }
0x29: {  	[sflag:s25] =	ssyncset.done $0x0  }
0x2a: {  	s23 =	simm.s32 $0x14180;
	s22 =	rddreg [dreg:$0xc];
	[sflag:s25] =	ssyncadd.s32 $0xFFFFFF80  }
0x2b: {  	[hbm4b:s22+s4] =	stream.linear.scatter [tilespmem:s23], [sflag:$0x3], $0x80, $0x38;
	[tilespmem:$0x14200] =	vst v63  }
0x2c: {  	_ =	swait.ge [sflag:s25], $0x80  }
0x2d: {  	s24 =	sadd.s32 $0x1, s24;
	s26 =	rddreg [dreg:$0x10]  }
0x2e: {  	p0 =	sne.s32 s24, s26  }
.Ltmp1:
0x2f: {  	_ = 	snop;
	(pc) =	sbr.rel @!p0 .LBB2_37-.Ltmp1, $3  }
0x30: {  	_ =	sdelay $0x1  }
0x31: {  	[sflag:s25] =	ssyncset.done $0x0  }
0x32: {  	[sflag:s25] =	ssyncadd.s32 $0xFFFFFF80  }
.LBB2_1:
0x33: {  	s9 =	rddreg [dreg:$0x4]  }
0x34: {  	[tilespmem:s4], [sflag:$0x1] =	stream.linear.gather [hbm4b:s9+s4], $0x4000, $0x38;
	[tilespmem:$0x14200] =	vst v63  }
0x35: {  	s14 =	rddreg [dreg:$0x5];
	s10 =	simm.s32 $0x8000  }
0x36: {  	[tilespmem:s10], [sflag:$0x1] =	stream.linear.gather [hbm4b:s14+s4], $0x4000, $0x38;
	[tilespmem:$0x14200] =	vst v63  }
0x37: {  	s15 =	rddreg [dreg:$0x6];
	s16 =	simm.s32 $0x10000  }
0x38: {  	[tilespmem:s16], [sflag:$0x1] =	stream.linear.gather [hbm4b:s15+s4], $0x1000, $0x38;
	[tilespmem:$0x14200] =	vst v63  }
0x39: {  	s17 =	rddreg [dreg:$0x7];
	s20 =	simm.s32 $0x12000  }
0x3a: {  	[tilespmem:s20], [sflag:$0x1] =	stream.linear.gather [hbm4b:s17+s4], $0x1000, $0x38;
	[tilespmem:$0x14200] =	vst v63  }
0x3b: {  	s21 =	rddreg [dreg:$0x8]  }
0x3c: {  	[tilespmem:s28], [sflag:$0x2] =	stream.linear.gather [hbm4b:s21+s4], $0x4000, $0x38;
	[tilespmem:$0x14200] =	vst v63  }
0x3d: {  	s22 =	rddreg [dreg:$0x9]  }
0x3e: {  	[tilespmem:s29], [sflag:$0x2] =	stream.linear.gather [hbm4b:s22+s4], $0x4000, $0x38;
	[tilespmem:$0x14200] =	vst v63  }
0x3f: {  	s23 =	rddreg [dreg:$0xa]  }
0x40: {  	[tilespmem:s30], [sflag:$0x2] =	stream.linear.gather [hbm4b:s23+s4], $0x1000, $0x38;
	[tilespmem:$0x14200] =	vst v63  }
0x41: {  	s26 =	rddreg [dreg:$0xb]  }
0x42: {  	v11 =	vimm.f32 $0.0e+00;
	[tilespmem:s31], [sflag:$0x2] =	stream.linear.gather [hbm4b:s26+s4], $0x1000, $0x38;
	[tilespmem:$0x14200] =	vst v63  }
0x43: {  	v5 =	vimm.s32 $0x0;
	v6 =	vimm.s32 $0x0;
	v25 =	vimm.f32 $0.0e+00;
	s26 =	simm.s32 $0x0  }
.LBB2_2:
0x44: {  	_ =	swait.ge [sflag:s0], $0x4000  }
0x45: {  	[sflag:s0] =	ssyncset.done $0x0  }
0x46: {  	[sflag:s0] =	ssyncadd.s32 $0xFFFFC000  }
0x47: {  	_ =	swait.ge [sflag:s0], $0x4000  }
0x48: {  	[sflag:s0] =	ssyncset.done $0x0  }
0x49: {  	[sflag:s0] =	ssyncadd.s32 $0xFFFFC000  }
0x4a: {  	_ =	swait.ge [sflag:s0], $0x1000  }
0x4b: {  	[sflag:s0] =	ssyncset.done $0x0  }
0x4c: {  	[sflag:s0] =	ssyncadd.s32 $0xFFFFF000  }
0x4d: {  	s9 =	simm.s32 $0x0;
	_ =	swait.ge [sflag:s0], $0x1000  }
0x4e: {  	s12 =	sand.u32 $0x70, s9;
	s13 =	sand.u32 $0xC00, s9;
	[sflag:s0] =	ssyncset.done $0x0  }
0x4f: {  	s14 =	sor.u32 s12, s13;
	[sflag:s0] =	ssyncadd.s32 $0xFFFFF000  }
0x50: {  	s10 =	sand.u32 $0x40, s9;
	s11 =	sand.u32 $0x3C00, s9;
	v9 =	vld [tilespmem:s14+$0x10000]  }
0x51: {  	s9 =	sor.u32 s10, s11;
	v8 =	vld [tilespmem:s14+$0x12000]  }
0x52: {  	s22 =	sor.u32 $0x8000, s9;
	v12 =	vld.idx.msk [tilespmem:v0+s9+$0x0], $0xffff  }
0x53: {  	v13 =	vld.idx.msk [tilespmem:v0+s22+$0x0], $0xffff  }
0x54: {  	v17 =	vld.idx.msk [tilespmem:v2+s9+$0x0], $0xffff  }
0x55: {  	v20 =	vld.idx.msk [tilespmem:v2+s22+$0x0], $0xffff;
	_ =	sdelay $0x1  }
0x56: {  	v14 =	vld.idx.msk [tilespmem:v1+s9+$0x0], $0xffff;
	v7 =	vadd.s32 v4, v9;
	v16 =	vand.u32 $0x10000, v9  }
0x57: {  	v15 =	vld.idx.msk [tilespmem:v1+s22+$0x0], $0xffff;
	v18 =	vand.u32 $0x1000000, v9;
	v10 =	vand.u32 $0x1000000, v8;
	v19 =	vand.u32 $0x100, v9  }
0x58: {  	v23 =	vld.idx.msk [tilespmem:v3+s9+$0x0], $0xffff;
	v21 =	vand.u32 $0x100, v8;
	v22 =	vand.u32 $0x10000, v8;
	v9 =	vand.u32 $0x1, v9  }
0x59: {  	v26 =	vld.idx.msk [tilespmem:v3+s22+$0x0], $0xffff;
	v24 =	vand.u32 $0x1, v8;
	v12 =	vsub.f32 v12, v13;
	v13 =	vsub.f32 v17, v20  }
0x5a: {  	vm0 =	veq.s32 v18, $0x0;
	vm2 =	veq.s32 v16, $0x0;
	vm1 =	veq.s32 v22, $0x0  }
0x5b: {  	s23 =	simm.s32 $0x40;
	s15 =	simm.s32 $0x80;
	s14 =	simm.s32 $0x200;
	vm3 =	veq.s32 v9, $0x0;
	vm4 =	veq.s32 v19, $0x0;
	v9 =	vand.u32 $0x7FFFFFFF, v12  }
0x5c: {  	s20 =	simm.s32 $0x10;
	s9 =	sand.u32 $0x40, s23;
	s16 =	sand.u32 $0x3C00, s14;
	vm6 =	veq.s32 v24, $0x0;
	v12 =	vsub.f32 v14, v15;
	v14 =	vnsel vm3, $0x0, v9  }
0x5d: {  	s21 =	sand.u32 $0x70, s20;
	s22 =	sand.u32 $0xC00, s15;
	s16 =	sor.u32 s9, s16;
	vm5 =	veq.s32 v21, $0x0;
	v15 =	vnsel vm6, $0x0, v9;
	v16 =	vadd.f32 v14, v25  }
0x5e: {  	s22 =	sor.u32 s21, s22;
	v9 =	vld.idx.msk [tilespmem:v2+s16+$0x0], $0xffff;
	v18 =	vand.u32 $0x7FFFFFFF, v12;
	v15 =	vadd.f32 v15, v11;
	v14 =	vsub.f32 v23, v26  }
0x5f: {  	s21 =	simm.s32 $0x80;
	v12 =	vld [tilespmem:s22+$0x10000];
	v11 =	vimm.s32 $0x0;
	v17 =	vnsel vm4, $0x0, v18;
	v18 =	vnsel vm5, $0x0, v18  }
.LBB2_3:
0x60: {  	p0 =	sne.s32 s21, $0x7C0;
	v19 =	vld [tilespmem:s22+$0x12000];
	v16 =	vadd.f32 v17, v16;
	v15 =	vadd.f32 v18, v15;
	v13 =	vand.u32 $0x7FFFFFFF, v13  }
0x61: {  	s22 =	sor.u32 $0x8000, s16;
	v17 =	vld.idx.msk [tilespmem:v0+s16+$0x0], $0xffff;
	v18 =	vnsel vm2, $0x0, v13;
	v13 =	vnsel vm1, $0x0, v13;
	vm1 =	veq.s32 v10, $0x0  }
0x62: {  	v14 =	vand.u32 $0x7FFFFFFF, v14;
	v20 =	vld.idx.msk [tilespmem:v0+s22+$0x0], $0xffff;
	v10 =	vadd.f32 v18, v16;
	v13 =	vadd.f32 v13, v15  }
0x63: {  	v11 =	vadd.s32 v11, v8;
	v23 =	vnsel vm0, $0x0, v14;
	v14 =	vnsel vm1, $0x0, v14;
	v15 =	vld.idx.msk [tilespmem:v1+s16+$0x0], $0xffff  }
0x64: {  	v7 =	vadd.s32 v7, v12;
	v16 =	vld.idx.msk [tilespmem:v1+s22+$0x0], $0xffff;
	v18 =	vadd.f32 v23, v10;
	v14 =	vadd.f32 v14, v13  }
0x65: {  	v21 =	vand.u32 $0x10000, v12;
	v22 =	vand.u32 $0x1000000, v12;
	v13 =	vld.idx.msk [tilespmem:v2+s22+$0x0], $0xffff;
	v10 =	vand.u32 $0x1000000, v19;
	v8 =	vmovc v19  }
0x66: {  	v19 =	vand.u32 $0x100, v12;
	v23 =	vand.u32 $0x100, v8;
	v24 =	vand.u32 $0x10000, v8;
	v25 =	vld.idx.msk [tilespmem:v3+s16+$0x0], $0xffff  }
0x67: {  	v12 =	vand.u32 $0x1, v12;
	vm0 =	veq.s32 v22, $0x0;
	v26 =	vand.u32 $0x1, v8;
	v27 =	vld.idx.msk [tilespmem:v3+s22+$0x0], $0xffff  }
0x68: {  	vm2 =	veq.s32 v21, $0x0;
	v17 =	vsub.f32 v17, v20;
	vm1 =	veq.s32 v24, $0x0  }
.Ltmp2:
0x69: {  	s14 =	sadd.s32 $0x200, s14;
	s15 =	sadd.s32 $0x80, s15;
	vm3 =	veq.s32 v12, $0x0;
	vm4 =	veq.s32 v19, $0x0;
	vm5 =	veq.s32 v23, $0x0;
	(pc) =	sbr.rel @p0 .LBB2_3-.Ltmp2, $4  }
0x6a: {  	s20 =	sadd.s32 $0x10, s20;
	s16 =	sand.u32 $0x40, s21;
	s22 =	sand.u32 $0x3C00, s14;
	vm6 =	veq.s32 v26, $0x0;
	v12 =	vand.u32 $0x7FFFFFFF, v17;
	v17 =	vsub.f32 v15, v16  }
0x6b: {  	s23 =	sand.u32 $0x70, s20;
	s17 =	sand.u32 $0xC00, s15;
	s16 =	sor.u32 s16, s22;
	v15 =	vnsel vm3, $0x0, v12;
	v12 =	vnsel vm6, $0x0, v12;
	v13 =	vsub.f32 v9, v13  }
0x6c: {  	s22 =	sor.u32 s23, s17;
	v16 =	vadd.f32 v15, v18;
	v15 =	vadd.f32 v12, v14;
	v14 =	vand.u32 $0x7FFFFFFF, v17;
	v9 =	vld.idx.msk [tilespmem:v2+s16+$0x0], $0xffff  }
0x6d: {  	s21 =	sadd.s32 $0x40, s21;
	v17 =	vnsel vm4, $0x0, v14;
	v18 =	vnsel vm5, $0x0, v14;
	v14 =	vsub.f32 v25, v27;
	v12 =	vld [tilespmem:s22+$0x10000]  }
0x6e: {  	_ =	sdelay $0x1  }
0x6f: {  	v16 =	vadd.f32 v17, v16  }
0x70: {  	v13 =	vand.u32 $0x7FFFFFFF, v13;
	v17 =	vld [tilespmem:s22+$0x12000];
	v15 =	vadd.f32 v18, v15;
	v8 =	vadd.s32 v11, v8  }
0x71: {  	v19 =	vld.idx.msk [tilespmem:v0+s16+$0x0], $0xffff;
	s14 =	sor.u32 $0x8000, s16;
	v18 =	vnsel vm2, $0x0, v13;
	v13 =	vnsel vm1, $0x0, v13;
	vm1 =	veq.s32 v10, $0x0  }
0x72: {  	v14 =	vand.u32 $0x7FFFFFFF, v14;
	v10 =	vadd.f32 v18, v16;
	v16 =	vld.idx.msk [tilespmem:v0+s14+$0x0], $0xffff;
	v13 =	vadd.f32 v13, v15  }
0x73: {  	v11 =	vld.idx.msk [tilespmem:v1+s16+$0x0], $0xffff;
	v15 =	vnsel vm0, $0x0, v14;
	v14 =	vnsel vm1, $0x0, v14;
	v7 =	vadd.s32 v7, v12  }
0x74: {  	v18 =	vld.idx.msk [tilespmem:v1+s14+$0x0], $0xffff;
	v10 =	vadd.f32 v15, v10;
	v13 =	vadd.f32 v14, v13;
	v14 =	vand.u32 $0x10000, v12  }
0x75: {  	v22 =	vld.idx.msk [tilespmem:v2+s14+$0x0], $0xffff;
	v15 =	vand.u32 $0x1000000, v12;
	v21 =	vand.u32 $0x100, v12;
	v12 =	vand.u32 $0x1, v12  }
0x76: {  	v20 =	vand.u32 $0x1000000, v17;
	v23 =	vand.u32 $0x100, v17;
	v24 =	vand.u32 $0x10000, v17  }
0x77: {  	v25 =	vld.idx.msk [tilespmem:v3+s16+$0x0], $0xffff;
	v26 =	vand.u32 $0x1, v17;
	vm0 =	veq.s32 v15, $0x0;
	v15 =	vsub.f32 v19, v16  }
0x78: {  	vm1 =	veq.s32 v14, $0x0;
	vm2 =	veq.s32 v12, $0x0;
	vm3 =	veq.s32 v21, $0x0;
	v16 =	vld.idx.msk [tilespmem:v3+s14+$0x0], $0xffff  }
0x79: {  	vm4 =	veq.s32 v26, $0x0;
	v11 =	vsub.f32 v11, v18;
	v12 =	vand.u32 $0x7FFFFFFF, v15  }
0x7a: {  	vm5 =	veq.s32 v23, $0x0;
	v9 =	vsub.f32 v9, v22;
	v14 =	vnsel vm2, $0x0, v12  }
0x7b: {  	v11 =	vand.u32 $0x7FFFFFFF, v11;
	v12 =	vnsel vm4, $0x0, v12;
	v10 =	vadd.f32 v14, v10  }
0x7c: {  	s12 =	sor.u32 s13, s12;
	v9 =	vand.u32 $0x7FFFFFFF, v9;
	v12 =	vadd.f32 v12, v13;
	v13 =	vnsel vm3, $0x0, v11  }
0x7d: {  	s10 =	sor.u32 s11, s10;
	v11 =	vnsel vm5, $0x0, v11;
	v14 =	vld [tilespmem:s12+$0x10080];
	v15 =	vsub.f32 v25, v16;
	v10 =	vadd.f32 v13, v10  }
0x7e: {  	s11 =	sor.u32 $0x80, s10;
	s10 =	sor.u32 $0x8080, s10;
	vm2 =	veq.s32 v24, $0x0;
	v13 =	vld [tilespmem:s12+$0x12080];
	v11 =	vadd.f32 v11, v12;
	v12 =	vnsel vm1, $0x0, v9  }
0x7f: {  	v58 =	vld.idx.msk [tilespmem:v2+s10+$0x0], $0xffff;
	v9 =	vnsel vm2, $0x0, v9;
	v10 =	vadd.f32 v12, v10;
	v12 =	vand.u32 $0x7FFFFFFF, v15  }
0x80: {  	v16 =	vld.idx.msk [tilespmem:v0+s11+$0x0], $0xffff;
	vm1 =	veq.s32 v20, $0x0;
	v9 =	vadd.f32 v9, v11;
	v11 =	vnsel vm0, $0x0, v12  }
0x81: {  	v17 =	vadd.s32 v8, v17;
	v8 =	vnsel vm1, $0x0, v12;
	v18 =	vadd.f32 v11, v10;
	v11 =	vld.idx.msk [tilespmem:v0+s10+$0x0], $0xffff  }
0x82: {  	v12 =	vld.idx.msk [tilespmem:v1+s11+$0x0], $0xffff;
	v19 =	vand.u32 $0x10000, v14;
	v57 =	vand.u32 $0x1000000, v14;
	v59 =	vand.u32 $0x100, v14  }
0x83: {  	v9 =	vadd.f32 v8, v9;
	v8 =	vadd.s32 v7, v14;
	v7 =	vadd.s32 v17, v13;
	v17 =	vld.idx.msk [tilespmem:v1+s10+$0x0], $0xffff  }
0x84: {  	v15 =	vld.idx.msk [tilespmem:v2+s11+$0x0], $0xffff;
	v14 =	vand.u32 $0x1, v14;
	vm0 =	veq.s32 v57, $0x0;
	vm1 =	veq.s32 v19, $0x0  }
0x85: {  	v62 =	vld.idx.msk [tilespmem:v3+s11+$0x0], $0xffff;
	vm14 =	veq.s32 v59, $0x0;
	v10 =	vand.u32 $0x1000000, v13;
	v60 =	vand.u32 $0x100, v13  }
0x86: {  	v63 =	vld.idx.msk [tilespmem:v3+s10+$0x0], $0xffff;
	v61 =	vand.u32 $0x10000, v13;
	v13 =	vand.u32 $0x1, v13;
	v11 =	vsub.f32 v16, v11  }
0x87: {  	s11 =	simm.s32 $0x10;
	vm3 =	veq.s32 v14, $0x0;
	s10 =	simm.s32 $0x80;
	vm2 =	veq.s32 v61, $0x0;
	vm15 =	veq.s32 v60, $0x0  }
0x88: {  	s12 =	simm.s32 $0x200;
	s21 =	sand.u32 $0x70, s11;
	s22 =	sand.u32 $0xC00, s10;
	vm6 =	veq.s32 v13, $0x0;
	v13 =	vsub.f32 v12, v17;
	v11 =	vand.u32 $0x7FFFFFFF, v11  }
0x89: {  	s23 =	sand.u32 $0x3C00, s12;
	s13 =	sor.u32 s22, s21;
	v12 =	vsub.f32 v15, v58;
	v14 =	vnsel vm3, $0x0, v11;
	v16 =	vnsel vm6, $0x0, v11  }
0x8a: {  	s14 =	sor.u32 s23, s9;
	v11 =	vld [tilespmem:s13+$0x10080];
	v13 =	vand.u32 $0x7FFFFFFF, v13;
	v14 =	vadd.f32 v14, v18;
	v15 =	vadd.f32 v16, v9  }
0x8b: {  	s9 =	simm.s32 $0x80;
	v9 =	vld [tilespmem:s13+$0x12080];
	s13 =	sor.u32 $0x80, s14;
	v16 =	vnsel vm14, $0x0, v13;
	v17 =	vnsel vm15, $0x0, v13;
	v13 =	vsub.f32 v62, v63  }
.LBB2_5:
0x8c: {  	p0 =	sne.s32 s9, $0x7C0;
	v18 =	vld.idx.msk [tilespmem:v2+s13+$0x0], $0xffff;
	v14 =	vadd.f32 v16, v14;
	v15 =	vadd.f32 v17, v15;
	v12 =	vand.u32 $0x7FFFFFFF, v12  }
0x8d: {  	s14 =	sor.u32 $0x8080, s14;
	v16 =	vld.idx.msk [tilespmem:v0+s13+$0x0], $0xffff;
	v17 =	vnsel vm1, $0x0, v12;
	v12 =	vnsel vm2, $0x0, v12;
	vm1 =	veq.s32 v10, $0x0  }
0x8e: {  	v13 =	vand.u32 $0x7FFFFFFF, v13;
	v19 =	vld.idx.msk [tilespmem:v0+s14+$0x0], $0xffff;
	v10 =	vadd.f32 v17, v14;
	v12 =	vadd.f32 v12, v15  }
0x8f: {  	v15 =	vnsel vm0, $0x0, v13;
	v13 =	vnsel vm1, $0x0, v13;
	v8 =	vadd.s32 v8, v11;
	v14 =	vld.idx.msk [tilespmem:v1+s13+$0x0], $0xffff  }
0x90: {  	v7 =	vadd.s32 v7, v9;
	v17 =	vld.idx.msk [tilespmem:v1+s14+$0x0], $0xffff;
	v15 =	vadd.f32 v15, v10;
	v13 =	vadd.f32 v13, v12  }
0x91: {  	v20 =	vand.u32 $0x10000, v11;
	v21 =	vand.u32 $0x1000000, v11;
	v10 =	vand.u32 $0x1000000, v9;
	v12 =	vld.idx.msk [tilespmem:v2+s14+$0x0], $0xffff  }
0x92: {  	v22 =	vand.u32 $0x100, v11;
	v23 =	vand.u32 $0x100, v9;
	v24 =	vand.u32 $0x10000, v9;
	v25 =	vld.idx.msk [tilespmem:v3+s13+$0x0], $0xffff  }
0x93: {  	v11 =	vand.u32 $0x1, v11;
	v9 =	vand.u32 $0x1, v9;
	vm0 =	veq.s32 v21, $0x0;
	v26 =	vld.idx.msk [tilespmem:v3+s14+$0x0], $0xffff  }
0x94: {  	vm1 =	veq.s32 v20, $0x0;
	vm2 =	veq.s32 v24, $0x0;
	v16 =	vsub.f32 v16, v19  }
.Ltmp3:
0x95: {  	s10 =	sadd.s32 $0x80, s10;
	s11 =	sadd.s32 $0x10, s11;
	vm3 =	veq.s32 v11, $0x0;
	vm4 =	veq.s32 v22, $0x0;
	vm5 =	veq.s32 v23, $0x0;
	(pc) =	sbr.rel @p0 .LBB2_5-.Ltmp3, $4  }
0x96: {  	s12 =	sadd.s32 $0x200, s12;
	vm6 =	veq.s32 v9, $0x0;
	s13 =	sand.u32 $0x70, s11;
	s14 =	sand.u32 $0xC00, s10;
	v11 =	vand.u32 $0x7FFFFFFF, v16;
	v9 =	vsub.f32 v14, v17  }
0x97: {  	s15 =	sand.u32 $0x3C00, s12;
	s13 =	sor.u32 s14, s13;
	s14 =	sand.u32 $0x40, s9;
	v14 =	vnsel vm3, $0x0, v11;
	v16 =	vnsel vm6, $0x0, v11;
	v12 =	vsub.f32 v18, v12  }
0x98: {  	s14 =	sor.u32 s15, s14;
	v14 =	vadd.f32 v14, v15;
	v15 =	vadd.f32 v16, v13;
	v13 =	vand.u32 $0x7FFFFFFF, v9;
	v11 =	vld [tilespmem:s13+$0x10080]  }
0x99: {  	s9 =	sadd.s32 $0x40, s9;
	v16 =	vnsel vm4, $0x0, v13;
	v17 =	vnsel vm5, $0x0, v13;
	v13 =	vsub.f32 v25, v26;
	v9 =	vld [tilespmem:s13+$0x12080];
	s13 =	sor.u32 $0x80, s14  }
0x9a: {  	_ =	sdelay $0x2  }
0x9b: {  	v14 =	vadd.f32 v16, v14;
	v15 =	vadd.f32 v17, v15;
	v12 =	vand.u32 $0x7FFFFFFF, v12  }
0x9c: {  	v16 =	vld.idx.msk [tilespmem:v0+s13+$0x0], $0xffff;
	s9 =	sor.u32 $0x8080, s14;
	v17 =	vnsel vm1, $0x0, v12;
	v12 =	vnsel vm2, $0x0, v12;
	vm1 =	veq.s32 v10, $0x0  }
0x9d: {  	v10 =	vld.idx.msk [tilespmem:v0+s9+$0x0], $0xffff;
	v13 =	vand.u32 $0x7FFFFFFF, v13;
	v14 =	vadd.f32 v17, v14;
	v12 =	vadd.f32 v12, v15  }
0x9e: {  	v18 =	vld.idx.msk [tilespmem:v1+s9+$0x0], $0xffff;
	v17 =	vnsel vm0, $0x0, v13;
	v13 =	vnsel vm1, $0x0, v13;
	v8 =	vadd.s32 v8, v11  }
0x9f: {  	v15 =	vld.idx.msk [tilespmem:v1+s13+$0x0], $0xffff;
	v19 =	vand.u32 $0x1000000, v11;
	v21 =	vand.u32 $0x100, v11;
	v14 =	vadd.f32 v17, v14  }
0xa0: {  	v22 =	vld.idx.msk [tilespmem:v2+s9+$0x0], $0xffff;
	v12 =	vadd.f32 v13, v12;
	v13 =	vand.u32 $0x10000, v11;
	v20 =	vand.u32 $0x1000000, v9  }
0xa1: {  	v17 =	vld.idx.msk [tilespmem:v2+s13+$0x0], $0xffff;
	v23 =	vand.u32 $0x100, v9;
	v24 =	vand.u32 $0x10000, v9;
	v11 =	vand.u32 $0x1, v11  }
0xa2: {  	v25 =	vld.idx.msk [tilespmem:v3+s13+$0x0], $0xffff;
	v26 =	vand.u32 $0x1, v9;
	vm0 =	veq.s32 v19, $0x0;
	v10 =	vsub.f32 v16, v10  }
0xa3: {  	vm3 =	veq.s32 v21, $0x0;
	vm1 =	veq.s32 v13, $0x0;
	vm2 =	veq.s32 v11, $0x0;
	v16 =	vld.idx.msk [tilespmem:v3+s9+$0x0], $0xffff  }
0xa4: {  	s10 =	simm.s32 $0x0;
	vm4 =	veq.s32 v26, $0x0;
	v11 =	vsub.f32 v15, v18;
	v10 =	vand.u32 $0x7FFFFFFF, v10  }
0xa5: {  	s17 =	sand.u32 $0x70, s10;
	vm5 =	veq.s32 v23, $0x0;
	v13 =	vnsel vm2, $0x0, v10;
	v10 =	vnsel vm4, $0x0, v10  }
0xa6: {  	s11 =	sand.u32 $0xC00, s10;
	s20 =	sand.u32 $0x40, s10;
	s12 =	sand.u32 $0x3C00, s10;
	v15 =	vsub.f32 v17, v22;
	v11 =	vand.u32 $0x7FFFFFFF, v11;
	v13 =	vadd.f32 v13, v14  }
0xa7: {  	s11 =	sor.u32 s11, s17;
	s9 =	sor.u32 s12, s20;
	v10 =	vadd.f32 v10, v12;
	v12 =	vnsel vm3, $0x0, v11;
	v11 =	vnsel vm5, $0x0, v11  }
0xa8: {  	s12 =	sor.u32 $0x8100, s9;
	v14 =	vld [tilespmem:s11+$0x10100];
	v16 =	vsub.f32 v25, v16;
	v12 =	vadd.f32 v12, v13;
	v13 =	vand.u32 $0x7FFFFFFF, v15  }
0xa9: {  	s21 =	sor.u32 $0x100, s9;
	v18 =	vld.idx.msk [tilespmem:v1+s12+$0x0], $0xffff;
	vm2 =	veq.s32 v24, $0x0;
	v10 =	vadd.f32 v11, v10;
	v11 =	vnsel vm1, $0x0, v13  }
0xaa: {  	v17 =	vld.idx.msk [tilespmem:v0+s21+$0x0], $0xffff;
	v13 =	vnsel vm2, $0x0, v13;
	v11 =	vadd.f32 v11, v12;
	v12 =	vand.u32 $0x7FFFFFFF, v16  }
0xab: {  	v15 =	vld [tilespmem:s11+$0x12100];
	vm1 =	veq.s32 v20, $0x0;
	v10 =	vadd.f32 v13, v10;
	v13 =	vnsel vm0, $0x0, v12  }
0xac: {  	v7 =	vadd.s32 v7, v9;
	v9 =	vnsel vm1, $0x0, v12;
	v13 =	vadd.f32 v13, v11;
	v11 =	vld.idx.msk [tilespmem:v0+s12+$0x0], $0xffff  }
0xad: {  	v58 =	vld.idx.msk [tilespmem:v2+s12+$0x0], $0xffff;
	v8 =	vadd.s32 v8, v14;
	v19 =	vand.u32 $0x10000, v14;
	v57 =	vand.u32 $0x1000000, v14  }
0xae: {  	v12 =	vld.idx.msk [tilespmem:v1+s21+$0x0], $0xffff;
	v59 =	vand.u32 $0x100, v14;
	v14 =	vand.u32 $0x1, v14;
	v9 =	vadd.f32 v9, v10  }
0xaf: {  	v16 =	vld.idx.msk [tilespmem:v2+s21+$0x0], $0xffff;
	vm0 =	veq.s32 v57, $0x0;
	vm1 =	veq.s32 v19, $0x0;
	vm3 =	veq.s32 v14, $0x0  }
0xb0: {  	v62 =	vld.idx.msk [tilespmem:v3+s21+$0x0], $0xffff;
	vm14 =	veq.s32 v59, $0x0;
	v7 =	vadd.s32 v7, v15;
	v10 =	vand.u32 $0x1000000, v15  }
0xb1: {  	v63 =	vld.idx.msk [tilespmem:v3+s12+$0x0], $0xffff;
	v60 =	vand.u32 $0x100, v15;
	v61 =	vand.u32 $0x10000, v15;
	v11 =	vsub.f32 v17, v11  }
0xb2: {  	s22 =	simm.s32 $0x40;
	s13 =	simm.s32 $0x10;
	s12 =	simm.s32 $0x80;
	v15 =	vand.u32 $0x1, v15;
	vm2 =	veq.s32 v61, $0x0;
	vm15 =	veq.s32 v60, $0x0  }
0xb3: {  	s14 =	simm.s32 $0x200;
	s15 =	sand.u32 $0x70, s13;
	s16 =	sand.u32 $0xC00, s12;
	vm6 =	veq.s32 v15, $0x0;
	v17 =	vsub.f32 v12, v18;
	v11 =	vand.u32 $0x7FFFFFFF, v11  }
0xb4: {  	s23 =	sand.u32 $0x3C00, s14;
	s11 =	sand.u32 $0x40, s22;
	s15 =	sor.u32 s16, s15;
	v12 =	vsub.f32 v16, v58;
	v14 =	vnsel vm3, $0x0, v11;
	v15 =	vnsel vm6, $0x0, v11  }
0xb5: {  	s20 =	sor.u32 s23, s11;
	v11 =	vld [tilespmem:s15+$0x10100];
	v14 =	vadd.f32 v14, v13;
	v15 =	vadd.f32 v15, v9;
	v13 =	vand.u32 $0x7FFFFFFF, v17  }
0xb6: {  	s16 =	sor.u32 $0x100, s20;
	v9 =	vld [tilespmem:s15+$0x12100];
	s15 =	simm.s32 $0x80;
	v16 =	vnsel vm14, $0x0, v13;
	v17 =	vnsel vm15, $0x0, v13;
	v13 =	vsub.f32 v62, v63  }
.LBB2_7:
0xb7: {  	p0 =	sne.s32 s15, $0x7C0;
	v18 =	vld.idx.msk [tilespmem:v2+s16+$0x0], $0xffff;
	v14 =	vadd.f32 v16, v14;
	v15 =	vadd.f32 v17, v15;
	v12 =	vand.u32 $0x7FFFFFFF, v12  }
0xb8: {  	s17 =	sor.u32 $0x8100, s20;
	v16 =	vld.idx.msk [tilespmem:v0+s16+$0x0], $0xffff;
	v17 =	vnsel vm1, $0x0, v12;
	v12 =	vnsel vm2, $0x0, v12;
	vm1 =	veq.s32 v10, $0x0  }
0xb9: {  	v13 =	vand.u32 $0x7FFFFFFF, v13;
	v19 =	vld.idx.msk [tilespmem:v0+s17+$0x0], $0xffff;
	v10 =	vadd.f32 v17, v14;
	v12 =	vadd.f32 v12, v15  }
0xba: {  	v15 =	vnsel vm0, $0x0, v13;
	v13 =	vnsel vm1, $0x0, v13;
	v8 =	vadd.s32 v8, v11;
	v14 =	vld.idx.msk [tilespmem:v1+s16+$0x0], $0xffff  }
0xbb: {  	v7 =	vadd.s32 v7, v9;
	v17 =	vld.idx.msk [tilespmem:v1+s17+$0x0], $0xffff;
	v15 =	vadd.f32 v15, v10;
	v13 =	vadd.f32 v13, v12  }
0xbc: {  	v20 =	vand.u32 $0x10000, v11;
	v21 =	vand.u32 $0x1000000, v11;
	v10 =	vand.u32 $0x1000000, v9;
	v12 =	vld.idx.msk [tilespmem:v2+s17+$0x0], $0xffff  }
0xbd: {  	v22 =	vand.u32 $0x100, v11;
	v23 =	vand.u32 $0x100, v9;
	v24 =	vand.u32 $0x10000, v9;
	v25 =	vld.idx.msk [tilespmem:v3+s16+$0x0], $0xffff  }
0xbe: {  	v11 =	vand.u32 $0x1, v11;
	v9 =	vand.u32 $0x1, v9;
	vm0 =	veq.s32 v21, $0x0;
	v26 =	vld.idx.msk [tilespmem:v3+s17+$0x0], $0xffff  }
0xbf: {  	vm1 =	veq.s32 v20, $0x0;
	vm2 =	veq.s32 v24, $0x0;
	v16 =	vsub.f32 v16, v19  }
.Ltmp4:
0xc0: {  	s12 =	sadd.s32 $0x80, s12;
	s13 =	sadd.s32 $0x10, s13;
	vm3 =	veq.s32 v11, $0x0;
	vm4 =	veq.s32 v22, $0x0;
	vm5 =	veq.s32 v23, $0x0;
	(pc) =	sbr.rel @p0 .LBB2_7-.Ltmp4, $4  }
0xc1: {  	s14 =	sadd.s32 $0x200, s14;
	vm6 =	veq.s32 v9, $0x0;
	s16 =	sand.u32 $0x70, s13;
	s17 =	sand.u32 $0xC00, s12;
	v11 =	vand.u32 $0x7FFFFFFF, v16;
	v9 =	vsub.f32 v14, v17  }
0xc2: {  	s20 =	sand.u32 $0x3C00, s14;
	s16 =	sor.u32 s17, s16;
	s17 =	sand.u32 $0x40, s15;
	v14 =	vnsel vm3, $0x0, v11;
	v16 =	vnsel vm6, $0x0, v11;
	v12 =	vsub.f32 v18, v12  }
0xc3: {  	s20 =	sor.u32 s20, s17;
	v14 =	vadd.f32 v14, v15;
	v15 =	vadd.f32 v16, v13;
	v13 =	vand.u32 $0x7FFFFFFF, v9;
	v11 =	vld [tilespmem:s16+$0x10100]  }
0xc4: {  	s15 =	sadd.s32 $0x40, s15;
	v16 =	vnsel vm4, $0x0, v13;
	v17 =	vnsel vm5, $0x0, v13;
	v13 =	vsub.f32 v25, v26;
	v9 =	vld [tilespmem:s16+$0x12100];
	s16 =	sor.u32 $0x100, s20  }
0xc5: {  	_ =	sdelay $0x2  }
0xc6: {  	v14 =	vadd.f32 v16, v14;
	v12 =	vand.u32 $0x7FFFFFFF, v12  }
0xc7: {  	v15 =	vadd.f32 v17, v15;
	v16 =	vld.idx.msk [tilespmem:v2+s16+$0x0], $0xffff;
	v17 =	vnsel vm1, $0x0, v12;
	v12 =	vnsel vm2, $0x0, v12  }
0xc8: {  	s12 =	sor.u32 $0x8100, s20;
	vm1 =	veq.s32 v10, $0x0;
	v10 =	vld.idx.msk [tilespmem:v0+s16+$0x0], $0xffff;
	v13 =	vand.u32 $0x7FFFFFFF, v13;
	v14 =	vadd.f32 v17, v14  }
0xc9: {  	v12 =	vadd.f32 v12, v15;
	v15 =	vld.idx.msk [tilespmem:v0+s12+$0x0], $0xffff;
	v17 =	vnsel vm0, $0x0, v13;
	v13 =	vnsel vm1, $0x0, v13  }
0xca: {  	v18 =	vadd.s32 v8, v11;
	v8 =	vld.idx.msk [tilespmem:v1+s16+$0x0], $0xffff;
	v19 =	vand.u32 $0x1000000, v11;
	v22 =	vand.u32 $0x100, v11  }
0xcb: {  	v14 =	vadd.f32 v17, v14;
	v12 =	vadd.f32 v13, v12;
	v13 =	vld.idx.msk [tilespmem:v1+s12+$0x0], $0xffff;
	v17 =	vand.u32 $0x10000, v11  }
0xcc: {  	v21 =	vld.idx.msk [tilespmem:v2+s12+$0x0], $0xffff;
	v20 =	vand.u32 $0x1000000, v9;
	v23 =	vand.u32 $0x100, v9;
	v24 =	vand.u32 $0x10000, v9  }
0xcd: {  	v25 =	vld.idx.msk [tilespmem:v3+s16+$0x0], $0xffff;
	v11 =	vand.u32 $0x1, v11;
	v26 =	vand.u32 $0x1, v9;
	vm0 =	veq.s32 v19, $0x0  }
0xce: {  	v19 =	vld.idx.msk [tilespmem:v3+s12+$0x0], $0xffff;
	vm4 =	veq.s32 v22, $0x0;
	vm1 =	veq.s32 v17, $0x0;
	v10 =	vsub.f32 v10, v15  }
0xcf: {  	s10 =	sand.u32 $0xFFFFFC00, s10;
	vm2 =	veq.s32 v24, $0x0;
	vm3 =	veq.s32 v11, $0x0;
	vm5 =	veq.s32 v23, $0x0  }
0xd0: {  	s10 =	sadd.s32 $0x0, s10;
	vm6 =	veq.s32 v26, $0x0;
	v10 =	vand.u32 $0x7FFFFFFF, v10;
	v8 =	vsub.f32 v8, v13  }
0xd1: {  	s10 =	sor.u32 $0x180, s10;
	v13 =	vsub.f32 v16, v21;
	v11 =	vnsel vm3, $0x0, v10;
	v10 =	vnsel vm6, $0x0, v10  }
0xd2: {  	v15 =	vld [tilespmem:s10+$0x10000];
	v11 =	vadd.f32 v11, v14;
	v10 =	vadd.f32 v10, v12;
	v8 =	vand.u32 $0x7FFFFFFF, v8  }
0xd3: {  	s21 =	sor.u32 $0x8180, s9;
	v14 =	vsub.f32 v25, v19;
	v12 =	vnsel vm4, $0x0, v8;
	v8 =	vnsel vm5, $0x0, v8  }
0xd4: {  	v58 =	vld.idx.msk [tilespmem:v2+s21+$0x0], $0xffff;
	v11 =	vadd.f32 v12, v11;
	v10 =	vadd.f32 v8, v10;
	v12 =	vand.u32 $0x7FFFFFFF, v13  }
0xd5: {  	s20 =	sor.u32 $0x180, s9;
	v7 =	vadd.s32 v7, v9;
	v8 =	vld [tilespmem:s10+$0x12000];
	v13 =	vnsel vm1, $0x0, v12;
	v12 =	vnsel vm2, $0x0, v12  }
0xd6: {  	v11 =	vadd.f32 v13, v11;
	v10 =	vadd.f32 v12, v10;
	v12 =	vand.u32 $0x7FFFFFFF, v14;
	v13 =	vld.idx.msk [tilespmem:v0+s20+$0x0], $0xffff  }
0xd7: {  	v19 =	vand.u32 $0x10000, v15;
	v59 =	vand.u32 $0x100, v15;
	v14 =	vld.idx.msk [tilespmem:v0+s21+$0x0], $0xffff;
	v9 =	vnsel vm0, $0x0, v12  }
0xd8: {  	vm13 =	veq.s32 v59, $0x0;
	vm1 =	veq.s32 v20, $0x0;
	v17 =	vadd.f32 v9, v11;
	v11 =	vld.idx.msk [tilespmem:v1+s20+$0x0], $0xffff  }
0xd9: {  	v20 =	vand.u32 $0x1000000, v15;
	v12 =	vnsel vm1, $0x0, v12;
	v9 =	vadd.s32 v18, v15;
	v18 =	vld.idx.msk [tilespmem:v1+s21+$0x0], $0xffff  }
0xda: {  	v16 =	vld.idx.msk [tilespmem:v2+s20+$0x0], $0xffff;
	vm0 =	veq.s32 v20, $0x0;
	vm1 =	veq.s32 v19, $0x0;
	v12 =	vadd.f32 v12, v10  }
0xdb: {  	v62 =	vld.idx.msk [tilespmem:v3+s20+$0x0], $0xffff;
	v15 =	vand.u32 $0x1, v15;
	v10 =	vand.u32 $0x1000000, v8;
	v60 =	vand.u32 $0x100, v8  }
0xdc: {  	s9 =	simm.s32 $0x200;
	v20 =	vld.idx.msk [tilespmem:v3+s21+$0x0], $0xffff;
	v61 =	vand.u32 $0x10000, v8;
	v63 =	vand.u32 $0x1, v8;
	v13 =	vsub.f32 v13, v14  }
0xdd: {  	s22 =	sand.u32 $0x3C00, s9;
	s10 =	simm.s32 $0x80;
	vm3 =	veq.s32 v15, $0x0;
	vm2 =	veq.s32 v61, $0x0;
	vm14 =	veq.s32 v60, $0x0  }
0xde: {  	s14 =	sor.u32 s22, s11;
	s13 =	sand.u32 $0xFFFFFC00, s10;
	vm15 =	veq.s32 v63, $0x0;
	v13 =	vand.u32 $0x7FFFFFFF, v13;
	v14 =	vsub.f32 v11, v18  }
0xdf: {  	s11 =	sor.u32 $0x180, s14;
	s23 =	sadd.s32 $0x10, s13;
	v15 =	vnsel vm3, $0x0, v13;
	v18 =	vnsel vm15, $0x0, v13;
	v13 =	vsub.f32 v16, v58  }
0xe0: {  	s15 =	sor.u32 $0x180, s23;
	v11 =	vld.idx.msk [tilespmem:v2+s11+$0x0], $0xffff;
	v16 =	vadd.f32 v15, v17;
	v15 =	vadd.f32 v18, v12;
	v14 =	vand.u32 $0x7FFFFFFF, v14  }
0xe1: {  	s12 =	simm.s32 $0x10;
	s13 =	simm.s32 $0x80;
	v12 =	vld [tilespmem:s15+$0x10000];
	v18 =	vnsel vm13, $0x0, v14;
	v17 =	vnsel vm14, $0x0, v14;
	v14 =	vsub.f32 v62, v20  }
.LBB2_9:
0xe2: {  	p0 =	sne.s32 s13, $0x7C0;
	v19 =	vld [tilespmem:s15+$0x12000];
	v16 =	vadd.f32 v18, v16;
	v15 =	vadd.f32 v17, v15;
	v13 =	vand.u32 $0x7FFFFFFF, v13  }
0xe3: {  	s14 =	sor.u32 $0x8180, s14;
	v17 =	vld.idx.msk [tilespmem:v0+s11+$0x0], $0xffff;
	v18 =	vnsel vm1, $0x0, v13;
	v13 =	vnsel vm2, $0x0, v13;
	vm1 =	veq.s32 v10, $0x0  }
0xe4: {  	v14 =	vand.u32 $0x7FFFFFFF, v14;
	v20 =	vld.idx.msk [tilespmem:v0+s14+$0x0], $0xffff;
	v10 =	vadd.f32 v18, v16;
	v13 =	vadd.f32 v13, v15  }
0xe5: {  	v7 =	vadd.s32 v7, v8;
	v23 =	vnsel vm0, $0x0, v14;
	v14 =	vnsel vm1, $0x0, v14;
	v15 =	vld.idx.msk [tilespmem:v1+s11+$0x0], $0xffff  }
0xe6: {  	v9 =	vadd.s32 v9, v12;
	v16 =	vld.idx.msk [tilespmem:v1+s14+$0x0], $0xffff;
	v18 =	vadd.f32 v23, v10;
	v14 =	vadd.f32 v14, v13  }
0xe7: {  	v21 =	vand.u32 $0x10000, v12;
	v22 =	vand.u32 $0x1000000, v12;
	v13 =	vld.idx.msk [tilespmem:v2+s14+$0x0], $0xffff;
	v10 =	vand.u32 $0x1000000, v19;
	v8 =	vmovc v19  }
0xe8: {  	v19 =	vand.u32 $0x100, v12;
	v23 =	vand.u32 $0x100, v8;
	v24 =	vand.u32 $0x10000, v8;
	v25 =	vld.idx.msk [tilespmem:v3+s11+$0x0], $0xffff  }
0xe9: {  	v12 =	vand.u32 $0x1, v12;
	vm0 =	veq.s32 v22, $0x0;
	v26 =	vand.u32 $0x1, v8;
	v27 =	vld.idx.msk [tilespmem:v3+s14+$0x0], $0xffff  }
0xea: {  	s9 =	sadd.s32 $0x200, s9;
	s10 =	sadd.s32 $0x80, s10;
	vm1 =	veq.s32 v21, $0x0;
	v17 =	vsub.f32 v17, v20;
	vm2 =	veq.s32 v24, $0x0  }
.Ltmp5:
0xeb: {  	s11 =	sand.u32 $0x40, s13;
	vm3 =	veq.s32 v12, $0x0;
	vm4 =	veq.s32 v19, $0x0;
	s14 =	sand.u32 $0x3C00, s9;
	vm5 =	veq.s32 v23, $0x0;
	(pc) =	sbr.rel @p0 .LBB2_9-.Ltmp5, $4  }
0xec: {  	s12 =	sadd.s32 $0x10, s12;
	s15 =	sand.u32 $0xFFFFFC00, s10;
	vm6 =	veq.s32 v26, $0x0;
	s14 =	sor.u32 s14, s11;
	v12 =	vand.u32 $0x7FFFFFFF, v17;
	v17 =	vsub.f32 v15, v16  }
0xed: {  	s15 =	sadd.s32 s15, s12;
	s11 =	sor.u32 $0x180, s14;
	v15 =	vnsel vm3, $0x0, v12;
	v12 =	vnsel vm6, $0x0, v12;
	v13 =	vsub.f32 v11, v13  }
0xee: {  	s15 =	sor.u32 $0x180, s15;
	v16 =	vadd.f32 v15, v18;
	v15 =	vadd.f32 v12, v14;
	v14 =	vand.u32 $0x7FFFFFFF, v17;
	v11 =	vld.idx.msk [tilespmem:v2+s11+$0x0], $0xffff  }
0xef: {  	s13 =	sadd.s32 $0x40, s13;
	v18 =	vnsel vm4, $0x0, v14;
	v17 =	vnsel vm5, $0x0, v14;
	v14 =	vsub.f32 v25, v27;
	v12 =	vld [tilespmem:s15+$0x10000]  }
0xf0: {  	_ =	sdelay $0x1  }
0xf1: {  	v16 =	vadd.f32 v18, v16;
	v13 =	vand.u32 $0x7FFFFFFF, v13  }
0xf2: {  	v18 =	vld [tilespmem:s15+$0x12000];
	v15 =	vadd.f32 v17, v15;
	v17 =	vnsel vm1, $0x0, v13;
	v13 =	vnsel vm2, $0x0, v13  }
0xf3: {  	v19 =	vld.idx.msk [tilespmem:v0+s11+$0x0], $0xffff;
	s9 =	sor.u32 $0x8180, s14;
	vm1 =	veq.s32 v10, $0x0;
	v10 =	vand.u32 $0x7FFFFFFF, v14;
	v16 =	vadd.f32 v17, v16  }
0xf4: {  	v7 =	vadd.s32 v7, v8;
	v14 =	vld.idx.msk [tilespmem:v0+s9+$0x0], $0xffff;
	v13 =	vadd.f32 v13, v15;
	v8 =	vnsel vm0, $0x0, v10  }
0xf5: {  	v15 =	vld.idx.msk [tilespmem:v1+s11+$0x0], $0xffff;
	v17 =	vnsel vm1, $0x0, v10;
	v10 =	vadd.s32 v9, v12;
	v8 =	vadd.f32 v8, v16  }
0xf6: {  	v9 =	vld.idx.msk [tilespmem:v1+s9+$0x0], $0xffff;
	v13 =	vadd.f32 v17, v13;
	v16 =	vand.u32 $0x10000, v12;
	v17 =	vand.u32 $0x1000000, v12  }
0xf7: {  	v23 =	vld.idx.msk [tilespmem:v2+s9+$0x0], $0xffff;
	v21 =	vand.u32 $0x100, v12;
	v12 =	vand.u32 $0x1, v12;
	v20 =	vand.u32 $0x1000000, v18  }
0xf8: {  	v22 =	vand.u32 $0x100, v18;
	v24 =	vand.u32 $0x10000, v18;
	v25 =	vand.u32 $0x1, v18  }
0xf9: {  	v26 =	vld.idx.msk [tilespmem:v3+s11+$0x0], $0xffff;
	s21 =	simm.s32 $0x0;
	vm0 =	veq.s32 v17, $0x0;
	vm1 =	veq.s32 v16, $0x0;
	v14 =	vsub.f32 v19, v14  }
0xfa: {  	s22 =	sand.u32 $0x70, s21;
	v16 =	vld.idx.msk [tilespmem:v3+s9+$0x0], $0xffff;
	vm3 =	veq.s32 v12, $0x0;
	vm4 =	veq.s32 v21, $0x0;
	s9 =	sand.u32 $0xC00, s21;
	vm2 =	veq.s32 v24, $0x0  }
0xfb: {  	p0 =	por $0x0, $0x0;
	s10 =	simm.s32 $0x1;
	vm5 =	veq.s32 v25, $0x0;
	s9 =	sor.u32 s9, s22;
	v12 =	vand.u32 $0x7FFFFFFF, v14;
	v9 =	vsub.f32 v15, v9  }
0xfc: {  	s10 =	simm.s32 @!p0 $0x0;
	vm6 =	veq.s32 v22, $0x0;
	v11 =	vsub.f32 v11, v23;
	v14 =	vnsel vm3, $0x0, v12;
	v15 =	vld [tilespmem:s9+$0x10200]  }
0xfd: {  	s10 =	sshll.u32 s10, $0x6;
	v12 =	vnsel vm5, $0x0, v12;
	v8 =	vadd.f32 v14, v8;
	v9 =	vand.u32 $0x7FFFFFFF, v9  }
0xfe: {  	s10 =	sadd.s32 $0x0, s10;
	v11 =	vand.u32 $0x7FFFFFFF, v11;
	v12 =	vadd.f32 v12, v13;
	v13 =	vnsel vm4, $0x0, v9  }
0xff: {  	s13 =	sor.u32 $0x200, s10;
	v14 =	vsub.f32 v26, v16;
	v9 =	vnsel vm6, $0x0, v9;
	v8 =	vadd.f32 v13, v8  }
0x100: {  	v57 =	vld.idx.msk [tilespmem:v1+s13+$0x8000], $0xffff;
	v9 =	vadd.f32 v9, v12;
	v12 =	vnsel vm1, $0x0, v11;
	v11 =	vnsel vm2, $0x0, v11  }
0x101: {  	v13 =	vld [tilespmem:s9+$0x12200];
	vm1 =	veq.s32 v20, $0x0;
	v58 =	vand.u32 $0x1000000, v15;
	v60 =	vand.u32 $0x100, v15  }
0x102: {  	v8 =	vadd.f32 v12, v8;
	v12 =	vand.u32 $0x7FFFFFFF, v14;
	v9 =	vadd.f32 v11, v9;
	v11 =	vld.idx.msk [tilespmem:v0+s13+$0x0], $0xffff  }
0x103: {  	v14 =	vadd.s32 v7, v18;
	v18 =	vld.idx.msk [tilespmem:v0+s13+$0x8000], $0xffff;
	vm3 =	veq.s32 v60, $0x0;
	v7 =	vnsel vm0, $0x0, v12  }
0x104: {  	v59 =	vld.idx.msk [tilespmem:v2+s13+$0x8000], $0xffff;
	v12 =	vnsel vm1, $0x0, v12;
	v17 =	vadd.f32 v7, v8;
	v7 =	vimm.s32 $0x0  }
0x105: {  	v20 =	vld.idx.msk [tilespmem:v1+s13+$0x0], $0xffff;
	v19 =	vadd.f32 v12, v9;
	v12 =	vand.u32 $0x10000, v15;
	v8 =	vadd.s32 v7, v15  }
0x106: {  	v16 =	vld.idx.msk [tilespmem:v2+s13+$0x0], $0xffff;
	v7 =	vadd.s32 v7, v13;
	v9 =	vand.u32 $0x1000000, v13;
	v61 =	vand.u32 $0x100, v13  }
0x107: {  	v62 =	vand.u32 $0x10000, v13;
	v13 =	vand.u32 $0x1, v13;
	vm1 =	veq.s32 v12, $0x0;
	v12 =	vld.idx.msk [tilespmem:v3+s13+$0x0], $0xffff  }
0x108: {  	s12 =	simm.s32 $0x10;
	v15 =	vand.u32 $0x1, v15;
	vm6 =	veq.s32 v13, $0x0;
	v13 =	vld.idx.msk [tilespmem:v3+s13+$0x8000], $0xffff;
	v11 =	vsub.f32 v11, v18  }
0x109: {  	s14 =	simm.s32 $0x1;
	p1 =	por !p0, !p0;
	s11 =	simm.s32 $0x80;
	vm0 =	veq.s32 v58, $0x0;
	vm2 =	veq.s32 v62, $0x0;
	vm5 =	veq.s32 v15, $0x0  }
0x10a: {  	s23 =	sand.u32 $0x70, s12;
	s14 =	simm.s32 @!p1 $0x0;
	s16 =	sand.u32 $0xC00, s11;
	vm4 =	veq.s32 v61, $0x0;
	v18 =	vsub.f32 v20, v57;
	v11 =	vand.u32 $0x7FFFFFFF, v11  }
0x10b: {  	s14 =	sshll.u32 s14, $0x6;
	s15 =	sor.u32 s16, s23;
	v15 =	vsub.f32 v16, v59;
	v20 =	vnsel vm5, $0x0, v11;
	v63 =	vnsel vm6, $0x0, v11  }
0x10c: {  	s16 =	sadd.s32 $0x200, s14;
	s14 =	simm.s32 $0x80;
	s13 =	simm.s32 $0x200;
	v18 =	vand.u32 $0x7FFFFFFF, v18;
	v11 =	vld [tilespmem:s15+$0x10200];
	v16 =	vadd.f32 v20, v17;
	v17 =	vadd.f32 v63, v19  }
.LBB2_11:
0x10d: {  	p2 =	sne.s32 s14, $0x7C0;
	v19 =	vld [tilespmem:s15+$0x12200];
	s15 =	sor.u32 $0x200, s16;
	v20 =	vnsel vm3, $0x0, v18;
	v18 =	vnsel vm4, $0x0, v18;
	v12 =	vsub.f32 v12, v13  }
0x10e: {  	v15 =	vand.u32 $0x7FFFFFFF, v15;
	v21 =	vld.idx.msk [tilespmem:v2+s15+$0x0], $0xffff;
	v13 =	vadd.f32 v20, v16;
	v16 =	vadd.f32 v18, v17  }
0x10f: {  	v18 =	vnsel vm1, $0x0, v15;
	v15 =	vnsel vm2, $0x0, v15;
	vm1 =	veq.s32 v9, $0x0;
	v17 =	vld.idx.msk [tilespmem:v0+s15+$0x0], $0xffff  }
0x110: {  	v12 =	vand.u32 $0x7FFFFFFF, v12;
	v20 =	vld.idx.msk [tilespmem:v0+s15+$0x8000], $0xffff;
	v9 =	vadd.f32 v18, v13;
	v13 =	vadd.f32 v15, v16  }
0x111: {  	v16 =	vnsel vm0, $0x0, v12;
	v12 =	vnsel vm1, $0x0, v12;
	v8 =	vadd.s32 v8, v11;
	v15 =	vld.idx.msk [tilespmem:v1+s15+$0x0], $0xffff  }
0x112: {  	v7 =	vadd.s32 v7, v19;
	v18 =	vld.idx.msk [tilespmem:v1+s15+$0x8000], $0xffff;
	v16 =	vadd.f32 v16, v9;
	v22 =	vadd.f32 v12, v13  }
0x113: {  	v24 =	vand.u32 $0x10000, v11;
	v25 =	vand.u32 $0x1000000, v11;
	v9 =	vand.u32 $0x1000000, v19;
	v23 =	vld.idx.msk [tilespmem:v2+s15+$0x8000], $0xffff  }
0x114: {  	v26 =	vand.u32 $0x100, v11;
	v27 =	vand.u32 $0x100, v19;
	v28 =	vand.u32 $0x10000, v19;
	v12 =	vld.idx.msk [tilespmem:v3+s15+$0x0], $0xffff  }
0x115: {  	v11 =	vand.u32 $0x1, v11;
	v19 =	vand.u32 $0x1, v19;
	vm0 =	veq.s32 v25, $0x0;
	v13 =	vld.idx.msk [tilespmem:v3+s15+$0x8000], $0xffff  }
.Ltmp6:
0x116: {  	p1 =	por !p1, !p1;
	vm1 =	veq.s32 v24, $0x0;
	vm2 =	veq.s32 v28, $0x0;
	v17 =	vsub.f32 v17, v20;
	(pc) =	sbr.rel @p2 .LBB2_11-.Ltmp6, $4  }
0x117: {  	s11 =	sadd.s32 $0x80, s11;
	s12 =	sadd.s32 $0x10, s12;
	vm5 =	veq.s32 v11, $0x0;
	vm3 =	veq.s32 v26, $0x0;
	vm4 =	veq.s32 v27, $0x0;
	s15 =	simm.s32 $0x1  }
0x118: {  	s16 =	sand.u32 $0x70, s12;
	s17 =	sand.u32 $0xC00, s11;
	vm6 =	veq.s32 v19, $0x0;
	s15 =	simm.s32 @!p1 $0x0;
	v11 =	vand.u32 $0x7FFFFFFF, v17;
	v18 =	vsub.f32 v15, v18  }
0x119: {  	s13 =	sadd.s32 $0x200, s13;
	s20 =	sshll.u32 s15, $0x6;
	s15 =	sor.u32 s17, s16;
	v17 =	vnsel vm5, $0x0, v11;
	v19 =	vnsel vm6, $0x0, v11;
	v15 =	vsub.f32 v21, v23  }
0x11a: {  	s14 =	sadd.s32 $0x40, s14;
	s16 =	sadd.s32 s20, s13;
	v16 =	vadd.f32 v17, v16;
	v17 =	vadd.f32 v19, v22;
	v18 =	vand.u32 $0x7FFFFFFF, v18;
	v11 =	vld [tilespmem:s15+$0x10200]  }
0x11b: {  	_ = 	snop  }
0x11c: {  	v19 =	vnsel vm3, $0x0, v18  }
0x11d: {  	v18 =	vnsel vm4, $0x0, v18;
	v12 =	vsub.f32 v12, v13;
	v15 =	vand.u32 $0x7FFFFFFF, v15  }
0x11e: {  	v13 =	vld [tilespmem:s15+$0x12200];
	s11 =	sor.u32 $0x200, s16;
	v16 =	vadd.f32 v19, v16;
	v17 =	vadd.f32 v18, v17;
	v19 =	vnsel vm1, $0x0, v15  }
0x11f: {  	v18 =	vld.idx.msk [tilespmem:v0+s11+$0x0], $0xffff;
	v15 =	vnsel vm2, $0x0, v15;
	vm1 =	veq.s32 v9, $0x0;
	v12 =	vand.u32 $0x7FFFFFFF, v12  }
0x120: {  	v9 =	vld.idx.msk [tilespmem:v0+s11+$0x8000], $0xffff;
	v16 =	vadd.f32 v19, v16;
	v15 =	vadd.f32 v15, v17;
	v19 =	vnsel vm0, $0x0, v12  }
0x121: {  	v20 =	vld.idx.msk [tilespmem:v1+s11+$0x8000], $0xffff;
	v12 =	vnsel vm1, $0x0, v12;
	v8 =	vadd.s32 v8, v11;
	v21 =	vand.u32 $0x1000000, v11  }
0x122: {  	v17 =	vld.idx.msk [tilespmem:v1+s11+$0x0], $0xffff;
	v23 =	vand.u32 $0x100, v11;
	v16 =	vadd.f32 v19, v16;
	v12 =	vadd.f32 v12, v15  }
0x123: {  	v24 =	vld.idx.msk [tilespmem:v2+s11+$0x8000], $0xffff;
	v15 =	vand.u32 $0x10000, v11;
	v22 =	vand.u32 $0x1000000, v13;
	v25 =	vand.u32 $0x100, v13  }
0x124: {  	v19 =	vld.idx.msk [tilespmem:v2+s11+$0x0], $0xffff;
	v26 =	vand.u32 $0x10000, v13;
	v11 =	vand.u32 $0x1, v11;
	v28 =	vand.u32 $0x1, v13  }
0x125: {  	v27 =	vld.idx.msk [tilespmem:v3+s11+$0x0], $0xffff;
	vm0 =	veq.s32 v21, $0x0;
	vm3 =	veq.s32 v23, $0x0;
	v9 =	vsub.f32 v18, v9  }
0x126: {  	v7 =	vadd.s32 v7, v13;
	v18 =	vld.idx.msk [tilespmem:v3+s11+$0x8000], $0xffff;
	vm1 =	veq.s32 v15, $0x0;
	vm2 =	veq.s32 v11, $0x0  }
0x127: {  	vm4 =	veq.s32 v28, $0x0;
	v9 =	vand.u32 $0x7FFFFFFF, v9;
	v11 =	vsub.f32 v17, v20  }
0x128: {  	vm5 =	veq.s32 v25, $0x0;
	v15 =	vnsel vm2, $0x0, v9;
	v9 =	vnsel vm4, $0x0, v9  }
0x129: {  	v17 =	vsub.f32 v19, v24;
	v15 =	vadd.f32 v15, v16;
	v11 =	vand.u32 $0x7FFFFFFF, v11  }
0x12a: {  	s23 =	sor.u32 $0x280, s10;
	v9 =	vadd.f32 v9, v12;
	v12 =	vnsel vm3, $0x0, v11;
	v11 =	vnsel vm5, $0x0, v11  }
0x12b: {  	v13 =	vld.idx.msk [tilespmem:v1+s23+$0x0], $0xffff;
	v18 =	vsub.f32 v27, v18;
	v12 =	vadd.f32 v12, v15;
	v15 =	vand.u32 $0x7FFFFFFF, v17  }
0x12c: {  	vm2 =	veq.s32 v26, $0x0;
	v16 =	vld [tilespmem:s9+$0x10280];
	v9 =	vadd.f32 v11, v9;
	v11 =	vnsel vm1, $0x0, v15  }
0x12d: {  	v19 =	vld.idx.msk [tilespmem:v0+s23+$0x0], $0xffff;
	v15 =	vnsel vm2, $0x0, v15;
	v11 =	vadd.f32 v11, v12;
	v12 =	vand.u32 $0x7FFFFFFF, v18  }
0x12e: {  	v17 =	vld [tilespmem:s9+$0x12280];
	v9 =	vadd.f32 v15, v9;
	v15 =	vnsel vm0, $0x0, v12  }
0x12f: {  	vm1 =	veq.s32 v22, $0x0;
	v20 =	vadd.f32 v15, v11;
	v11 =	vld.idx.msk [tilespmem:v0+s23+$0x8000], $0xffff  }
0x130: {  	v12 =	vnsel vm1, $0x0, v12;
	v15 =	vld.idx.msk [tilespmem:v1+s23+$0x8000], $0xffff  }
0x131: {  	v8 =	vadd.s32 v8, v16;
	v59 =	vand.u32 $0x1000000, v16;
	v61 =	vand.u32 $0x100, v16  }
0x132: {  	v60 =	vld.idx.msk [tilespmem:v2+s23+$0x8000], $0xffff;
	v58 =	vadd.f32 v12, v9;
	v12 =	vand.u32 $0x10000, v16;
	v16 =	vand.u32 $0x1, v16  }
0x133: {  	v18 =	vld.idx.msk [tilespmem:v2+s23+$0x0], $0xffff;
	vm0 =	veq.s32 v59, $0x0;
	vm3 =	veq.s32 v61, $0x0;
	v7 =	vadd.s32 v7, v17  }
0x134: {  	v9 =	vand.u32 $0x1000000, v17;
	v62 =	vand.u32 $0x100, v17;
	vm1 =	veq.s32 v12, $0x0;
	v12 =	vld.idx.msk [tilespmem:v3+s23+$0x0], $0xffff  }
0x135: {  	p0 =	por !p0, !p0;
	v63 =	vand.u32 $0x10000, v17;
	v11 =	vsub.f32 v19, v11;
	v19 =	vsub.f32 v13, v15;
	v13 =	vld.idx.msk [tilespmem:v3+s23+$0x8000], $0xffff  }
0x136: {  	s10 =	simm.s32 $0x10;
	s12 =	simm.s32 $0x1;
	s9 =	simm.s32 $0x80;
	v17 =	vand.u32 $0x1, v17;
	vm5 =	veq.s32 v16, $0x0;
	vm2 =	veq.s32 v63, $0x0  }
0x137: {  	s12 =	simm.s32 @!p0 $0x0;
	s13 =	sand.u32 $0x70, s10;
	s14 =	sand.u32 $0xC00, s9;
	vm4 =	veq.s32 v62, $0x0;
	vm6 =	veq.s32 v17, $0x0;
	v11 =	vand.u32 $0x7FFFFFFF, v11  }
0x138: {  	s12 =	sshll.u32 s12, $0x6;
	s13 =	sor.u32 s14, s13;
	v15 =	vsub.f32 v18, v60;
	v16 =	vnsel vm5, $0x0, v11;
	v17 =	vnsel vm6, $0x0, v11  }
0x139: {  	s11 =	simm.s32 $0x200;
	s14 =	sadd.s32 $0x200, s12;
	s12 =	simm.s32 $0x80;
	v18 =	vand.u32 $0x7FFFFFFF, v19;
	v11 =	vld [tilespmem:s13+$0x10280];
	v16 =	vadd.f32 v16, v20;
	v17 =	vadd.f32 v17, v58  }
.LBB2_13:
0x13a: {  	p1 =	sne.s32 s12, $0x7C0;
	v19 =	vld [tilespmem:s13+$0x12280];
	s13 =	sor.u32 $0x280, s14;
	v20 =	vnsel vm3, $0x0, v18;
	v18 =	vnsel vm4, $0x0, v18;
	v12 =	vsub.f32 v12, v13  }
0x13b: {  	v15 =	vand.u32 $0x7FFFFFFF, v15;
	v21 =	vld.idx.msk [tilespmem:v2+s13+$0x0], $0xffff;
	v13 =	vadd.f32 v20, v16;
	v16 =	vadd.f32 v18, v17  }
0x13c: {  	v18 =	vnsel vm1, $0x0, v15;
	v15 =	vnsel vm2, $0x0, v15;
	vm1 =	veq.s32 v9, $0x0;
	v17 =	vld.idx.msk [tilespmem:v0+s13+$0x0], $0xffff  }
0x13d: {  	v12 =	vand.u32 $0x7FFFFFFF, v12;
	v20 =	vld.idx.msk [tilespmem:v0+s13+$0x8000], $0xffff;
	v9 =	vadd.f32 v18, v13;
	v13 =	vadd.f32 v15, v16  }
0x13e: {  	v16 =	vnsel vm0, $0x0, v12;
	v12 =	vnsel vm1, $0x0, v12;
	v8 =	vadd.s32 v8, v11;
	v15 =	vld.idx.msk [tilespmem:v1+s13+$0x0], $0xffff  }
0x13f: {  	v7 =	vadd.s32 v7, v19;
	v18 =	vld.idx.msk [tilespmem:v1+s13+$0x8000], $0xffff;
	v16 =	vadd.f32 v16, v9;
	v22 =	vadd.f32 v12, v13  }
0x140: {  	v24 =	vand.u32 $0x10000, v11;
	v25 =	vand.u32 $0x1000000, v11;
	v9 =	vand.u32 $0x1000000, v19;
	v23 =	vld.idx.msk [tilespmem:v2+s13+$0x8000], $0xffff  }
0x141: {  	v26 =	vand.u32 $0x100, v11;
	v27 =	vand.u32 $0x100, v19;
	v28 =	vand.u32 $0x10000, v19;
	v12 =	vld.idx.msk [tilespmem:v3+s13+$0x0], $0xffff  }
0x142: {  	v11 =	vand.u32 $0x1, v11;
	v19 =	vand.u32 $0x1, v19;
	vm0 =	veq.s32 v25, $0x0;
	v13 =	vld.idx.msk [tilespmem:v3+s13+$0x8000], $0xffff  }
.Ltmp7:
0x143: {  	p0 =	por !p0, !p0;
	vm1 =	veq.s32 v24, $0x0;
	vm2 =	veq.s32 v28, $0x0;
	v17 =	vsub.f32 v17, v20;
	(pc) =	sbr.rel @p1 .LBB2_13-.Ltmp7, $4  }
0x144: {  	s9 =	sadd.s32 $0x80, s9;
	s10 =	sadd.s32 $0x10, s10;
	vm5 =	veq.s32 v11, $0x0;
	vm3 =	veq.s32 v26, $0x0;
	vm4 =	veq.s32 v27, $0x0;
	s13 =	simm.s32 $0x1  }
0x145: {  	s14 =	sand.u32 $0x70, s10;
	s15 =	sand.u32 $0xC00, s9;
	vm6 =	veq.s32 v19, $0x0;
	s13 =	simm.s32 @!p0 $0x0;
	v11 =	vand.u32 $0x7FFFFFFF, v17;
	v18 =	vsub.f32 v15, v18  }
0x146: {  	s11 =	sadd.s32 $0x200, s11;
	s16 =	sshll.u32 s13, $0x6;
	s13 =	sor.u32 s15, s14;
	v17 =	vnsel vm5, $0x0, v11;
	v19 =	vnsel vm6, $0x0, v11;
	v15 =	vsub.f32 v21, v23  }
0x147: {  	s12 =	sadd.s32 $0x40, s12;
	s14 =	sadd.s32 s16, s11;
	v16 =	vadd.f32 v17, v16;
	v17 =	vadd.f32 v19, v22;
	v18 =	vand.u32 $0x7FFFFFFF, v18;
	v11 =	vld [tilespmem:s13+$0x10280]  }
0x148: {  	_ = 	snop  }
0x149: {  	v19 =	vnsel vm3, $0x0, v18  }
0x14a: {  	v18 =	vnsel vm4, $0x0, v18;
	v12 =	vsub.f32 v12, v13;
	v15 =	vand.u32 $0x7FFFFFFF, v15  }
0x14b: {  	v13 =	vld [tilespmem:s13+$0x12280];
	s9 =	sor.u32 $0x280, s14;
	v16 =	vadd.f32 v19, v16;
	v17 =	vadd.f32 v18, v17;
	v19 =	vnsel vm1, $0x0, v15  }
0x14c: {  	v18 =	vld.idx.msk [tilespmem:v0+s9+$0x0], $0xffff;
	v15 =	vnsel vm2, $0x0, v15;
	vm1 =	veq.s32 v9, $0x0;
	v12 =	vand.u32 $0x7FFFFFFF, v12  }
0x14d: {  	v9 =	vld.idx.msk [tilespmem:v0+s9+$0x8000], $0xffff;
	v16 =	vadd.f32 v19, v16;
	v15 =	vadd.f32 v15, v17;
	v19 =	vnsel vm0, $0x0, v12  }
0x14e: {  	v20 =	vld.idx.msk [tilespmem:v1+s9+$0x8000], $0xffff;
	v12 =	vnsel vm1, $0x0, v12;
	v8 =	vadd.s32 v8, v11;
	v21 =	vand.u32 $0x1000000, v11  }
0x14f: {  	v17 =	vld.idx.msk [tilespmem:v1+s9+$0x0], $0xffff;
	v23 =	vand.u32 $0x100, v11;
	v16 =	vadd.f32 v19, v16;
	v12 =	vadd.f32 v12, v15  }
0x150: {  	v24 =	vld.idx.msk [tilespmem:v2+s9+$0x8000], $0xffff;
	v15 =	vand.u32 $0x10000, v11;
	v22 =	vand.u32 $0x1000000, v13;
	v25 =	vand.u32 $0x100, v13  }
0x151: {  	v19 =	vld.idx.msk [tilespmem:v2+s9+$0x0], $0xffff;
	v26 =	vand.u32 $0x10000, v13;
	v11 =	vand.u32 $0x1, v11;
	v28 =	vand.u32 $0x1, v13  }
0x152: {  	v27 =	vld.idx.msk [tilespmem:v3+s9+$0x0], $0xffff;
	vm0 =	veq.s32 v21, $0x0;
	vm3 =	veq.s32 v23, $0x0;
	v9 =	vsub.f32 v18, v9  }
0x153: {  	p0 =	por $0x0, $0x0;
	s10 =	simm.s32 $0x1;
	v7 =	vadd.s32 v7, v13;
	v18 =	vld.idx.msk [tilespmem:v3+s9+$0x8000], $0xffff;
	vm1 =	veq.s32 v15, $0x0;
	vm2 =	veq.s32 v11, $0x0  }
0x154: {  	s10 =	simm.s32 @!p0 $0x0;
	vm4 =	veq.s32 v28, $0x0;
	v9 =	vand.u32 $0x7FFFFFFF, v9;
	v11 =	vsub.f32 v17, v20  }
0x155: {  	s10 =	sshll.u32 s10, $0x6;
	vm5 =	veq.s32 v25, $0x0;
	v15 =	vnsel vm2, $0x0, v9;
	v9 =	vnsel vm4, $0x0, v9  }
0x156: {  	s10 =	sadd.s32 $0x0, s10;
	s9 =	simm.s32 $0x0;
	v17 =	vsub.f32 v19, v24;
	v15 =	vadd.f32 v15, v16;
	v11 =	vand.u32 $0x7FFFFFFF, v11  }
0x157: {  	s23 =	sor.u32 $0x300, s10;
	s11 =	sand.u32 $0x70, s9;
	s12 =	sand.u32 $0xC00, s9;
	v9 =	vadd.f32 v9, v12;
	v12 =	vnsel vm3, $0x0, v11;
	v11 =	vnsel vm5, $0x0, v11  }
0x158: {  	v13 =	vld.idx.msk [tilespmem:v1+s23+$0x0], $0xffff;
	s11 =	sor.u32 s12, s11;
	v18 =	vsub.f32 v27, v18;
	v12 =	vadd.f32 v12, v15;
	v15 =	vand.u32 $0x7FFFFFFF, v17  }
0x159: {  	vm2 =	veq.s32 v26, $0x0;
	v16 =	vld [tilespmem:s11+$0x10300];
	v9 =	vadd.f32 v11, v9;
	v11 =	vnsel vm1, $0x0, v15  }
0x15a: {  	v19 =	vld.idx.msk [tilespmem:v0+s23+$0x0], $0xffff;
	v15 =	vnsel vm2, $0x0, v15;
	v11 =	vadd.f32 v11, v12;
	v12 =	vand.u32 $0x7FFFFFFF, v18  }
0x15b: {  	v17 =	vld [tilespmem:s11+$0x12300];
	v9 =	vadd.f32 v15, v9;
	v15 =	vnsel vm0, $0x0, v12  }
0x15c: {  	vm1 =	veq.s32 v22, $0x0;
	v20 =	vadd.f32 v15, v11;
	v11 =	vld.idx.msk [tilespmem:v0+s23+$0x8000], $0xffff  }
0x15d: {  	v12 =	vnsel vm1, $0x0, v12;
	v15 =	vld.idx.msk [tilespmem:v1+s23+$0x8000], $0xffff  }
0x15e: {  	v8 =	vadd.s32 v8, v16;
	v59 =	vand.u32 $0x1000000, v16;
	v61 =	vand.u32 $0x100, v16  }
0x15f: {  	v60 =	vld.idx.msk [tilespmem:v2+s23+$0x8000], $0xffff;
	v58 =	vadd.f32 v12, v9;
	v12 =	vand.u32 $0x10000, v16;
	v16 =	vand.u32 $0x1, v16  }
0x160: {  	v18 =	vld.idx.msk [tilespmem:v2+s23+$0x0], $0xffff;
	vm0 =	veq.s32 v59, $0x0;
	vm3 =	veq.s32 v61, $0x0;
	v7 =	vadd.s32 v7, v17  }
0x161: {  	v9 =	vand.u32 $0x1000000, v17;
	v62 =	vand.u32 $0x100, v17;
	vm1 =	veq.s32 v12, $0x0;
	v12 =	vld.idx.msk [tilespmem:v3+s23+$0x0], $0xffff  }
0x162: {  	s14 =	simm.s32 $0x1;
	v63 =	vand.u32 $0x10000, v17;
	v11 =	vsub.f32 v19, v11;
	v19 =	vsub.f32 v13, v15;
	v13 =	vld.idx.msk [tilespmem:v3+s23+$0x8000], $0xffff  }
0x163: {  	p1 =	por !p0, !p0;
	s12 =	simm.s32 $0x10;
	s11 =	simm.s32 $0x80;
	v17 =	vand.u32 $0x1, v17;
	vm5 =	veq.s32 v16, $0x0;
	vm2 =	veq.s32 v63, $0x0  }
0x164: {  	s14 =	simm.s32 @!p1 $0x0;
	s15 =	sand.u32 $0x70, s12;
	s16 =	sand.u32 $0xC00, s11;
	vm4 =	veq.s32 v62, $0x0;
	vm6 =	veq.s32 v17, $0x0;
	v11 =	vand.u32 $0x7FFFFFFF, v11  }
0x165: {  	s14 =	sshll.u32 s14, $0x6;
	s15 =	sor.u32 s16, s15;
	v15 =	vsub.f32 v18, v60;
	v16 =	vnsel vm5, $0x0, v11;
	v17 =	vnsel vm6, $0x0, v11  }
0x166: {  	s13 =	simm.s32 $0x200;
	s16 =	sadd.s32 $0x200, s14;
	s14 =	simm.s32 $0x80;
	v18 =	vand.u32 $0x7FFFFFFF, v19;
	v11 =	vld [tilespmem:s15+$0x10300];
	v16 =	vadd.f32 v16, v20;
	v17 =	vadd.f32 v17, v58  }
.LBB2_15:
0x167: {  	p2 =	sne.s32 s14, $0x7C0;
	v19 =	vld [tilespmem:s15+$0x12300];
	s15 =	sor.u32 $0x300, s16;
	v20 =	vnsel vm3, $0x0, v18;
	v18 =	vnsel vm4, $0x0, v18;
	v12 =	vsub.f32 v12, v13  }
0x168: {  	v15 =	vand.u32 $0x7FFFFFFF, v15;
	v21 =	vld.idx.msk [tilespmem:v2+s15+$0x0], $0xffff;
	v13 =	vadd.f32 v20, v16;
	v16 =	vadd.f32 v18, v17  }
0x169: {  	v18 =	vnsel vm1, $0x0, v15;
	v15 =	vnsel vm2, $0x0, v15;
	vm1 =	veq.s32 v9, $0x0;
	v17 =	vld.idx.msk [tilespmem:v0+s15+$0x0], $0xffff  }
0x16a: {  	v12 =	vand.u32 $0x7FFFFFFF, v12;
	v20 =	vld.idx.msk [tilespmem:v0+s15+$0x8000], $0xffff;
	v9 =	vadd.f32 v18, v13;
	v13 =	vadd.f32 v15, v16  }
0x16b: {  	v16 =	vnsel vm0, $0x0, v12;
	v12 =	vnsel vm1, $0x0, v12;
	v8 =	vadd.s32 v8, v11;
	v15 =	vld.idx.msk [tilespmem:v1+s15+$0x0], $0xffff  }
0x16c: {  	v7 =	vadd.s32 v7, v19;
	v18 =	vld.idx.msk [tilespmem:v1+s15+$0x8000], $0xffff;
	v16 =	vadd.f32 v16, v9;
	v22 =	vadd.f32 v12, v13  }
0x16d: {  	v24 =	vand.u32 $0x10000, v11;
	v25 =	vand.u32 $0x1000000, v11;
	v9 =	vand.u32 $0x1000000, v19;
	v23 =	vld.idx.msk [tilespmem:v2+s15+$0x8000], $0xffff  }
0x16e: {  	v26 =	vand.u32 $0x100, v11;
	v27 =	vand.u32 $0x100, v19;
	v28 =	vand.u32 $0x10000, v19;
	v12 =	vld.idx.msk [tilespmem:v3+s15+$0x0], $0xffff  }
0x16f: {  	v11 =	vand.u32 $0x1, v11;
	v19 =	vand.u32 $0x1, v19;
	vm0 =	veq.s32 v25, $0x0;
	v13 =	vld.idx.msk [tilespmem:v3+s15+$0x8000], $0xffff  }
.Ltmp8:
0x170: {  	p1 =	por !p1, !p1;
	vm1 =	veq.s32 v24, $0x0;
	vm2 =	veq.s32 v28, $0x0;
	v17 =	vsub.f32 v17, v20;
	(pc) =	sbr.rel @p2 .LBB2_15-.Ltmp8, $4  }
0x171: {  	s11 =	sadd.s32 $0x80, s11;
	s12 =	sadd.s32 $0x10, s12;
	vm5 =	veq.s32 v11, $0x0;
	vm3 =	veq.s32 v26, $0x0;
	vm4 =	veq.s32 v27, $0x0;
	s15 =	simm.s32 $0x1  }
0x172: {  	s16 =	sand.u32 $0x70, s12;
	s17 =	sand.u32 $0xC00, s11;
	vm6 =	veq.s32 v19, $0x0;
	s15 =	simm.s32 @!p1 $0x0;
	v11 =	vand.u32 $0x7FFFFFFF, v17;
	v18 =	vsub.f32 v15, v18  }
0x173: {  	s13 =	sadd.s32 $0x200, s13;
	s20 =	sshll.u32 s15, $0x6;
	s15 =	sor.u32 s17, s16;
	v17 =	vnsel vm5, $0x0, v11;
	v19 =	vnsel vm6, $0x0, v11;
	v15 =	vsub.f32 v21, v23  }
0x174: {  	s14 =	sadd.s32 $0x40, s14;
	s16 =	sadd.s32 s20, s13;
	v16 =	vadd.f32 v17, v16;
	v17 =	vadd.f32 v19, v22;
	v18 =	vand.u32 $0x7FFFFFFF, v18;
	v11 =	vld [tilespmem:s15+$0x10300]  }
0x175: {  	_ =	sdelay $0x1  }
0x176: {  	v19 =	vnsel vm3, $0x0, v18;
	v18 =	vnsel vm4, $0x0, v18;
	v12 =	vsub.f32 v12, v13  }
0x177: {  	v13 =	vld [tilespmem:s15+$0x12300];
	s11 =	sor.u32 $0x300, s16;
	v15 =	vand.u32 $0x7FFFFFFF, v15;
	v16 =	vadd.f32 v19, v16;
	v17 =	vadd.f32 v18, v17  }
0x178: {  	v18 =	vld.idx.msk [tilespmem:v0+s11+$0x0], $0xffff;
	v19 =	vnsel vm1, $0x0, v15;
	v15 =	vnsel vm2, $0x0, v15;
	vm1 =	veq.s32 v9, $0x0  }
0x179: {  	v9 =	vld.idx.msk [tilespmem:v0+s11+$0x8000], $0xffff;
	v12 =	vand.u32 $0x7FFFFFFF, v12;
	v16 =	vadd.f32 v19, v16;
	v15 =	vadd.f32 v15, v17  }
0x17a: {  	v20 =	vld.idx.msk [tilespmem:v1+s11+$0x8000], $0xffff;
	v19 =	vnsel vm0, $0x0, v12;
	v12 =	vnsel vm1, $0x0, v12;
	v8 =	vadd.s32 v8, v11  }
0x17b: {  	v24 =	vld.idx.msk [tilespmem:v2+s11+$0x8000], $0xffff;
	v21 =	vand.u32 $0x1000000, v11;
	v23 =	vand.u32 $0x100, v11;
	v16 =	vadd.f32 v19, v16  }
0x17c: {  	v17 =	vld.idx.msk [tilespmem:v1+s11+$0x0], $0xffff;
	v12 =	vadd.f32 v12, v15;
	v15 =	vand.u32 $0x10000, v11;
	v22 =	vand.u32 $0x1000000, v13  }
0x17d: {  	v19 =	vld.idx.msk [tilespmem:v2+s11+$0x0], $0xffff;
	v25 =	vand.u32 $0x100, v13;
	v26 =	vand.u32 $0x10000, v13;
	v11 =	vand.u32 $0x1, v11  }
0x17e: {  	v27 =	vld.idx.msk [tilespmem:v3+s11+$0x0], $0xffff;
	v28 =	vand.u32 $0x1, v13;
	vm0 =	veq.s32 v21, $0x0;
	v9 =	vsub.f32 v18, v9  }
0x17f: {  	vm3 =	veq.s32 v23, $0x0;
	v7 =	vadd.s32 v7, v13;
	v18 =	vld.idx.msk [tilespmem:v3+s11+$0x8000], $0xffff;
	vm1 =	veq.s32 v15, $0x0  }
0x180: {  	vm2 =	veq.s32 v11, $0x0;
	vm4 =	veq.s32 v28, $0x0;
	v9 =	vand.u32 $0x7FFFFFFF, v9  }
0x181: {  	s9 =	sor.u32 s9, s9;
	vm5 =	veq.s32 v25, $0x0;
	v11 =	vsub.f32 v17, v20;
	v15 =	vnsel vm2, $0x0, v9  }
0x182: {  	s9 =	sor.u32 $0x380, s9;
	v9 =	vnsel vm4, $0x0, v9;
	vm2 =	veq.s32 v26, $0x0;
	v17 =	vsub.f32 v19, v24  }
0x183: {  	s23 =	sor.u32 $0x380, s10;
	v15 =	vadd.f32 v15, v16;
	v11 =	vand.u32 $0x7FFFFFFF, v11;
	v9 =	vadd.f32 v9, v12;
	v16 =	vld [tilespmem:s9+$0x10000]  }
0x184: {  	v13 =	vld.idx.msk [tilespmem:v0+s23+$0x8000], $0xffff;
	v12 =	vnsel vm3, $0x0, v11;
	v11 =	vnsel vm5, $0x0, v11;
	v18 =	vsub.f32 v27, v18  }
0x185: {  	v19 =	vld.idx.msk [tilespmem:v0+s23+$0x0], $0xffff;
	v12 =	vadd.f32 v12, v15;
	v15 =	vand.u32 $0x7FFFFFFF, v17;
	v9 =	vadd.f32 v11, v9  }
0x186: {  	v11 =	vnsel vm1, $0x0, v15;
	v15 =	vnsel vm2, $0x0, v15;
	vm1 =	veq.s32 v22, $0x0  }
0x187: {  	v17 =	vld [tilespmem:s9+$0x12000];
	v11 =	vadd.f32 v11, v12;
	v12 =	vand.u32 $0x7FFFFFFF, v18;
	v9 =	vadd.f32 v15, v9  }
0x188: {  	v59 =	vld.idx.msk [tilespmem:v2+s23+$0x8000], $0xffff;
	v15 =	vnsel vm0, $0x0, v12;
	v12 =	vnsel vm1, $0x0, v12;
	v8 =	vadd.s32 v8, v16  }
0x189: {  	v58 =	vand.u32 $0x1000000, v16;
	v60 =	vand.u32 $0x100, v16;
	v57 =	vadd.f32 v12, v9;
	v9 =	vld.idx.msk [tilespmem:v1+s23+$0x0], $0xffff  }
0x18a: {  	v13 =	vsub.f32 v19, v13;
	v20 =	vadd.f32 v15, v11;
	v15 =	vld.idx.msk [tilespmem:v1+s23+$0x8000], $0xffff;
	v12 =	vand.u32 $0x10000, v16  }
0x18b: {  	v18 =	vld.idx.msk [tilespmem:v2+s23+$0x0], $0xffff;
	v16 =	vand.u32 $0x1, v16;
	vm0 =	veq.s32 v58, $0x0;
	vm3 =	veq.s32 v60, $0x0  }
0x18c: {  	v7 =	vadd.s32 v7, v17;
	v11 =	vand.u32 $0x1000000, v17;
	vm1 =	veq.s32 v12, $0x0;
	v12 =	vld.idx.msk [tilespmem:v3+s23+$0x0], $0xffff  }
0x18d: {  	p0 =	por !p0, !p0;
	v62 =	vand.u32 $0x10000, v17;
	vm5 =	veq.s32 v16, $0x0;
	v16 =	vand.u32 $0x7FFFFFFF, v13;
	v13 =	vld.idx.msk [tilespmem:v3+s23+$0x8000], $0xffff  }
0x18e: {  	s10 =	simm.s32 $0x10;
	s12 =	simm.s32 $0x1;
	s9 =	simm.s32 $0x80;
	v61 =	vand.u32 $0x100, v17;
	v17 =	vand.u32 $0x1, v17;
	vm2 =	veq.s32 v62, $0x0  }
0x18f: {  	s12 =	simm.s32 @!p0 $0x0;
	s13 =	sor.u32 s9, s10;
	vm6 =	veq.s32 v17, $0x0;
	v17 =	vnsel vm5, $0x0, v16;
	v19 =	vsub.f32 v9, v15  }
0x190: {  	s12 =	sshll.u32 s12, $0x6;
	s13 =	sor.u32 $0x380, s13;
	vm4 =	veq.s32 v61, $0x0;
	v63 =	vnsel vm6, $0x0, v16;
	v16 =	vadd.f32 v17, v20  }
0x191: {  	s14 =	sadd.s32 $0x200, s12;
	s12 =	simm.s32 $0x80;
	s11 =	simm.s32 $0x200;
	v17 =	vadd.f32 v63, v57;
	v15 =	vsub.f32 v18, v59;
	v9 =	vld [tilespmem:s13+$0x10000];
	v18 =	vand.u32 $0x7FFFFFFF, v19  }
.LBB2_17:
0x192: {  	p1 =	sne.s32 s12, $0x7C0;
	v19 =	vld [tilespmem:s13+$0x12000];
	s13 =	sor.u32 $0x380, s14;
	v20 =	vnsel vm3, $0x0, v18;
	v18 =	vnsel vm4, $0x0, v18;
	v12 =	vsub.f32 v12, v13  }
0x193: {  	v15 =	vand.u32 $0x7FFFFFFF, v15;
	v21 =	vld.idx.msk [tilespmem:v2+s13+$0x0], $0xffff;
	v13 =	vadd.f32 v20, v16;
	v16 =	vadd.f32 v18, v17  }
0x194: {  	v18 =	vnsel vm1, $0x0, v15;
	v15 =	vnsel vm2, $0x0, v15;
	vm1 =	veq.s32 v11, $0x0;
	v17 =	vld.idx.msk [tilespmem:v0+s13+$0x0], $0xffff  }
0x195: {  	v12 =	vand.u32 $0x7FFFFFFF, v12;
	v20 =	vld.idx.msk [tilespmem:v0+s13+$0x8000], $0xffff;
	v11 =	vadd.f32 v18, v13;
	v13 =	vadd.f32 v15, v16  }
0x196: {  	v16 =	vnsel vm0, $0x0, v12;
	v12 =	vnsel vm1, $0x0, v12;
	v8 =	vadd.s32 v8, v9;
	v15 =	vld.idx.msk [tilespmem:v1+s13+$0x0], $0xffff  }
0x197: {  	v7 =	vadd.s32 v7, v19;
	v18 =	vld.idx.msk [tilespmem:v1+s13+$0x8000], $0xffff;
	v16 =	vadd.f32 v16, v11;
	v22 =	vadd.f32 v12, v13  }
0x198: {  	v24 =	vand.u32 $0x10000, v9;
	v25 =	vand.u32 $0x1000000, v9;
	v11 =	vand.u32 $0x1000000, v19;
	v23 =	vld.idx.msk [tilespmem:v2+s13+$0x8000], $0xffff  }
0x199: {  	v26 =	vand.u32 $0x100, v9;
	v27 =	vand.u32 $0x100, v19;
	v28 =	vand.u32 $0x10000, v19;
	v12 =	vld.idx.msk [tilespmem:v3+s13+$0x0], $0xffff  }
0x19a: {  	v9 =	vand.u32 $0x1, v9;
	v19 =	vand.u32 $0x1, v19;
	vm0 =	veq.s32 v25, $0x0;
	v13 =	vld.idx.msk [tilespmem:v3+s13+$0x8000], $0xffff  }
.Ltmp9:
0x19b: {  	p0 =	por !p0, !p0;
	vm1 =	veq.s32 v24, $0x0;
	vm2 =	veq.s32 v28, $0x0;
	v17 =	vsub.f32 v17, v20;
	(pc) =	sbr.rel @p1 .LBB2_17-.Ltmp9, $4  }
0x19c: {  	s9 =	sadd.s32 $0x80, s9;
	s10 =	sadd.s32 $0x10, s10;
	vm5 =	veq.s32 v9, $0x0;
	vm3 =	veq.s32 v26, $0x0;
	vm4 =	veq.s32 v27, $0x0;
	s13 =	simm.s32 $0x1  }
0x19d: {  	s14 =	sor.u32 s9, s10;
	vm6 =	veq.s32 v19, $0x0;
	s13 =	simm.s32 @!p0 $0x0;
	v9 =	vand.u32 $0x7FFFFFFF, v17;
	v18 =	vsub.f32 v15, v18  }
0x19e: {  	s11 =	sadd.s32 $0x200, s11;
	s15 =	sshll.u32 s13, $0x6;
	s13 =	sor.u32 $0x380, s14;
	v17 =	vnsel vm5, $0x0, v9;
	v19 =	vnsel vm6, $0x0, v9;
	v15 =	vsub.f32 v21, v23  }
0x19f: {  	s12 =	sadd.s32 $0x40, s12;
	s14 =	sadd.s32 s15, s11;
	v16 =	vadd.f32 v17, v16;
	v17 =	vadd.f32 v19, v22;
	v18 =	vand.u32 $0x7FFFFFFF, v18;
	v9 =	vld [tilespmem:s13+$0x10000]  }
0x1a0: {  	_ =	sdelay $0x2  }
0x1a1: {  	v19 =	vld [tilespmem:s13+$0x12000];
	s10 =	sor.u32 $0x380, s14  }
0x1a2: {  	v20 =	vld.idx.msk [tilespmem:v2+s10+$0x0], $0xffff  }
0x1a3: {  	v21 =	vld.idx.msk [tilespmem:v0+s10+$0x0], $0xffff  }
0x1a4: {  	s9 =	sshll.u32 s26, $0x1;
	p0 =	seq.s32 s26, $0xF;
	v22 =	vld.idx.msk [tilespmem:v0+s10+$0x8000], $0xffff  }
0x1a5: {  	v23 =	vld.idx.msk [tilespmem:v1+s10+$0x0], $0xffff;
	s11 =	sadd.s32 @!p0 s9, s18  }
0x1a6: {  	v24 =	vld.idx.msk [tilespmem:v1+s10+$0x8000], $0xffff;
	s12 =	sshll.u32 @!p0 s11, $0xE  }
0x1a7: {  	v25 =	vld.idx.msk [tilespmem:v2+s10+$0x8000], $0xffff;
	s12 =	sadd.s32 @!p0 s6, s12  }
0x1a8: {  	v26 =	vld.idx.msk [tilespmem:v3+s10+$0x0], $0xffff;
	s12 =	sshrl.u32 @!p0 s12, $0x3  }
0x1a9: {  	v27 =	vld.idx.msk [tilespmem:v3+s10+$0x8000], $0xffff;
	s13 =	simm.s32 @!p0 $0x0;
	s10 =	sadd.s32 @!p0 s1, s12  }
0x1aa: {  	v28 =	vnsel vm3, $0x0, v18;
	[tilespmem:s13], [sflag:$0x1] =	stream.linear.gather @!p0 [hbm4b:s10+s13], $0x4000, $0x38;
	[tilespmem:$0x14200] =	vst v63  }
0x1ab: {  	v18 =	vnsel vm4, $0x0, v18;
	v12 =	vsub.f32 v12, v13;
	v15 =	vand.u32 $0x7FFFFFFF, v15;
	s10 =	sadd.s32 @!p0 s2, s12;
	s12 =	simm.s32 @!p0 $0x8000  }
0x1ac: {  	v13 =	vadd.f32 v28, v16;
	v16 =	vadd.f32 v18, v17;
	v17 =	vnsel vm1, $0x0, v15;
	[tilespmem:s12], [sflag:$0x1] =	stream.linear.gather @!p0 [hbm4b:s10+s13], $0x4000, $0x38;
	[tilespmem:$0x14200] =	vst v63  }
0x1ad: {  	v15 =	vnsel vm2, $0x0, v15;
	vm1 =	veq.s32 v11, $0x0;
	v12 =	vand.u32 $0x7FFFFFFF, v12;
	s10 =	sshll.u32 @!p0 s11, $0xC  }
0x1ae: {  	v11 =	vadd.f32 v17, v13;
	v13 =	vadd.f32 v15, v16;
	v15 =	vnsel vm0, $0x0, v12;
	s10 =	sadd.s32 @!p0 s8, s10  }
0x1af: {  	v12 =	vnsel vm1, $0x0, v12;
	v17 =	vand.u32 $0x100, v9;
	v29 =	vand.u32 $0x1, v9;
	s10 =	sshrl.u32 @!p0 s10, $0x3  }
0x1b0: {  	v11 =	vadd.f32 v15, v11;
	v12 =	vadd.f32 v12, v13;
	v13 =	vand.u32 $0x10000, v9;
	s12 =	simm.s32 @!p0 $0x10000;
	s11 =	sadd.s32 @!p0 s5, s10  }
0x1b1: {  	v15 =	vand.u32 $0x1000000, v9;
	v16 =	vand.u32 $0x1000000, v19;
	v18 =	vand.u32 $0x100, v19;
	[tilespmem:s12], [sflag:$0x1] =	stream.linear.gather @!p0 [hbm4b:s11+s13], $0x1000, $0x38;
	[tilespmem:$0x14200] =	vst v63  }
0x1b2: {  	v28 =	vand.u32 $0x10000, v19;
	v30 =	vand.u32 $0x1, v19;
	vm3 =	veq.s32 v29, $0x0;
	s10 =	sadd.s32 @!p0 s7, s10;
	s11 =	simm.s32 @!p0 $0x12000  }
0x1b3: {  	vm12 =	veq.s32 v17, $0x0;
	vm0 =	veq.s32 v15, $0x0;
	v15 =	vsub.f32 v21, v22;
	[tilespmem:s11], [sflag:$0x1] =	stream.linear.gather @!p0 [hbm4b:s10+s13], $0x1000, $0x38;
	[tilespmem:$0x14200] =	vst v63  }
0x1b4: {  	vm1 =	veq.s32 v13, $0x0;
	vm2 =	veq.s32 v28, $0x0;
	vm5 =	veq.s32 v18, $0x0;
	_ =	swait.ge [sflag:s3], $0x4000  }
0x1b5: {  	vm6 =	veq.s32 v30, $0x0;
	v18 =	vsub.f32 v20, v25;
	v22 =	vadd.s32 v7, v19;
	[sflag:s3] =	ssyncset.done $0x0  }
0x1b6: {  	v7 =	vshrl.u32 v10, $0x8;
	v13 =	vand.u32 $0x7FFFFFFF, v15;
	v15 =	vsub.f32 v23, v24;
	[sflag:s3] =	ssyncadd.s32 $0xFFFFC000  }
0x1b7: {  	v20 =	vand.u32 $0xFF, v22;
	v17 =	vnsel vm3, $0x0, v13;
	v13 =	vnsel vm6, $0x0, v13;
	_ =	swait.ge [sflag:s3], $0x4000  }
0x1b8: {  	v11 =	vadd.f32 v17, v11;
	v12 =	vadd.f32 v13, v12;
	v13 =	vand.u32 $0x7FFFFFFF, v15;
	[sflag:s3] =	ssyncset.done $0x0  }
0x1b9: {  	v23 =	vshrl.u32 v22, $0x10;
	v15 =	vnsel vm12, $0x0, v13;
	v13 =	vnsel vm5, $0x0, v13;
	[sflag:s3] =	ssyncadd.s32 $0xFFFFC000  }
0x1ba: {  	v11 =	vadd.f32 v15, v11;
	v12 =	vadd.f32 v13, v12;
	v13 =	vand.u32 $0x7FFFFFFF, v18;
	_ =	swait.ge [sflag:s3], $0x1000  }
0x1bb: {  	v17 =	vsub.f32 v26, v27;
	v15 =	vnsel vm1, $0x0, v13;
	v13 =	vnsel vm2, $0x0, v13;
	[sflag:s3] =	ssyncset.done $0x0  }
0x1bc: {  	s17 =	simm.s32 $0x0;
	vm1 =	veq.s32 v16, $0x0;
	v16 =	vadd.s32 v8, v9;
	v11 =	vadd.f32 v15, v11;
	[sflag:s3] =	ssyncadd.s32 $0xFFFFF000  }
0x1bd: {  	s12 =	sand.u32 $0x40, s17;
	v12 =	vadd.f32 v13, v12;
	v13 =	vand.u32 $0x7FFFFFFF, v17;
	v15 =	vshrl.u32 v14, $0x10;
	_ =	swait.ge [sflag:s3], $0x1000  }
0x1be: {  	s10 =	sand.u32 $0x70, s17;
	s11 =	sand.u32 $0xC00, s17;
	v17 =	vshrl.u32 v14, $0x18;
	v18 =	vand.u32 $0xFF, v16;
	v19 =	vshrl.u32 v16, $0x10;
	[sflag:s3] =	ssyncset.done $0x0  }
0x1bf: {  	s13 =	sand.u32 $0x3C00, s17;
	v21 =	vshrl.u32 v16, $0x18;
	v8 =	vnsel vm0, $0x0, v13;
	v9 =	vnsel vm1, $0x0, v13;
	s20 =	sor.u32 s10, s11;
	[sflag:s3] =	ssyncadd.s32 $0xFFFFF000  }
0x1c0: {  	s15 =	sor.u32 s12, s13;
	v25 =	vadd.f32 v8, v11;
	v29 =	vadd.f32 v9, v12;
	v8 =	vand.u32 $0xFF, v10;
	v27 =	vld [tilespmem:s20+$0x11000]  }
0x1c1: {  	v11 =	vshrl.u32 v10, $0x10;
	v9 =	vand.u32 $0xFF, v7;
	v12 =	vand.u32 $0xFF, v14;
	s21 =	sor.u32 $0x4000, s15;
	v28 =	vld [tilespmem:s20+$0x13000]  }
0x1c2: {  	s15 =	sor.u32 $0xC000, s15;
	v7 =	vand.u32 $0xFF, v11;
	v11 =	vshrl.u32 v10, $0x18;
	v10 =	vshrl.u32 v14, $0x8;
	v31 =	vld.idx.msk [tilespmem:v0+s21+$0x0], $0xffff  }
0x1c3: {  	v14 =	vshrl.u32 v16, $0x8;
	v16 =	vshrl.u32 v22, $0x8;
	v13 =	vand.u32 $0xFF, v10;
	v32 =	vld.idx.msk [tilespmem:v0+s15+$0x0], $0xffff  }
0x1c4: {  	v10 =	vand.u32 $0xFF, v15;
	v15 =	vand.u32 $0xFF, v14;
	v14 =	vand.u32 $0xFF, v19;
	v33 =	vld.idx.msk [tilespmem:v1+s21+$0x0], $0xffff  }
0x1c5: {  	v19 =	vand.u32 $0xFF, v16;
	v16 =	vand.u32 $0xFF, v23;
	v23 =	vimm.s32 $0x0;
	v34 =	vld.idx.msk [tilespmem:v1+s15+$0x0], $0xffff  }
0x1c6: {  	v22 =	vshrl.u32 v22, $0x18;
	v24 =	vadd.s32 v23, v27;
	v23 =	vadd.s32 v23, v28  }
0x1c7: {  	v30 =	vld.idx.msk [tilespmem:v2+s21+$0x0], $0xffff;
	v35 =	vand.u32 $0x10000, v27;
	v36 =	vand.u32 $0x1000000, v27;
	v26 =	vand.u32 $0x1000000, v28  }
0x1c8: {  	v37 =	vld.idx.msk [tilespmem:v2+s15+$0x0], $0xffff;
	v38 =	vand.u32 $0x100, v27;
	v39 =	vand.u32 $0x100, v28;
	v40 =	vand.u32 $0x10000, v28  }
0x1c9: {  	v41 =	vld.idx.msk [tilespmem:v3+s21+$0x0], $0xffff;
	v27 =	vand.u32 $0x1, v27;
	v28 =	vand.u32 $0x1, v28;
	v31 =	vsub.f32 v31, v32  }
0x1ca: {  	v61 =	vld.idx.msk [tilespmem:v3+s15+$0x0], $0xffff;
	v62 =	vsub.f32 v33, v34;
	vm0 =	veq.s32 v36, $0x0;
	vm1 =	veq.s32 v35, $0x0  }
0x1cb: {  	s22 =	simm.s32 $0x40;
	s16 =	simm.s32 $0x10;
	s15 =	simm.s32 $0x80;
	vm2 =	veq.s32 v40, $0x0;
	vm3 =	veq.s32 v27, $0x0;
	vm13 =	veq.s32 v38, $0x0  }
0x1cc: {  	s17 =	sand.u32 $0x70, s16;
	s20 =	simm.s32 $0x200;
	s21 =	sand.u32 $0xC00, s15;
	vm14 =	veq.s32 v39, $0x0;
	vm15 =	veq.s32 v28, $0x0;
	v27 =	vand.u32 $0x7FFFFFFF, v31  }
0x1cd: {  	s14 =	sand.u32 $0x40, s22;
	s23 =	sand.u32 $0x3C00, s20;
	s17 =	sor.u32 s17, s21;
	v28 =	vsub.f32 v30, v37;
	v31 =	vnsel vm3, $0x0, v27;
	v63 =	vnsel vm15, $0x0, v27  }
0x1ce: {  	s23 =	sor.u32 s14, s23;
	v27 =	vld [tilespmem:s17+$0x11000];
	v30 =	vadd.f32 v31, v25;
	v31 =	vadd.f32 v63, v29;
	v29 =	vand.u32 $0x7FFFFFFF, v62  }
0x1cf: {  	s21 =	simm.s32 $0x80;
	s22 =	sor.u32 $0x4000, s23;
	v25 =	vld [tilespmem:s17+$0x13000];
	v32 =	vnsel vm13, $0x0, v29;
	v33 =	vnsel vm14, $0x0, v29;
	v29 =	vsub.f32 v41, v61  }
.LBB2_19:
0x1d0: {  	p1 =	sne.s32 s21, $0x7C0;
	v34 =	vld.idx.msk [tilespmem:v2+s22+$0x0], $0xffff;
	v30 =	vadd.f32 v32, v30;
	v31 =	vadd.f32 v33, v31;
	v28 =	vand.u32 $0x7FFFFFFF, v28  }
0x1d1: {  	s17 =	sor.u32 $0xC000, s23;
	v32 =	vld.idx.msk [tilespmem:v0+s22+$0x0], $0xffff;
	v33 =	vnsel vm1, $0x0, v28;
	v28 =	vnsel vm2, $0x0, v28;
	vm1 =	veq.s32 v26, $0x0  }
0x1d2: {  	v29 =	vand.u32 $0x7FFFFFFF, v29;
	v35 =	vld.idx.msk [tilespmem:v0+s17+$0x0], $0xffff;
	v26 =	vadd.f32 v33, v30;
	v28 =	vadd.f32 v28, v31  }
0x1d3: {  	v31 =	vnsel vm0, $0x0, v29;
	v29 =	vnsel vm1, $0x0, v29;
	v24 =	vadd.s32 v24, v27;
	v30 =	vld.idx.msk [tilespmem:v1+s22+$0x0], $0xffff  }
0x1d4: {  	v23 =	vadd.s32 v23, v25;
	v33 =	vld.idx.msk [tilespmem:v1+s17+$0x0], $0xffff;
	v31 =	vadd.f32 v31, v26;
	v29 =	vadd.f32 v29, v28  }
0x1d5: {  	v36 =	vand.u32 $0x10000, v27;
	v37 =	vand.u32 $0x1000000, v27;
	v26 =	vand.u32 $0x1000000, v25;
	v28 =	vld.idx.msk [tilespmem:v2+s17+$0x0], $0xffff  }
0x1d6: {  	v38 =	vand.u32 $0x100, v27;
	v39 =	vand.u32 $0x100, v25;
	v40 =	vand.u32 $0x10000, v25;
	v41 =	vld.idx.msk [tilespmem:v3+s22+$0x0], $0xffff  }
0x1d7: {  	v27 =	vand.u32 $0x1, v27;
	v25 =	vand.u32 $0x1, v25;
	vm0 =	veq.s32 v37, $0x0;
	v42 =	vld.idx.msk [tilespmem:v3+s17+$0x0], $0xffff  }
0x1d8: {  	vm1 =	veq.s32 v36, $0x0;
	vm2 =	veq.s32 v40, $0x0;
	v32 =	vsub.f32 v32, v35  }
.Ltmp10:
0x1d9: {  	s15 =	sadd.s32 $0x80, s15;
	s16 =	sadd.s32 $0x10, s16;
	vm3 =	veq.s32 v27, $0x0;
	vm4 =	veq.s32 v38, $0x0;
	vm5 =	veq.s32 v39, $0x0;
	(pc) =	sbr.rel @p1 .LBB2_19-.Ltmp10, $4  }
0x1da: {  	s20 =	sadd.s32 $0x200, s20;
	vm6 =	veq.s32 v25, $0x0;
	s22 =	sand.u32 $0xC00, s15;
	s17 =	sand.u32 $0x70, s16;
	v27 =	vand.u32 $0x7FFFFFFF, v32;
	v25 =	vsub.f32 v30, v33  }
0x1db: {  	s23 =	sand.u32 $0x3C00, s20;
	s17 =	sor.u32 s17, s22;
	s22 =	sand.u32 $0x40, s21;
	v30 =	vnsel vm3, $0x0, v27;
	v32 =	vnsel vm6, $0x0, v27;
	v28 =	vsub.f32 v34, v28  }
0x1dc: {  	s23 =	sor.u32 s22, s23;
	v30 =	vadd.f32 v30, v31;
	v31 =	vadd.f32 v32, v29;
	v29 =	vand.u32 $0x7FFFFFFF, v25;
	v27 =	vld [tilespmem:s17+$0x11000]  }
0x1dd: {  	s21 =	sadd.s32 $0x40, s21;
	s22 =	sor.u32 $0x4000, s23;
	v32 =	vnsel vm4, $0x0, v29;
	v33 =	vnsel vm5, $0x0, v29;
	v29 =	vsub.f32 v41, v42;
	v25 =	vld [tilespmem:s17+$0x13000]  }
0x1de: {  	_ =	sdelay $0x3  }
0x1df: {  	v30 =	vadd.f32 v32, v30;
	v31 =	vadd.f32 v33, v31;
	v28 =	vand.u32 $0x7FFFFFFF, v28;
	v47 =	vld.idx.msk [tilespmem:v0+s22+$0x0], $0xffff  }
0x1e0: {  	s15 =	sor.u32 $0xC000, s23;
	v50 =	vld.idx.msk [tilespmem:v2+s22+$0x0], $0xffff;
	v48 =	vnsel vm1, $0x0, v28;
	v28 =	vnsel vm2, $0x0, v28;
	vm1 =	veq.s32 v26, $0x0  }
0x1e1: {  	v26 =	vld.idx.msk [tilespmem:v0+s15+$0x0], $0xffff;
	v29 =	vand.u32 $0x7FFFFFFF, v29;
	v30 =	vadd.f32 v48, v30;
	v28 =	vadd.f32 v28, v31  }
0x1e2: {  	v34 =	vld.idx.msk [tilespmem:v1+s15+$0x0], $0xffff;
	v49 =	vnsel vm0, $0x0, v29;
	v29 =	vnsel vm1, $0x0, v29;
	v24 =	vadd.s32 v24, v27  }
0x1e3: {  	v31 =	vld.idx.msk [tilespmem:v1+s22+$0x0], $0xffff;
	v35 =	vand.u32 $0x1000000, v27;
	v37 =	vand.u32 $0x100, v27;
	v30 =	vadd.f32 v49, v30  }
0x1e4: {  	v38 =	vld.idx.msk [tilespmem:v2+s15+$0x0], $0xffff;
	v28 =	vadd.f32 v29, v28;
	v29 =	vand.u32 $0x10000, v27;
	v36 =	vand.u32 $0x1000000, v25  }
0x1e5: {  	v41 =	vld.idx.msk [tilespmem:v3+s22+$0x0], $0xffff;
	v39 =	vand.u32 $0x100, v25;
	v40 =	vand.u32 $0x10000, v25;
	v27 =	vand.u32 $0x1, v27  }
0x1e6: {  	v51 =	vld.idx.msk [tilespmem:v3+s15+$0x0], $0xffff;
	v42 =	vand.u32 $0x1, v25;
	vm0 =	veq.s32 v35, $0x0;
	v26 =	vsub.f32 v47, v26  }
0x1e7: {  	vm3 =	veq.s32 v37, $0x0;
	vm1 =	veq.s32 v29, $0x0;
	vm2 =	veq.s32 v27, $0x0  }
0x1e8: {  	vm4 =	veq.s32 v42, $0x0;
	v27 =	vsub.f32 v31, v34;
	v26 =	vand.u32 $0x7FFFFFFF, v26  }
0x1e9: {  	vm5 =	veq.s32 v39, $0x0;
	v31 =	vsub.f32 v50, v38;
	v29 =	vnsel vm2, $0x0, v26  }
0x1ea: {  	v26 =	vnsel vm4, $0x0, v26;
	v27 =	vand.u32 $0x7FFFFFFF, v27;
	v29 =	vadd.f32 v29, v30  }
0x1eb: {  	s10 =	sor.u32 s11, s10;
	s17 =	sor.u32 s13, s12;
	v32 =	vsub.f32 v41, v51;
	v26 =	vadd.f32 v26, v28;
	v28 =	vnsel vm3, $0x0, v27  }
0x1ec: {  	s20 =	sor.u32 $0x4080, s17;
	v27 =	vnsel vm5, $0x0, v27;
	v30 =	vld [tilespmem:s10+$0x11080];
	v28 =	vadd.f32 v28, v29;
	v29 =	vand.u32 $0x7FFFFFFF, v31  }
0x1ed: {  	v52 =	vld.idx.msk [tilespmem:v2+s20+$0x0], $0xffff;
	vm2 =	veq.s32 v40, $0x0;
	v26 =	vadd.f32 v27, v26;
	v27 =	vnsel vm1, $0x0, v29  }
0x1ee: {  	v53 =	vld.idx.msk [tilespmem:v0+s20+$0x0], $0xffff;
	v29 =	vnsel vm2, $0x0, v29;
	v27 =	vadd.f32 v27, v28;
	v28 =	vand.u32 $0x7FFFFFFF, v32  }
0x1ef: {  	s11 =	sor.u32 $0xC080, s17;
	v31 =	vld [tilespmem:s10+$0x13080];
	vm1 =	veq.s32 v36, $0x0;
	v26 =	vadd.f32 v29, v26;
	v29 =	vnsel vm0, $0x0, v28  }
0x1f0: {  	v23 =	vadd.s32 v23, v25;
	v25 =	vnsel vm1, $0x0, v28;
	v29 =	vadd.f32 v29, v27;
	v27 =	vld.idx.msk [tilespmem:v0+s11+$0x0], $0xffff  }
0x1f1: {  	v54 =	vld.idx.msk [tilespmem:v1+s11+$0x0], $0xffff;
	v24 =	vadd.s32 v24, v30;
	v55 =	vand.u32 $0x10000, v30;
	v56 =	vand.u32 $0x1000000, v30  }
0x1f2: {  	v28 =	vld.idx.msk [tilespmem:v1+s20+$0x0], $0xffff;
	v58 =	vand.u32 $0x100, v30;
	v30 =	vand.u32 $0x1, v30;
	v25 =	vadd.f32 v25, v26  }
0x1f3: {  	v57 =	vld.idx.msk [tilespmem:v2+s11+$0x0], $0xffff;
	vm0 =	veq.s32 v56, $0x0;
	vm1 =	veq.s32 v55, $0x0;
	vm3 =	veq.s32 v30, $0x0  }
0x1f4: {  	v61 =	vld.idx.msk [tilespmem:v3+s20+$0x0], $0xffff;
	vm14 =	veq.s32 v58, $0x0;
	v23 =	vadd.s32 v23, v31;
	v26 =	vand.u32 $0x1000000, v31  }
0x1f5: {  	v62 =	vld.idx.msk [tilespmem:v3+s11+$0x0], $0xffff;
	v59 =	vand.u32 $0x100, v31;
	v60 =	vand.u32 $0x10000, v31;
	v27 =	vsub.f32 v53, v27  }
0x1f6: {  	s10 =	simm.s32 $0x80;
	s11 =	simm.s32 $0x10;
	v31 =	vand.u32 $0x1, v31;
	vm2 =	veq.s32 v60, $0x0;
	vm15 =	veq.s32 v59, $0x0  }
0x1f7: {  	s12 =	simm.s32 $0x200;
	s22 =	sand.u32 $0xC00, s10;
	s21 =	sand.u32 $0x70, s11;
	vm6 =	veq.s32 v31, $0x0;
	v63 =	vsub.f32 v28, v54;
	v27 =	vand.u32 $0x7FFFFFFF, v27  }
0x1f8: {  	s23 =	sand.u32 $0x3C00, s12;
	s13 =	sor.u32 s22, s21;
	v28 =	vsub.f32 v52, v57;
	v30 =	vnsel vm3, $0x0, v27;
	v31 =	vnsel vm6, $0x0, v27  }
0x1f9: {  	s15 =	sor.u32 s23, s14;
	v27 =	vld [tilespmem:s13+$0x11080];
	v30 =	vadd.f32 v30, v29;
	v31 =	vadd.f32 v31, v25;
	v29 =	vand.u32 $0x7FFFFFFF, v63  }
0x1fa: {  	s14 =	sor.u32 $0x4080, s15;
	v25 =	vld [tilespmem:s13+$0x13080];
	s13 =	simm.s32 $0x80;
	v32 =	vnsel vm14, $0x0, v29;
	v33 =	vnsel vm15, $0x0, v29;
	v29 =	vsub.f32 v61, v62  }
.LBB2_21:
0x1fb: {  	p1 =	sne.s32 s13, $0x7C0;
	v34 =	vld.idx.msk [tilespmem:v2+s14+$0x0], $0xffff;
	v30 =	vadd.f32 v32, v30;
	v31 =	vadd.f32 v33, v31;
	v28 =	vand.u32 $0x7FFFFFFF, v28  }
0x1fc: {  	s15 =	sor.u32 $0xC080, s15;
	v32 =	vld.idx.msk [tilespmem:v0+s14+$0x0], $0xffff;
	v33 =	vnsel vm1, $0x0, v28;
	v28 =	vnsel vm2, $0x0, v28;
	vm1 =	veq.s32 v26, $0x0  }
0x1fd: {  	v29 =	vand.u32 $0x7FFFFFFF, v29;
	v35 =	vld.idx.msk [tilespmem:v0+s15+$0x0], $0xffff;
	v26 =	vadd.f32 v33, v30;
	v28 =	vadd.f32 v28, v31  }
0x1fe: {  	v31 =	vnsel vm0, $0x0, v29;
	v29 =	vnsel vm1, $0x0, v29;
	v24 =	vadd.s32 v24, v27;
	v30 =	vld.idx.msk [tilespmem:v1+s14+$0x0], $0xffff  }
0x1ff: {  	v23 =	vadd.s32 v23, v25;
	v33 =	vld.idx.msk [tilespmem:v1+s15+$0x0], $0xffff;
	v31 =	vadd.f32 v31, v26;
	v29 =	vadd.f32 v29, v28  }
0x200: {  	v36 =	vand.u32 $0x10000, v27;
	v37 =	vand.u32 $0x1000000, v27;
	v26 =	vand.u32 $0x1000000, v25;
	v28 =	vld.idx.msk [tilespmem:v2+s15+$0x0], $0xffff  }
0x201: {  	v38 =	vand.u32 $0x100, v27;
	v39 =	vand.u32 $0x100, v25;
	v40 =	vand.u32 $0x10000, v25;
	v41 =	vld.idx.msk [tilespmem:v3+s14+$0x0], $0xffff  }
0x202: {  	v27 =	vand.u32 $0x1, v27;
	v25 =	vand.u32 $0x1, v25;
	vm0 =	veq.s32 v37, $0x0;
	v42 =	vld.idx.msk [tilespmem:v3+s15+$0x0], $0xffff  }
0x203: {  	vm1 =	veq.s32 v36, $0x0;
	vm2 =	veq.s32 v40, $0x0;
	v32 =	vsub.f32 v32, v35  }
.Ltmp11:
0x204: {  	s10 =	sadd.s32 $0x80, s10;
	s11 =	sadd.s32 $0x10, s11;
	vm3 =	veq.s32 v27, $0x0;
	vm4 =	veq.s32 v38, $0x0;
	vm5 =	veq.s32 v39, $0x0;
	(pc) =	sbr.rel @p1 .LBB2_21-.Ltmp11, $4  }
0x205: {  	s12 =	sadd.s32 $0x200, s12;
	vm6 =	veq.s32 v25, $0x0;
	s14 =	sand.u32 $0x70, s11;
	s15 =	sand.u32 $0xC00, s10;
	v27 =	vand.u32 $0x7FFFFFFF, v32;
	v25 =	vsub.f32 v30, v33  }
0x206: {  	s16 =	sand.u32 $0x3C00, s12;
	s14 =	sor.u32 s15, s14;
	s15 =	sand.u32 $0x40, s13;
	v30 =	vnsel vm3, $0x0, v27;
	v32 =	vnsel vm6, $0x0, v27;
	v28 =	vsub.f32 v34, v28  }
0x207: {  	s15 =	sor.u32 s16, s15;
	v30 =	vadd.f32 v30, v31;
	v31 =	vadd.f32 v32, v29;
	v29 =	vand.u32 $0x7FFFFFFF, v25;
	v27 =	vld [tilespmem:s14+$0x11080]  }
0x208: {  	s13 =	sadd.s32 $0x40, s13;
	v32 =	vnsel vm4, $0x0, v29;
	v33 =	vnsel vm5, $0x0, v29;
	v29 =	vsub.f32 v41, v42;
	v25 =	vld [tilespmem:s14+$0x13080];
	s14 =	sor.u32 $0x4080, s15  }
0x209: {  	_ =	sdelay $0x3  }
0x20a: {  	v30 =	vadd.f32 v32, v30;
	v31 =	vadd.f32 v33, v31;
	v28 =	vand.u32 $0x7FFFFFFF, v28;
	v47 =	vld.idx.msk [tilespmem:v0+s14+$0x0], $0xffff  }
0x20b: {  	s10 =	sor.u32 $0xC080, s15;
	v50 =	vld.idx.msk [tilespmem:v2+s14+$0x0], $0xffff;
	v48 =	vnsel vm1, $0x0, v28;
	v28 =	vnsel vm2, $0x0, v28;
	vm1 =	veq.s32 v26, $0x0  }
0x20c: {  	v26 =	vld.idx.msk [tilespmem:v0+s10+$0x0], $0xffff;
	v29 =	vand.u32 $0x7FFFFFFF, v29;
	v30 =	vadd.f32 v48, v30;
	v28 =	vadd.f32 v28, v31  }
0x20d: {  	v34 =	vld.idx.msk [tilespmem:v1+s10+$0x0], $0xffff;
	v49 =	vnsel vm0, $0x0, v29;
	v29 =	vnsel vm1, $0x0, v29;
	v24 =	vadd.s32 v24, v27  }
0x20e: {  	v31 =	vld.idx.msk [tilespmem:v1+s14+$0x0], $0xffff;
	v35 =	vand.u32 $0x1000000, v27;
	v37 =	vand.u32 $0x100, v27;
	v30 =	vadd.f32 v49, v30  }
0x20f: {  	v38 =	vld.idx.msk [tilespmem:v2+s10+$0x0], $0xffff;
	v28 =	vadd.f32 v29, v28;
	v29 =	vand.u32 $0x10000, v27;
	v36 =	vand.u32 $0x1000000, v25  }
0x210: {  	v41 =	vld.idx.msk [tilespmem:v3+s14+$0x0], $0xffff;
	v39 =	vand.u32 $0x100, v25;
	v40 =	vand.u32 $0x10000, v25;
	v27 =	vand.u32 $0x1, v27  }
0x211: {  	v51 =	vld.idx.msk [tilespmem:v3+s10+$0x0], $0xffff;
	v42 =	vand.u32 $0x1, v25;
	vm0 =	veq.s32 v35, $0x0;
	v26 =	vsub.f32 v47, v26  }
0x212: {  	vm3 =	veq.s32 v37, $0x0;
	vm1 =	veq.s32 v29, $0x0;
	vm2 =	veq.s32 v27, $0x0  }
0x213: {  	s11 =	simm.s32 $0x0;
	vm4 =	veq.s32 v42, $0x0;
	v27 =	vsub.f32 v31, v34;
	v26 =	vand.u32 $0x7FFFFFFF, v26  }
0x214: {  	s17 =	sand.u32 $0x70, s11;
	vm5 =	veq.s32 v39, $0x0;
	v31 =	vsub.f32 v50, v38;
	v29 =	vnsel vm2, $0x0, v26  }
0x215: {  	s12 =	sand.u32 $0xC00, s11;
	s20 =	sand.u32 $0x40, s11;
	s13 =	sand.u32 $0x3C00, s11;
	v26 =	vnsel vm4, $0x0, v26;
	v27 =	vand.u32 $0x7FFFFFFF, v27;
	v29 =	vadd.f32 v29, v30  }
0x216: {  	s12 =	sor.u32 s12, s17;
	s10 =	sor.u32 s13, s20;
	v32 =	vsub.f32 v41, v51;
	v26 =	vadd.f32 v26, v28;
	v28 =	vnsel vm3, $0x0, v27  }
0x217: {  	s21 =	sor.u32 $0x4100, s10;
	v27 =	vnsel vm5, $0x0, v27;
	v30 =	vld [tilespmem:s12+$0x11100];
	v28 =	vadd.f32 v28, v29;
	v29 =	vand.u32 $0x7FFFFFFF, v31  }
0x218: {  	v52 =	vld.idx.msk [tilespmem:v2+s21+$0x0], $0xffff;
	vm2 =	veq.s32 v40, $0x0;
	v26 =	vadd.f32 v27, v26;
	v27 =	vnsel vm1, $0x0, v29  }
0x219: {  	v53 =	vld.idx.msk [tilespmem:v0+s21+$0x0], $0xffff;
	v29 =	vnsel vm2, $0x0, v29;
	v27 =	vadd.f32 v27, v28;
	v28 =	vand.u32 $0x7FFFFFFF, v32  }
0x21a: {  	s13 =	sor.u32 $0xC100, s10;
	v31 =	vld [tilespmem:s12+$0x13100];
	vm1 =	veq.s32 v36, $0x0;
	v26 =	vadd.f32 v29, v26;
	v29 =	vnsel vm0, $0x0, v28  }
0x21b: {  	v23 =	vadd.s32 v23, v25;
	v25 =	vnsel vm1, $0x0, v28;
	v29 =	vadd.f32 v29, v27;
	v27 =	vld.idx.msk [tilespmem:v0+s13+$0x0], $0xffff  }
0x21c: {  	v54 =	vld.idx.msk [tilespmem:v1+s13+$0x0], $0xffff;
	v24 =	vadd.s32 v24, v30;
	v55 =	vand.u32 $0x10000, v30;
	v56 =	vand.u32 $0x1000000, v30  }
0x21d: {  	v28 =	vld.idx.msk [tilespmem:v1+s21+$0x0], $0xffff;
	v58 =	vand.u32 $0x100, v30;
	v30 =	vand.u32 $0x1, v30;
	v25 =	vadd.f32 v25, v26  }
0x21e: {  	v57 =	vld.idx.msk [tilespmem:v2+s13+$0x0], $0xffff;
	vm0 =	veq.s32 v56, $0x0;
	vm1 =	veq.s32 v55, $0x0;
	vm3 =	veq.s32 v30, $0x0  }
0x21f: {  	v61 =	vld.idx.msk [tilespmem:v3+s21+$0x0], $0xffff;
	vm14 =	veq.s32 v58, $0x0;
	v23 =	vadd.s32 v23, v31;
	v26 =	vand.u32 $0x1000000, v31  }
0x220: {  	v62 =	vld.idx.msk [tilespmem:v3+s13+$0x0], $0xffff;
	v59 =	vand.u32 $0x100, v31;
	v60 =	vand.u32 $0x10000, v31;
	v27 =	vsub.f32 v53, v27  }
0x221: {  	s22 =	simm.s32 $0x40;
	s14 =	simm.s32 $0x10;
	s13 =	simm.s32 $0x80;
	v31 =	vand.u32 $0x1, v31;
	vm2 =	veq.s32 v60, $0x0;
	vm15 =	veq.s32 v59, $0x0  }
0x222: {  	s15 =	simm.s32 $0x200;
	s16 =	sand.u32 $0x70, s14;
	s17 =	sand.u32 $0xC00, s13;
	vm6 =	veq.s32 v31, $0x0;
	v63 =	vsub.f32 v28, v54;
	v27 =	vand.u32 $0x7FFFFFFF, v27  }
0x223: {  	s23 =	sand.u32 $0x3C00, s15;
	s12 =	sand.u32 $0x40, s22;
	s16 =	sor.u32 s17, s16;
	v28 =	vsub.f32 v52, v57;
	v30 =	vnsel vm3, $0x0, v27;
	v31 =	vnsel vm6, $0x0, v27  }
0x224: {  	s21 =	sor.u32 s23, s12;
	v27 =	vld [tilespmem:s16+$0x11100];
	v30 =	vadd.f32 v30, v29;
	v31 =	vadd.f32 v31, v25;
	v29 =	vand.u32 $0x7FFFFFFF, v63  }
0x225: {  	s20 =	sor.u32 $0x4100, s21;
	v25 =	vld [tilespmem:s16+$0x13100];
	s16 =	simm.s32 $0x80;
	v32 =	vnsel vm14, $0x0, v29;
	v33 =	vnsel vm15, $0x0, v29;
	v29 =	vsub.f32 v61, v62  }
.LBB2_23:
0x226: {  	p1 =	sne.s32 s16, $0x7C0;
	v34 =	vld.idx.msk [tilespmem:v2+s20+$0x0], $0xffff;
	v30 =	vadd.f32 v32, v30;
	v31 =	vadd.f32 v33, v31;
	v28 =	vand.u32 $0x7FFFFFFF, v28  }
0x227: {  	s17 =	sor.u32 $0xC100, s21;
	v32 =	vld.idx.msk [tilespmem:v0+s20+$0x0], $0xffff;
	v33 =	vnsel vm1, $0x0, v28;
	v28 =	vnsel vm2, $0x0, v28;
	vm1 =	veq.s32 v26, $0x0  }
0x228: {  	v29 =	vand.u32 $0x7FFFFFFF, v29;
	v35 =	vld.idx.msk [tilespmem:v0+s17+$0x0], $0xffff;
	v26 =	vadd.f32 v33, v30;
	v28 =	vadd.f32 v28, v31  }
0x229: {  	v31 =	vnsel vm0, $0x0, v29;
	v29 =	vnsel vm1, $0x0, v29;
	v24 =	vadd.s32 v24, v27;
	v30 =	vld.idx.msk [tilespmem:v1+s20+$0x0], $0xffff  }
0x22a: {  	v23 =	vadd.s32 v23, v25;
	v33 =	vld.idx.msk [tilespmem:v1+s17+$0x0], $0xffff;
	v31 =	vadd.f32 v31, v26;
	v29 =	vadd.f32 v29, v28  }
0x22b: {  	v36 =	vand.u32 $0x10000, v27;
	v37 =	vand.u32 $0x1000000, v27;
	v26 =	vand.u32 $0x1000000, v25;
	v28 =	vld.idx.msk [tilespmem:v2+s17+$0x0], $0xffff  }
0x22c: {  	v38 =	vand.u32 $0x100, v27;
	v39 =	vand.u32 $0x100, v25;
	v40 =	vand.u32 $0x10000, v25;
	v41 =	vld.idx.msk [tilespmem:v3+s20+$0x0], $0xffff  }
0x22d: {  	v27 =	vand.u32 $0x1, v27;
	v25 =	vand.u32 $0x1, v25;
	vm0 =	veq.s32 v37, $0x0;
	v42 =	vld.idx.msk [tilespmem:v3+s17+$0x0], $0xffff  }
0x22e: {  	vm1 =	veq.s32 v36, $0x0;
	vm2 =	veq.s32 v40, $0x0;
	v32 =	vsub.f32 v32, v35  }
.Ltmp12:
0x22f: {  	s13 =	sadd.s32 $0x80, s13;
	s14 =	sadd.s32 $0x10, s14;
	vm3 =	veq.s32 v27, $0x0;
	vm4 =	veq.s32 v38, $0x0;
	vm5 =	veq.s32 v39, $0x0;
	(pc) =	sbr.rel @p1 .LBB2_23-.Ltmp12, $4  }
0x230: {  	s15 =	sadd.s32 $0x200, s15;
	vm6 =	veq.s32 v25, $0x0;
	s20 =	sand.u32 $0xC00, s13;
	s17 =	sand.u32 $0x70, s14;
	v27 =	vand.u32 $0x7FFFFFFF, v32;
	v25 =	vsub.f32 v30, v33  }
0x231: {  	s21 =	sand.u32 $0x3C00, s15;
	s17 =	sor.u32 s20, s17;
	s20 =	sand.u32 $0x40, s16;
	v30 =	vnsel vm3, $0x0, v27;
	v32 =	vnsel vm6, $0x0, v27;
	v28 =	vsub.f32 v34, v28  }
0x232: {  	s21 =	sor.u32 s21, s20;
	v30 =	vadd.f32 v30, v31;
	v31 =	vadd.f32 v32, v29;
	v29 =	vand.u32 $0x7FFFFFFF, v25;
	v27 =	vld [tilespmem:s17+$0x11100]  }
0x233: {  	s16 =	sadd.s32 $0x40, s16;
	s20 =	sor.u32 $0x4100, s21;
	v32 =	vnsel vm4, $0x0, v29;
	v33 =	vnsel vm5, $0x0, v29;
	v29 =	vsub.f32 v41, v42;
	v25 =	vld [tilespmem:s17+$0x13100]  }
0x234: {  	_ =	sdelay $0x2  }
0x235: {  	v30 =	vadd.f32 v32, v30;
	v28 =	vand.u32 $0x7FFFFFFF, v28  }
0x236: {  	v31 =	vadd.f32 v33, v31;
	v46 =	vld.idx.msk [tilespmem:v2+s20+$0x0], $0xffff;
	v47 =	vnsel vm1, $0x0, v28;
	v28 =	vnsel vm2, $0x0, v28  }
0x237: {  	s13 =	sor.u32 $0xC100, s21;
	vm1 =	veq.s32 v26, $0x0;
	v26 =	vld.idx.msk [tilespmem:v0+s20+$0x0], $0xffff;
	v29 =	vand.u32 $0x7FFFFFFF, v29;
	v30 =	vadd.f32 v47, v30  }
0x238: {  	v28 =	vadd.f32 v28, v31;
	v31 =	vld.idx.msk [tilespmem:v0+s13+$0x0], $0xffff;
	v48 =	vnsel vm0, $0x0, v29;
	v29 =	vnsel vm1, $0x0, v29  }
0x239: {  	v34 =	vadd.s32 v24, v27;
	v24 =	vld.idx.msk [tilespmem:v1+s20+$0x0], $0xffff;
	v49 =	vand.u32 $0x10000, v27;
	v35 =	vand.u32 $0x1000000, v27  }
0x23a: {  	v38 =	vand.u32 $0x100, v27;
	v27 =	vand.u32 $0x1, v27;
	v28 =	vadd.f32 v29, v28;
	v29 =	vld.idx.msk [tilespmem:v1+s13+$0x0], $0xffff  }
0x23b: {  	v37 =	vld.idx.msk [tilespmem:v2+s13+$0x0], $0xffff;
	v30 =	vadd.f32 v48, v30;
	v36 =	vand.u32 $0x1000000, v25;
	v39 =	vand.u32 $0x100, v25  }
0x23c: {  	v41 =	vld.idx.msk [tilespmem:v3+s20+$0x0], $0xffff;
	s11 =	sand.u32 $0xFFFFFC00, s11;
	v40 =	vand.u32 $0x10000, v25;
	v42 =	vand.u32 $0x1, v25;
	vm0 =	veq.s32 v35, $0x0  }
0x23d: {  	v50 =	vld.idx.msk [tilespmem:v3+s13+$0x0], $0xffff;
	s11 =	sadd.s32 $0x0, s11;
	vm1 =	veq.s32 v49, $0x0;
	vm3 =	veq.s32 v27, $0x0;
	v26 =	vsub.f32 v26, v31  }
0x23e: {  	s11 =	sor.u32 $0x180, s11;
	vm4 =	veq.s32 v38, $0x0;
	v23 =	vadd.s32 v23, v25;
	vm2 =	veq.s32 v40, $0x0  }
0x23f: {  	vm5 =	veq.s32 v39, $0x0;
	v31 =	vld [tilespmem:s11+$0x11000];
	v26 =	vand.u32 $0x7FFFFFFF, v26;
	v24 =	vsub.f32 v24, v29  }
0x240: {  	vm6 =	veq.s32 v42, $0x0;
	v29 =	vsub.f32 v46, v37;
	v27 =	vnsel vm3, $0x0, v26  }
0x241: {  	v26 =	vnsel vm6, $0x0, v26;
	v27 =	vadd.f32 v27, v30;
	v24 =	vand.u32 $0x7FFFFFFF, v24  }
0x242: {  	s21 =	sor.u32 $0xC180, s10;
	v26 =	vadd.f32 v26, v28;
	v30 =	vsub.f32 v41, v50;
	v28 =	vnsel vm4, $0x0, v24  }
0x243: {  	v53 =	vld.idx.msk [tilespmem:v1+s21+$0x0], $0xffff;
	v24 =	vnsel vm5, $0x0, v24;
	v27 =	vadd.f32 v28, v27;
	v28 =	vand.u32 $0x7FFFFFFF, v29  }
0x244: {  	s20 =	sor.u32 $0x4180, s10;
	v54 =	vand.u32 $0x10000, v31;
	v26 =	vadd.f32 v24, v26;
	v24 =	vld [tilespmem:s11+$0x13000];
	v29 =	vnsel vm1, $0x0, v28  }
0x245: {  	v55 =	vand.u32 $0x1000000, v31;
	v28 =	vnsel vm2, $0x0, v28;
	v27 =	vadd.f32 v29, v27;
	v29 =	vld.idx.msk [tilespmem:v0+s20+$0x0], $0xffff  }
0x246: {  	vm1 =	veq.s32 v36, $0x0;
	v26 =	vadd.f32 v28, v26;
	v28 =	vand.u32 $0x7FFFFFFF, v30;
	v30 =	vld.idx.msk [tilespmem:v0+s21+$0x0], $0xffff  }
0x247: {  	v56 =	vld.idx.msk [tilespmem:v2+s21+$0x0], $0xffff;
	v57 =	vand.u32 $0x100, v31;
	v25 =	vnsel vm0, $0x0, v28;
	v28 =	vnsel vm1, $0x0, v28  }
0x248: {  	vm13 =	veq.s32 v57, $0x0;
	vm0 =	veq.s32 v55, $0x0;
	v28 =	vadd.f32 v28, v26;
	v26 =	vld.idx.msk [tilespmem:v1+s20+$0x0], $0xffff  }
0x249: {  	v51 =	vld.idx.msk [tilespmem:v2+s20+$0x0], $0xffff;
	vm1 =	veq.s32 v54, $0x0;
	v52 =	vadd.f32 v25, v27;
	v25 =	vadd.s32 v34, v31  }
0x24a: {  	v62 =	vld.idx.msk [tilespmem:v3+s21+$0x0], $0xffff;
	v31 =	vand.u32 $0x1, v31;
	v27 =	vand.u32 $0x1000000, v24;
	v58 =	vand.u32 $0x100, v24  }
0x24b: {  	s10 =	simm.s32 $0x200;
	v60 =	vld.idx.msk [tilespmem:v3+s20+$0x0], $0xffff;
	v59 =	vand.u32 $0x10000, v24;
	v61 =	vand.u32 $0x1, v24;
	v29 =	vsub.f32 v29, v30  }
0x24c: {  	s22 =	sand.u32 $0x3C00, s10;
	s11 =	simm.s32 $0x80;
	vm3 =	veq.s32 v31, $0x0;
	vm2 =	veq.s32 v59, $0x0;
	vm14 =	veq.s32 v58, $0x0  }
0x24d: {  	s15 =	sor.u32 s22, s12;
	s14 =	sand.u32 $0xFFFFFC00, s11;
	vm15 =	veq.s32 v61, $0x0;
	v29 =	vand.u32 $0x7FFFFFFF, v29;
	v30 =	vsub.f32 v26, v53  }
0x24e: {  	s12 =	sor.u32 $0x4180, s15;
	s23 =	sadd.s32 $0x10, s14;
	v31 =	vnsel vm3, $0x0, v29;
	v63 =	vnsel vm15, $0x0, v29;
	v29 =	vsub.f32 v51, v56  }
0x24f: {  	s16 =	sor.u32 $0x180, s23;
	v26 =	vld.idx.msk [tilespmem:v2+s12+$0x0], $0xffff;
	v32 =	vadd.f32 v31, v52;
	v31 =	vadd.f32 v63, v28;
	v30 =	vand.u32 $0x7FFFFFFF, v30  }
0x250: {  	s13 =	simm.s32 $0x10;
	s14 =	simm.s32 $0x80;
	v28 =	vld [tilespmem:s16+$0x11000];
	v34 =	vnsel vm13, $0x0, v30;
	v33 =	vnsel vm14, $0x0, v30;
	v30 =	vsub.f32 v60, v62  }
.LBB2_25:
0x251: {  	p1 =	sne.s32 s14, $0x7C0;
	v35 =	vld [tilespmem:s16+$0x13000];
	v32 =	vadd.f32 v34, v32;
	v31 =	vadd.f32 v33, v31;
	v29 =	vand.u32 $0x7FFFFFFF, v29  }
0x252: {  	s15 =	sor.u32 $0xC180, s15;
	v33 =	vld.idx.msk [tilespmem:v0+s12+$0x0], $0xffff;
	v34 =	vnsel vm1, $0x0, v29;
	v29 =	vnsel vm2, $0x0, v29;
	vm1 =	veq.s32 v27, $0x0  }
0x253: {  	v30 =	vand.u32 $0x7FFFFFFF, v30;
	v36 =	vld.idx.msk [tilespmem:v0+s15+$0x0], $0xffff;
	v27 =	vadd.f32 v34, v32;
	v29 =	vadd.f32 v29, v31  }
0x254: {  	v23 =	vadd.s32 v23, v24;
	v39 =	vnsel vm0, $0x0, v30;
	v30 =	vnsel vm1, $0x0, v30;
	v31 =	vld.idx.msk [tilespmem:v1+s12+$0x0], $0xffff  }
0x255: {  	v25 =	vadd.s32 v25, v28;
	v32 =	vld.idx.msk [tilespmem:v1+s15+$0x0], $0xffff;
	v34 =	vadd.f32 v39, v27;
	v30 =	vadd.f32 v30, v29  }
0x256: {  	v37 =	vand.u32 $0x10000, v28;
	v38 =	vand.u32 $0x1000000, v28;
	v29 =	vld.idx.msk [tilespmem:v2+s15+$0x0], $0xffff;
	v27 =	vand.u32 $0x1000000, v35;
	v24 =	vmovc v35  }
0x257: {  	v35 =	vand.u32 $0x100, v28;
	v39 =	vand.u32 $0x100, v24;
	v40 =	vand.u32 $0x10000, v24;
	v41 =	vld.idx.msk [tilespmem:v3+s12+$0x0], $0xffff  }
0x258: {  	v28 =	vand.u32 $0x1, v28;
	vm0 =	veq.s32 v38, $0x0;
	v42 =	vand.u32 $0x1, v24;
	v43 =	vld.idx.msk [tilespmem:v3+s15+$0x0], $0xffff  }
0x259: {  	s10 =	sadd.s32 $0x200, s10;
	s11 =	sadd.s32 $0x80, s11;
	vm1 =	veq.s32 v37, $0x0;
	v33 =	vsub.f32 v33, v36;
	vm2 =	veq.s32 v40, $0x0  }
.Ltmp13:
0x25a: {  	s12 =	sand.u32 $0x40, s14;
	vm3 =	veq.s32 v28, $0x0;
	vm4 =	veq.s32 v35, $0x0;
	s15 =	sand.u32 $0x3C00, s10;
	vm5 =	veq.s32 v39, $0x0;
	(pc) =	sbr.rel @p1 .LBB2_25-.Ltmp13, $4  }
0x25b: {  	s13 =	sadd.s32 $0x10, s13;
	s16 =	sand.u32 $0xFFFFFC00, s11;
	vm6 =	veq.s32 v42, $0x0;
	s15 =	sor.u32 s15, s12;
	v28 =	vand.u32 $0x7FFFFFFF, v33;
	v33 =	vsub.f32 v31, v32  }
0x25c: {  	s16 =	sadd.s32 s16, s13;
	s12 =	sor.u32 $0x4180, s15;
	v31 =	vnsel vm3, $0x0, v28;
	v28 =	vnsel vm6, $0x0, v28;
	v29 =	vsub.f32 v26, v29  }
0x25d: {  	s16 =	sor.u32 $0x180, s16;
	v32 =	vadd.f32 v31, v34;
	v31 =	vadd.f32 v28, v30;
	v30 =	vand.u32 $0x7FFFFFFF, v33;
	v26 =	vld.idx.msk [tilespmem:v2+s12+$0x0], $0xffff  }
0x25e: {  	s14 =	sadd.s32 $0x40, s14;
	v34 =	vnsel vm4, $0x0, v30;
	v33 =	vnsel vm5, $0x0, v30;
	v30 =	vsub.f32 v41, v43;
	v28 =	vld [tilespmem:s16+$0x11000]  }
0x25f: {  	_ =	sdelay $0x1  }
0x260: {  	v32 =	vadd.f32 v34, v32;
	v29 =	vand.u32 $0x7FFFFFFF, v29  }
0x261: {  	v46 =	vld [tilespmem:s16+$0x13000];
	v31 =	vadd.f32 v33, v31;
	v47 =	vnsel vm1, $0x0, v29;
	v29 =	vnsel vm2, $0x0, v29  }
0x262: {  	v35 =	vld.idx.msk [tilespmem:v0+s12+$0x0], $0xffff;
	s10 =	sor.u32 $0xC180, s15;
	vm1 =	veq.s32 v27, $0x0;
	v30 =	vand.u32 $0x7FFFFFFF, v30;
	v27 =	vadd.f32 v47, v32  }
0x263: {  	v24 =	vadd.s32 v23, v24;
	v48 =	vld.idx.msk [tilespmem:v0+s10+$0x0], $0xffff;
	v29 =	vadd.f32 v29, v31;
	v31 =	vnsel vm0, $0x0, v30  }
0x264: {  	v49 =	vld.idx.msk [tilespmem:v1+s12+$0x0], $0xffff;
	v30 =	vnsel vm1, $0x0, v30;
	v23 =	vadd.s32 v25, v28;
	v25 =	vadd.f32 v31, v27  }
0x265: {  	v27 =	vld.idx.msk [tilespmem:v1+s10+$0x0], $0xffff;
	v29 =	vadd.f32 v30, v29;
	v30 =	vand.u32 $0x10000, v28;
	v31 =	vand.u32 $0x1000000, v28  }
0x266: {  	v39 =	vld.idx.msk [tilespmem:v2+s10+$0x0], $0xffff;
	v37 =	vand.u32 $0x100, v28;
	v28 =	vand.u32 $0x1, v28;
	v36 =	vand.u32 $0x1000000, v46  }
0x267: {  	v38 =	vand.u32 $0x100, v46;
	v40 =	vand.u32 $0x10000, v46;
	v41 =	vand.u32 $0x1, v46  }
0x268: {  	v42 =	vld.idx.msk [tilespmem:v3+s12+$0x0], $0xffff;
	vm0 =	veq.s32 v31, $0x0;
	vm1 =	veq.s32 v30, $0x0;
	v31 =	vsub.f32 v35, v48  }
0x269: {  	p1 =	por $0x0, $0x0;
	s21 =	simm.s32 $0x0;
	s11 =	simm.s32 $0x1;
	v30 =	vld.idx.msk [tilespmem:v3+s10+$0x0], $0xffff;
	vm3 =	veq.s32 v28, $0x0;
	vm4 =	veq.s32 v37, $0x0;
	v24 =	vadd.s32 v24, v46  }
0x26a: {  	s22 =	sand.u32 $0x70, s21;
	s11 =	simm.s32 @!p1 $0x0;
	s10 =	sand.u32 $0xC00, s21;
	vm5 =	veq.s32 v41, $0x0;
	v28 =	vand.u32 $0x7FFFFFFF, v31;
	v27 =	vsub.f32 v49, v27  }
0x26b: {  	s11 =	sshll.u32 s11, $0x6;
	vm6 =	veq.s32 v38, $0x0;
	v26 =	vsub.f32 v26, v39;
	s10 =	sor.u32 s10, s22;
	v31 =	vnsel vm3, $0x0, v28  }
0x26c: {  	s11 =	sadd.s32 $0x0, s11;
	v28 =	vnsel vm5, $0x0, v28;
	v25 =	vadd.f32 v31, v25;
	v31 =	vld [tilespmem:s10+$0x11200];
	v27 =	vand.u32 $0x7FFFFFFF, v27  }
0x26d: {  	s14 =	sor.u32 $0x200, s11;
	v26 =	vand.u32 $0x7FFFFFFF, v26;
	v28 =	vadd.f32 v28, v29;
	v29 =	vnsel vm4, $0x0, v27  }
0x26e: {  	v52 =	vld.idx.msk [tilespmem:v0+s14+$0xC000], $0xffff;
	v30 =	vsub.f32 v42, v30;
	v27 =	vnsel vm6, $0x0, v27;
	v25 =	vadd.f32 v29, v25  }
0x26f: {  	vm2 =	veq.s32 v40, $0x0;
	v29 =	vld [tilespmem:s10+$0x13200];
	v27 =	vadd.f32 v27, v28;
	v28 =	vnsel vm1, $0x0, v26  }
0x270: {  	v26 =	vnsel vm2, $0x0, v26;
	v25 =	vadd.f32 v28, v25;
	v28 =	vand.u32 $0x7FFFFFFF, v30;
	v30 =	vld.idx.msk [tilespmem:v0+s14+$0x4000], $0xffff  }
0x271: {  	vm1 =	veq.s32 v36, $0x0;
	v26 =	vadd.f32 v26, v27;
	v55 =	vand.u32 $0x10000, v31  }
0x272: {  	v50 =	vld.idx.msk [tilespmem:v2+s14+$0x4000], $0xffff;
	v56 =	vand.u32 $0x1000000, v31;
	v58 =	vand.u32 $0x100, v31;
	v27 =	vnsel vm0, $0x0, v28  }
0x273: {  	v54 =	vld.idx.msk [tilespmem:v1+s14+$0xC000], $0xffff;
	v28 =	vnsel vm1, $0x0, v28;
	v51 =	vadd.f32 v27, v25;
	v25 =	vimm.s32 $0x0  }
0x274: {  	v53 =	vadd.f32 v28, v26;
	v28 =	vld.idx.msk [tilespmem:v1+s14+$0x4000], $0xffff;
	v26 =	vadd.s32 v25, v31;
	v25 =	vadd.s32 v25, v29  }
0x275: {  	v57 =	vld.idx.msk [tilespmem:v2+s14+$0xC000], $0xffff;
	v27 =	vand.u32 $0x1000000, v29;
	v59 =	vand.u32 $0x100, v29;
	v30 =	vsub.f32 v30, v52  }
0x276: {  	v60 =	vand.u32 $0x10000, v29;
	v31 =	vand.u32 $0x1, v31;
	v43 =	vand.u32 $0x1, v29;
	v29 =	vld.idx.msk [tilespmem:v3+s14+$0x4000], $0xffff  }
0x277: {  	s12 =	simm.s32 $0x80;
	vm0 =	veq.s32 v56, $0x0;
	vm5 =	veq.s32 v31, $0x0;
	v31 =	vand.u32 $0x7FFFFFFF, v30;
	v30 =	vld.idx.msk [tilespmem:v3+s14+$0xC000], $0xffff  }
0x278: {  	s13 =	simm.s32 $0x10;
	s15 =	simm.s32 $0x1;
	p2 =	por !p1, !p1;
	vm1 =	veq.s32 v55, $0x0;
	vm3 =	veq.s32 v58, $0x0;
	vm2 =	veq.s32 v60, $0x0  }
0x279: {  	s23 =	sand.u32 $0x70, s13;
	s17 =	sand.u32 $0xC00, s12;
	s15 =	simm.s32 @!p2 $0x0;
	vm4 =	veq.s32 v59, $0x0;
	vm6 =	veq.s32 v43, $0x0;
	v61 =	vsub.f32 v28, v54  }
0x27a: {  	s16 =	sor.u32 s17, s23;
	s15 =	sshll.u32 s15, $0x6;
	v62 =	vnsel vm5, $0x0, v31;
	v63 =	vnsel vm6, $0x0, v31;
	v31 =	vsub.f32 v50, v57  }
0x27b: {  	s20 =	sadd.s32 $0x200, s15;
	s15 =	simm.s32 $0x80;
	s14 =	simm.s32 $0x200;
	v28 =	vld [tilespmem:s16+$0x11200];
	v32 =	vadd.f32 v62, v51;
	v33 =	vadd.f32 v63, v53;
	v34 =	vand.u32 $0x7FFFFFFF, v61  }
.LBB2_27:
0x27c: {  	p3 =	sne.s32 s15, $0x7C0;
	v35 =	vld [tilespmem:s16+$0x13200];
	s16 =	sor.u32 $0x200, s20;
	v36 =	vnsel vm3, $0x0, v34;
	v34 =	vnsel vm4, $0x0, v34;
	v29 =	vsub.f32 v29, v30  }
0x27d: {  	v31 =	vand.u32 $0x7FFFFFFF, v31;
	v37 =	vld.idx.msk [tilespmem:v2+s16+$0x4000], $0xffff;
	v30 =	vadd.f32 v36, v32;
	v32 =	vadd.f32 v34, v33  }
0x27e: {  	v34 =	vnsel vm1, $0x0, v31;
	v31 =	vnsel vm2, $0x0, v31;
	vm1 =	veq.s32 v27, $0x0;
	v33 =	vld.idx.msk [tilespmem:v0+s16+$0x4000], $0xffff  }
0x27f: {  	v29 =	vand.u32 $0x7FFFFFFF, v29;
	v36 =	vld.idx.msk [tilespmem:v0+s16+$0xC000], $0xffff;
	v27 =	vadd.f32 v34, v30;
	v30 =	vadd.f32 v31, v32  }
0x280: {  	v32 =	vnsel vm0, $0x0, v29;
	v29 =	vnsel vm1, $0x0, v29;
	v26 =	vadd.s32 v26, v28;
	v31 =	vld.idx.msk [tilespmem:v1+s16+$0x4000], $0xffff  }
0x281: {  	v25 =	vadd.s32 v25, v35;
	v34 =	vld.idx.msk [tilespmem:v1+s16+$0xC000], $0xffff;
	v32 =	vadd.f32 v32, v27;
	v38 =	vadd.f32 v29, v30  }
0x282: {  	v40 =	vand.u32 $0x10000, v28;
	v41 =	vand.u32 $0x1000000, v28;
	v27 =	vand.u32 $0x1000000, v35;
	v39 =	vld.idx.msk [tilespmem:v2+s16+$0xC000], $0xffff  }
0x283: {  	v42 =	vand.u32 $0x100, v28;
	v43 =	vand.u32 $0x100, v35;
	v44 =	vand.u32 $0x10000, v35;
	v29 =	vld.idx.msk [tilespmem:v3+s16+$0x4000], $0xffff  }
0x284: {  	v28 =	vand.u32 $0x1, v28;
	v35 =	vand.u32 $0x1, v35;
	vm0 =	veq.s32 v41, $0x0;
	v30 =	vld.idx.msk [tilespmem:v3+s16+$0xC000], $0xffff  }
.Ltmp14:
0x285: {  	p2 =	por !p2, !p2;
	vm1 =	veq.s32 v40, $0x0;
	vm2 =	veq.s32 v44, $0x0;
	v33 =	vsub.f32 v33, v36;
	(pc) =	sbr.rel @p3 .LBB2_27-.Ltmp14, $4  }
0x286: {  	s12 =	sadd.s32 $0x80, s12;
	s13 =	sadd.s32 $0x10, s13;
	vm5 =	veq.s32 v28, $0x0;
	vm3 =	veq.s32 v42, $0x0;
	vm4 =	veq.s32 v43, $0x0;
	s16 =	simm.s32 $0x1  }
0x287: {  	s17 =	sand.u32 $0x70, s13;
	s20 =	sand.u32 $0xC00, s12;
	vm6 =	veq.s32 v35, $0x0;
	s16 =	simm.s32 @!p2 $0x0;
	v28 =	vand.u32 $0x7FFFFFFF, v33;
	v34 =	vsub.f32 v31, v34  }
0x288: {  	s14 =	sadd.s32 $0x200, s14;
	s21 =	sshll.u32 s16, $0x6;
	s16 =	sor.u32 s20, s17;
	v33 =	vnsel vm5, $0x0, v28;
	v35 =	vnsel vm6, $0x0, v28;
	v31 =	vsub.f32 v37, v39  }
0x289: {  	s15 =	sadd.s32 $0x40, s15;
	s20 =	sadd.s32 s21, s14;
	v32 =	vadd.f32 v33, v32;
	v33 =	vadd.f32 v35, v38;
	v34 =	vand.u32 $0x7FFFFFFF, v34;
	v28 =	vld [tilespmem:s16+$0x11200]  }
0x28a: {  	_ =	sdelay $0x2  }
0x28b: {  	v35 =	vnsel vm3, $0x0, v34;
	v60 =	vnsel vm4, $0x0, v34;
	v29 =	vsub.f32 v29, v30;
	v30 =	vld [tilespmem:s16+$0x13200];
	s12 =	sor.u32 $0x200, s20  }
0x28c: {  	v31 =	vand.u32 $0x7FFFFFFF, v31;
	v32 =	vadd.f32 v35, v32;
	v33 =	vadd.f32 v60, v33;
	v61 =	vld.idx.msk [tilespmem:v0+s12+$0x4000], $0xffff  }
0x28d: {  	v62 =	vnsel vm1, $0x0, v31;
	v31 =	vnsel vm2, $0x0, v31;
	vm1 =	veq.s32 v27, $0x0;
	v27 =	vld.idx.msk [tilespmem:v0+s12+$0xC000], $0xffff  }
0x28e: {  	v63 =	vld.idx.msk [tilespmem:v1+s12+$0x4000], $0xffff;
	v29 =	vand.u32 $0x7FFFFFFF, v29;
	v32 =	vadd.f32 v62, v32;
	v31 =	vadd.f32 v31, v33  }
0x28f: {  	v36 =	vld.idx.msk [tilespmem:v1+s12+$0xC000], $0xffff;
	v48 =	vnsel vm0, $0x0, v29;
	v29 =	vnsel vm1, $0x0, v29;
	v26 =	vadd.s32 v26, v28  }
0x290: {  	v49 =	vld.idx.msk [tilespmem:v2+s12+$0x4000], $0xffff;
	v37 =	vand.u32 $0x1000000, v28;
	v39 =	vand.u32 $0x100, v28;
	v32 =	vadd.f32 v48, v32  }
0x291: {  	v40 =	vld.idx.msk [tilespmem:v2+s12+$0xC000], $0xffff;
	v29 =	vadd.f32 v29, v31;
	v31 =	vand.u32 $0x10000, v28;
	v38 =	vand.u32 $0x1000000, v30  }
0x292: {  	v43 =	vld.idx.msk [tilespmem:v3+s12+$0x4000], $0xffff;
	v41 =	vand.u32 $0x100, v30;
	v42 =	vand.u32 $0x10000, v30;
	v28 =	vand.u32 $0x1, v28  }
0x293: {  	v50 =	vld.idx.msk [tilespmem:v3+s12+$0xC000], $0xffff;
	v44 =	vand.u32 $0x1, v30;
	vm0 =	veq.s32 v37, $0x0;
	v27 =	vsub.f32 v61, v27  }
0x294: {  	vm3 =	veq.s32 v39, $0x0;
	vm1 =	veq.s32 v31, $0x0;
	vm2 =	veq.s32 v28, $0x0  }
0x295: {  	vm4 =	veq.s32 v44, $0x0;
	v28 =	vsub.f32 v63, v36;
	v27 =	vand.u32 $0x7FFFFFFF, v27  }
0x296: {  	vm5 =	veq.s32 v41, $0x0;
	v51 =	vsub.f32 v49, v40;
	v31 =	vnsel vm2, $0x0, v27  }
0x297: {  	v28 =	vand.u32 $0x7FFFFFFF, v28;
	v27 =	vnsel vm4, $0x0, v27;
	v31 =	vadd.f32 v31, v32  }
0x298: {  	v34 =	vsub.f32 v43, v50;
	v27 =	vadd.f32 v27, v29;
	v29 =	vnsel vm3, $0x0, v28  }
0x299: {  	v52 =	vld [tilespmem:s10+$0x11280];
	v28 =	vnsel vm5, $0x0, v28;
	v29 =	vadd.f32 v29, v31;
	v31 =	vand.u32 $0x7FFFFFFF, v51  }
0x29a: {  	v53 =	vld [tilespmem:s10+$0x13280];
	s23 =	sor.u32 $0x280, s11;
	vm2 =	veq.s32 v42, $0x0;
	v27 =	vadd.f32 v28, v27;
	v28 =	vnsel vm1, $0x0, v31  }
0x29b: {  	v55 =	vld.idx.msk [tilespmem:v0+s23+$0x4000], $0xffff;
	v31 =	vnsel vm2, $0x0, v31;
	v28 =	vadd.f32 v28, v29;
	v29 =	vand.u32 $0x7FFFFFFF, v34  }
0x29c: {  	v25 =	vadd.s32 v25, v30;
	v30 =	vld.idx.msk [tilespmem:v1+s23+$0x4000], $0xffff;
	v27 =	vadd.f32 v31, v27;
	v31 =	vnsel vm0, $0x0, v29  }
0x29d: {  	v56 =	vadd.f32 v31, v28;
	v28 =	vld.idx.msk [tilespmem:v0+s23+$0xC000], $0xffff  }
0x29e: {  	v26 =	vadd.s32 v26, v52;
	v58 =	vand.u32 $0x1000000, v52;
	v31 =	vld.idx.msk [tilespmem:v1+s23+$0xC000], $0xffff  }
0x29f: {  	v60 =	vand.u32 $0x100, v52;
	v62 =	vand.u32 $0x10000, v53;
	vm1 =	veq.s32 v38, $0x0  }
0x2a0: {  	v54 =	vld.idx.msk [tilespmem:v2+s23+$0x4000], $0xffff;
	v33 =	vand.u32 $0x1, v53;
	v25 =	vadd.s32 v25, v53;
	v29 =	vnsel vm1, $0x0, v29  }
0x2a1: {  	v59 =	vld.idx.msk [tilespmem:v2+s23+$0xC000], $0xffff;
	v61 =	vand.u32 $0x100, v53;
	v57 =	vadd.f32 v29, v27;
	v29 =	vand.u32 $0x10000, v52  }
0x2a2: {  	vm6 =	veq.s32 v33, $0x0;
	vm4 =	veq.s32 v61, $0x0;
	vm1 =	veq.s32 v29, $0x0;
	v29 =	vld.idx.msk [tilespmem:v3+s23+$0x4000], $0xffff  }
0x2a3: {  	p1 =	por !p1, !p1;
	v32 =	vand.u32 $0x1, v52;
	v28 =	vsub.f32 v55, v28;
	v63 =	vsub.f32 v30, v31;
	v30 =	vld.idx.msk [tilespmem:v3+s23+$0xC000], $0xffff  }
0x2a4: {  	s10 =	simm.s32 $0x80;
	s11 =	simm.s32 $0x10;
	s13 =	simm.s32 $0x1;
	vm3 =	veq.s32 v60, $0x0;
	vm5 =	veq.s32 v32, $0x0;
	vm2 =	veq.s32 v62, $0x0  }
0x2a5: {  	s13 =	simm.s32 @!p1 $0x0;
	s14 =	sand.u32 $0x70, s11;
	s15 =	sand.u32 $0xC00, s10;
	vm0 =	veq.s32 v58, $0x0;
	v27 =	vand.u32 $0x1000000, v53;
	v28 =	vand.u32 $0x7FFFFFFF, v28  }
0x2a6: {  	s13 =	sshll.u32 s13, $0x6;
	s14 =	sor.u32 s15, s14;
	v31 =	vsub.f32 v54, v59;
	v32 =	vnsel vm5, $0x0, v28;
	v33 =	vnsel vm6, $0x0, v28  }
0x2a7: {  	s12 =	simm.s32 $0x200;
	s15 =	sadd.s32 $0x200, s13;
	s13 =	simm.s32 $0x80;
	v34 =	vand.u32 $0x7FFFFFFF, v63;
	v28 =	vld [tilespmem:s14+$0x11280];
	v32 =	vadd.f32 v32, v56;
	v33 =	vadd.f32 v33, v57  }
.LBB2_29:
0x2a8: {  	p2 =	sne.s32 s13, $0x7C0;
	v35 =	vld [tilespmem:s14+$0x13280];
	s14 =	sor.u32 $0x280, s15;
	v36 =	vnsel vm3, $0x0, v34;
	v34 =	vnsel vm4, $0x0, v34;
	v29 =	vsub.f32 v29, v30  }
0x2a9: {  	v31 =	vand.u32 $0x7FFFFFFF, v31;
	v37 =	vld.idx.msk [tilespmem:v2+s14+$0x4000], $0xffff;
	v30 =	vadd.f32 v36, v32;
	v32 =	vadd.f32 v34, v33  }
0x2aa: {  	v34 =	vnsel vm1, $0x0, v31;
	v31 =	vnsel vm2, $0x0, v31;
	vm1 =	veq.s32 v27, $0x0;
	v33 =	vld.idx.msk [tilespmem:v0+s14+$0x4000], $0xffff  }
0x2ab: {  	v29 =	vand.u32 $0x7FFFFFFF, v29;
	v36 =	vld.idx.msk [tilespmem:v0+s14+$0xC000], $0xffff;
	v27 =	vadd.f32 v34, v30;
	v30 =	vadd.f32 v31, v32  }
0x2ac: {  	v32 =	vnsel vm0, $0x0, v29;
	v29 =	vnsel vm1, $0x0, v29;
	v26 =	vadd.s32 v26, v28;
	v31 =	vld.idx.msk [tilespmem:v1+s14+$0x4000], $0xffff  }
0x2ad: {  	v25 =	vadd.s32 v25, v35;
	v34 =	vld.idx.msk [tilespmem:v1+s14+$0xC000], $0xffff;
	v32 =	vadd.f32 v32, v27;
	v38 =	vadd.f32 v29, v30  }
0x2ae: {  	v40 =	vand.u32 $0x10000, v28;
	v41 =	vand.u32 $0x1000000, v28;
	v27 =	vand.u32 $0x1000000, v35;
	v39 =	vld.idx.msk [tilespmem:v2+s14+$0xC000], $0xffff  }
0x2af: {  	v42 =	vand.u32 $0x100, v28;
	v43 =	vand.u32 $0x100, v35;
	v44 =	vand.u32 $0x10000, v35;
	v29 =	vld.idx.msk [tilespmem:v3+s14+$0x4000], $0xffff  }
0x2b0: {  	v28 =	vand.u32 $0x1, v28;
	v35 =	vand.u32 $0x1, v35;
	vm0 =	veq.s32 v41, $0x0;
	v30 =	vld.idx.msk [tilespmem:v3+s14+$0xC000], $0xffff  }
.Ltmp15:
0x2b1: {  	p1 =	por !p1, !p1;
	vm1 =	veq.s32 v40, $0x0;
	vm2 =	veq.s32 v44, $0x0;
	v33 =	vsub.f32 v33, v36;
	(pc) =	sbr.rel @p2 .LBB2_29-.Ltmp15, $4  }
0x2b2: {  	s10 =	sadd.s32 $0x80, s10;
	s11 =	sadd.s32 $0x10, s11;
	vm5 =	veq.s32 v28, $0x0;
	vm3 =	veq.s32 v42, $0x0;
	vm4 =	veq.s32 v43, $0x0;
	s14 =	simm.s32 $0x1  }
0x2b3: {  	s15 =	sand.u32 $0x70, s11;
	s16 =	sand.u32 $0xC00, s10;
	vm6 =	veq.s32 v35, $0x0;
	s14 =	simm.s32 @!p1 $0x0;
	v28 =	vand.u32 $0x7FFFFFFF, v33;
	v34 =	vsub.f32 v31, v34  }
0x2b4: {  	s12 =	sadd.s32 $0x200, s12;
	s17 =	sshll.u32 s14, $0x6;
	s14 =	sor.u32 s16, s15;
	v33 =	vnsel vm5, $0x0, v28;
	v35 =	vnsel vm6, $0x0, v28;
	v31 =	vsub.f32 v37, v39  }
0x2b5: {  	s13 =	sadd.s32 $0x40, s13;
	s15 =	sadd.s32 s17, s12;
	v32 =	vadd.f32 v33, v32;
	v33 =	vadd.f32 v35, v38;
	v34 =	vand.u32 $0x7FFFFFFF, v34;
	v28 =	vld [tilespmem:s14+$0x11280]  }
0x2b6: {  	_ =	sdelay $0x2  }
0x2b7: {  	v35 =	vnsel vm3, $0x0, v34;
	v60 =	vnsel vm4, $0x0, v34;
	v29 =	vsub.f32 v29, v30;
	v30 =	vld [tilespmem:s14+$0x13280];
	s10 =	sor.u32 $0x280, s15  }
0x2b8: {  	v31 =	vand.u32 $0x7FFFFFFF, v31;
	v32 =	vadd.f32 v35, v32;
	v33 =	vadd.f32 v60, v33;
	v61 =	vld.idx.msk [tilespmem:v0+s10+$0x4000], $0xffff  }
0x2b9: {  	v62 =	vnsel vm1, $0x0, v31;
	v31 =	vnsel vm2, $0x0, v31;
	vm1 =	veq.s32 v27, $0x0;
	v27 =	vld.idx.msk [tilespmem:v0+s10+$0xC000], $0xffff  }
0x2ba: {  	v63 =	vld.idx.msk [tilespmem:v1+s10+$0x4000], $0xffff;
	v29 =	vand.u32 $0x7FFFFFFF, v29;
	v32 =	vadd.f32 v62, v32;
	v31 =	vadd.f32 v31, v33  }
0x2bb: {  	v36 =	vld.idx.msk [tilespmem:v1+s10+$0xC000], $0xffff;
	v48 =	vnsel vm0, $0x0, v29;
	v29 =	vnsel vm1, $0x0, v29;
	v26 =	vadd.s32 v26, v28  }
0x2bc: {  	v49 =	vld.idx.msk [tilespmem:v2+s10+$0x4000], $0xffff;
	v37 =	vand.u32 $0x1000000, v28;
	v39 =	vand.u32 $0x100, v28;
	v32 =	vadd.f32 v48, v32  }
0x2bd: {  	v40 =	vld.idx.msk [tilespmem:v2+s10+$0xC000], $0xffff;
	v29 =	vadd.f32 v29, v31;
	v31 =	vand.u32 $0x10000, v28;
	v38 =	vand.u32 $0x1000000, v30  }
0x2be: {  	v43 =	vld.idx.msk [tilespmem:v3+s10+$0x4000], $0xffff;
	v41 =	vand.u32 $0x100, v30;
	v42 =	vand.u32 $0x10000, v30;
	v28 =	vand.u32 $0x1, v28  }
0x2bf: {  	v50 =	vld.idx.msk [tilespmem:v3+s10+$0xC000], $0xffff;
	v44 =	vand.u32 $0x1, v30;
	vm0 =	veq.s32 v37, $0x0;
	v27 =	vsub.f32 v61, v27  }
0x2c0: {  	vm3 =	veq.s32 v39, $0x0;
	vm1 =	veq.s32 v31, $0x0;
	vm2 =	veq.s32 v28, $0x0  }
0x2c1: {  	p1 =	por $0x0, $0x0;
	s10 =	simm.s32 $0x0;
	vm4 =	veq.s32 v44, $0x0;
	v28 =	vsub.f32 v63, v36;
	v27 =	vand.u32 $0x7FFFFFFF, v27  }
0x2c2: {  	s11 =	simm.s32 $0x1;
	s12 =	sand.u32 $0x70, s10;
	s13 =	sand.u32 $0xC00, s10;
	vm5 =	veq.s32 v41, $0x0;
	v51 =	vsub.f32 v49, v40;
	v31 =	vnsel vm2, $0x0, v27  }
0x2c3: {  	s11 =	simm.s32 @!p1 $0x0;
	s12 =	sor.u32 s13, s12;
	v28 =	vand.u32 $0x7FFFFFFF, v28;
	v27 =	vnsel vm4, $0x0, v27;
	v31 =	vadd.f32 v31, v32  }
0x2c4: {  	s11 =	sshll.u32 s11, $0x6;
	v52 =	vld [tilespmem:s12+$0x11300];
	v34 =	vsub.f32 v43, v50;
	v27 =	vadd.f32 v27, v29;
	v29 =	vnsel vm3, $0x0, v28  }
0x2c5: {  	s11 =	sadd.s32 $0x0, s11;
	v53 =	vld [tilespmem:s12+$0x13300];
	v28 =	vnsel vm5, $0x0, v28;
	v29 =	vadd.f32 v29, v31;
	v31 =	vand.u32 $0x7FFFFFFF, v51  }
0x2c6: {  	s23 =	sor.u32 $0x300, s11;
	vm2 =	veq.s32 v42, $0x0;
	v27 =	vadd.f32 v28, v27;
	v28 =	vnsel vm1, $0x0, v31  }
0x2c7: {  	v55 =	vld.idx.msk [tilespmem:v0+s23+$0x4000], $0xffff;
	v31 =	vnsel vm2, $0x0, v31;
	v28 =	vadd.f32 v28, v29;
	v29 =	vand.u32 $0x7FFFFFFF, v34  }
0x2c8: {  	v25 =	vadd.s32 v25, v30;
	v30 =	vld.idx.msk [tilespmem:v1+s23+$0x4000], $0xffff;
	v27 =	vadd.f32 v31, v27;
	v31 =	vnsel vm0, $0x0, v29  }
0x2c9: {  	v56 =	vadd.f32 v31, v28;
	v28 =	vld.idx.msk [tilespmem:v0+s23+$0xC000], $0xffff  }
0x2ca: {  	v26 =	vadd.s32 v26, v52;
	v25 =	vadd.s32 v25, v53;
	v31 =	vld.idx.msk [tilespmem:v1+s23+$0xC000], $0xffff  }
0x2cb: {  	v58 =	vand.u32 $0x1000000, v52;
	v60 =	vand.u32 $0x100, v52;
	vm1 =	veq.s32 v38, $0x0  }
0x2cc: {  	v54 =	vld.idx.msk [tilespmem:v2+s23+$0x4000], $0xffff;
	v61 =	vand.u32 $0x100, v53;
	v62 =	vand.u32 $0x10000, v53;
	v29 =	vnsel vm1, $0x0, v29  }
0x2cd: {  	v59 =	vld.idx.msk [tilespmem:v2+s23+$0xC000], $0xffff;
	v33 =	vand.u32 $0x1, v53;
	v57 =	vadd.f32 v29, v27;
	v29 =	vand.u32 $0x10000, v52  }
0x2ce: {  	v32 =	vand.u32 $0x1, v52;
	vm3 =	veq.s32 v60, $0x0;
	vm1 =	veq.s32 v29, $0x0;
	v29 =	vld.idx.msk [tilespmem:v3+s23+$0x4000], $0xffff  }
0x2cf: {  	s15 =	simm.s32 $0x1;
	vm4 =	veq.s32 v61, $0x0;
	v28 =	vsub.f32 v55, v28;
	v63 =	vsub.f32 v30, v31;
	v30 =	vld.idx.msk [tilespmem:v3+s23+$0xC000], $0xffff  }
0x2d0: {  	p2 =	por !p1, !p1;
	s13 =	simm.s32 $0x10;
	s12 =	simm.s32 $0x80;
	vm6 =	veq.s32 v33, $0x0;
	vm5 =	veq.s32 v32, $0x0;
	vm2 =	veq.s32 v62, $0x0  }
0x2d1: {  	s15 =	simm.s32 @!p2 $0x0;
	s16 =	sand.u32 $0x70, s13;
	s17 =	sand.u32 $0xC00, s12;
	vm0 =	veq.s32 v58, $0x0;
	v27 =	vand.u32 $0x1000000, v53;
	v28 =	vand.u32 $0x7FFFFFFF, v28  }
0x2d2: {  	s15 =	sshll.u32 s15, $0x6;
	s16 =	sor.u32 s17, s16;
	v31 =	vsub.f32 v54, v59;
	v32 =	vnsel vm5, $0x0, v28;
	v33 =	vnsel vm6, $0x0, v28  }
0x2d3: {  	s14 =	simm.s32 $0x200;
	s20 =	sadd.s32 $0x200, s15;
	s15 =	simm.s32 $0x80;
	v34 =	vand.u32 $0x7FFFFFFF, v63;
	v28 =	vld [tilespmem:s16+$0x11300];
	v32 =	vadd.f32 v32, v56;
	v33 =	vadd.f32 v33, v57  }
.LBB2_31:
0x2d4: {  	p3 =	sne.s32 s15, $0x7C0;
	v35 =	vld [tilespmem:s16+$0x13300];
	s16 =	sor.u32 $0x300, s20;
	v36 =	vnsel vm3, $0x0, v34;
	v34 =	vnsel vm4, $0x0, v34;
	v29 =	vsub.f32 v29, v30  }
0x2d5: {  	v31 =	vand.u32 $0x7FFFFFFF, v31;
	v37 =	vld.idx.msk [tilespmem:v2+s16+$0x4000], $0xffff;
	v30 =	vadd.f32 v36, v32;
	v32 =	vadd.f32 v34, v33  }
0x2d6: {  	v34 =	vnsel vm1, $0x0, v31;
	v31 =	vnsel vm2, $0x0, v31;
	vm1 =	veq.s32 v27, $0x0;
	v33 =	vld.idx.msk [tilespmem:v0+s16+$0x4000], $0xffff  }
0x2d7: {  	v29 =	vand.u32 $0x7FFFFFFF, v29;
	v36 =	vld.idx.msk [tilespmem:v0+s16+$0xC000], $0xffff;
	v27 =	vadd.f32 v34, v30;
	v30 =	vadd.f32 v31, v32  }
0x2d8: {  	v32 =	vnsel vm0, $0x0, v29;
	v29 =	vnsel vm1, $0x0, v29;
	v26 =	vadd.s32 v26, v28;
	v31 =	vld.idx.msk [tilespmem:v1+s16+$0x4000], $0xffff  }
0x2d9: {  	v25 =	vadd.s32 v25, v35;
	v34 =	vld.idx.msk [tilespmem:v1+s16+$0xC000], $0xffff;
	v32 =	vadd.f32 v32, v27;
	v38 =	vadd.f32 v29, v30  }
0x2da: {  	v40 =	vand.u32 $0x10000, v28;
	v41 =	vand.u32 $0x1000000, v28;
	v27 =	vand.u32 $0x1000000, v35;
	v39 =	vld.idx.msk [tilespmem:v2+s16+$0xC000], $0xffff  }
0x2db: {  	v42 =	vand.u32 $0x100, v28;
	v43 =	vand.u32 $0x100, v35;
	v44 =	vand.u32 $0x10000, v35;
	v29 =	vld.idx.msk [tilespmem:v3+s16+$0x4000], $0xffff  }
0x2dc: {  	v28 =	vand.u32 $0x1, v28;
	v35 =	vand.u32 $0x1, v35;
	vm0 =	veq.s32 v41, $0x0;
	v30 =	vld.idx.msk [tilespmem:v3+s16+$0xC000], $0xffff  }
.Ltmp16:
0x2dd: {  	p2 =	por !p2, !p2;
	vm1 =	veq.s32 v40, $0x0;
	vm2 =	veq.s32 v44, $0x0;
	v33 =	vsub.f32 v33, v36;
	(pc) =	sbr.rel @p3 .LBB2_31-.Ltmp16, $4  }
0x2de: {  	s12 =	sadd.s32 $0x80, s12;
	s13 =	sadd.s32 $0x10, s13;
	vm5 =	veq.s32 v28, $0x0;
	vm3 =	veq.s32 v42, $0x0;
	vm4 =	veq.s32 v43, $0x0;
	s16 =	simm.s32 $0x1  }
0x2df: {  	s17 =	sand.u32 $0x70, s13;
	s20 =	sand.u32 $0xC00, s12;
	vm6 =	veq.s32 v35, $0x0;
	s16 =	simm.s32 @!p2 $0x0;
	v28 =	vand.u32 $0x7FFFFFFF, v33;
	v34 =	vsub.f32 v31, v34  }
0x2e0: {  	s14 =	sadd.s32 $0x200, s14;
	s21 =	sshll.u32 s16, $0x6;
	s16 =	sor.u32 s20, s17;
	v33 =	vnsel vm5, $0x0, v28;
	v35 =	vnsel vm6, $0x0, v28;
	v31 =	vsub.f32 v37, v39  }
0x2e1: {  	s15 =	sadd.s32 $0x40, s15;
	s20 =	sadd.s32 s21, s14;
	v32 =	vadd.f32 v33, v32;
	v33 =	vadd.f32 v35, v38;
	v34 =	vand.u32 $0x7FFFFFFF, v34;
	v28 =	vld [tilespmem:s16+$0x11300]  }
0x2e2: {  	_ =	sdelay $0x2  }
0x2e3: {  	v35 =	vnsel vm3, $0x0, v34;
	v60 =	vnsel vm4, $0x0, v34;
	v29 =	vsub.f32 v29, v30;
	v30 =	vld [tilespmem:s16+$0x13300];
	s12 =	sor.u32 $0x300, s20  }
0x2e4: {  	v31 =	vand.u32 $0x7FFFFFFF, v31;
	v32 =	vadd.f32 v35, v32;
	v33 =	vadd.f32 v60, v33;
	v61 =	vld.idx.msk [tilespmem:v0+s12+$0x4000], $0xffff  }
0x2e5: {  	v62 =	vnsel vm1, $0x0, v31;
	v31 =	vnsel vm2, $0x0, v31;
	vm1 =	veq.s32 v27, $0x0;
	v27 =	vld.idx.msk [tilespmem:v0+s12+$0xC000], $0xffff  }
0x2e6: {  	v63 =	vld.idx.msk [tilespmem:v1+s12+$0x4000], $0xffff;
	v29 =	vand.u32 $0x7FFFFFFF, v29;
	v32 =	vadd.f32 v62, v32;
	v31 =	vadd.f32 v31, v33  }
0x2e7: {  	v36 =	vld.idx.msk [tilespmem:v1+s12+$0xC000], $0xffff;
	v48 =	vnsel vm0, $0x0, v29;
	v29 =	vnsel vm1, $0x0, v29;
	v26 =	vadd.s32 v26, v28  }
0x2e8: {  	v49 =	vld.idx.msk [tilespmem:v2+s12+$0x4000], $0xffff;
	v37 =	vand.u32 $0x1000000, v28;
	v39 =	vand.u32 $0x100, v28;
	v32 =	vadd.f32 v48, v32  }
0x2e9: {  	v40 =	vld.idx.msk [tilespmem:v2+s12+$0xC000], $0xffff;
	v29 =	vadd.f32 v29, v31;
	v31 =	vand.u32 $0x10000, v28;
	v38 =	vand.u32 $0x1000000, v30  }
0x2ea: {  	v43 =	vld.idx.msk [tilespmem:v3+s12+$0x4000], $0xffff;
	v41 =	vand.u32 $0x100, v30;
	v42 =	vand.u32 $0x10000, v30;
	v28 =	vand.u32 $0x1, v28  }
0x2eb: {  	v50 =	vld.idx.msk [tilespmem:v3+s12+$0xC000], $0xffff;
	v44 =	vand.u32 $0x1, v30;
	vm0 =	veq.s32 v37, $0x0;
	v27 =	vsub.f32 v61, v27  }
0x2ec: {  	vm3 =	veq.s32 v39, $0x0;
	vm1 =	veq.s32 v31, $0x0;
	vm2 =	veq.s32 v28, $0x0  }
0x2ed: {  	vm4 =	veq.s32 v44, $0x0;
	v28 =	vsub.f32 v63, v36;
	v27 =	vand.u32 $0x7FFFFFFF, v27  }
0x2ee: {  	s10 =	sor.u32 s10, s10;
	vm5 =	veq.s32 v41, $0x0;
	v51 =	vsub.f32 v49, v40;
	v31 =	vnsel vm2, $0x0, v27  }
0x2ef: {  	s10 =	sor.u32 $0x380, s10;
	v28 =	vand.u32 $0x7FFFFFFF, v28;
	v27 =	vnsel vm4, $0x0, v27;
	v31 =	vadd.f32 v31, v32  }
0x2f0: {  	v52 =	vld [tilespmem:s10+$0x11000];
	v34 =	vsub.f32 v43, v50;
	v27 =	vadd.f32 v27, v29;
	v29 =	vnsel vm3, $0x0, v28  }
0x2f1: {  	v53 =	vld [tilespmem:s10+$0x13000];
	v28 =	vnsel vm5, $0x0, v28;
	v29 =	vadd.f32 v29, v31;
	v31 =	vand.u32 $0x7FFFFFFF, v51  }
0x2f2: {  	s23 =	sor.u32 $0x380, s11;
	vm2 =	veq.s32 v42, $0x0;
	v27 =	vadd.f32 v28, v27;
	v28 =	vnsel vm1, $0x0, v31  }
0x2f3: {  	v55 =	vld.idx.msk [tilespmem:v0+s23+$0x4000], $0xffff;
	v31 =	vnsel vm2, $0x0, v31;
	v28 =	vadd.f32 v28, v29;
	v29 =	vand.u32 $0x7FFFFFFF, v34  }
0x2f4: {  	v25 =	vadd.s32 v25, v30;
	v30 =	vld.idx.msk [tilespmem:v1+s23+$0x4000], $0xffff;
	v27 =	vadd.f32 v31, v27;
	v31 =	vnsel vm0, $0x0, v29  }
0x2f5: {  	v56 =	vadd.f32 v31, v28;
	v28 =	vld.idx.msk [tilespmem:v0+s23+$0xC000], $0xffff  }
0x2f6: {  	v26 =	vadd.s32 v26, v52;
	v25 =	vadd.s32 v25, v53;
	v31 =	vld.idx.msk [tilespmem:v1+s23+$0xC000], $0xffff  }
0x2f7: {  	v58 =	vand.u32 $0x1000000, v52;
	v60 =	vand.u32 $0x100, v52;
	vm1 =	veq.s32 v38, $0x0  }
0x2f8: {  	v54 =	vld.idx.msk [tilespmem:v2+s23+$0x4000], $0xffff;
	v61 =	vand.u32 $0x100, v53;
	v62 =	vand.u32 $0x10000, v53;
	v29 =	vnsel vm1, $0x0, v29  }
0x2f9: {  	v59 =	vld.idx.msk [tilespmem:v2+s23+$0xC000], $0xffff;
	v33 =	vand.u32 $0x1, v53;
	v57 =	vadd.f32 v29, v27;
	v29 =	vand.u32 $0x10000, v52  }
0x2fa: {  	vm6 =	veq.s32 v33, $0x0;
	vm4 =	veq.s32 v61, $0x0;
	vm1 =	veq.s32 v29, $0x0;
	v29 =	vld.idx.msk [tilespmem:v3+s23+$0x4000], $0xffff  }
0x2fb: {  	p1 =	por !p1, !p1;
	v32 =	vand.u32 $0x1, v52;
	v28 =	vsub.f32 v55, v28;
	v63 =	vsub.f32 v30, v31;
	v30 =	vld.idx.msk [tilespmem:v3+s23+$0xC000], $0xffff  }
0x2fc: {  	s11 =	simm.s32 $0x10;
	s13 =	simm.s32 $0x1;
	s10 =	simm.s32 $0x80;
	vm3 =	veq.s32 v60, $0x0;
	vm5 =	veq.s32 v32, $0x0;
	vm2 =	veq.s32 v62, $0x0  }
0x2fd: {  	s13 =	simm.s32 @!p1 $0x0;
	s14 =	sor.u32 s10, s11;
	vm0 =	veq.s32 v58, $0x0;
	v27 =	vand.u32 $0x1000000, v53;
	v28 =	vand.u32 $0x7FFFFFFF, v28  }
0x2fe: {  	s13 =	sshll.u32 s13, $0x6;
	s14 =	sor.u32 $0x380, s14;
	v31 =	vsub.f32 v54, v59;
	v32 =	vnsel vm5, $0x0, v28;
	v33 =	vnsel vm6, $0x0, v28  }
0x2ff: {  	s12 =	simm.s32 $0x200;
	s15 =	sadd.s32 $0x200, s13;
	s13 =	simm.s32 $0x80;
	v34 =	vand.u32 $0x7FFFFFFF, v63;
	v28 =	vld [tilespmem:s14+$0x11000];
	v32 =	vadd.f32 v32, v56;
	v33 =	vadd.f32 v33, v57  }
.LBB2_33:
0x300: {  	p2 =	sne.s32 s13, $0x7C0;
	v35 =	vld [tilespmem:s14+$0x13000];
	s14 =	sor.u32 $0x380, s15;
	v36 =	vnsel vm3, $0x0, v34;
	v34 =	vnsel vm4, $0x0, v34;
	v29 =	vsub.f32 v29, v30  }
0x301: {  	v31 =	vand.u32 $0x7FFFFFFF, v31;
	v37 =	vld.idx.msk [tilespmem:v2+s14+$0x4000], $0xffff;
	v30 =	vadd.f32 v36, v32;
	v32 =	vadd.f32 v34, v33  }
0x302: {  	v34 =	vnsel vm1, $0x0, v31;
	v31 =	vnsel vm2, $0x0, v31;
	vm1 =	veq.s32 v27, $0x0;
	v33 =	vld.idx.msk [tilespmem:v0+s14+$0x4000], $0xffff  }
0x303: {  	v29 =	vand.u32 $0x7FFFFFFF, v29;
	v36 =	vld.idx.msk [tilespmem:v0+s14+$0xC000], $0xffff;
	v27 =	vadd.f32 v34, v30;
	v30 =	vadd.f32 v31, v32  }
0x304: {  	v32 =	vnsel vm0, $0x0, v29;
	v29 =	vnsel vm1, $0x0, v29;
	v26 =	vadd.s32 v26, v28;
	v31 =	vld.idx.msk [tilespmem:v1+s14+$0x4000], $0xffff  }
0x305: {  	v25 =	vadd.s32 v25, v35;
	v34 =	vld.idx.msk [tilespmem:v1+s14+$0xC000], $0xffff;
	v32 =	vadd.f32 v32, v27;
	v38 =	vadd.f32 v29, v30  }
0x306: {  	v40 =	vand.u32 $0x10000, v28;
	v41 =	vand.u32 $0x1000000, v28;
	v27 =	vand.u32 $0x1000000, v35;
	v39 =	vld.idx.msk [tilespmem:v2+s14+$0xC000], $0xffff  }
0x307: {  	v42 =	vand.u32 $0x100, v28;
	v43 =	vand.u32 $0x100, v35;
	v44 =	vand.u32 $0x10000, v35;
	v29 =	vld.idx.msk [tilespmem:v3+s14+$0x4000], $0xffff  }
0x308: {  	v28 =	vand.u32 $0x1, v28;
	v35 =	vand.u32 $0x1, v35;
	vm0 =	veq.s32 v41, $0x0;
	v30 =	vld.idx.msk [tilespmem:v3+s14+$0xC000], $0xffff  }
.Ltmp17:
0x309: {  	p1 =	por !p1, !p1;
	vm1 =	veq.s32 v40, $0x0;
	vm2 =	veq.s32 v44, $0x0;
	v33 =	vsub.f32 v33, v36;
	(pc) =	sbr.rel @p2 .LBB2_33-.Ltmp17, $4  }
0x30a: {  	s10 =	sadd.s32 $0x80, s10;
	s11 =	sadd.s32 $0x10, s11;
	vm5 =	veq.s32 v28, $0x0;
	vm3 =	veq.s32 v42, $0x0;
	vm4 =	veq.s32 v43, $0x0;
	s14 =	simm.s32 $0x1  }
0x30b: {  	s15 =	sor.u32 s10, s11;
	vm6 =	veq.s32 v35, $0x0;
	s14 =	simm.s32 @!p1 $0x0;
	v28 =	vand.u32 $0x7FFFFFFF, v33;
	v34 =	vsub.f32 v31, v34  }
0x30c: {  	s12 =	sadd.s32 $0x200, s12;
	s16 =	sshll.u32 s14, $0x6;
	s14 =	sor.u32 $0x380, s15;
	v33 =	vnsel vm5, $0x0, v28;
	v35 =	vnsel vm6, $0x0, v28;
	v31 =	vsub.f32 v37, v39  }
0x30d: {  	s13 =	sadd.s32 $0x40, s13;
	s15 =	sadd.s32 s16, s12;
	v32 =	vadd.f32 v33, v32;
	v33 =	vadd.f32 v35, v38;
	v34 =	vand.u32 $0x7FFFFFFF, v34;
	v28 =	vld [tilespmem:s14+$0x11000]  }
0x30e: {  	v36 =	vnsel vm3, $0x0, v34;
	v44 =	vnsel vm4, $0x0, v34;
	v29 =	vsub.f32 v29, v30  }
0x30f: {  	v31 =	vand.u32 $0x7FFFFFFF, v31;
	vm7 =	veq.s32 v27, $0x0;
	v60 =	vshrl.u32 v23, $0x8  }
0x310: {  	v61 =	vshrl.u32 v23, $0x10;
	v6 =	vadd.s32 v6, v8;
	v8 =	vshrl.u32 v23, $0x18  }
0x311: {  	v62 =	vand.u32 $0xFF, v24;
	v5 =	vadd.s32 v5, v12;
	v45 =	vadd.f32 v36, v32  }
0x312: {  	v46 =	vadd.f32 v44, v33;
	v48 =	vnsel vm1, $0x0, v31;
	v31 =	vnsel vm2, $0x0, v31  }
0x313: {  	v6 =	vadd.s32 v11, v6;
	v11 =	vshrl.u32 v24, $0x8;
	v5 =	vadd.s32 v17, v5  }
0x314: {  	v29 =	vand.u32 $0x7FFFFFFF, v29;
	v6 =	vadd.s32 v9, v6;
	v9 =	vand.u32 $0xFF, v11  }
0x315: {  	v35 =	vld [tilespmem:s14+$0x13000];
	s10 =	sor.u32 $0x380, s15;
	v5 =	vadd.s32 v13, v5;
	v30 =	vadd.f32 v48, v45;
	v31 =	vadd.f32 v31, v46  }
0x316: {  	v47 =	vld.idx.msk [tilespmem:v0+s10+$0x4000], $0xffff;
	v50 =	vnsel vm0, $0x0, v29;
	v29 =	vnsel vm7, $0x0, v29;
	v6 =	vadd.s32 v7, v6  }
0x317: {  	v27 =	vld.idx.msk [tilespmem:v0+s10+$0xC000], $0xffff;
	v7 =	vshrl.u32 v24, $0x10;
	v5 =	vadd.s32 v10, v5;
	v10 =	vshrl.u32 v24, $0x18  }
0x318: {  	v49 =	vld.idx.msk [tilespmem:v1+s10+$0x4000], $0xffff;
	v26 =	vadd.s32 v26, v28;
	v53 =	vand.u32 $0x10000, v28;
	v37 =	vand.u32 $0x1000000, v28  }
0x319: {  	v52 =	vld.idx.msk [tilespmem:v2+s10+$0x4000], $0xffff;
	v40 =	vand.u32 $0x100, v28;
	v54 =	vand.u32 $0x1, v28;
	v6 =	vadd.s32 v18, v6  }
0x31a: {  	v39 =	vld.idx.msk [tilespmem:v2+s10+$0xC000], $0xffff;
	v7 =	vand.u32 $0xFF, v7;
	v5 =	vadd.s32 v20, v5;
	v51 =	vadd.s32 v25, v35  }
0x31b: {  	v43 =	vld.idx.msk [tilespmem:v3+s10+$0x4000], $0xffff;
	v30 =	vadd.f32 v50, v30;
	v29 =	vadd.f32 v29, v31;
	v38 =	vand.u32 $0x1000000, v35  }
0x31c: {  	v55 =	vld.idx.msk [tilespmem:v3+s10+$0xC000], $0xffff;
	v41 =	vand.u32 $0x100, v35;
	v42 =	vand.u32 $0x10000, v35;
	v35 =	vand.u32 $0x1, v35  }
0x31d: {  	v25 =	vld.idx.msk [tilespmem:v1+s10+$0xC000], $0xffff;
	vm8 =	veq.s32 v37, $0x0;
	vm9 =	veq.s32 v53, $0x0;
	vm10 =	veq.s32 v54, $0x0  }
0x31e: {  	vm12 =	veq.s32 v40, $0x0;
	v6 =	vadd.s32 v21, v6;
	v11 =	vand.u32 $0xFF, v26  }
0x31f: {  	v5 =	vadd.s32 v22, v5;
	v63 =	vshrl.u32 v26, $0x8;
	v27 =	vsub.f32 v47, v27  }
0x320: {  	vm11 =	veq.s32 v35, $0x0;
	v31 =	vsub.f32 v52, v39;
	vm13 =	veq.s32 v41, $0x0  }
0x321: {  	v57 =	vsub.f32 v43, v55;
	vm14 =	veq.s32 v42, $0x0;
	vm15 =	veq.s32 v38, $0x0  }
0x322: {  	v6 =	vadd.s32 v15, v6;
	v27 =	vand.u32 $0x7FFFFFFF, v27;
	v25 =	vsub.f32 v49, v25  }
0x323: {  	v5 =	vadd.s32 v19, v5;
	v12 =	vand.u32 $0xFF, v63;
	v28 =	vnsel vm10, $0x0, v27  }
0x324: {  	v6 =	vadd.s32 v14, v6;
	v28 =	vadd.f32 v28, v30;
	v25 =	vand.u32 $0x7FFFFFFF, v25  }
0x325: {  	v5 =	vadd.s32 v16, v5;
	v27 =	vnsel vm11, $0x0, v27;
	v56 =	vnsel vm12, $0x0, v25  }
0x326: {  	v58 =	vand.u32 $0x7FFFFFFF, v31;
	v27 =	vadd.f32 v27, v29;
	v28 =	vadd.f32 v56, v28  }
0x327: {  	v59 =	vand.u32 $0x7FFFFFFF, v57;
	v31 =	vnsel vm9, $0x0, v58;
	v25 =	vnsel vm13, $0x0, v25  }
0x328: {  	v5 =	vadd.s32 v62, v5;
	v25 =	vadd.f32 v25, v27;
	v27 =	vadd.f32 v31, v28  }
0x329: {  	v5 =	vadd.s32 v10, v5;
	v29 =	vnsel vm14, $0x0, v58;
	v30 =	vnsel vm8, $0x0, v59  }
0x32a: {  	v29 =	vadd.f32 v29, v25;
	v25 =	vadd.f32 v30, v27;
	v27 =	vand.u32 $0xFF, v23  }
0x32b: {  	v10 =	vshrl.u32 v26, $0x18;
	v5 =	vadd.s32 v9, v5;
	v6 =	vadd.s32 v27, v6  }
0x32c: {  	v9 =	vand.u32 $0xFF, v51;
	v30 =	vand.u32 $0xFF, v60;
	v6 =	vadd.s32 v8, v6  }
0x32d: {  	v5 =	vadd.s32 v7, v5;
	v31 =	vand.u32 $0xFF, v61;
	v6 =	vadd.s32 v30, v6  }
0x32e: {  	v7 =	vshrl.u32 v51, $0x8;
	v5 =	vadd.s32 v9, v5;
	v6 =	vadd.s32 v31, v6  }
.Ltmp18:
0x32f: {  	v7 =	vand.u32 $0xFF, v7;
	v9 =	vshrl.u32 v51, $0x10;
	v6 =	vadd.s32 v11, v6;
	(pc) =	sbr.rel @p0 .LBB2_36-.Ltmp18, $4  }
0x330: {  	v9 =	vand.u32 $0xFF, v9;
	v6 =	vadd.s32 v10, v6;
	v10 =	vshrl.u32 v51, $0x18  }
0x331: {  	v28 =	vnsel vm15, $0x0, v59;
	v8 =	vshrl.u32 v26, $0x10;
	v5 =	vadd.s32 v10, v5  }
0x332: {  	v8 =	vand.u32 $0xFF, v8;
	v6 =	vadd.s32 v12, v6;
	v5 =	vadd.s32 v7, v5  }
0x333: {  	v11 =	vadd.f32 v28, v29;
	v6 =	vadd.s32 v8, v6;
	v5 =	vadd.s32 v9, v5  }
0x334: {  	s9 =	sadd.s32 s9, s19  }
0x335: {  	s10 =	sshll.u32 s9, $0xE  }
0x336: {  	s10 =	sadd.s32 s6, s10  }
0x337: {  	s10 =	sshrl.u32 s10, $0x3  }
0x338: {  	s9 =	sshll.u32 s9, $0xC;
	s11 =	sadd.s32 s1, s10  }
0x339: {  	[tilespmem:s28], [sflag:$0x2] =	stream.linear.gather [hbm4b:s11+s4], $0x4000, $0x38;
	[tilespmem:$0x14200] =	vst v63  }
0x33a: {  	s9 =	sadd.s32 s8, s9;
	s10 =	sadd.s32 s2, s10  }
0x33b: {  	[tilespmem:s29], [sflag:$0x2] =	stream.linear.gather [hbm4b:s10+s4], $0x4000, $0x38;
	[tilespmem:$0x14200] =	vst v63  }
.Ltmp19:
0x33c: {  	s9 =	sshrl.u32 s9, $0x3;
	(pc) =	sbr.rel .LBB2_2-.Ltmp19, $4  }
0x33d: {  	s23 =	sadd.s32 s5, s9  }
0x33e: {  	[tilespmem:s30], [sflag:$0x2] =	stream.linear.gather [hbm4b:s23+s4], $0x1000, $0x38;
	[tilespmem:$0x14200] =	vst v63  }
0x33f: {  	s26 =	sadd.s32 $0x1, s26;
	s9 =	sadd.s32 s7, s9  }
0x340: {  	[tilespmem:s31], [sflag:$0x2] =	stream.linear.gather [hbm4b:s9+s4], $0x1000, $0x38;
	[tilespmem:$0x14200] =	vst v63  }
.LBB2_37:
0x341: {  	_ =	sfence.sel $0x180000  }
0x342: {  	[bflag:$0x0] =	sbarrier.arrive $0xFFFF  }
0x343: {  	_ =	strace $0x9000004D  }
0x344: {  	s0 =	stileid.u32;
	[bflag:$0x2] =	sbarrier.arrive $0xFFFF  }
0x345: {  	p0 =	sne.s32 s0, $0x0;
	s0 =	rddreg [dreg:$0x3]  }
0x346: {  	s0 =	sadd.s32 @!p0 $0x100000, s0  }
0x347: {  	[sflag:s0] =	ssyncadd.tile.s32 @!p0 $0x1;
	_ =	shalt  }
.Lfunc_end2:
_tile_overlayer_lowered:
.L_overlay_start_2:
0x348: {  	(tag) =	ssettag $0x2  }
0x349: {  	s0 =	rddreg [dreg:$0x0];
	s2 =	stileid.u32  }
0x34a: {  	s1 =	rddreg [dreg:$0x1];
	p0 =	sne.s32 s2, $0x0  }
0x34b: {  	s3 =	rddreg [dreg:$0x2];
	[bflag:$0x3] =	sbarrier.arrive $0xFFFF;
	s2 =	simm.s32 @!p0 $0x1C03  }
0x34c: {  	[timem:s3], [sflag:s2] =	dma.local @!p0 [hbm:s0], s1  }
0x34d: {  	s0 =	simm.s32 @!p0 $0x3  }
0x34e: {  	_ =	swait.ge @!p0 [sflag:s0], s1  }
0x34f: {  	s1 =	ssub.s32 @!p0 $0x0, s1;
	[sflag:s0] =	ssyncset.done @!p0 $0x0  }
0x350: {  	[sflag:s0] =	ssyncadd.s32 @!p0 s1  }
0x351: {  	[bflag:$0x3] =	sbarrier.arrive $0xFFFF  }
0x352: {  	_ =	shalt  }

// kernel: sparse-core-data-format-call.1.cloned.1.call-start
scs
called_computation.1_lowered:
.L_overlay_start_0:
0x0: {  	s1 =	sld [smem:$0x3FD9]  }
0x1: {  	s2 =	sld [smem:$0x3FFE];
	_ =	sdelay $0x1  }
0x2: {  	s3 =	srdreg.scid  }
0x3: {  	s0 =	sand.u32 $0x1, s3  }
0x4: {  	s17 =	sshll.u32 s0, $0xA;
	s1 =	sadd.s32 s2, s1  }
0x5: {  	s1 =	sadd.s32 s1, s17  }
0x6: {  	[smem:$0x3FC4] =	sst s1  }
0x7: {  	_ = 	snop  }
0x8: {  	(tm) =	ssettm $0x1  }
0x9: {  	s18 =	sld [smem:$0x3FFB];
	_ =	sdelay $0x3  }
0xa: {  	_ =	strace s18  }
0xb: {  	s1 =	sld [smem:$0x3FFC];
	_ =	sdelay $0x3  }
0xc: {  	_ =	strace s1  }
0xd: {  	s1 =	sld [smem:$0x3FFD];
	_ =	sdelay $0x3  }
0xe: {  	_ =	strace s1  }
0xf: {  	_ =	strace $0x8FFFFFFF  }
0x10: {  	s19 =	sld [smem:$0x3FDB];
	_ =	sdelay $0x1  }
0x11: {  	s20 =	simm.s32 $_scs_section_size  }
0x12: {  	s4 =	simm.s32 $_size__tile_overlayer_lowered;
	s5 =	simm.s32 $_tile_overlayer_lowered  }
0x13: {  	s23 =	simm.s32 $0x1BFF;
	s22 =	sshll.u32 s5, $0x1;
	s1 =	sadd.s32 s20, s19  }
0x14: {  	s6 =	simm.s32 $0x0;
	s21 =	sshll.u32 s4, $0x1;
	s4 =	sadd.s32 s22, s1  }
0x15: {  	[timem:s6], [sflag:s23] =	dma.local [hbm:s4], s21  }
0x16: {  	_ =	swait.ge [sflag:s23], s21  }
0x17: {  	s2 =	ssub.s32 $0x0, s21;
	[sflag:s23] =	ssyncset.done $0x0  }
0x18: {  	[sflag:s23] =	ssyncadd.s32 s2;
	_ =	sdelay $0x1  }
0x19: {  	s24 =	simm.s32 $0x1B8B  }
0x1a: {  	_ =	swait.ge [sflag:s24], $0x1  }
0x1b: {  	[sflag:s24] =	ssyncset.done $0x0  }
0x1c: {  	s26 =	simm.s32 $0x1B8E;
	s25 =	sld [smem:$0x3FFE];
	[sflag:s24] =	ssyncadd.s32 $0xFFFFFFFF  }
0x1d: {  	s27 =	simm.s32 $execute0_lowered;
	[smem:$0x3FD2] =	sst s26  }
0x1e: {  	s4 =	sshll.u32 s27, $0x1;
	_ =	strace $0x80000046;
	[dreg:$0x1] =	wrdreg $0xFFFFFFFF  }
0x1f: {  	s28 =	simm.s32 $_size_execute0_lowered;
	s1 =	sadd.s32 s1, s4;
	[dreg:$0x0] =	wrdreg $0x0  }
0x20: {  	s4 =	sshll.u32 s28, $0x1;
	[dreg:$0x2] =	wrdreg s1  }
0x21: {  	[dreg:$0x3] =	wrdreg s4  }
0x22: {  	[dreg:$0x4] =	wrdreg $0xC0  }
0x23: {  	_ =	task [dreg:s6], $0x5FFFF  }
0x24: {  	[dreg:$0x1] =	wrdreg $0xFFFFFFFF  }
0x25: {  	[dreg:$0x0] =	wrdreg $0x60  }
0x26: {  	[dreg:$0x2] =	wrdreg s25  }
0x27: {  	[dreg:$0x3] =	wrdreg $0xA  }
0x28: {  	_ =	task.clear_ibuf [dreg:s6], $0x4FFFF;
	_ =	strace $0x90000046  }
0x29: {  	s29 =	simm.s32 $0xA;
	_ =	strace $0x80000048  }
0x2a: {  	_ =	swait.ge [sflag:s29], $0x1  }
0x2b: {  	[sflag:s29] =	ssyncadd.s32 $0xFFFFFFFF  }
0x2c: {  	_ =	strace $0x90000048  }
0x2d: {  	_ =	sfence  }
0x2e: {  	s30 =	sld [smem:$0x0];
	_ =	sdelay $0x2  }
0x2f: {  	s31 =	sshll.u32 s3, $0xD;
	s3 =	sshrl.u32 s3, $0x2  }
0x30: {  	s2 =	sand.u32 $0x4000, s31;
	s1 =	sadd.s32 s3, s30  }
0x31: {  	s0 =	sor.u32 s2, s0;
	s1 =	sshll.u32 s1, $0x11  }
0x32: {  	s0 =	sor.u32 s1, s0  }
0x33: {  	s0 =	sadd.s32 $0x8F2B, s0  }
0x34: {  	[sflag:s0] =	ssyncadd.remote.s32 $0x1  }
0x35: {  	_ =	sfence.sel $0xFFFF  }
0x36: {  	[dreg:$0x0] =	wrdreg $0xFFFFFFFF;
	(pc) =	sbr.abs _section_cstart, $3  }
0x37: {  	[dreg:$0x1] =	wrdreg $0xFFFFFFFF  }
0x38: {  	_ =	task.clear_ibuf [dreg:s6], $0x2FFFF;
	_ =	strace $0x9FFFFFFF  }
0x39: {  	(tm) =	ssettm $0x7FFFFFFF  }
tec
execute0_lowered:
.L_overlay_start_1:
0x0: {  	(tag) =	ssettag $0x1  }
0x1: {  	s0 =	stileid.u32;
	s1 =	srdreg.scid;
	s8 =	simm.s32 $0x2  }
0x2: {  	s15 =	simm.s32 $0x0;
	s2 =	sshll.u32 s0, $0x6;
	s1 =	sshll.u32 s1, $0xA  }
0x3: {  	s9 =	simm.s32 $0x2000;
	s14 =	simm.s32 $0x0;
	s1 =	sor.u32 s2, s1  }
0x4: {  	s16 =	simm.s32 $0x0;
	s10 =	simm.s32 $0x0;
	s1 =	sand.u32 $0x780, s1  }
0x5: {  	s13 =	simm.s32 $0x0;
	s2 =	sand.u32 $0x1, s0;
	s3 =	ssub.s32 $0x1000, s1  }
0x6: {  	s4 =	ssub.s32 $0x2, s2;
	s12 =	smov.u32 s2;
	s5 =	sand.u32 $0x780, s3  }
0x7: {  	s6 =	sshrl.u32 s4, $0x1;
	p0 =	sne.s32 s5, $0x0;
	s5 =	simm.s32 $0x1  }
0x8: {  	s7 =	sand.u32 $0x1, s4;
	s3 =	sshrl.u32 s3, $0xB;
	s5 =	simm.s32 @!p0 $0x0  }
.Ltmp0:
0x9: {  	s6 =	sadd.s32 s7, s6;
	s5 =	sadd.s32 s5, s3;
	(pc) =	sbr.rel .LBB1_1-.Ltmp0, $4  }
0xa: {  	s4 =	rddreg [dreg:$0x0];
	s11 =	smov.u32 s1;
	s7 =	smul.u32 s5, s6  }
0xb: {  	s3 =	rddreg [dreg:$0x1];
	_ =	strace $0x80000047;
	s6 =	simm.s32 $0x1  }
0xc: {  	p0 =	por $0x0, $0x0;
	[sflag:s6] =	ssyncpa.u1 $0x0;
	s7 =	sshll.u32 s7, $0x4  }
0xd: {  	s5 =	sadd.s32 $0x200000, s4;
	[sflag:s8] =	ssyncpa.u1 $0x0;
	s8 =	sor.u32 $0x1, s7  }
.LBB1_4:
0xe: {  	v5 =	vld [tilespmem:s20+$0xFFFFFFD0];
	[tilespmem:s19+$0x2040 ss:$0x81] =	vst.msk $0xffff, v1  }
0xf: {  	v58 =	vld [tilespmem:s20+$0xFFFFFFE0];
	[tilespmem:s19+$0x2850 ss:$0x81] =	vst.msk $0xffff, v2  }
0x10: {  	s21 =	sshra.s32 s21, $0x2;
	v59 =	vld [tilespmem:s20+$0xFFFFFFF0];
	[tilespmem:s19+$0x3060 ss:$0x81] =	vst.msk $0xffff, v3  }
0x11: {  	v60 =	vld [tilespmem:s20+$0x0];
	[tilespmem:s19+$0x0 ss:$0x81] =	vst.msk $0xffff, v0;
	s18 =	sadd.s32 s21, s18  }
0x12: {  	v61 =	vld [tilespmem:s20+$0x10];
	[tilespmem:s18+$0x3870 ss:$0x81] =	vst.msk $0xffff, v4  }
0x13: {  	v62 =	vld [tilespmem:s20+$0x20];
	[tilespmem:s18+$0x810 ss:$0x81] =	vst.msk $0xffff, v5  }
0x14: {  	s16 =	sshll.u32 s16, $0x7;
	v63 =	vld [tilespmem:s20+$0xFFFFFFC0];
	s28 =	sand.u32 $0x78, s14;
	s29 =	sshll.u32 s14, $0x1;
	[tilespmem:s18+$0x1020 ss:$0x81] =	vst.msk $0xffff, v58  }
0x15: {  	s15 =	sshll.u32 s15, $0xA;
	s30 =	sshrl.u32 s14, $0x2;
	s16 =	sand.u32 $0x80, s16;
	[tilespmem:s18+$0x1830 ss:$0x81] =	vst.msk $0xffff, v59  }
0x16: {  	s31 =	sand.u32 $0x7, s14;
	s20 =	sand.u32 $0xF00, s29;
	s16 =	sor.u32 s16, s28;
	[tilespmem:s18+$0x2040 ss:$0x81] =	vst.msk $0xffff, v60  }
0x17: {  	s19 =	sand.u32 $0x200, s30;
	s15 =	sadd.s32 s5, s15;
	s16 =	sor.u32 s20, s16;
	[tilespmem:s18+$0x2850 ss:$0x81] =	vst.msk $0xffff, v61  }
0x18: {  	s14 =	sshll.u32 s31, $0x12;
	s15 =	sadd.s32 s19, s15;
	s16 =	sshrl.u32 s16, $0x3;
	[tilespmem:s18+$0x3060 ss:$0x81] =	vst.msk $0xffff, v62  }
0x19: {  	s14 =	sor.u32 $0x80, s14;
	[tilespmem:s18+$0x0 ss:$0x81] =	vst.msk $0xffff, v63;
	s15 =	sadd.s32 s16, s15  }
0x1a: {  	[hbm4b:s15+s14] =	stream.strided.scatter [tilespmem:s17], [sflag:$0x2], $0x4000, s9, s14, $0x20;
	[tilespmem:$0x10100] =	vst v63  }
.LBB1_5:
0x1b: {  	s17 =	sadd.s32 $0x80, s10  }
0x1c: {  	s14 =	sadd.s32 $0x800, s11;
	s18 =	smov.u32 s11;
	p2 =	sgt.s32 s17, $0x7FF  }
0x1d: {  	s18 =	smov.u32 @p2 s14  }
0x1e: {  	s20 =	smov.u32 s12;
	s14 =	sadd.s32 $0x2, s12;
	p3 =	sgt.s32 s18, $0xFFF  }
0x1f: {  	s20 =	smov.u32 @p3 s14  }
0x20: {  	s17 =	simm.s32 @p2 $0x0;
	p2 =	sgt.s32 s20, $0x1  }
0x21: {  	p1 =	slt.u32 s13, $0x2;
	s20 =	smov.u32 @p2 s2;
	p2 =	sne.s32 s13, s8  }
.Ltmp1:
0x22: {  	s19 =	simm.s32 @!p1 $0x2;
	(pc) =	sbr.rel @!p2 .LBB1_6-.Ltmp1, $4  }
0x23: {  	s15 =	smov.u32 s10;
	s16 =	smov.u32 s12;
	_ =	swait.ge @!p1 [sflag:s19], $0x4000  }
0x24: {  	p0 =	por !p0, !p0;
	[sflag:s19] =	ssyncset.done @!p1 $0x0;
	s10 =	smov.u32 s17  }
0x25: {  	s18 =	smov.u32 @p3 s1;
	s14 =	smov.u32 s11;
	[sflag:s19] =	ssyncadd.s32 @!p1 $0xFFFFC000  }
0x26: {  	s11 =	smov.u32 s18;
	s13 =	sadd.s32 $0x1, s13;
	s12 =	smov.u32 s20  }
.LBB1_1:
0x27: {  	p1 =	sge.u32 s13, s7;
	s31 =	sadd.s32 $0xFFFFFFFF, s13  }
0x28: {  	s17 =	sxor.u32 @!p1 $0xFFFFFFFF, s13;
	s18 =	sand.u32 @!p1 $0x78, s10;
	s19 =	sshll.u32 @!p1 s11, $0xB  }
0x29: {  	s20 =	sshll.u32 @!p1 s11, $0x7;
	s21 =	sshll.u32 @!p1 s10, $0x3;
	s17 =	sshll.u32 @!p1 s17, $0xE  }
0x2a: {  	s19 =	sand.u32 @!p1 $0x7FC000, s19;
	s20 =	sand.u32 @!p1 $0x380, s20;
	s17 =	sand.u32 @!p1 $0x4000, s17  }
0x2b: {  	s19 =	sadd.s32 @!p1 s19, s21;
	s21 =	sand.u32 @!p1 $0x400, s21;
	s18 =	sor.u32 @!p1 s20, s18  }
0x2c: {  	s20 =	sshll.u32 @!p1 s12, $0x14;
	s18 =	sor.u32 @!p1 s21, s18;
	s19 =	sshrl.u32 @!p1 s19, $0x3  }
0x2d: {  	s20 =	sadd.s32 @!p1 s4, s20;
	s21 =	sand.u32 @!p1 $0x7, s10;
	s19 =	sand.u32 @!p1 $0xFFF00, s19  }
0x2e: {  	s18 =	sshrl.u32 @!p1 s18, $0x3;
	s19 =	sadd.s32 @!p1 s19, s20;
	s20 =	sshll.u32 @!p1 s21, $0x12  }
0x2f: {  	s18 =	sadd.s32 @!p1 s18, s19;
	s19 =	sor.u32 @!p1 $0x400, s20;
	s20 =	simm.s32 @!p1 $0x4000  }
0x30: {  	[tilespmem:s17], [sflag:$0x1] =	stream.strided.gather @!p1 [hbm4b:s18+s19], $0x4000, s20, s19, $0x38;
	[tilespmem:$0x10100] =	vst v63  }
0x31: {  	p1 =	sge.u32 s31, s7  }
.Ltmp2:
0x32: {  	_ = 	snop;
	(pc) =	sbr.rel @p1 .LBB1_5-.Ltmp2, $1  }
0x33: {  	_ =	sdelay $0x3  }
0x34: {  	s17 =	simm.s32 $0x1  }
0x35: {  	_ =	swait.ge [sflag:s6], $0x4000;
	s17 =	simm.s32 @!p0 $0x0  }
0x36: {  	[sflag:s6] =	ssyncset.done $0x0;
	s18 =	sshll.u32 s17, $0xE  }
0x37: {  	[sflag:s6] =	ssyncadd.s32 $0xFFFFC000;
	s20 =	sor.u32 $0x40, s18  }
0x38: {  	s17 =	smul.u32 $0x10200, s17;
	v0 =	vld [tilespmem:s20+$0x30]  }
0x39: {  	v3 =	vld [tilespmem:s20+$0xFFFFFFD0]  }
0x3a: {  	s17 =	sshrl.u32 s17, $0x2;
	v4 =	vld [tilespmem:s20+$0xFFFFFFE0]  }
0x3b: {  	v5 =	vld [tilespmem:s20+$0xFFFFFFF0];
	s18 =	sor.u32 $0x8000, s17  }
0x3c: {  	s31 =	sand.u32 $0x1, s13;
	v1 =	vld [tilespmem:s20+$0x0];
	s19 =	sadd.s32 $0x0, s18  }
0x3d: {  	v2 =	vld [tilespmem:s20+$0x10];
	s17 =	smul.u32 $0x10200, s31;
	[tilespmem:s19+$0x3870 ss:$0x81] =	vst.msk $0xffff, v0  }
0x3e: {  	[tilespmem:s19+$0x810 ss:$0x81] =	vst.msk $0xffff, v3;
	v3 =	vld [tilespmem:s20+$0x20]  }
0x3f: {  	s17 =	sshrl.u32 s17, $0x2;
	v0 =	vld [tilespmem:s20+$0xFFFFFFC0];
	[tilespmem:s19+$0x1020 ss:$0x81] =	vst.msk $0xffff, v4;
	s20 =	sadd.s32 $0x80, s20  }
0x40: {  	s21 =	simm.s32 $0x4;
	s22 =	simm.s32 $0x8;
	s17 =	sor.u32 $0x8000, s17;
	[tilespmem:s19+$0x1830 ss:$0x81] =	vst.msk $0xffff, v5;
	v4 =	vld [tilespmem:s20+$0x30]  }
.LBB1_3:
0x41: {  	p1 =	sne.s32 s22, $0x1FC;
	v5 =	vld [tilespmem:s20+$0xFFFFFFD0];
	[tilespmem:s19+$0x2040 ss:$0x81] =	vst.msk $0xffff, v1  }
0x42: {  	v6 =	vld [tilespmem:s20+$0xFFFFFFE0];
	[tilespmem:s19+$0x2850 ss:$0x81] =	vst.msk $0xffff, v2  }
0x43: {  	s23 =	sshra.s32 s21, $0x2;
	s21 =	smov.u32 s22;
	v7 =	vld [tilespmem:s20+$0xFFFFFFF0];
	[tilespmem:s19+$0x3060 ss:$0x81] =	vst.msk $0xffff, v3  }
.Ltmp3:
0x44: {  	v1 =	vld [tilespmem:s20+$0x0];
	[tilespmem:s19+$0x0 ss:$0x81] =	vst.msk $0xffff, v0;
	s19 =	sadd.s32 s23, s18;
	(pc) =	sbr.rel @p1 .LBB1_3-.Ltmp3, $4  }
0x45: {  	v2 =	vld [tilespmem:s20+$0x10];
	[tilespmem:s19+$0x3870 ss:$0x81] =	vst.msk $0xffff, v4  }
0x46: {  	[tilespmem:s19+$0x810 ss:$0x81] =	vst.msk $0xffff, v5;
	v3 =	vld [tilespmem:s20+$0x20]  }
0x47: {  	v0 =	vld [tilespmem:s20+$0xFFFFFFC0];
	[tilespmem:s19+$0x1020 ss:$0x81] =	vst.msk $0xffff, v6;
	s20 =	sadd.s32 $0x80, s20  }
0x48: {  	s22 =	sadd.s32 $0x4, s22;
	v4 =	vld [tilespmem:s20+$0x30];
	[tilespmem:s19+$0x1830 ss:$0x81] =	vst.msk $0xffff, v7  }
.Ltmp4:
0x49: {  	_ = 	snop;
	(pc) =	sbr.rel .LBB1_4-.Ltmp4, $1  }
0x4a: {  	_ =	sdelay $0x3  }
.LBB1_6:
0x4b: {  	_ =	sfence.sel $0x180000  }
0x4c: {  	s1 =	simm.s32 $0x1;
	[bflag:$0x0] =	sbarrier.arrive $0xFFFF  }
0x4d: {  	s31 =	simm.s32 $0x2;
	[sflag:s1] =	ssyncpa.u1 $0x1  }
0x4e: {  	[sflag:s31] =	ssyncpa.u1 $0x1  }
0x4f: {  	p0 =	sne.s32 s0, $0x0;
	_ =	strace $0x90000047  }
0x50: {  	s0 =	sadd.s32 @!p0 $0x100000, s3;
	[bflag:$0x2] =	sbarrier.arrive $0xFFFF  }
0x51: {  	[sflag:s0] =	ssyncadd.tile.s32 @!p0 $0x1;
	_ =	shalt  }
.Lfunc_end1:
_tile_overlayer_lowered:
.L_overlay_start_2:
0x52: {  	(tag) =	ssettag $0x2  }
0x53: {  	s0 =	rddreg [dreg:$0x0];
	s2 =	stileid.u32  }
0x54: {  	s1 =	rddreg [dreg:$0x1];
	p0 =	sne.s32 s2, $0x0  }
0x55: {  	s3 =	rddreg [dreg:$0x2];
	[bflag:$0x3] =	sbarrier.arrive $0xFFFF;
	s2 =	simm.s32 @!p0 $0x1C01  }
0x56: {  	[timem:s3], [sflag:s2] =	dma.local @!p0 [hbm:s0], s1  }
0x57: {  	s0 =	simm.s32 @!p0 $0x1  }
0x58: {  	_ =	swait.ge @!p0 [sflag:s0], s1  }
0x59: {  	s1 =	ssub.s32 @!p0 $0x0, s1;
	[sflag:s0] =	ssyncset.done @!p0 $0x0  }
0x5a: {  	[sflag:s0] =	ssyncadd.s32 @!p0 s1  }
0x5b: {  	[bflag:$0x3] =	sbarrier.arrive $0xFFFF  }
0x5c: {  	_ =	shalt  }

// kernel: sparse-core-data-format-call.cloned.1.call-start
scs
called_computation_lowered:
.L_overlay_start_0:
0x0: {  	s2 =	sld [smem:$0x3FD9]  }
0x1: {  	s3 =	sld [smem:$0x3FFE];
	_ =	sdelay $0x1  }
0x2: {  	s1 =	srdreg.scid  }
0x3: {  	s0 =	sand.u32 $0x1, s1  }
0x4: {  	s18 =	sshll.u32 s0, $0xA;
	s2 =	sadd.s32 s3, s2  }
0x5: {  	s2 =	sadd.s32 s2, s18  }
0x6: {  	[smem:$0x3FC4] =	sst s2  }
0x7: {  	_ = 	snop  }
0x8: {  	(tm) =	ssettm $0x1  }
0x9: {  	s19 =	sld [smem:$0x3FFB];
	_ =	sdelay $0x3  }
0xa: {  	_ =	strace s19  }
0xb: {  	s2 =	sld [smem:$0x3FFC];
	_ =	sdelay $0x3  }
0xc: {  	_ =	strace s2  }
0xd: {  	s2 =	sld [smem:$0x3FFD];
	_ =	sdelay $0x3  }
0xe: {  	_ =	strace s2  }
0xf: {  	_ =	strace $0x8FFFFFFF  }
0x10: {  	s20 =	sld [smem:$0x3FDB];
	_ =	sdelay $0x1  }
0x11: {  	s21 =	simm.s32 $_scs_section_size  }
0x12: {  	s4 =	simm.s32 $_size__tile_overlayer_lowered;
	s5 =	simm.s32 $_tile_overlayer_lowered  }
0x13: {  	s6 =	simm.s32 $0x1BFF;
	s22 =	sshll.u32 s5, $0x1;
	s3 =	sadd.s32 s21, s20  }
0x14: {  	s23 =	simm.s32 $0x0;
	s4 =	sshll.u32 s4, $0x1;
	s5 =	sadd.s32 s22, s3  }
0x15: {  	[timem:s23], [sflag:s6] =	dma.local [hbm:s5], s4  }
0x16: {  	_ =	swait.ge [sflag:s6], s4  }
0x17: {  	s4 =	ssub.s32 $0x0, s4;
	[sflag:s6] =	ssyncset.done $0x0  }
0x18: {  	[sflag:s6] =	ssyncadd.s32 s4;
	_ =	sdelay $0x1  }
0x19: {  	s24 =	simm.s32 $0x1B8B  }
0x1a: {  	_ =	swait.ge [sflag:s24], $0x1  }
0x1b: {  	[sflag:s24] =	ssyncset.done $0x0  }
0x1c: {  	[sflag:s24] =	ssyncadd.s32 $0xFFFFFFFF  }
0x1d: {  	s4 =	sld [smem:$0x0]  }
0x1e: {  	s5 =	sand.u32 $0xFFFFFFFE, s1  }
0x1f: {  	p0 =	sne.s32 s1, s5  }
0x20: {  	s5 =	sshll.u32 @p0 s5, $0xE  }
0x21: {  	s5 =	sadd.s32 @p0 $0x11B8D, s5;
	s6 =	sshll.u32 @p0 s4, $0x11  }
0x22: {  	s5 =	sor.u32 @p0 s6, s5  }
0x23: {  	[sflag:s5] =	ssyncadd.remote.s32 @p0 $0x1;
	_ =	sdelay $0x1  }
0x24: {  	s5 =	simm.s32 @p0 $0x1B8D  }
0x25: {  	_ =	swait.eq @p0 [sflag:s5], $0x1  }
0x26: {  	[sflag:s5] =	ssyncadd.s32 @p0 $0xFFFFFFFF  }
0x27: {  	s6 =	sshll.u32 @!p0 s1, $0xE  }
0x28: {  	s6 =	sor.u32 @!p0 $0x4000, s6;
	s5 =	simm.s32 @!p0 $0x1B8D  }
0x29: {  	s4 =	sshll.u32 @!p0 s4, $0x11;
	s6 =	sadd.s32 @!p0 $0x11B8D, s6;
	_ =	swait.eq @!p0 [sflag:s5], $0x1  }
0x2a: {  	s4 =	sor.u32 @!p0 s4, s6;
	[sflag:s5] =	ssyncadd.s32 @!p0 $0xFFFFFFFF  }
0x2b: {  	s26 =	simm.s32 $0x1B8E;
	s25 =	sld [smem:$0x3FFE];
	[sflag:s4] =	ssyncadd.remote.s32 @!p0 $0x1  }
0x2c: {  	s27 =	simm.s32 $execute0_lowered;
	[smem:$0x3FD2] =	sst s26  }
0x2d: {  	s5 =	sshll.u32 s27, $0x1;
	_ =	strace $0x80000049;
	[dreg:$0x1] =	wrdreg $0xFFFFFFFF  }
0x2e: {  	s28 =	simm.s32 $_size_execute0_lowered;
	s3 =	sadd.s32 s3, s5;
	[dreg:$0x0] =	wrdreg $0x0  }
0x2f: {  	s5 =	sshll.u32 s28, $0x1;
	[dreg:$0x2] =	wrdreg s3  }
0x30: {  	[dreg:$0x3] =	wrdreg s5  }
0x31: {  	[dreg:$0x4] =	wrdreg $0xC0  }
0x32: {  	_ =	task [dreg:s23], $0x5FFFF  }
0x33: {  	[dreg:$0x1] =	wrdreg $0xFFFFFFFF  }
0x34: {  	[dreg:$0x0] =	wrdreg $0x60  }
0x35: {  	[dreg:$0x2] =	wrdreg s25  }
0x36: {  	[dreg:$0x3] =	wrdreg $0x9  }
0x37: {  	_ =	task.clear_ibuf [dreg:s23], $0x4FFFF;
	_ =	strace $0x90000049  }
0x38: {  	s29 =	simm.s32 $0x9;
	_ =	strace $0x8000004B  }
0x39: {  	_ =	swait.ge [sflag:s29], $0x1  }
0x3a: {  	[sflag:s29] =	ssyncadd.s32 $0xFFFFFFFF  }
0x3b: {  	_ =	strace $0x9000004B  }
0x3c: {  	_ =	sfence  }
0x3d: {  	s30 =	sld [smem:$0x0];
	_ =	sdelay $0x2  }
0x3e: {  	s31 =	sshll.u32 s1, $0xD;
	s1 =	sshrl.u32 s1, $0x2  }
0x3f: {  	s4 =	sand.u32 $0x4000, s31;
	s1 =	sadd.s32 s1, s30  }
0x40: {  	s0 =	sor.u32 s4, s0;
	s1 =	sshll.u32 s1, $0x11  }
0x41: {  	s0 =	sor.u32 s1, s0  }
0x42: {  	s0 =	sadd.s32 $0x8F2B, s0  }
0x43: {  	[sflag:s0] =	ssyncadd.remote.s32 $0x1  }
0x44: {  	_ =	sfence.sel $0xFFFF  }
0x45: {  	[dreg:$0x0] =	wrdreg $0xFFFFFFFF;
	(pc) =	sbr.abs _section_cstart, $3  }
0x46: {  	[dreg:$0x1] =	wrdreg $0xFFFFFFFF  }
0x47: {  	_ =	task.clear_ibuf [dreg:s23], $0x2FFFF;
	_ =	strace $0x9FFFFFFF  }
0x48: {  	(tm) =	ssettm $0x7FFFFFFF  }
0x49: {  	_ =	shalt  }
tec
execute0_lowered:
.L_overlay_start_1:
0x0: {  	(tag) =	ssettag $0x1  }
0x1: {  	s0 =	stileid.u32  }
0x2: {  	s1 =	srdreg.scid;
	s5 =	rddreg [dreg:$0x0];
	s31 =	simm.s32 $0x2  }
0x3: {  	s15 =	simm.s32 $0x0;
	s2 =	sshll.u32 s0, $0x6;
	s1 =	sshll.u32 s1, $0xA  }
0x4: {  	s9 =	simm.s32 $0x2000;
	s14 =	simm.s32 $0x0;
	s1 =	sor.u32 s2, s1  }
0x5: {  	s16 =	simm.s32 $0x0;
	s10 =	simm.s32 $0x0;
	s1 =	sand.u32 $0x780, s1  }
0x6: {  	s13 =	simm.s32 $0x0;
	s2 =	sand.u32 $0x1, s0;
	s3 =	ssub.s32 $0x1000, s1  }
0x7: {  	s4 =	ssub.s32 $0x2, s2;
	s12 =	smov.u32 s2;
	s6 =	sand.u32 $0x780, s3  }
0x8: {  	s7 =	sshrl.u32 s4, $0x1;
	p0 =	sne.s32 s6, $0x0;
	s6 =	simm.s32 $0x1  }
0x9: {  	s4 =	sand.u32 $0x1, s4;
	s8 =	sshrl.u32 s3, $0xB;
	s6 =	simm.s32 @!p0 $0x0  }
.Ltmp0:
0xa: {  	s4 =	sadd.s32 s4, s7;
	s6 =	sadd.s32 s6, s8;
	(pc) =	sbr.rel .LBB1_1-.Ltmp0, $4  }
0xb: {  	s11 =	smov.u32 s1;
	s3 =	rddreg [dreg:$0x1];
	s7 =	smul.u32 s6, s4  }
0xc: {  	_ =	strace $0x8000004A;
	p0 =	por $0x0, $0x0;
	s6 =	simm.s32 $0x1  }
0xd: {  	s4 =	sadd.s32 $0x400000, s5;
	[sflag:s6] =	ssyncpa.u1 $0x0;
	s7 =	sshll.u32 s7, $0x4  }
0xe: {  	s5 =	sadd.s32 $0x600000, s5;
	[sflag:s31] =	ssyncpa.u1 $0x0;
	s8 =	sor.u32 $0x1, s7  }
.LBB1_4:
0xf: {  	v5 =	vld [tilespmem:s20+$0xFFFFFFD0];
	[tilespmem:s19+$0x2040 ss:$0x81] =	vst.msk $0xffff, v1  }
0x10: {  	v58 =	vld [tilespmem:s20+$0xFFFFFFE0];
	[tilespmem:s19+$0x2850 ss:$0x81] =	vst.msk $0xffff, v2  }
0x11: {  	s21 =	sshra.s32 s21, $0x2;
	v59 =	vld [tilespmem:s20+$0xFFFFFFF0];
	[tilespmem:s19+$0x3060 ss:$0x81] =	vst.msk $0xffff, v3  }
0x12: {  	v60 =	vld [tilespmem:s20+$0x0];
	[tilespmem:s19+$0x0 ss:$0x81] =	vst.msk $0xffff, v0;
	s18 =	sadd.s32 s21, s18  }
0x13: {  	v61 =	vld [tilespmem:s20+$0x10];
	[tilespmem:s18+$0x3870 ss:$0x81] =	vst.msk $0xffff, v4  }
0x14: {  	v62 =	vld [tilespmem:s20+$0x20];
	[tilespmem:s18+$0x810 ss:$0x81] =	vst.msk $0xffff, v5  }
0x15: {  	s16 =	sshll.u32 s16, $0x7;
	v63 =	vld [tilespmem:s20+$0xFFFFFFC0];
	s28 =	sand.u32 $0x78, s14;
	s29 =	sshll.u32 s14, $0x1;
	[tilespmem:s18+$0x1020 ss:$0x81] =	vst.msk $0xffff, v58  }
0x16: {  	s15 =	sshll.u32 s15, $0xA;
	s30 =	sshrl.u32 s14, $0x2;
	s16 =	sand.u32 $0x80, s16;
	[tilespmem:s18+$0x1830 ss:$0x81] =	vst.msk $0xffff, v59  }
0x17: {  	s31 =	sand.u32 $0x7, s14;
	s20 =	sand.u32 $0xF00, s29;
	s16 =	sor.u32 s16, s28;
	[tilespmem:s18+$0x2040 ss:$0x81] =	vst.msk $0xffff, v60  }
0x18: {  	s19 =	sand.u32 $0x200, s30;
	s15 =	sadd.s32 s5, s15;
	s16 =	sor.u32 s20, s16;
	[tilespmem:s18+$0x2850 ss:$0x81] =	vst.msk $0xffff, v61  }
0x19: {  	s14 =	sshll.u32 s31, $0x12;
	s15 =	sadd.s32 s19, s15;
	s16 =	sshrl.u32 s16, $0x3;
	[tilespmem:s18+$0x3060 ss:$0x81] =	vst.msk $0xffff, v62  }
0x1a: {  	s14 =	sor.u32 $0x80, s14;
	[tilespmem:s18+$0x0 ss:$0x81] =	vst.msk $0xffff, v63;
	s15 =	sadd.s32 s16, s15  }
0x1b: {  	[hbm4b:s15+s14] =	stream.strided.scatter [tilespmem:s17], [sflag:$0x2], $0x4000, s9, s14, $0x20;
	[tilespmem:$0x10100] =	vst v63  }
.LBB1_5:
0x1c: {  	s17 =	sadd.s32 $0x80, s10  }
0x1d: {  	s14 =	sadd.s32 $0x800, s11;
	s18 =	smov.u32 s11;
	p2 =	sgt.s32 s17, $0x7FF  }
0x1e: {  	s18 =	smov.u32 @p2 s14  }
0x1f: {  	s20 =	smov.u32 s12;
	s14 =	sadd.s32 $0x2, s12;
	p3 =	sgt.s32 s18, $0xFFF  }
0x20: {  	s20 =	smov.u32 @p3 s14  }
0x21: {  	s17 =	simm.s32 @p2 $0x0;
	p2 =	sgt.s32 s20, $0x1  }
0x22: {  	p1 =	slt.u32 s13, $0x2;
	s20 =	smov.u32 @p2 s2;
	p2 =	sne.s32 s13, s8  }
.Ltmp1:
0x23: {  	s19 =	simm.s32 @!p1 $0x2;
	(pc) =	sbr.rel @!p2 .LBB1_6-.Ltmp1, $4  }
0x24: {  	s15 =	smov.u32 s10;
	s16 =	smov.u32 s12;
	_ =	swait.ge @!p1 [sflag:s19], $0x4000  }
0x25: {  	p0 =	por !p0, !p0;
	[sflag:s19] =	ssyncset.done @!p1 $0x0;
	s10 =	smov.u32 s17  }
0x26: {  	s18 =	smov.u32 @p3 s1;
	s14 =	smov.u32 s11;
	[sflag:s19] =	ssyncadd.s32 @!p1 $0xFFFFC000  }
0x27: {  	s11 =	smov.u32 s18;
	s13 =	sadd.s32 $0x1, s13;
	s12 =	smov.u32 s20  }
.LBB1_1:
0x28: {  	p1 =	sge.u32 s13, s7;
	s31 =	sadd.s32 $0xFFFFFFFF, s13  }
0x29: {  	s17 =	sxor.u32 @!p1 $0xFFFFFFFF, s13;
	s18 =	sand.u32 @!p1 $0x78, s10;
	s19 =	sshll.u32 @!p1 s11, $0xB  }
0x2a: {  	s20 =	sshll.u32 @!p1 s11, $0x7;
	s21 =	sshll.u32 @!p1 s10, $0x3;
	s17 =	sshll.u32 @!p1 s17, $0xE  }
0x2b: {  	s19 =	sand.u32 @!p1 $0x7FC000, s19;
	s20 =	sand.u32 @!p1 $0x380, s20;
	s17 =	sand.u32 @!p1 $0x4000, s17  }
0x2c: {  	s19 =	sadd.s32 @!p1 s19, s21;
	s21 =	sand.u32 @!p1 $0x400, s21;
	s18 =	sor.u32 @!p1 s20, s18  }
0x2d: {  	s20 =	sshll.u32 @!p1 s12, $0x14;
	s18 =	sor.u32 @!p1 s21, s18;
	s19 =	sshrl.u32 @!p1 s19, $0x3  }
0x2e: {  	s20 =	sadd.s32 @!p1 s4, s20;
	s21 =	sand.u32 @!p1 $0x7, s10;
	s19 =	sand.u32 @!p1 $0xFFF00, s19  }
0x2f: {  	s18 =	sshrl.u32 @!p1 s18, $0x3;
	s19 =	sadd.s32 @!p1 s19, s20;
	s20 =	sshll.u32 @!p1 s21, $0x12  }
0x30: {  	s18 =	sadd.s32 @!p1 s18, s19;
	s19 =	sor.u32 @!p1 $0x400, s20;
	s20 =	simm.s32 @!p1 $0x4000  }
0x31: {  	[tilespmem:s17], [sflag:$0x1] =	stream.strided.gather @!p1 [hbm4b:s18+s19], $0x4000, s20, s19, $0x38;
	[tilespmem:$0x10100] =	vst v63  }
0x32: {  	p1 =	sge.u32 s31, s7  }
.Ltmp2:
0x33: {  	_ = 	snop;
	(pc) =	sbr.rel @p1 .LBB1_5-.Ltmp2, $1  }
0x34: {  	_ =	sdelay $0x3  }
0x35: {  	s17 =	simm.s32 $0x1  }
0x36: {  	_ =	swait.ge [sflag:s6], $0x4000;
	s17 =	simm.s32 @!p0 $0x0  }
0x37: {  	[sflag:s6] =	ssyncset.done $0x0;
	s18 =	sshll.u32 s17, $0xE  }
0x38: {  	[sflag:s6] =	ssyncadd.s32 $0xFFFFC000;
	s20 =	sor.u32 $0x40, s18  }
0x39: {  	s17 =	smul.u32 $0x10200, s17;
	v0 =	vld [tilespmem:s20+$0x30]  }
0x3a: {  	v3 =	vld [tilespmem:s20+$0xFFFFFFD0]  }
0x3b: {  	s17 =	sshrl.u32 s17, $0x2;
	v4 =	vld [tilespmem:s20+$0xFFFFFFE0]  }
0x3c: {  	v5 =	vld [tilespmem:s20+$0xFFFFFFF0];
	s18 =	sor.u32 $0x8000, s17  }
0x3d: {  	s31 =	sand.u32 $0x1, s13;
	v1 =	vld [tilespmem:s20+$0x0];
	s19 =	sadd.s32 $0x0, s18  }
0x3e: {  	v2 =	vld [tilespmem:s20+$0x10];
	s17 =	smul.u32 $0x10200, s31;
	[tilespmem:s19+$0x3870 ss:$0x81] =	vst.msk $0xffff, v0  }
0x3f: {  	[tilespmem:s19+$0x810 ss:$0x81] =	vst.msk $0xffff, v3;
	v3 =	vld [tilespmem:s20+$0x20]  }
0x40: {  	s17 =	sshrl.u32 s17, $0x2;
	v0 =	vld [tilespmem:s20+$0xFFFFFFC0];
	[tilespmem:s19+$0x1020 ss:$0x81] =	vst.msk $0xffff, v4;
	s20 =	sadd.s32 $0x80, s20  }
0x41: {  	s21 =	simm.s32 $0x4;
	s22 =	simm.s32 $0x8;
	s17 =	sor.u32 $0x8000, s17;
	[tilespmem:s19+$0x1830 ss:$0x81] =	vst.msk $0xffff, v5;
	v4 =	vld [tilespmem:s20+$0x30]  }
.LBB1_3:
0x42: {  	p1 =	sne.s32 s22, $0x1FC;
	v5 =	vld [tilespmem:s20+$0xFFFFFFD0];
	[tilespmem:s19+$0x2040 ss:$0x81] =	vst.msk $0xffff, v1  }
0x43: {  	v6 =	vld [tilespmem:s20+$0xFFFFFFE0];
	[tilespmem:s19+$0x2850 ss:$0x81] =	vst.msk $0xffff, v2  }
0x44: {  	s23 =	sshra.s32 s21, $0x2;
	s21 =	smov.u32 s22;
	v7 =	vld [tilespmem:s20+$0xFFFFFFF0];
	[tilespmem:s19+$0x3060 ss:$0x81] =	vst.msk $0xffff, v3  }
.Ltmp3:
0x45: {  	v1 =	vld [tilespmem:s20+$0x0];
	[tilespmem:s19+$0x0 ss:$0x81] =	vst.msk $0xffff, v0;
	s19 =	sadd.s32 s23, s18;
	(pc) =	sbr.rel @p1 .LBB1_3-.Ltmp3, $4  }
0x46: {  	v2 =	vld [tilespmem:s20+$0x10];
	[tilespmem:s19+$0x3870 ss:$0x81] =	vst.msk $0xffff, v4  }
0x47: {  	[tilespmem:s19+$0x810 ss:$0x81] =	vst.msk $0xffff, v5;
	v3 =	vld [tilespmem:s20+$0x20]  }
0x48: {  	v0 =	vld [tilespmem:s20+$0xFFFFFFC0];
	[tilespmem:s19+$0x1020 ss:$0x81] =	vst.msk $0xffff, v6;
	s20 =	sadd.s32 $0x80, s20  }
0x49: {  	s22 =	sadd.s32 $0x4, s22;
	v4 =	vld [tilespmem:s20+$0x30];
	[tilespmem:s19+$0x1830 ss:$0x81] =	vst.msk $0xffff, v7  }
.Ltmp4:
0x4a: {  	_ = 	snop;
	(pc) =	sbr.rel .LBB1_4-.Ltmp4, $1  }
0x4b: {  	_ =	sdelay $0x3  }
.LBB1_6:
0x4c: {  	_ =	sfence.sel $0x180000  }
0x4d: {  	s1 =	simm.s32 $0x1;
	[bflag:$0x0] =	sbarrier.arrive $0xFFFF  }
0x4e: {  	s31 =	simm.s32 $0x2;
	[sflag:s1] =	ssyncpa.u1 $0x1  }
0x4f: {  	[sflag:s31] =	ssyncpa.u1 $0x1  }
0x50: {  	p0 =	sne.s32 s0, $0x0;
	_ =	strace $0x9000004A  }
0x51: {  	s0 =	sadd.s32 @!p0 $0x100000, s3;
	[bflag:$0x2] =	sbarrier.arrive $0xFFFF  }
0x52: {  	[sflag:s0] =	ssyncadd.tile.s32 @!p0 $0x1;
	_ =	shalt  }
.Lfunc_end1:
_tile_overlayer_lowered:
.L_overlay_start_2:
0x53: {  	(tag) =	ssettag $0x2  }
0x54: {  	s0 =	rddreg [dreg:$0x0];
	s2 =	stileid.u32  }
0x55: {  	s1 =	rddreg [dreg:$0x1];
	p0 =	sne.s32 s2, $0x0  }
0x56: {  	s3 =	rddreg [dreg:$0x2];
	[bflag:$0x3] =	sbarrier.arrive $0xFFFF;
	s2 =	simm.s32 @!p0 $0x1C01  }
0x57: {  	[timem:s3], [sflag:s2] =	dma.local @!p0 [hbm:s0], s1  }
0x58: {  	s0 =	simm.s32 @!p0 $0x1  }
0x59: {  	_ =	swait.ge @!p0 [sflag:s0], s1  }
0x5a: {  	s1 =	ssub.s32 @!p0 $0x0, s1;
	[sflag:s0] =	ssyncset.done @!p0 $0x0  }
0x5b: {  	[sflag:s0] =	ssyncadd.s32 @!p0 s1  }
0x5c: {  	[bflag:$0x3] =	sbarrier.arrive $0xFFFF  }
0x5d: {  	_ =	shalt  }

</sc_bundles>
